<compile_context>
chip_gen: v7x
topology: tpu7x:2x2x1
jax: 0.10.2.dev20260603
libtpu: 0.0.44.dev20260713+nightly
codegen_flags: <defaults>
</compile_context>

<pallas_src>
import functools

import jax
import jax.numpy as jnp
import numpy as np
from jax import lax
from jax.experimental import pallas as pl
from jax.experimental.pallas import tpu as pltpu
from jax.experimental.pallas import tpu_sc as plsc

_B, _N, _T = 64, 32, 128
_S = _T * _N
_NW = 32
_CH = _S // _NW
_FL = _CH * _B
_SOCIAL_DIST = 1.5
_COHESION = 0.8
_NC = 2
_PAD = 4096


_U32 = np.uint32


def _rotl(x, d):
    return ((x << _U32(d)) | (x >> _U32(32 - d))).astype(_U32)


def _threefry2x32(ks, count):
    flat = count.ravel().astype(_U32)
    odd = flat.size % 2
    if odd:
        flat = np.concatenate([flat, np.zeros(1, _U32)])
    x0, x1 = (h.copy() for h in np.split(flat, 2))
    k0, k1 = _U32(ks[0]), _U32(ks[1])
    k2 = _U32(k0 ^ k1 ^ _U32(0x1BD11BDA))
    kk = [k0, k1, k2]
    rotations = [(13, 15, 26, 6), (17, 29, 16, 24)]
    x0 = (x0 + k0).astype(_U32)
    x1 = (x1 + k1).astype(_U32)
    for i in range(5):
        for r in rotations[i % 2]:
            x0 = (x0 + x1).astype(_U32)
            x1 = _rotl(x1, r)
            x1 = (x1 ^ x0).astype(_U32)
        x0 = (x0 + kk[(i + 1) % 3]).astype(_U32)
        x1 = (x1 + kk[(i + 2) % 3] + _U32(i + 1)).astype(_U32)
    out = np.concatenate([x0, x1])
    if odd:
        out = out[:-1]
    return out.reshape(count.shape)


def _tf_pairs(ks, x0, x1):
    n = x0.size
    flat = np.concatenate([x0.ravel(), x1.ravel()]).astype(_U32)
    out = _threefry2x32(ks, flat)
    return out[:n], out[n:]


def _np_split(ks, num=2):
    o0, o1 = _tf_pairs(ks, np.zeros(num, _U32), np.arange(num, dtype=_U32))
    return np.stack([o0, o1], axis=1)


def _np_random_bits(ks, shape):
    size = int(np.prod(shape))
    o0, o1 = _tf_pairs(ks, np.zeros(size, _U32), np.arange(size, dtype=_U32))
    return (o0 ^ o1).reshape(shape)


def _np_randint(ks, shape, minval, maxval):
    k1, k2 = _np_split(ks)
    higher = _np_random_bits(k1, shape)
    lower = _np_random_bits(k2, shape)
    span = _U32(maxval - minval)
    multiplier = _U32((65536 % int(span)) ** 2 % int(span))
    result = ((higher % span) * multiplier + lower % span) % span
    return (minval + result.astype(np.int32)).astype(np.int32)


def _np_uniform01(ks, shape):
    bits = _np_random_bits(ks, shape)
    f = ((bits >> _U32(9)) | _U32(0x3F800000)).view(np.float32) - np.float32(1.0)
    return np.maximum(np.float32(0.0), f)


@functools.lru_cache(maxsize=1)
def _index_lists():
    rk1, rk2 = _np_split(np.array([0, 1234], _U32))
    rand_sel = _np_randint(rk1, (_S, _B, 1), 0, _B - 1)[:, :, 0]
    drop = _np_uniform01(rk2, (_S, _B)) < _COHESION
    b = np.arange(_B)[None, :]
    rand_nb = np.where(rand_sel < b, rand_sel, rand_sel + 1).astype(np.int32)

    drop_w = drop.reshape(_NW, _CH, _B)
    rand_w = rand_nb.reshape(_NW, _CH, _B)

    n_a = int(drop_w.reshape(_NW, -1).sum(axis=1).max())
    n_a = -(-n_a // 64) * 64

    keep_w = ~drop_w

    a_self = np.zeros((_NW, n_a), np.int32)
    a_src = np.zeros((_NW, n_a), np.int32)
    a_dst = np.zeros((_NW, n_a), np.int32)
    g_agent = np.zeros((_NW, _CH * 2 * 16), np.int32)
    g_wr = np.zeros((_NW, _CH * 2 * 16), np.int32)
    g_cnt = np.zeros((_NW, _CH * 16), np.int32)

    for w in range(_NW):
        ss, bb = np.nonzero(drop_w[w])
        k = len(ss)
        assert n_a - k <= _PAD
        a_self[w, :k] = ss * _B + bb
        a_src[w, :k] = ss * _B + rand_w[w, ss, bb]
        a_dst[w, :k] = ss * _B + bb
        a_dst[w, k:] = _FL + np.arange(n_a - k, dtype=np.int32)

        pad = 0
        for s in range(_CH):
            agents = np.nonzero(keep_w[w, s])[0]
            assert 0 < len(agents) <= 32
            g_cnt[w, s * 16:(s + 1) * 16] = len(agents)
            for q in range(2):
                chunk = agents[q * 16:q * 16 + 16]
                base = (s * 2 + q) * 16
                g_agent[w, base:base + len(chunk)] = chunk
                g_wr[w, base:base + len(chunk)] = s * _B + chunk
                for t in range(len(chunk), 16):
                    g_wr[w, base + t] = _FL + pad
                    pad += 1
        assert pad <= _PAD, pad

    return a_self, a_src, a_dst, g_cnt, g_agent, g_wr


def _sc_body(px_hbm, py_hbm, coef_hbm, aself_hbm, asrc_hbm, adst_hbm,
             gcnt_hbm, gagent_hbm, gwr_hbm, out_hbm,
             px_v, py_v, pxw_v, pyw_v, out_v, coef_v,
             aself_v, asrc_v, adst_v, gcnt_v, gagent_v, gwr_v, dma_sem):
    wid = lax.axis_index("s") * _NC + lax.axis_index("c")

    copies = [
        pltpu.async_copy(px_hbm.at[wid], px_v, dma_sem),
        pltpu.async_copy(py_hbm.at[wid], py_v, dma_sem),
        pltpu.async_copy(coef_hbm, coef_v, dma_sem),
        pltpu.async_copy(aself_hbm.at[wid], aself_v, dma_sem),
        pltpu.async_copy(asrc_hbm.at[wid], asrc_v, dma_sem),
        pltpu.async_copy(adst_hbm.at[wid], adst_v, dma_sem),
        pltpu.async_copy(gcnt_hbm.at[wid], gcnt_v, dma_sem),
        pltpu.async_copy(gagent_hbm.at[wid], gagent_v, dma_sem),
        pltpu.async_copy(gwr_hbm.at[wid], gwr_v, dma_sem),
    ]
    for c in copies:
        c.wait()

    coefs = [[coef_v[pl.ds(kk * _B + k * 16, 16)] for k in range(4)]
             for kk in range(6)]

    @plsc.parallel_loop(0, _CH, 1, unroll=2)
    def t_body(s):
        base = s * _B
        for k in range(4):
            px = px_v[pl.ds(base + k * 16, 16)]
            py = py_v[pl.ds(base + k * 16, 16)]
            pxw_v[pl.ds(base + k * 16, 16)] = (
                coefs[0][k] * px + coefs[1][k] * py + coefs[2][k])
            pyw_v[pl.ds(base + k * 16, 16)] = (
                coefs[3][k] * px + coefs[4][k] * py + coefs[5][k])

    n_a = aself_v.shape[0]

    @plsc.parallel_loop(0, n_a // 16, 1, unroll=4)
    def a_body(g):
        sl = pl.ds(g * 16, 16)
        self_i = aself_v[sl]
        src_i = asrc_v[sl]
        dst_i = adst_v[sl]
        xs = plsc.load_gather(pxw_v, [self_i])
        ys = plsc.load_gather(pyw_v, [self_i])
        xr = plsc.load_gather(pxw_v, [src_i])
        yr = plsc.load_gather(pyw_v, [src_i])
        dx = xs - xr
        dy = ys - yr
        plsc.store_scatter(out_v, [dst_i], dx * dx + dy * dy)

    inf = jnp.float32(jnp.inf)

    @plsc.parallel_loop(0, _CH, 1, unroll=1)
    def b_body(s):
        sbase = s * _B
        rowx = [pxw_v[pl.ds(sbase + 16 * k, 16)] for k in range(4)]
        rowy = [pyw_v[pl.ds(sbase + 16 * k, 16)] for k in range(4)]

        def do_group(q):
            gb = (s * 2 + q) * 16
            agent = gagent_v[pl.ds(gb, 16)]
            wr = gwr_v[pl.ds(gb, 16)]
            xs = plsc.load_gather(pxw_v, [agent + sbase])
            ys = plsc.load_gather(pyw_v, [agent + sbase])
            accs = [jnp.full((16,), inf, jnp.float32) for _ in range(4)]
            for k in range(4):
                rx, ry = rowx[k], rowy[k]
                for t in range(16):
                    j = k * 16 + t
                    xj = jnp.full((16,), rx[t])
                    yj = jnp.full((16,), ry[t])
                    dx = xs - xj
                    dy = ys - yj
                    d2 = dx * dx + dy * dy
                    d2 = jnp.where(agent == j, inf, d2)
                    accs[j % 4] = jnp.minimum(accs[j % 4], d2)
            acc = jnp.minimum(jnp.minimum(accs[0], accs[1]),
                              jnp.minimum(accs[2], accs[3]))
            plsc.store_scatter(out_v, [wr], acc)

        do_group(0)
        cnt = jnp.max(gcnt_v[pl.ds(s * 16, 16)])

        @pl.when(cnt > 16)
        def _():
            do_group(1)

    pltpu.sync_copy(out_v.at[pl.ds(0, _FL)], out_hbm.at[wid])


def _loss_body(nd2_ref, out_ref):
    nd = jnp.sqrt(nd2_ref[...])
    c = (nd - _SOCIAL_DIST) ** 2
    c3 = c.reshape(_T, _N, _B)
    out_ref[...] = jnp.sum(c3, axis=0) * (1.0 / _T)


def kernel(x, world_from_agent):
    a_self, a_src, a_dst, g_cnt, g_agent, g_wr = _index_lists()

    px = jnp.swapaxes(x[..., 0], 0, 2).reshape(_S, _B).reshape(_NW, _FL)
    py = jnp.swapaxes(x[..., 1], 0, 2).reshape(_S, _B).reshape(_NW, _FL)
    wfa = world_from_agent
    coef = jnp.concatenate([wfa[:, 0, 0], wfa[:, 0, 1], wfa[:, 0, 2],
                            wfa[:, 1, 0], wfa[:, 1, 1], wfa[:, 1, 2]])

    n_a = a_self.shape[1]
    mesh = plsc.VectorSubcoreMesh(core_axis_name="c", subcore_axis_name="s",
                                  num_cores=_NC, num_subcores=_NW // _NC)
    sc_fn = pl.kernel(
        _sc_body, mesh=mesh,
        compiler_params=pltpu.CompilerParams(needs_layout_passes=False),
        out_type=jax.ShapeDtypeStruct((_NW, _FL), jnp.float32),
        scratch_types=[
            pltpu.VMEM((_FL,), jnp.float32),
            pltpu.VMEM((_FL,), jnp.float32),
            pltpu.VMEM((_FL,), jnp.float32),
            pltpu.VMEM((_FL,), jnp.float32),
            pltpu.VMEM((_FL + _PAD,), jnp.float32),
            pltpu.VMEM((6 * _B,), jnp.float32),
            pltpu.VMEM((n_a,), jnp.int32),
            pltpu.VMEM((n_a,), jnp.int32),
            pltpu.VMEM((n_a,), jnp.int32),
            pltpu.VMEM((_CH * 16,), jnp.int32),
            pltpu.VMEM((_CH * 2 * 16,), jnp.int32),
            pltpu.VMEM((_CH * 2 * 16,), jnp.int32),
            pltpu.SemaphoreType.DMA,
        ],
    )
    nd2 = sc_fn(px, py, coef,
                jnp.asarray(a_self), jnp.asarray(a_src), jnp.asarray(a_dst),
                jnp.asarray(g_cnt), jnp.asarray(g_agent), jnp.asarray(g_wr))

    loss_nb = pl.pallas_call(
        _loss_body,
        out_shape=jax.ShapeDtypeStruct((_N, _B), jnp.float32),
    )(nd2.reshape(_S, _B))
    return loss_nb.T

# --- scband reference (transcript-rebuilt; emitter-appended) ---
"""Pipeline reference for scband-social-group-loss-23553600651773 (READ-ONLY COPY).

The authoritative reference and input builder live on the scoring server;
editing this copy changes nothing except your own understanding.
"""

import jax, jax.numpy as jnp
import numpy as np

LEADER_IDX = 0
SOCIAL_DIST = 1.5
COHESION = 0.8


def setup_inputs(seed: int = 0) -> dict:
    key = jax.random.key(seed)
    k1, k2 = jax.random.split(key)
    B, N, T = 64, 32, 128
    x = jax.random.normal(k1, (B, N, T, 6), dtype=jnp.float32)
    world_from_agent = jax.random.normal(k2, (B, 3, 3), dtype=jnp.float32)
    return {"x": x, "world_from_agent": world_from_agent}


def _transform_agents_to_world(pos_pred, yaw_pred, world_from_agent):
    # pos_pred: (B, N, T, 2); world_from_agent: (B, 3, 3) homogeneous transforms
    rot = world_from_agent[:, :2, :2]
    trans = world_from_agent[:, :2, 2]
    pos_world = jnp.einsum('bij,bntj->bnti', rot, pos_pred) + trans[:, None, None, :]
    yaw_world = yaw_pred + jnp.arctan2(world_from_agent[:, 1, 0], world_from_agent[:, 0, 0])[:, None, None, None]
    return pos_world, yaw_world


def _forward(x, world_from_agent):
    B, N, T, _ = x.shape
    pos_pred = x[..., :2]
    yaw_pred = x[..., 3:4]
    agt_idx = jnp.arange(B)
    pos_pred_global, _ = _transform_agents_to_world(pos_pred, yaw_pred, world_from_agent)
    # leader positions are detached (no grad flows to leader trajectory)
    leader_mask = (agt_idx == LEADER_IDX)[:, None, None, None]
    pos_pred_global = jnp.where(leader_mask, jax.lax.stop_gradient(pos_pred_global), pos_pred_global)
    # (B, N, T, 2) -> (T, N, B, 2) -> (T*N, B, 2)
    flat_pos = jnp.swapaxes(pos_pred_global, 0, 2).reshape(T * N, B, 2)
    # pairwise euclidean distance (cdist, p=2)
    diff = flat_pos[:, :, None, :] - flat_pos[:, None, :, :]
    d2 = jnp.sum(diff * diff, axis=-1)
    eye = jnp.eye(B, dtype=bool)[None]
    d2_safe = jnp.where(eye, 1.0, d2)  # avoid sqrt(0) nan-grad on diagonal
    flat_dist = jnp.where(eye, jnp.inf, jnp.sqrt(d2_safe))
    # nearest neighbor (1-NN retrieval over agents)
    min_neighbor = jnp.argmin(flat_dist, axis=-1)
    # all non-self neighbor choices (B, B-1)
    nb = np.broadcast_to(np.arange(B), (B, B))
    neighbor_choices_np = nb[~np.eye(B, dtype=bool)].reshape(B, B - 1)
    neighbor_choices = jnp.broadcast_to(jnp.asarray(neighbor_choices_np)[None], (T * N, B, B - 1))
    rk1, rk2 = jax.random.split(jax.random.key(1234))
    rand_sel = jax.random.randint(rk1, (T * N, B, 1), 0, B - 1)
    rand_neighbor = jnp.take_along_axis(neighbor_choices, rand_sel, axis=2)[:, :, 0]
    drop_mask = jax.random.uniform(rk2, (T * N, B)) < COHESION
    neighbor_idx = jnp.where(drop_mask, rand_neighbor, min_neighbor)
    neighbor_dist = jnp.take_along_axis(flat_dist, neighbor_idx[..., None], axis=2)[..., 0]
    neighbor_dist = jnp.swapaxes(neighbor_dist.reshape(T, N, B), 0, 2)  # (B, N, T)
    loss = jnp.mean((neighbor_dist - SOCIAL_DIST) ** 2, axis=-1)  # (B, N)
    return loss


def reference(x, world_from_agent):
    return _forward(x, world_from_agent)

if __name__ == "__main__":
    import jax
    _d = setup_inputs()
    print(jax.jit(kernel)(*tuple(_d.values())))

</pallas_src>

<mosaic_0001>
#map = affine_map<(d0, d1) -> (0, 0)>
#map1 = affine_map<(d0, d1) -> (0)>
module attributes {stable_mosaic.version = 14 : i64} {
  func.func @_sc_body(%arg0: i32, %arg1: i32, %arg2: memref<32x8192xf32, #tpu.memory_space<hbm>>, %arg3: memref<32x8192xf32, #tpu.memory_space<hbm>>, %arg4: memref<384xf32, #tpu.memory_space<hbm>>, %arg5: memref<32x6656xi32, #tpu.memory_space<hbm>>, %arg6: memref<32x6656xi32, #tpu.memory_space<hbm>>, %arg7: memref<32x6656xi32, #tpu.memory_space<hbm>>, %arg8: memref<32x2048xi32, #tpu.memory_space<hbm>>, %arg9: memref<32x4096xi32, #tpu.memory_space<hbm>>, %arg10: memref<32x4096xi32, #tpu.memory_space<hbm>>, %arg11: memref<32x8192xf32, #tpu.memory_space<hbm>>, %arg12: memref<8192xf32, #tpu.memory_space<vmem>>, %arg13: memref<8192xf32, #tpu.memory_space<vmem>>, %arg14: memref<8192xf32, #tpu.memory_space<vmem>>, %arg15: memref<8192xf32, #tpu.memory_space<vmem>>, %arg16: memref<12288xf32, #tpu.memory_space<vmem>>, %arg17: memref<384xf32, #tpu.memory_space<vmem>>, %arg18: memref<6656xi32, #tpu.memory_space<vmem>>, %arg19: memref<6656xi32, #tpu.memory_space<vmem>>, %arg20: memref<6656xi32, #tpu.memory_space<vmem>>, %arg21: memref<2048xi32, #tpu.memory_space<vmem>>, %arg22: memref<4096xi32, #tpu.memory_space<vmem>>, %arg23: memref<4096xi32, #tpu.memory_space<vmem>>, %arg24: memref<!tpu.dma_semaphore, #tpu.memory_space<semaphore_mem>>) attributes {dimension_semantics = [#tpu.dimension_semantics<core_parallel>, #tpu.dimension_semantics<subcore_parallel>], iteration_bounds = array<i64: 2, 16>, scalar_prefetch = 0 : i64, scratch_operands = 13 : i64, tpu.core_type = #tpu.core_type<sc_vector_subcore>, window_params = [{transform_indices = #map}, {transform_indices = #map}, {transform_indices = #map1}, {transform_indices = #map}, {transform_indices = #map}, {transform_indices = #map}, {transform_indices = #map}, {transform_indices = #map}, {transform_indices = #map}, {transform_indices = #map}]} {
    %mul3A = arith.constant 2 : i32
    %mul3A_0 = arith.muli %arg1, %mul3A : i32
    %add3A = arith.addi %mul3A_0, %arg0 : i32
    %dma_start3A = arith.constant 0 : i32
    %dma_start3A_1 = tpu.memref_slice %arg2[%add3A, %dma_start3A] : memref<32x8192xf32, #tpu.memory_space<hbm>> -> memref<1x8192xf32, #tpu.memory_space<hbm>>
    %dma_start3A_2 = tpu.memref_squeeze %dma_start3A_1 : memref<1x8192xf32, #tpu.memory_space<hbm>> -> memref<8192xf32, #tpu.memory_space<hbm>>
    %dma_start3A_3 = arith.constant 0 : i32
    %dma_start3A_4 = tpu.memref_slice %arg2[%add3A, %dma_start3A_3] : memref<32x8192xf32, #tpu.memory_space<hbm>> -> memref<1x8192xf32, #tpu.memory_space<hbm>>
    %dma_start3A_5 = tpu.memref_squeeze %dma_start3A_4 : memref<1x8192xf32, #tpu.memory_space<hbm>> -> memref<8192xf32, #tpu.memory_space<hbm>>
    tpu.enqueue_dma source(%dma_start3A_5 : memref<8192xf32, #tpu.memory_space<hbm>>) target(%arg12 : memref<8192xf32, #tpu.memory_space<vmem>>) target_semaphore(%arg24 : memref<!tpu.dma_semaphore, #tpu.memory_space<semaphore_mem>>)
    %dma_start3A_6 = arith.constant 0 : i32
    %dma_start3A_7 = tpu.memref_slice %arg3[%add3A, %dma_start3A_6] : memref<32x8192xf32, #tpu.memory_space<hbm>> -> memref<1x8192xf32, #tpu.memory_space<hbm>>
    %dma_start3A_8 = tpu.memref_squeeze %dma_start3A_7 : memref<1x8192xf32, #tpu.memory_space<hbm>> -> memref<8192xf32, #tpu.memory_space<hbm>>
    %dma_start3A_9 = arith.constant 0 : i32
    %dma_start3A_10 = tpu.memref_slice %arg3[%add3A, %dma_start3A_9] : memref<32x8192xf32, #tpu.memory_space<hbm>> -> memref<1x8192xf32, #tpu.memory_space<hbm>>
    %dma_start3A_11 = tpu.memref_squeeze %dma_start3A_10 : memref<1x8192xf32, #tpu.memory_space<hbm>> -> memref<8192xf32, #tpu.memory_space<hbm>>
    tpu.enqueue_dma source(%dma_start3A_11 : memref<8192xf32, #tpu.memory_space<hbm>>) target(%arg13 : memref<8192xf32, #tpu.memory_space<vmem>>) target_semaphore(%arg24 : memref<!tpu.dma_semaphore, #tpu.memory_space<semaphore_mem>>)
    tpu.enqueue_dma source(%arg4 : memref<384xf32, #tpu.memory_space<hbm>>) target(%arg17 : memref<384xf32, #tpu.memory_space<vmem>>) target_semaphore(%arg24 : memref<!tpu.dma_semaphore, #tpu.memory_space<semaphore_mem>>)
    %dma_start3A_12 = arith.constant 0 : i32
    %dma_start3A_13 = tpu.memref_slice %arg5[%add3A, %dma_start3A_12] : memref<32x6656xi32, #tpu.memory_space<hbm>> -> memref<1x6656xi32, #tpu.memory_space<hbm>>
    %dma_start3A_14 = tpu.memref_squeeze %dma_start3A_13 : memref<1x6656xi32, #tpu.memory_space<hbm>> -> memref<6656xi32, #tpu.memory_space<hbm>>
    %dma_start3A_15 = arith.constant 0 : i32
    %dma_start3A_16 = tpu.memref_slice %arg5[%add3A, %dma_start3A_15] : memref<32x6656xi32, #tpu.memory_space<hbm>> -> memref<1x6656xi32, #tpu.memory_space<hbm>>
    %dma_start3A_17 = tpu.memref_squeeze %dma_start3A_16 : memref<1x6656xi32, #tpu.memory_space<hbm>> -> memref<6656xi32, #tpu.memory_space<hbm>>
    tpu.enqueue_dma source(%dma_start3A_17 : memref<6656xi32, #tpu.memory_space<hbm>>) target(%arg18 : memref<6656xi32, #tpu.memory_space<vmem>>) target_semaphore(%arg24 : memref<!tpu.dma_semaphore, #tpu.memory_space<semaphore_mem>>)
    %dma_start3A_18 = arith.constant 0 : i32
    %dma_start3A_19 = tpu.memref_slice %arg6[%add3A, %dma_start3A_18] : memref<32x6656xi32, #tpu.memory_space<hbm>> -> memref<1x6656xi32, #tpu.memory_space<hbm>>
    %dma_start3A_20 = tpu.memref_squeeze %dma_start3A_19 : memref<1x6656xi32, #tpu.memory_space<hbm>> -> memref<6656xi32, #tpu.memory_space<hbm>>
    %dma_start3A_21 = arith.constant 0 : i32
    %dma_start3A_22 = tpu.memref_slice %arg6[%add3A, %dma_start3A_21] : memref<32x6656xi32, #tpu.memory_space<hbm>> -> memref<1x6656xi32, #tpu.memory_space<hbm>>
    %dma_start3A_23 = tpu.memref_squeeze %dma_start3A_22 : memref<1x6656xi32, #tpu.memory_space<hbm>> -> memref<6656xi32, #tpu.memory_space<hbm>>
    tpu.enqueue_dma source(%dma_start3A_23 : memref<6656xi32, #tpu.memory_space<hbm>>) target(%arg19 : memref<6656xi32, #tpu.memory_space<vmem>>) target_semaphore(%arg24 : memref<!tpu.dma_semaphore, #tpu.memory_space<semaphore_mem>>)
    %dma_start3A_24 = arith.constant 0 : i32
    %dma_start3A_25 = tpu.memref_slice %arg7[%add3A, %dma_start3A_24] : memref<32x6656xi32, #tpu.memory_space<hbm>> -> memref<1x6656xi32, #tpu.memory_space<hbm>>
    %dma_start3A_26 = tpu.memref_squeeze %dma_start3A_25 : memref<1x6656xi32, #tpu.memory_space<hbm>> -> memref<6656xi32, #tpu.memory_space<hbm>>
    %dma_start3A_27 = arith.constant 0 : i32
    %dma_start3A_28 = tpu.memref_slice %arg7[%add3A, %dma_start3A_27] : memref<32x6656xi32, #tpu.memory_space<hbm>> -> memref<1x6656xi32, #tpu.memory_space<hbm>>
    %dma_start3A_29 = tpu.memref_squeeze %dma_start3A_28 : memref<1x6656xi32, #tpu.memory_space<hbm>> -> memref<6656xi32, #tpu.memory_space<hbm>>
    tpu.enqueue_dma source(%dma_start3A_29 : memref<6656xi32, #tpu.memory_space<hbm>>) target(%arg20 : memref<6656xi32, #tpu.memory_space<vmem>>) target_semaphore(%arg24 : memref<!tpu.dma_semaphore, #tpu.memory_space<semaphore_mem>>)
    %dma_start3A_30 = arith.constant 0 : i32
    %dma_start3A_31 = tpu.memref_slice %arg8[%add3A, %dma_start3A_30] : memref<32x2048xi32, #tpu.memory_space<hbm>> -> memref<1x2048xi32, #tpu.memory_space<hbm>>
    %dma_start3A_32 = tpu.memref_squeeze %dma_start3A_31 : memref<1x2048xi32, #tpu.memory_space<hbm>> -> memref<2048xi32, #tpu.memory_space<hbm>>
    %dma_start3A_33 = arith.constant 0 : i32
    %dma_start3A_34 = tpu.memref_slice %arg8[%add3A, %dma_start3A_33] : memref<32x2048xi32, #tpu.memory_space<hbm>> -> memref<1x2048xi32, #tpu.memory_space<hbm>>
    %dma_start3A_35 = tpu.memref_squeeze %dma_start3A_34 : memref<1x2048xi32, #tpu.memory_space<hbm>> -> memref<2048xi32, #tpu.memory_space<hbm>>
    tpu.enqueue_dma source(%dma_start3A_35 : memref<2048xi32, #tpu.memory_space<hbm>>) target(%arg21 : memref<2048xi32, #tpu.memory_space<vmem>>) target_semaphore(%arg24 : memref<!tpu.dma_semaphore, #tpu.memory_space<semaphore_mem>>)
    %dma_start3A_36 = arith.constant 0 : i32
    %dma_start3A_37 = tpu.memref_slice %arg9[%add3A, %dma_start3A_36] : memref<32x4096xi32, #tpu.memory_space<hbm>> -> memref<1x4096xi32, #tpu.memory_space<hbm>>
    %dma_start3A_38 = tpu.memref_squeeze %dma_start3A_37 : memref<1x4096xi32, #tpu.memory_space<hbm>> -> memref<4096xi32, #tpu.memory_space<hbm>>
    %dma_start3A_39 = arith.constant 0 : i32
    %dma_start3A_40 = tpu.memref_slice %arg9[%add3A, %dma_start3A_39] : memref<32x4096xi32, #tpu.memory_space<hbm>> -> memref<1x4096xi32, #tpu.memory_space<hbm>>
    %dma_start3A_41 = tpu.memref_squeeze %dma_start3A_40 : memref<1x4096xi32, #tpu.memory_space<hbm>> -> memref<4096xi32, #tpu.memory_space<hbm>>
    tpu.enqueue_dma source(%dma_start3A_41 : memref<4096xi32, #tpu.memory_space<hbm>>) target(%arg22 : memref<4096xi32, #tpu.memory_space<vmem>>) target_semaphore(%arg24 : memref<!tpu.dma_semaphore, #tpu.memory_space<semaphore_mem>>)
    %dma_start3A_42 = arith.constant 0 : i32
    %dma_start3A_43 = tpu.memref_slice %arg10[%add3A, %dma_start3A_42] : memref<32x4096xi32, #tpu.memory_space<hbm>> -> memref<1x4096xi32, #tpu.memory_space<hbm>>
    %dma_start3A_44 = tpu.memref_squeeze %dma_start3A_43 : memref<1x4096xi32, #tpu.memory_space<hbm>> -> memref<4096xi32, #tpu.memory_space<hbm>>
    %dma_start3A_45 = arith.constant 0 : i32
    %dma_start3A_46 = tpu.memref_slice %arg10[%add3A, %dma_start3A_45] : memref<32x4096xi32, #tpu.memory_space<hbm>> -> memref<1x4096xi32, #tpu.memory_space<hbm>>
    %dma_start3A_47 = tpu.memref_squeeze %dma_start3A_46 : memref<1x4096xi32, #tpu.memory_space<hbm>> -> memref<4096xi32, #tpu.memory_space<hbm>>
    tpu.enqueue_dma source(%dma_start3A_47 : memref<4096xi32, #tpu.memory_space<hbm>>) target(%arg23 : memref<4096xi32, #tpu.memory_space<vmem>>) target_semaphore(%arg24 : memref<!tpu.dma_semaphore, #tpu.memory_space<semaphore_mem>>)
    %dma_wait3A = arith.constant 0 : i32
    %dma_wait3A_48 = tpu.memref_slice %arg2[%add3A, %dma_wait3A] : memref<32x8192xf32, #tpu.memory_space<hbm>> -> memref<1x8192xf32, #tpu.memory_space<hbm>>
    %dma_wait3A_49 = tpu.memref_squeeze %dma_wait3A_48 : memref<1x8192xf32, #tpu.memory_space<hbm>> -> memref<8192xf32, #tpu.memory_space<hbm>>
    %dma_wait3A_50 = arith.constant 0 : i32
    %dma_wait3A_51 = tpu.memref_slice %arg2[%add3A, %dma_wait3A_50] : memref<32x8192xf32, #tpu.memory_space<hbm>> -> memref<1x8192xf32, #tpu.memory_space<hbm>>
    %dma_wait3A_52 = tpu.memref_squeeze %dma_wait3A_51 : memref<1x8192xf32, #tpu.memory_space<hbm>> -> memref<8192xf32, #tpu.memory_space<hbm>>
    tpu.wait_dma2 semaphore(%arg24 : memref<!tpu.dma_semaphore, #tpu.memory_space<semaphore_mem>>) src(%dma_wait3A_52 : memref<8192xf32, #tpu.memory_space<hbm>>) dst(%arg12 : memref<8192xf32, #tpu.memory_space<vmem>>)
    %dma_wait3A_53 = arith.constant 0 : i32
    %dma_wait3A_54 = tpu.memref_slice %arg3[%add3A, %dma_wait3A_53] : memref<32x8192xf32, #tpu.memory_space<hbm>> -> memref<1x8192xf32, #tpu.memory_space<hbm>>
    %dma_wait3A_55 = tpu.memref_squeeze %dma_wait3A_54 : memref<1x8192xf32, #tpu.memory_space<hbm>> -> memref<8192xf32, #tpu.memory_space<hbm>>
    %dma_wait3A_56 = arith.constant 0 : i32
    %dma_wait3A_57 = tpu.memref_slice %arg3[%add3A, %dma_wait3A_56] : memref<32x8192xf32, #tpu.memory_space<hbm>> -> memref<1x8192xf32, #tpu.memory_space<hbm>>
    %dma_wait3A_58 = tpu.memref_squeeze %dma_wait3A_57 : memref<1x8192xf32, #tpu.memory_space<hbm>> -> memref<8192xf32, #tpu.memory_space<hbm>>
    tpu.wait_dma2 semaphore(%arg24 : memref<!tpu.dma_semaphore, #tpu.memory_space<semaphore_mem>>) src(%dma_wait3A_58 : memref<8192xf32, #tpu.memory_space<hbm>>) dst(%arg13 : memref<8192xf32, #tpu.memory_space<vmem>>)
    tpu.wait_dma2 semaphore(%arg24 : memref<!tpu.dma_semaphore, #tpu.memory_space<semaphore_mem>>) src(%arg4 : memref<384xf32, #tpu.memory_space<hbm>>) dst(%arg17 : memref<384xf32, #tpu.memory_space<vmem>>)
    %dma_wait3A_59 = arith.constant 0 : i32
    %dma_wait3A_60 = tpu.memref_slice %arg5[%add3A, %dma_wait3A_59] : memref<32x6656xi32, #tpu.memory_space<hbm>> -> memref<1x6656xi32, #tpu.memory_space<hbm>>
    %dma_wait3A_61 = tpu.memref_squeeze %dma_wait3A_60 : memref<1x6656xi32, #tpu.memory_space<hbm>> -> memref<6656xi32, #tpu.memory_space<hbm>>
    %dma_wait3A_62 = arith.constant 0 : i32
    %dma_wait3A_63 = tpu.memref_slice %arg5[%add3A, %dma_wait3A_62] : memref<32x6656xi32, #tpu.memory_space<hbm>> -> memref<1x6656xi32, #tpu.memory_space<hbm>>
    %dma_wait3A_64 = tpu.memref_squeeze %dma_wait3A_63 : memref<1x6656xi32, #tpu.memory_space<hbm>> -> memref<6656xi32, #tpu.memory_space<hbm>>
    tpu.wait_dma2 semaphore(%arg24 : memref<!tpu.dma_semaphore, #tpu.memory_space<semaphore_mem>>) src(%dma_wait3A_64 : memref<6656xi32, #tpu.memory_space<hbm>>) dst(%arg18 : memref<6656xi32, #tpu.memory_space<vmem>>)
    %dma_wait3A_65 = arith.constant 0 : i32
    %dma_wait3A_66 = tpu.memref_slice %arg6[%add3A, %dma_wait3A_65] : memref<32x6656xi32, #tpu.memory_space<hbm>> -> memref<1x6656xi32, #tpu.memory_space<hbm>>
    %dma_wait3A_67 = tpu.memref_squeeze %dma_wait3A_66 : memref<1x6656xi32, #tpu.memory_space<hbm>> -> memref<6656xi32, #tpu.memory_space<hbm>>
    %dma_wait3A_68 = arith.constant 0 : i32
    %dma_wait3A_69 = tpu.memref_slice %arg6[%add3A, %dma_wait3A_68] : memref<32x6656xi32, #tpu.memory_space<hbm>> -> memref<1x6656xi32, #tpu.memory_space<hbm>>
    %dma_wait3A_70 = tpu.memref_squeeze %dma_wait3A_69 : memref<1x6656xi32, #tpu.memory_space<hbm>> -> memref<6656xi32, #tpu.memory_space<hbm>>
    tpu.wait_dma2 semaphore(%arg24 : memref<!tpu.dma_semaphore, #tpu.memory_space<semaphore_mem>>) src(%dma_wait3A_70 : memref<6656xi32, #tpu.memory_space<hbm>>) dst(%arg19 : memref<6656xi32, #tpu.memory_space<vmem>>)
    %dma_wait3A_71 = arith.constant 0 : i32
    %dma_wait3A_72 = tpu.memref_slice %arg7[%add3A, %dma_wait3A_71] : memref<32x6656xi32, #tpu.memory_space<hbm>> -> memref<1x6656xi32, #tpu.memory_space<hbm>>
    %dma_wait3A_73 = tpu.memref_squeeze %dma_wait3A_72 : memref<1x6656xi32, #tpu.memory_space<hbm>> -> memref<6656xi32, #tpu.memory_space<hbm>>
    %dma_wait3A_74 = arith.constant 0 : i32
    %dma_wait3A_75 = tpu.memref_slice %arg7[%add3A, %dma_wait3A_74] : memref<32x6656xi32, #tpu.memory_space<hbm>> -> memref<1x6656xi32, #tpu.memory_space<hbm>>
    %dma_wait3A_76 = tpu.memref_squeeze %dma_wait3A_75 : memref<1x6656xi32, #tpu.memory_space<hbm>> -> memref<6656xi32, #tpu.memory_space<hbm>>
    tpu.wait_dma2 semaphore(%arg24 : memref<!tpu.dma_semaphore, #tpu.memory_space<semaphore_mem>>) src(%dma_wait3A_76 : memref<6656xi32, #tpu.memory_space<hbm>>) dst(%arg20 : memref<6656xi32, #tpu.memory_space<vmem>>)
    %dma_wait3A_77 = arith.constant 0 : i32
    %dma_wait3A_78 = tpu.memref_slice %arg8[%add3A, %dma_wait3A_77] : memref<32x2048xi32, #tpu.memory_space<hbm>> -> memref<1x2048xi32, #tpu.memory_space<hbm>>
    %dma_wait3A_79 = tpu.memref_squeeze %dma_wait3A_78 : memref<1x2048xi32, #tpu.memory_space<hbm>> -> memref<2048xi32, #tpu.memory_space<hbm>>
    %dma_wait3A_80 = arith.constant 0 : i32
    %dma_wait3A_81 = tpu.memref_slice %arg8[%add3A, %dma_wait3A_80] : memref<32x2048xi32, #tpu.memory_space<hbm>> -> memref<1x2048xi32, #tpu.memory_space<hbm>>
    %dma_wait3A_82 = tpu.memref_squeeze %dma_wait3A_81 : memref<1x2048xi32, #tpu.memory_space<hbm>> -> memref<2048xi32, #tpu.memory_space<hbm>>
    tpu.wait_dma2 semaphore(%arg24 : memref<!tpu.dma_semaphore, #tpu.memory_space<semaphore_mem>>) src(%dma_wait3A_82 : memref<2048xi32, #tpu.memory_space<hbm>>) dst(%arg21 : memref<2048xi32, #tpu.memory_space<vmem>>)
    %dma_wait3A_83 = arith.constant 0 : i32
    %dma_wait3A_84 = tpu.memref_slice %arg9[%add3A, %dma_wait3A_83] : memref<32x4096xi32, #tpu.memory_space<hbm>> -> memref<1x4096xi32, #tpu.memory_space<hbm>>
    %dma_wait3A_85 = tpu.memref_squeeze %dma_wait3A_84 : memref<1x4096xi32, #tpu.memory_space<hbm>> -> memref<4096xi32, #tpu.memory_space<hbm>>
    %dma_wait3A_86 = arith.constant 0 : i32
    %dma_wait3A_87 = tpu.memref_slice %arg9[%add3A, %dma_wait3A_86] : memref<32x4096xi32, #tpu.memory_space<hbm>> -> memref<1x4096xi32, #tpu.memory_space<hbm>>
    %dma_wait3A_88 = tpu.memref_squeeze %dma_wait3A_87 : memref<1x4096xi32, #tpu.memory_space<hbm>> -> memref<4096xi32, #tpu.memory_space<hbm>>
    tpu.wait_dma2 semaphore(%arg24 : memref<!tpu.dma_semaphore, #tpu.memory_space<semaphore_mem>>) src(%dma_wait3A_88 : memref<4096xi32, #tpu.memory_space<hbm>>) dst(%arg22 : memref<4096xi32, #tpu.memory_space<vmem>>)
    %dma_wait3A_89 = arith.constant 0 : i32
    %dma_wait3A_90 = tpu.memref_slice %arg10[%add3A, %dma_wait3A_89] : memref<32x4096xi32, #tpu.memory_space<hbm>> -> memref<1x4096xi32, #tpu.memory_space<hbm>>
    %dma_wait3A_91 = tpu.memref_squeeze %dma_wait3A_90 : memref<1x4096xi32, #tpu.memory_space<hbm>> -> memref<4096xi32, #tpu.memory_space<hbm>>
    %dma_wait3A_92 = arith.constant 0 : i32
    %dma_wait3A_93 = tpu.memref_slice %arg10[%add3A, %dma_wait3A_92] : memref<32x4096xi32, #tpu.memory_space<hbm>> -> memref<1x4096xi32, #tpu.memory_space<hbm>>
    %dma_wait3A_94 = tpu.memref_squeeze %dma_wait3A_93 : memref<1x4096xi32, #tpu.memory_space<hbm>> -> memref<4096xi32, #tpu.memory_space<hbm>>
    tpu.wait_dma2 semaphore(%arg24 : memref<!tpu.dma_semaphore, #tpu.memory_space<semaphore_mem>>) src(%dma_wait3A_94 : memref<4096xi32, #tpu.memory_space<hbm>>) dst(%arg23 : memref<4096xi32, #tpu.memory_space<vmem>>)
    %get3A = arith.constant 0 : index
    %get3A_95 = tpu.vector_load %arg17[%get3A] {strides = array<i32>} : memref<384xf32, #tpu.memory_space<vmem>>, vector<16xf32>,
    %get3A_96 = arith.constant 16 : index
    %get3A_97 = tpu.vector_load %arg17[%get3A_96] {strides = array<i32>} : memref<384xf32, #tpu.memory_space<vmem>>, vector<16xf32>,
    %get3A_98 = arith.constant 32 : index
    %get3A_99 = tpu.vector_load %arg17[%get3A_98] {strides = array<i32>} : memref<384xf32, #tpu.memory_space<vmem>>, vector<16xf32>,
    %get3A_100 = arith.constant 48 : index
    %get3A_101 = tpu.vector_load %arg17[%get3A_100] {strides = array<i32>} : memref<384xf32, #tpu.memory_space<vmem>>, vector<16xf32>,
    %get3A_102 = arith.constant 64 : index
    %get3A_103 = tpu.vector_load %arg17[%get3A_102] {strides = array<i32>} : memref<384xf32, #tpu.memory_space<vmem>>, vector<16xf32>,
    %get3A_104 = arith.constant 80 : index
    %get3A_105 = tpu.vector_load %arg17[%get3A_104] {strides = array<i32>} : memref<384xf32, #tpu.memory_space<vmem>>, vector<16xf32>,
    %get3A_106 = arith.constant 96 : index
    %get3A_107 = tpu.vector_load %arg17[%get3A_106] {strides = array<i32>} : memref<384xf32, #tpu.memory_space<vmem>>, vector<16xf32>,
    %get3A_108 = arith.constant 112 : index
    %get3A_109 = tpu.vector_load %arg17[%get3A_108] {strides = array<i32>} : memref<384xf32, #tpu.memory_space<vmem>>, vector<16xf32>,
    %get3A_110 = arith.constant 128 : index
    %get3A_111 = tpu.vector_load %arg17[%get3A_110] {strides = array<i32>} : memref<384xf32, #tpu.memory_space<vmem>>, vector<16xf32>,
    %get3A_112 = arith.constant 144 : index
    %get3A_113 = tpu.vector_load %arg17[%get3A_112] {strides = array<i32>} : memref<384xf32, #tpu.memory_space<vmem>>, vector<16xf32>,
    %get3A_114 = arith.constant 160 : index
    %get3A_115 = tpu.vector_load %arg17[%get3A_114] {strides = array<i32>} : memref<384xf32, #tpu.memory_space<vmem>>, vector<16xf32>,
    %get3A_116 = arith.constant 176 : index
    %get3A_117 = tpu.vector_load %arg17[%get3A_116] {strides = array<i32>} : memref<384xf32, #tpu.memory_space<vmem>>, vector<16xf32>,
    %get3A_118 = arith.constant 192 : index
    %get3A_119 = tpu.vector_load %arg17[%get3A_118] {strides = array<i32>} : memref<384xf32, #tpu.memory_space<vmem>>, vector<16xf32>,
    %get3A_120 = arith.constant 208 : index
    %get3A_121 = tpu.vector_load %arg17[%get3A_120] {strides = array<i32>} : memref<384xf32, #tpu.memory_space<vmem>>, vector<16xf32>,
    %get3A_122 = arith.constant 224 : index
    %get3A_123 = tpu.vector_load %arg17[%get3A_122] {strides = array<i32>} : memref<384xf32, #tpu.memory_space<vmem>>, vector<16xf32>,
    %get3A_124 = arith.constant 240 : index
    %get3A_125 = tpu.vector_load %arg17[%get3A_124] {strides = array<i32>} : memref<384xf32, #tpu.memory_space<vmem>>, vector<16xf32>,
    %get3A_126 = arith.constant 256 : index
    %get3A_127 = tpu.vector_load %arg17[%get3A_126] {strides = array<i32>} : memref<384xf32, #tpu.memory_space<vmem>>, vector<16xf32>,
    %get3A_128 = arith.constant 272 : index
    %get3A_129 = tpu.vector_load %arg17[%get3A_128] {strides = array<i32>} : memref<384xf32, #tpu.memory_space<vmem>>, vector<16xf32>,
    %get3A_130 = arith.constant 288 : index
    %get3A_131 = tpu.vector_load %arg17[%get3A_130] {strides = array<i32>} : memref<384xf32, #tpu.memory_space<vmem>>, vector<16xf32>,
    %get3A_132 = arith.constant 304 : index
    %get3A_133 = tpu.vector_load %arg17[%get3A_132] {strides = array<i32>} : memref<384xf32, #tpu.memory_space<vmem>>, vector<16xf32>,
    %get3A_134 = arith.constant 320 : index
    %get3A_135 = tpu.vector_load %arg17[%get3A_134] {strides = array<i32>} : memref<384xf32, #tpu.memory_space<vmem>>, vector<16xf32>,
    %get3A_136 = arith.constant 336 : index
    %get3A_137 = tpu.vector_load %arg17[%get3A_136] {strides = array<i32>} : memref<384xf32, #tpu.memory_space<vmem>>, vector<16xf32>,
    %get3A_138 = arith.constant 352 : index
    %get3A_139 = tpu.vector_load %arg17[%get3A_138] {strides = array<i32>} : memref<384xf32, #tpu.memory_space<vmem>>, vector<16xf32>,
    %get3A_140 = arith.constant 368 : index
    %get3A_141 = tpu.vector_load %arg17[%get3A_140] {strides = array<i32>} : memref<384xf32, #tpu.memory_space<vmem>>, vector<16xf32>,
    %parallel_loop3A = arith.constant 0 : i32
    %parallel_loop3A_142 = arith.constant 128 : i32
    %parallel_loop3A_143 = arith.constant 1 : i32
    scf.for %parallel_loop3A_151 = %parallel_loop3A to %parallel_loop3A_142 step %parallel_loop3A_143  : i32 {
      %parallel_loop3A_152 = arith.constant 64 : i32
      %parallel_loop3A_153 = arith.muli %parallel_loop3A_151, %parallel_loop3A_152 : i32
      %parallel_loop3A_154 = arith.constant 0 : i32
      %parallel_loop3A_155 = arith.addi %parallel_loop3A_153, %parallel_loop3A_154 : i32
      %parallel_loop3A_156 = arith.index_cast %parallel_loop3A_155 : i32 to index
      %parallel_loop3A_157 = tpu.vector_load %arg12[%parallel_loop3A_156] {strides = array<i32>} : memref<8192xf32, #tpu.memory_space<vmem>>, vector<16xf32>,
      %parallel_loop3A_158 = arith.constant 0 : i32
      %parallel_loop3A_159 = arith.addi %parallel_loop3A_153, %parallel_loop3A_158 : i32
      %parallel_loop3A_160 = arith.index_cast %parallel_loop3A_159 : i32 to index
      %parallel_loop3A_161 = tpu.vector_load %arg13[%parallel_loop3A_160] {strides = array<i32>} : memref<8192xf32, #tpu.memory_space<vmem>>, vector<16xf32>,
      %parallel_loop3A_162 = arith.mulf %get3A_95, %parallel_loop3A_157 : vector<16xf32>
      %parallel_loop3A_163 = arith.mulf %get3A_103, %parallel_loop3A_161 : vector<16xf32>
      %parallel_loop3A_164 = arith.addf %parallel_loop3A_162, %parallel_loop3A_163 : vector<16xf32>
      %parallel_loop3A_165 = arith.addf %parallel_loop3A_164, %get3A_111 : vector<16xf32>
      %parallel_loop3A_166 = arith.constant 0 : i32
      %parallel_loop3A_167 = arith.addi %parallel_loop3A_153, %parallel_loop3A_166 : i32
      %parallel_loop3A_168 = arith.index_cast %parallel_loop3A_167 : i32 to index
      %parallel_loop3A_169 = tpu.vector_load %arg14[%parallel_loop3A_168] {strides = array<i32>} : memref<8192xf32, #tpu.memory_space<vmem>>, vector<16xf32>,
      tpu.vector_store %arg14[%parallel_loop3A_168], %parallel_loop3A_165 {strides = array<i32>} : memref<8192xf32, #tpu.memory_space<vmem>>, vector<16xf32>,
      %parallel_loop3A_170 = arith.mulf %get3A_119, %parallel_loop3A_157 : vector<16xf32>
      %parallel_loop3A_171 = arith.mulf %get3A_127, %parallel_loop3A_161 : vector<16xf32>
      %parallel_loop3A_172 = arith.addf %parallel_loop3A_170, %parallel_loop3A_171 : vector<16xf32>
      %parallel_loop3A_173 = arith.addf %parallel_loop3A_172, %get3A_135 : vector<16xf32>
      %parallel_loop3A_174 = arith.constant 0 : i32
      %parallel_loop3A_175 = arith.addi %parallel_loop3A_153, %parallel_loop3A_174 : i32
      %parallel_loop3A_176 = arith.index_cast %parallel_loop3A_175 : i32 to index
      %parallel_loop3A_177 = tpu.vector_load %arg15[%parallel_loop3A_176] {strides = array<i32>} : memref<8192xf32, #tpu.memory_space<vmem>>, vector<16xf32>,
      tpu.vector_store %arg15[%parallel_loop3A_176], %parallel_loop3A_173 {strides = array<i32>} : memref<8192xf32, #tpu.memory_space<vmem>>, vector<16xf32>,
      %parallel_loop3A_178 = arith.constant 16 : i32
      %parallel_loop3A_179 = arith.addi %parallel_loop3A_153, %parallel_loop3A_178 : i32
      %parallel_loop3A_180 = arith.index_cast %parallel_loop3A_179 : i32 to index
      %parallel_loop3A_181 = tpu.vector_load %arg12[%parallel_loop3A_180] {strides = array<i32>} : memref<8192xf32, #tpu.memory_space<vmem>>, vector<16xf32>,
      %parallel_loop3A_182 = arith.constant 16 : i32
      %parallel_loop3A_183 = arith.addi %parallel_loop3A_153, %parallel_loop3A_182 : i32
      %parallel_loop3A_184 = arith.index_cast %parallel_loop3A_183 : i32 to index
      %parallel_loop3A_185 = tpu.vector_load %arg13[%parallel_loop3A_184] {strides = array<i32>} : memref<8192xf32, #tpu.memory_space<vmem>>, vector<16xf32>,
      %parallel_loop3A_186 = arith.mulf %get3A_97, %parallel_loop3A_181 : vector<16xf32>
      %parallel_loop3A_187 = arith.mulf %get3A_105, %parallel_loop3A_185 : vector<16xf32>
      %parallel_loop3A_188 = arith.addf %parallel_loop3A_186, %parallel_loop3A_187 : vector<16xf32>
      %parallel_loop3A_189 = arith.addf %parallel_loop3A_188, %get3A_113 : vector<16xf32>
      %parallel_loop3A_190 = arith.constant 16 : i32
      %parallel_loop3A_191 = arith.addi %parallel_loop3A_153, %parallel_loop3A_190 : i32
      %parallel_loop3A_192 = arith.index_cast %parallel_loop3A_191 : i32 to index
      %parallel_loop3A_193 = tpu.vector_load %arg14[%parallel_loop3A_192] {strides = array<i32>} : memref<8192xf32, #tpu.memory_space<vmem>>, vector<16xf32>,
      tpu.vector_store %arg14[%parallel_loop3A_192], %parallel_loop3A_189 {strides = array<i32>} : memref<8192xf32, #tpu.memory_space<vmem>>, vector<16xf32>,
      %parallel_loop3A_194 = arith.mulf %get3A_121, %parallel_loop3A_181 : vector<16xf32>
      %parallel_loop3A_195 = arith.mulf %get3A_129, %parallel_loop3A_185 : vector<16xf32>
      %parallel_loop3A_196 = arith.addf %parallel_loop3A_194, %parallel_loop3A_195 : vector<16xf32>
      %parallel_loop3A_197 = arith.addf %parallel_loop3A_196, %get3A_137 : vector<16xf32>
      %parallel_loop3A_198 = arith.constant 16 : i32
      %parallel_loop3A_199 = arith.addi %parallel_loop3A_153, %parallel_loop3A_198 : i32
      %parallel_loop3A_200 = arith.index_cast %parallel_loop3A_199 : i32 to index
      %parallel_loop3A_201 = tpu.vector_load %arg15[%parallel_loop3A_200] {strides = array<i32>} : memref<8192xf32, #tpu.memory_space<vmem>>, vector<16xf32>,
      tpu.vector_store %arg15[%parallel_loop3A_200], %parallel_loop3A_197 {strides = array<i32>} : memref<8192xf32, #tpu.memory_space<vmem>>, vector<16xf32>,
      %parallel_loop3A_202 = arith.constant 32 : i32
      %parallel_loop3A_203 = arith.addi %parallel_loop3A_153, %parallel_loop3A_202 : i32
      %parallel_loop3A_204 = arith.index_cast %parallel_loop3A_203 : i32 to index
      %parallel_loop3A_205 = tpu.vector_load %arg12[%parallel_loop3A_204] {strides = array<i32>} : memref<8192xf32, #tpu.memory_space<vmem>>, vector<16xf32>,
      %parallel_loop3A_206 = arith.constant 32 : i32
      %parallel_loop3A_207 = arith.addi %parallel_loop3A_153, %parallel_loop3A_206 : i32
      %parallel_loop3A_208 = arith.index_cast %parallel_loop3A_207 : i32 to index
      %parallel_loop3A_209 = tpu.vector_load %arg13[%parallel_loop3A_208] {strides = array<i32>} : memref<8192xf32, #tpu.memory_space<vmem>>, vector<16xf32>,
      %parallel_loop3A_210 = arith.mulf %get3A_99, %parallel_loop3A_205 : vector<16xf32>
      %parallel_loop3A_211 = arith.mulf %get3A_107, %parallel_loop3A_209 : vector<16xf32>
      %parallel_loop3A_212 = arith.addf %parallel_loop3A_210, %parallel_loop3A_211 : vector<16xf32>
      %parallel_loop3A_213 = arith.addf %parallel_loop3A_212, %get3A_115 : vector<16xf32>
      %parallel_loop3A_214 = arith.constant 32 : i32
      %parallel_loop3A_215 = arith.addi %parallel_loop3A_153, %parallel_loop3A_214 : i32
      %parallel_loop3A_216 = arith.index_cast %parallel_loop3A_215 : i32 to index
      %parallel_loop3A_217 = tpu.vector_load %arg14[%parallel_loop3A_216] {strides = array<i32>} : memref<8192xf32, #tpu.memory_space<vmem>>, vector<16xf32>,
      tpu.vector_store %arg14[%parallel_loop3A_216], %parallel_loop3A_213 {strides = array<i32>} : memref<8192xf32, #tpu.memory_space<vmem>>, vector<16xf32>,
      %parallel_loop3A_218 = arith.mulf %get3A_123, %parallel_loop3A_205 : vector<16xf32>
      %parallel_loop3A_219 = arith.mulf %get3A_131, %parallel_loop3A_209 : vector<16xf32>
      %parallel_loop3A_220 = arith.addf %parallel_loop3A_218, %parallel_loop3A_219 : vector<16xf32>
      %parallel_loop3A_221 = arith.addf %parallel_loop3A_220, %get3A_139 : vector<16xf32>
      %parallel_loop3A_222 = arith.constant 32 : i32
      %parallel_loop3A_223 = arith.addi %parallel_loop3A_153, %parallel_loop3A_222 : i32
      %parallel_loop3A_224 = arith.index_cast %parallel_loop3A_223 : i32 to index
      %parallel_loop3A_225 = tpu.vector_load %arg15[%parallel_loop3A_224] {strides = array<i32>} : memref<8192xf32, #tpu.memory_space<vmem>>, vector<16xf32>,
      tpu.vector_store %arg15[%parallel_loop3A_224], %parallel_loop3A_221 {strides = array<i32>} : memref<8192xf32, #tpu.memory_space<vmem>>, vector<16xf32>,
      %parallel_loop3A_226 = arith.constant 48 : i32
      %parallel_loop3A_227 = arith.addi %parallel_loop3A_153, %parallel_loop3A_226 : i32
      %parallel_loop3A_228 = arith.index_cast %parallel_loop3A_227 : i32 to index
      %parallel_loop3A_229 = tpu.vector_load %arg12[%parallel_loop3A_228] {strides = array<i32>} : memref<8192xf32, #tpu.memory_space<vmem>>, vector<16xf32>,
      %parallel_loop3A_230 = arith.constant 48 : i32
      %parallel_loop3A_231 = arith.addi %parallel_loop3A_153, %parallel_loop3A_230 : i32
      %parallel_loop3A_232 = arith.index_cast %parallel_loop3A_231 : i32 to index
      %parallel_loop3A_233 = tpu.vector_load %arg13[%parallel_loop3A_232] {strides = array<i32>} : memref<8192xf32, #tpu.memory_space<vmem>>, vector<16xf32>,
      %parallel_loop3A_234 = arith.mulf %get3A_101, %parallel_loop3A_229 : vector<16xf32>
      %parallel_loop3A_235 = arith.mulf %get3A_109, %parallel_loop3A_233 : vector<16xf32>
      %parallel_loop3A_236 = arith.addf %parallel_loop3A_234, %parallel_loop3A_235 : vector<16xf32>
      %parallel_loop3A_237 = arith.addf %parallel_loop3A_236, %get3A_117 : vector<16xf32>
      %parallel_loop3A_238 = arith.constant 48 : i32
      %parallel_loop3A_239 = arith.addi %parallel_loop3A_153, %parallel_loop3A_238 : i32
      %parallel_loop3A_240 = arith.index_cast %parallel_loop3A_239 : i32 to index
      %parallel_loop3A_241 = tpu.vector_load %arg14[%parallel_loop3A_240] {strides = array<i32>} : memref<8192xf32, #tpu.memory_space<vmem>>, vector<16xf32>,
      tpu.vector_store %arg14[%parallel_loop3A_240], %parallel_loop3A_237 {strides = array<i32>} : memref<8192xf32, #tpu.memory_space<vmem>>, vector<16xf32>,
      %parallel_loop3A_242 = arith.mulf %get3A_125, %parallel_loop3A_229 : vector<16xf32>
      %parallel_loop3A_243 = arith.mulf %get3A_133, %parallel_loop3A_233 : vector<16xf32>
      %parallel_loop3A_244 = arith.addf %parallel_loop3A_242, %parallel_loop3A_243 : vector<16xf32>
      %parallel_loop3A_245 = arith.addf %parallel_loop3A_244, %get3A_141 : vector<16xf32>
      %parallel_loop3A_246 = arith.constant 48 : i32
      %parallel_loop3A_247 = arith.addi %parallel_loop3A_153, %parallel_loop3A_246 : i32
      %parallel_loop3A_248 = arith.index_cast %parallel_loop3A_247 : i32 to index
      %parallel_loop3A_249 = tpu.vector_load %arg15[%parallel_loop3A_248] {strides = array<i32>} : memref<8192xf32, #tpu.memory_space<vmem>>, vector<16xf32>,
      tpu.vector_store %arg15[%parallel_loop3A_248], %parallel_loop3A_245 {strides = array<i32>} : memref<8192xf32, #tpu.memory_space<vmem>>, vector<16xf32>,
    } {sc.loop_unroll_factor = 2 : i64, sc.parallel_access}
    %parallel_loop3A_144 = arith.constant 0 : i32
    %parallel_loop3A_145 = arith.constant 416 : i32
    %parallel_loop3A_146 = arith.constant 1 : i32
    scf.for %parallel_loop3A_151 = %parallel_loop3A_144 to %parallel_loop3A_145 step %parallel_loop3A_146  : i32 {
      %parallel_loop3A_152 = arith.constant 16 : i32
      %parallel_loop3A_153 = arith.muli %parallel_loop3A_151, %parallel_loop3A_152 : i32
      %parallel_loop3A_154 = arith.index_cast %parallel_loop3A_153 : i32 to index
      %parallel_loop3A_155 = tpu.vector_load %arg18[%parallel_loop3A_154] {strides = array<i32>} : memref<6656xi32, #tpu.memory_space<vmem>>, vector<16xi32>,
      %parallel_loop3A_156 = arith.index_cast %parallel_loop3A_153 : i32 to index
      %parallel_loop3A_157 = tpu.vector_load %arg19[%parallel_loop3A_156] {strides = array<i32>} : memref<6656xi32, #tpu.memory_space<vmem>>, vector<16xi32>,
      %parallel_loop3A_158 = arith.index_cast %parallel_loop3A_153 : i32 to index
      %parallel_loop3A_159 = tpu.vector_load %arg20[%parallel_loop3A_158] {strides = array<i32>} : memref<6656xi32, #tpu.memory_space<vmem>>, vector<16xi32>,
      %parallel_loop3A_160 = tpu.vector_load_idx %arg14[%parallel_loop3A_155] : memref<8192xf32, #tpu.memory_space<vmem>>[vector<16xi32>], vector<16xf32>,
      %parallel_loop3A_161 = tpu.vector_load_idx %arg15[%parallel_loop3A_155] : memref<8192xf32, #tpu.memory_space<vmem>>[vector<16xi32>], vector<16xf32>,
      %parallel_loop3A_162 = tpu.vector_load_idx %arg14[%parallel_loop3A_157] : memref<8192xf32, #tpu.memory_space<vmem>>[vector<16xi32>], vector<16xf32>,
      %parallel_loop3A_163 = tpu.vector_load_idx %arg15[%parallel_loop3A_157] : memref<8192xf32, #tpu.memory_space<vmem>>[vector<16xi32>], vector<16xf32>,
      %parallel_loop3A_164 = arith.subf %parallel_loop3A_160, %parallel_loop3A_162 : vector<16xf32>
      %parallel_loop3A_165 = arith.subf %parallel_loop3A_161, %parallel_loop3A_163 : vector<16xf32>
      %parallel_loop3A_166 = arith.mulf %parallel_loop3A_164, %parallel_loop3A_164 : vector<16xf32>
      %parallel_loop3A_167 = arith.mulf %parallel_loop3A_165, %parallel_loop3A_165 : vector<16xf32>
      %parallel_loop3A_168 = arith.addf %parallel_loop3A_166, %parallel_loop3A_167 : vector<16xf32>
      tpu.vector_store_idx %arg16[%parallel_loop3A_159], %parallel_loop3A_168 : memref<12288xf32, #tpu.memory_space<vmem>>[vector<16xi32>], vector<16xf32>,
    } {sc.loop_unroll_factor = 4 : i64, sc.parallel_access}
    %parallel_loop3A_147 = arith.constant 0 : i32
    %parallel_loop3A_148 = arith.constant 128 : i32
    %parallel_loop3A_149 = arith.constant 1 : i32
    %parallel_loop3A_150 = arith.constant 0x7F800000 : f32
    scf.for %parallel_loop3A_151 = %parallel_loop3A_147 to %parallel_loop3A_148 step %parallel_loop3A_149  : i32 {
      %parallel_loop3A_152 = arith.constant 64 : i32
      %parallel_loop3A_153 = arith.muli %parallel_loop3A_151, %parallel_loop3A_152 : i32
      %parallel_loop3A_154 = arith.constant 0 : i32
      %parallel_loop3A_155 = arith.addi %parallel_loop3A_153, %parallel_loop3A_154 : i32
      %parallel_loop3A_156 = arith.index_cast %parallel_loop3A_155 : i32 to index
      %parallel_loop3A_157 = tpu.vector_load %arg14[%parallel_loop3A_156] {strides = array<i32>} : memref<8192xf32, #tpu.memory_space<vmem>>, vector<16xf32>,
      %parallel_loop3A_158 = arith.constant 16 : i32
      %parallel_loop3A_159 = arith.addi %parallel_loop3A_153, %parallel_loop3A_158 : i32
      %parallel_loop3A_160 = arith.index_cast %parallel_loop3A_159 : i32 to index
      %parallel_loop3A_161 = tpu.vector_load %arg14[%parallel_loop3A_160] {strides = array<i32>} : memref<8192xf32, #tpu.memory_space<vmem>>, vector<16xf32>,
      %parallel_loop3A_162 = arith.constant 32 : i32
      %parallel_loop3A_163 = arith.addi %parallel_loop3A_153, %parallel_loop3A_162 : i32
      %parallel_loop3A_164 = arith.index_cast %parallel_loop3A_163 : i32 to index
      %parallel_loop3A_165 = tpu.vector_load %arg14[%parallel_loop3A_164] {strides = array<i32>} : memref<8192xf32, #tpu.memory_space<vmem>>, vector<16xf32>,
      %parallel_loop3A_166 = arith.constant 48 : i32
      %parallel_loop3A_167 = arith.addi %parallel_loop3A_153, %parallel_loop3A_166 : i32
      %parallel_loop3A_168 = arith.index_cast %parallel_loop3A_167 : i32 to index
      %parallel_loop3A_169 = tpu.vector_load %arg14[%parallel_loop3A_168] {strides = array<i32>} : memref<8192xf32, #tpu.memory_space<vmem>>, vector<16xf32>,
      %parallel_loop3A_170 = arith.constant 0 : i32
      %parallel_loop3A_171 = arith.addi %parallel_loop3A_153, %parallel_loop3A_170 : i32
      %parallel_loop3A_172 = arith.index_cast %parallel_loop3A_171 : i32 to index
      %parallel_loop3A_173 = tpu.vector_load %arg15[%parallel_loop3A_172] {strides = array<i32>} : memref<8192xf32, #tpu.memory_space<vmem>>, vector<16xf32>,
      %parallel_loop3A_174 = arith.constant 16 : i32
      %parallel_loop3A_175 = arith.addi %parallel_loop3A_153, %parallel_loop3A_174 : i32
      %parallel_loop3A_176 = arith.index_cast %parallel_loop3A_175 : i32 to index
      %parallel_loop3A_177 = tpu.vector_load %arg15[%parallel_loop3A_176] {strides = array<i32>} : memref<8192xf32, #tpu.memory_space<vmem>>, vector<16xf32>,
      %parallel_loop3A_178 = arith.constant 32 : i32
      %parallel_loop3A_179 = arith.addi %parallel_loop3A_153, %parallel_loop3A_178 : i32
      %parallel_loop3A_180 = arith.index_cast %parallel_loop3A_179 : i32 to index
      %parallel_loop3A_181 = tpu.vector_load %arg15[%parallel_loop3A_180] {strides = array<i32>} : memref<8192xf32, #tpu.memory_space<vmem>>, vector<16xf32>,
      %parallel_loop3A_182 = arith.constant 48 : i32
      %parallel_loop3A_183 = arith.addi %parallel_loop3A_153, %parallel_loop3A_182 : i32
      %parallel_loop3A_184 = arith.index_cast %parallel_loop3A_183 : i32 to index
      %parallel_loop3A_185 = tpu.vector_load %arg15[%parallel_loop3A_184] {strides = array<i32>} : memref<8192xf32, #tpu.memory_space<vmem>>, vector<16xf32>,
      %parallel_loop3A_186 = arith.constant 2 : i32
      %parallel_loop3A_187 = arith.muli %parallel_loop3A_151, %parallel_loop3A_186 : i32
      %parallel_loop3A_188 = arith.constant 0 : i32
      %parallel_loop3A_189 = arith.addi %parallel_loop3A_187, %parallel_loop3A_188 : i32
      %parallel_loop3A_190 = arith.constant 16 : i32
      %parallel_loop3A_191 = arith.muli %parallel_loop3A_189, %parallel_loop3A_190 : i32
      %parallel_loop3A_192 = arith.index_cast %parallel_loop3A_191 : i32 to index
      %parallel_loop3A_193 = tpu.vector_load %arg22[%parallel_loop3A_192] {strides = array<i32>} : memref<4096xi32, #tpu.memory_space<vmem>>, vector<16xi32>,
      %parallel_loop3A_194 = arith.index_cast %parallel_loop3A_191 : i32 to index
      %parallel_loop3A_195 = tpu.vector_load %arg23[%parallel_loop3A_194] {strides = array<i32>} : memref<4096xi32, #tpu.memory_space<vmem>>, vector<16xi32>,
      %parallel_loop3A_196 = vector.broadcast %parallel_loop3A_153 : i32 to vector<16xi32>
      %parallel_loop3A_197 = arith.addi %parallel_loop3A_193, %parallel_loop3A_196 : vector<16xi32>
      %parallel_loop3A_198 = tpu.vector_load_idx %arg14[%parallel_loop3A_197] : memref<8192xf32, #tpu.memory_space<vmem>>[vector<16xi32>], vector<16xf32>,
      %parallel_loop3A_199 = vector.broadcast %parallel_loop3A_153 : i32 to vector<16xi32>
      %parallel_loop3A_200 = arith.addi %parallel_loop3A_193, %parallel_loop3A_199 : vector<16xi32>
      %parallel_loop3A_201 = tpu.vector_load_idx %arg15[%parallel_loop3A_200] : memref<8192xf32, #tpu.memory_space<vmem>>[vector<16xi32>], vector<16xf32>,
      %parallel_loop3A_202 = vector.broadcast %parallel_loop3A_150 : f32 to vector<16xf32>
      %parallel_loop3A_203 = vector.broadcast %parallel_loop3A_150 : f32 to vector<16xf32>
      %parallel_loop3A_204 = vector.broadcast %parallel_loop3A_150 : f32 to vector<16xf32>
      %parallel_loop3A_205 = vector.broadcast %parallel_loop3A_150 : f32 to vector<16xf32>
      %parallel_loop3A_206 = vector.extract_strided_slice %parallel_loop3A_157 {offsets = [0], sizes = [1], strides = [1]} : vector<16xf32> to vector<1xf32>
      %parallel_loop3A_207 = vector.extract %parallel_loop3A_206[0] : f32 from vector<1xf32>
      %parallel_loop3A_208 = vector.broadcast %parallel_loop3A_207 : f32 to vector<16xf32>
      %parallel_loop3A_209 = vector.extract_strided_slice %parallel_loop3A_173 {offsets = [0], sizes = [1], strides = [1]} : vector<16xf32> to vector<1xf32>
      %parallel_loop3A_210 = vector.extract %parallel_loop3A_209[0] : f32 from vector<1xf32>
      %parallel_loop3A_211 = vector.broadcast %parallel_loop3A_210 : f32 to vector<16xf32>
      %parallel_loop3A_212 = arith.subf %parallel_loop3A_198, %parallel_loop3A_208 : vector<16xf32>
      %parallel_loop3A_213 = arith.subf %parallel_loop3A_201, %parallel_loop3A_211 : vector<16xf32>
      %parallel_loop3A_214 = arith.mulf %parallel_loop3A_212, %parallel_loop3A_212 : vector<16xf32>
      %parallel_loop3A_215 = arith.mulf %parallel_loop3A_213, %parallel_loop3A_213 : vector<16xf32>
      %parallel_loop3A_216 = arith.addf %parallel_loop3A_214, %parallel_loop3A_215 : vector<16xf32>
      %parallel_loop3A_217 = arith.constant 0 : i32
      %parallel_loop3A_218 = vector.broadcast %parallel_loop3A_217 : i32 to vector<16xi32>
      %parallel_loop3A_219 = arith.cmpi eq, %parallel_loop3A_193, %parallel_loop3A_218 : vector<16xi32>
      %parallel_loop3A_220 = vector.broadcast %parallel_loop3A_150 : f32 to vector<16xf32>
      %parallel_loop3A_221 = arith.select %parallel_loop3A_219, %parallel_loop3A_220, %parallel_loop3A_216 : vector<16xi1>, vector<16xf32>
      %parallel_loop3A_222 = arith.minimumf %parallel_loop3A_202, %parallel_loop3A_221 : vector<16xf32>
      %parallel_loop3A_223 = vector.extract_strided_slice %parallel_loop3A_157 {offsets = [1], sizes = [1], strides = [1]} : vector<16xf32> to vector<1xf32>
      %parallel_loop3A_224 = vector.extract %parallel_loop3A_223[0] : f32 from vector<1xf32>
      %parallel_loop3A_225 = vector.broadcast %parallel_loop3A_224 : f32 to vector<16xf32>
      %parallel_loop3A_226 = vector.extract_strided_slice %parallel_loop3A_173 {offsets = [1], sizes = [1], strides = [1]} : vector<16xf32> to vector<1xf32>
      %parallel_loop3A_227 = vector.extract %parallel_loop3A_226[0] : f32 from vector<1xf32>
      %parallel_loop3A_228 = vector.broadcast %parallel_loop3A_227 : f32 to vector<16xf32>
      %parallel_loop3A_229 = arith.subf %parallel_loop3A_198, %parallel_loop3A_225 : vector<16xf32>
      %parallel_loop3A_230 = arith.subf %parallel_loop3A_201, %parallel_loop3A_228 : vector<16xf32>
      %parallel_loop3A_231 = arith.mulf %parallel_loop3A_229, %parallel_loop3A_229 : vector<16xf32>
      %parallel_loop3A_232 = arith.mulf %parallel_loop3A_230, %parallel_loop3A_230 : vector<16xf32>
      %parallel_loop3A_233 = arith.addf %parallel_loop3A_231, %parallel_loop3A_232 : vector<16xf32>
      %parallel_loop3A_234 = arith.constant 1 : i32
      %parallel_loop3A_235 = vector.broadcast %parallel_loop3A_234 : i32 to vector<16xi32>
      %parallel_loop3A_236 = arith.cmpi eq, %parallel_loop3A_193, %parallel_loop3A_235 : vector<16xi32>
      %parallel_loop3A_237 = vector.broadcast %parallel_loop3A_150 : f32 to vector<16xf32>
      %parallel_loop3A_238 = arith.select %parallel_loop3A_236, %parallel_loop3A_237, %parallel_loop3A_233 : vector<16xi1>, vector<16xf32>
      %parallel_loop3A_239 = arith.minimumf %parallel_loop3A_203, %parallel_loop3A_238 : vector<16xf32>
      %parallel_loop3A_240 = vector.extract_strided_slice %parallel_loop3A_157 {offsets = [2], sizes = [1], strides = [1]} : vector<16xf32> to vector<1xf32>
      %parallel_loop3A_241 = vector.extract %parallel_loop3A_240[0] : f32 from vector<1xf32>
      %parallel_loop3A_242 = vector.broadcast %parallel_loop3A_241 : f32 to vector<16xf32>
      %parallel_loop3A_243 = vector.extract_strided_slice %parallel_loop3A_173 {offsets = [2], sizes = [1], strides = [1]} : vector<16xf32> to vector<1xf32>
      %parallel_loop3A_244 = vector.extract %parallel_loop3A_243[0] : f32 from vector<1xf32>
      %parallel_loop3A_245 = vector.broadcast %parallel_loop3A_244 : f32 to vector<16xf32>
      %parallel_loop3A_246 = arith.subf %parallel_loop3A_198, %parallel_loop3A_242 : vector<16xf32>
      %parallel_loop3A_247 = arith.subf %parallel_loop3A_201, %parallel_loop3A_245 : vector<16xf32>
      %parallel_loop3A_248 = arith.mulf %parallel_loop3A_246, %parallel_loop3A_246 : vector<16xf32>
      %parallel_loop3A_249 = arith.mulf %parallel_loop3A_247, %parallel_loop3A_247 : vector<16xf32>
      %parallel_loop3A_250 = arith.addf %parallel_loop3A_248, %parallel_loop3A_249 : vector<16xf32>
      %parallel_loop3A_251 = arith.constant 2 : i32
      %parallel_loop3A_252 = vector.broadcast %parallel_loop3A_251 : i32 to vector<16xi32>
      %parallel_loop3A_253 = arith.cmpi eq, %parallel_loop3A_193, %parallel_loop3A_252 : vector<16xi32>
      %parallel_loop3A_254 = vector.broadcast %parallel_loop3A_150 : f32 to vector<16xf32>
      %parallel_loop3A_255 = arith.select %parallel_loop3A_253, %parallel_loop3A_254, %parallel_loop3A_250 : vector<16xi1>, vector<16xf32>
      %parallel_loop3A_256 = arith.minimumf %parallel_loop3A_204, %parallel_loop3A_255 : vector<16xf32>
      %parallel_loop3A_257 = vector.extract_strided_slice %parallel_loop3A_157 {offsets = [3], sizes = [1], strides = [1]} : vector<16xf32> to vector<1xf32>
      %parallel_loop3A_258 = vector.extract %parallel_loop3A_257[0] : f32 from vector<1xf32>
      %parallel_loop3A_259 = vector.broadcast %parallel_loop3A_258 : f32 to vector<16xf32>
      %parallel_loop3A_260 = vector.extract_strided_slice %parallel_loop3A_173 {offsets = [3], sizes = [1], strides = [1]} : vector<16xf32> to vector<1xf32>
      %parallel_loop3A_261 = vector.extract %parallel_loop3A_260[0] : f32 from vector<1xf32>
      %parallel_loop3A_262 = vector.broadcast %parallel_loop3A_261 : f32 to vector<16xf32>
      %parallel_loop3A_263 = arith.subf %parallel_loop3A_198, %parallel_loop3A_259 : vector<16xf32>
      %parallel_loop3A_264 = arith.subf %parallel_loop3A_201, %parallel_loop3A_262 : vector<16xf32>
      %parallel_loop3A_265 = arith.mulf %parallel_loop3A_263, %parallel_loop3A_263 : vector<16xf32>
      %parallel_loop3A_266 = arith.mulf %parallel_loop3A_264, %parallel_loop3A_264 : vector<16xf32>
      %parallel_loop3A_267 = arith.addf %parallel_loop3A_265, %parallel_loop3A_266 : vector<16xf32>
      %parallel_loop3A_268 = arith.constant 3 : i32
      %parallel_loop3A_269 = vector.broadcast %parallel_loop3A_268 : i32 to vector<16xi32>
      %parallel_loop3A_270 = arith.cmpi eq, %parallel_loop3A_193, %parallel_loop3A_269 : vector<16xi32>
      %parallel_loop3A_271 = vector.broadcast %parallel_loop3A_150 : f32 to vector<16xf32>
      %parallel_loop3A_272 = arith.select %parallel_loop3A_270, %parallel_loop3A_271, %parallel_loop3A_267 : vector<16xi1>, vector<16xf32>
      %parallel_loop3A_273 = arith.minimumf %parallel_loop3A_205, %parallel_loop3A_272 : vector<16xf32>
      %parallel_loop3A_274 = vector.extract_strided_slice %parallel_loop3A_157 {offsets = [4], sizes = [1], strides = [1]} : vector<16xf32> to vector<1xf32>
      %parallel_loop3A_275 = vector.extract %parallel_loop3A_274[0] : f32 from vector<1xf32>
      %parallel_loop3A_276 = vector.broadcast %parallel_loop3A_275 : f32 to vector<16xf32>
      %parallel_loop3A_277 = vector.extract_strided_slice %parallel_loop3A_173 {offsets = [4], sizes = [1], strides = [1]} : vector<16xf32> to vector<1xf32>
      %parallel_loop3A_278 = vector.extract %parallel_loop3A_277[0] : f32 from vector<1xf32>
      %parallel_loop3A_279 = vector.broadcast %parallel_loop3A_278 : f32 to vector<16xf32>
      %parallel_loop3A_280 = arith.subf %parallel_loop3A_198, %parallel_loop3A_276 : vector<16xf32>
      %parallel_loop3A_281 = arith.subf %parallel_loop3A_201, %parallel_loop3A_279 : vector<16xf32>
      %parallel_loop3A_282 = arith.mulf %parallel_loop3A_280, %parallel_loop3A_280 : vector<16xf32>
      %parallel_loop3A_283 = arith.mulf %parallel_loop3A_281, %parallel_loop3A_281 : vector<16xf32>
      %parallel_loop3A_284 = arith.addf %parallel_loop3A_282, %parallel_loop3A_283 : vector<16xf32>
      %parallel_loop3A_285 = arith.constant 4 : i32
      %parallel_loop3A_286 = vector.broadcast %parallel_loop3A_285 : i32 to vector<16xi32>
      %parallel_loop3A_287 = arith.cmpi eq, %parallel_loop3A_193, %parallel_loop3A_286 : vector<16xi32>
      %parallel_loop3A_288 = vector.broadcast %parallel_loop3A_150 : f32 to vector<16xf32>
      %parallel_loop3A_289 = arith.select %parallel_loop3A_287, %parallel_loop3A_288, %parallel_loop3A_284 : vector<16xi1>, vector<16xf32>
      %parallel_loop3A_290 = arith.minimumf %parallel_loop3A_222, %parallel_loop3A_289 : vector<16xf32>
      %parallel_loop3A_291 = vector.extract_strided_slice %parallel_loop3A_157 {offsets = [5], sizes = [1], strides = [1]} : vector<16xf32> to vector<1xf32>
      %parallel_loop3A_292 = vector.extract %parallel_loop3A_291[0] : f32 from vector<1xf32>
      %parallel_loop3A_293 = vector.broadcast %parallel_loop3A_292 : f32 to vector<16xf32>
      %parallel_loop3A_294 = vector.extract_strided_slice %parallel_loop3A_173 {offsets = [5], sizes = [1], strides = [1]} : vector<16xf32> to vector<1xf32>
      %parallel_loop3A_295 = vector.extract %parallel_loop3A_294[0] : f32 from vector<1xf32>
      %parallel_loop3A_296 = vector.broadcast %parallel_loop3A_295 : f32 to vector<16xf32>
      %parallel_loop3A_297 = arith.subf %parallel_loop3A_198, %parallel_loop3A_293 : vector<16xf32>
      %parallel_loop3A_298 = arith.subf %parallel_loop3A_201, %parallel_loop3A_296 : vector<16xf32>
      %parallel_loop3A_299 = arith.mulf %parallel_loop3A_297, %parallel_loop3A_297 : vector<16xf32>
      %parallel_loop3A_300 = arith.mulf %parallel_loop3A_298, %parallel_loop3A_298 : vector<16xf32>
      %parallel_loop3A_301 = arith.addf %parallel_loop3A_299, %parallel_loop3A_300 : vector<16xf32>
      %parallel_loop3A_302 = arith.constant 5 : i32
      %parallel_loop3A_303 = vector.broadcast %parallel_loop3A_302 : i32 to vector<16xi32>
      %parallel_loop3A_304 = arith.cmpi eq, %parallel_loop3A_193, %parallel_loop3A_303 : vector<16xi32>
      %parallel_loop3A_305 = vector.broadcast %parallel_loop3A_150 : f32 to vector<16xf32>
      %parallel_loop3A_306 = arith.select %parallel_loop3A_304, %parallel_loop3A_305, %parallel_loop3A_301 : vector<16xi1>, vector<16xf32>
      %parallel_loop3A_307 = arith.minimumf %parallel_loop3A_239, %parallel_loop3A_306 : vector<16xf32>
      %parallel_loop3A_308 = vector.extract_strided_slice %parallel_loop3A_157 {offsets = [6], sizes = [1], strides = [1]} : vector<16xf32> to vector<1xf32>
      %parallel_loop3A_309 = vector.extract %parallel_loop3A_308[0] : f32 from vector<1xf32>
      %parallel_loop3A_310 = vector.broadcast %parallel_loop3A_309 : f32 to vector<16xf32>
      %parallel_loop3A_311 = vector.extract_strided_slice %parallel_loop3A_173 {offsets = [6], sizes = [1], strides = [1]} : vector<16xf32> to vector<1xf32>
      %parallel_loop3A_312 = vector.extract %parallel_loop3A_311[0] : f32 from vector<1xf32>
      %parallel_loop3A_313 = vector.broadcast %parallel_loop3A_312 : f32 to vector<16xf32>
      %parallel_loop3A_314 = arith.subf %parallel_loop3A_198, %parallel_loop3A_310 : vector<16xf32>
      %parallel_loop3A_315 = arith.subf %parallel_loop3A_201, %parallel_loop3A_313 : vector<16xf32>
      %parallel_loop3A_316 = arith.mulf %parallel_loop3A_314, %parallel_loop3A_314 : vector<16xf32>
      %parallel_loop3A_317 = arith.mulf %parallel_loop3A_315, %parallel_loop3A_315 : vector<16xf32>
      %parallel_loop3A_318 = arith.addf %parallel_loop3A_316, %parallel_loop3A_317 : vector<16xf32>
      %parallel_loop3A_319 = arith.constant 6 : i32
      %parallel_loop3A_320 = vector.broadcast %parallel_loop3A_319 : i32 to vector<16xi32>
      %parallel_loop3A_321 = arith.cmpi eq, %parallel_loop3A_193, %parallel_loop3A_320 : vector<16xi32>
      %parallel_loop3A_322 = vector.broadcast %parallel_loop3A_150 : f32 to vector<16xf32>
      %parallel_loop3A_323 = arith.select %parallel_loop3A_321, %parallel_loop3A_322, %parallel_loop3A_318 : vector<16xi1>, vector<16xf32>
      %parallel_loop3A_324 = arith.minimumf %parallel_loop3A_256, %parallel_loop3A_323 : vector<16xf32>
      %parallel_loop3A_325 = vector.extract_strided_slice %parallel_loop3A_157 {offsets = [7], sizes = [1], strides = [1]} : vector<16xf32> to vector<1xf32>
      %parallel_loop3A_326 = vector.extract %parallel_loop3A_325[0] : f32 from vector<1xf32>
      %parallel_loop3A_327 = vector.broadcast %parallel_loop3A_326 : f32 to vector<16xf32>
      %parallel_loop3A_328 = vector.extract_strided_slice %parallel_loop3A_173 {offsets = [7], sizes = [1], strides = [1]} : vector<16xf32> to vector<1xf32>
      %parallel_loop3A_329 = vector.extract %parallel_loop3A_328[0] : f32 from vector<1xf32>
      %parallel_loop3A_330 = vector.broadcast %parallel_loop3A_329 : f32 to vector<16xf32>
      %parallel_loop3A_331 = arith.subf %parallel_loop3A_198, %parallel_loop3A_327 : vector<16xf32>
      %parallel_loop3A_332 = arith.subf %parallel_loop3A_201, %parallel_loop3A_330 : vector<16xf32>
      %parallel_loop3A_333 = arith.mulf %parallel_loop3A_331, %parallel_loop3A_331 : vector<16xf32>
      %parallel_loop3A_334 = arith.mulf %parallel_loop3A_332, %parallel_loop3A_332 : vector<16xf32>
      %parallel_loop3A_335 = arith.addf %parallel_loop3A_333, %parallel_loop3A_334 : vector<16xf32>
      %parallel_loop3A_336 = arith.constant 7 : i32
      %parallel_loop3A_337 = vector.broadcast %parallel_loop3A_336 : i32 to vector<16xi32>
      %parallel_loop3A_338 = arith.cmpi eq, %parallel_loop3A_193, %parallel_loop3A_337 : vector<16xi32>
      %parallel_loop3A_339 = vector.broadcast %parallel_loop3A_150 : f32 to vector<16xf32>
      %parallel_loop3A_340 = arith.select %parallel_loop3A_338, %parallel_loop3A_339, %parallel_loop3A_335 : vector<16xi1>, vector<16xf32>
      %parallel_loop3A_341 = arith.minimumf %parallel_loop3A_273, %parallel_loop3A_340 : vector<16xf32>
      %parallel_loop3A_342 = vector.extract_strided_slice %parallel_loop3A_157 {offsets = [8], sizes = [1], strides = [1]} : vector<16xf32> to vector<1xf32>
      %parallel_loop3A_343 = vector.extract %parallel_loop3A_342[0] : f32 from vector<1xf32>
      %parallel_loop3A_344 = vector.broadcast %parallel_loop3A_343 : f32 to vector<16xf32>
      %parallel_loop3A_345 = vector.extract_strided_slice %parallel_loop3A_173 {offsets = [8], sizes = [1], strides = [1]} : vector<16xf32> to vector<1xf32>
      %parallel_loop3A_346 = vector.extract %parallel_loop3A_345[0] : f32 from vector<1xf32>
      %parallel_loop3A_347 = vector.broadcast %parallel_loop3A_346 : f32 to vector<16xf32>
      %parallel_loop3A_348 = arith.subf %parallel_loop3A_198, %parallel_loop3A_344 : vector<16xf32>
      %parallel_loop3A_349 = arith.subf %parallel_loop3A_201, %parallel_loop3A_347 : vector<16xf32>
      %parallel_loop3A_350 = arith.mulf %parallel_loop3A_348, %parallel_loop3A_348 : vector<16xf32>
      %parallel_loop3A_351 = arith.mulf %parallel_loop3A_349, %parallel_loop3A_349 : vector<16xf32>
      %parallel_loop3A_352 = arith.addf %parallel_loop3A_350, %parallel_loop3A_351 : vector<16xf32>
      %parallel_loop3A_353 = arith.constant 8 : i32
      %parallel_loop3A_354 = vector.broadcast %parallel_loop3A_353 : i32 to vector<16xi32>
      %parallel_loop3A_355 = arith.cmpi eq, %parallel_loop3A_193, %parallel_loop3A_354 : vector<16xi32>
      %parallel_loop3A_356 = vector.broadcast %parallel_loop3A_150 : f32 to vector<16xf32>
      %parallel_loop3A_357 = arith.select %parallel_loop3A_355, %parallel_loop3A_356, %parallel_loop3A_352 : vector<16xi1>, vector<16xf32>
      %parallel_loop3A_358 = arith.minimumf %parallel_loop3A_290, %parallel_loop3A_357 : vector<16xf32>
      %parallel_loop3A_359 = vector.extract_strided_slice %parallel_loop3A_157 {offsets = [9], sizes = [1], strides = [1]} : vector<16xf32> to vector<1xf32>
      %parallel_loop3A_360 = vector.extract %parallel_loop3A_359[0] : f32 from vector<1xf32>
      %parallel_loop3A_361 = vector.broadcast %parallel_loop3A_360 : f32 to vector<16xf32>
      %parallel_loop3A_362 = vector.extract_strided_slice %parallel_loop3A_173 {offsets = [9], sizes = [1], strides = [1]} : vector<16xf32> to vector<1xf32>
      %parallel_loop3A_363 = vector.extract %parallel_loop3A_362[0] : f32 from vector<1xf32>
      %parallel_loop3A_364 = vector.broadcast %parallel_loop3A_363 : f32 to vector<16xf32>
      %parallel_loop3A_365 = arith.subf %parallel_loop3A_198, %parallel_loop3A_361 : vector<16xf32>
      %parallel_loop3A_366 = arith.subf %parallel_loop3A_201, %parallel_loop3A_364 : vector<16xf32>
      %parallel_loop3A_367 = arith.mulf %parallel_loop3A_365, %parallel_loop3A_365 : vector<16xf32>
      %parallel_loop3A_368 = arith.mulf %parallel_loop3A_366, %parallel_loop3A_366 : vector<16xf32>
      %parallel_loop3A_369 = arith.addf %parallel_loop3A_367, %parallel_loop3A_368 : vector<16xf32>
      %parallel_loop3A_370 = arith.constant 9 : i32
      %parallel_loop3A_371 = vector.broadcast %parallel_loop3A_370 : i32 to vector<16xi32>
      %parallel_loop3A_372 = arith.cmpi eq, %parallel_loop3A_193, %parallel_loop3A_371 : vector<16xi32>
      %parallel_loop3A_373 = vector.broadcast %parallel_loop3A_150 : f32 to vector<16xf32>
      %parallel_loop3A_374 = arith.select %parallel_loop3A_372, %parallel_loop3A_373, %parallel_loop3A_369 : vector<16xi1>, vector<16xf32>
      %parallel_loop3A_375 = arith.minimumf %parallel_loop3A_307, %parallel_loop3A_374 : vector<16xf32>
      %parallel_loop3A_376 = vector.extract_strided_slice %parallel_loop3A_157 {offsets = [10], sizes = [1], strides = [1]} : vector<16xf32> to vector<1xf32>
      %parallel_loop3A_377 = vector.extract %parallel_loop3A_376[0] : f32 from vector<1xf32>
      %parallel_loop3A_378 = vector.broadcast %parallel_loop3A_377 : f32 to vector<16xf32>
      %parallel_loop3A_379 = vector.extract_strided_slice %parallel_loop3A_173 {offsets = [10], sizes = [1], strides = [1]} : vector<16xf32> to vector<1xf32>
      %parallel_loop3A_380 = vector.extract %parallel_loop3A_379[0] : f32 from vector<1xf32>
      %parallel_loop3A_381 = vector.broadcast %parallel_loop3A_380 : f32 to vector<16xf32>
      %parallel_loop3A_382 = arith.subf %parallel_loop3A_198, %parallel_loop3A_378 : vector<16xf32>
      %parallel_loop3A_383 = arith.subf %parallel_loop3A_201, %parallel_loop3A_381 : vector<16xf32>
      %parallel_loop3A_384 = arith.mulf %parallel_loop3A_382, %parallel_loop3A_382 : vector<16xf32>
      %parallel_loop3A_385 = arith.mulf %parallel_loop3A_383, %parallel_loop3A_383 : vector<16xf32>
      %parallel_loop3A_386 = arith.addf %parallel_loop3A_384, %parallel_loop3A_385 : vector<16xf32>
      %parallel_loop3A_387 = arith.constant 10 : i32
      %parallel_loop3A_388 = vector.broadcast %parallel_loop3A_387 : i32 to vector<16xi32>
      %parallel_loop3A_389 = arith.cmpi eq, %parallel_loop3A_193, %parallel_loop3A_388 : vector<16xi32>
      %parallel_loop3A_390 = vector.broadcast %parallel_loop3A_150 : f32 to vector<16xf32>
      %parallel_loop3A_391 = arith.select %parallel_loop3A_389, %parallel_loop3A_390, %parallel_loop3A_386 : vector<16xi1>, vector<16xf32>
      %parallel_loop3A_392 = arith.minimumf %parallel_loop3A_324, %parallel_loop3A_391 : vector<16xf32>
      %parallel_loop3A_393 = vector.extract_strided_slice %parallel_loop3A_157 {offsets = [11], sizes = [1], strides = [1]} : vector<16xf32> to vector<1xf32>
      %parallel_loop3A_394 = vector.extract %parallel_loop3A_393[0] : f32 from vector<1xf32>
      %parallel_loop3A_395 = vector.broadcast %parallel_loop3A_394 : f32 to vector<16xf32>
      %parallel_loop3A_396 = vector.extract_strided_slice %parallel_loop3A_173 {offsets = [11], sizes = [1], strides = [1]} : vector<16xf32> to vector<1xf32>
      %parallel_loop3A_397 = vector.extract %parallel_loop3A_396[0] : f32 from vector<1xf32>
      %parallel_loop3A_398 = vector.broadcast %parallel_loop3A_397 : f32 to vector<16xf32>
      %parallel_loop3A_399 = arith.subf %parallel_loop3A_198, %parallel_loop3A_395 : vector<16xf32>
      %parallel_loop3A_400 = arith.subf %parallel_loop3A_201, %parallel_loop3A_398 : vector<16xf32>
      %parallel_loop3A_401 = arith.mulf %parallel_loop3A_399, %parallel_loop3A_399 : vector<16xf32>
      %parallel_loop3A_402 = arith.mulf %parallel_loop3A_400, %parallel_loop3A_400 : vector<16xf32>
      %parallel_loop3A_403 = arith.addf %parallel_loop3A_401, %parallel_loop3A_402 : vector<16xf32>
      %parallel_loop3A_404 = arith.constant 11 : i32
      %parallel_loop3A_405 = vector.broadcast %parallel_loop3A_404 : i32 to vector<16xi32>
      %parallel_loop3A_406 = arith.cmpi eq, %parallel_loop3A_193, %parallel_loop3A_405 : vector<16xi32>
      %parallel_loop3A_407 = vector.broadcast %parallel_loop3A_150 : f32 to vector<16xf32>
      %parallel_loop3A_408 = arith.select %parallel_loop3A_406, %parallel_loop3A_407, %parallel_loop3A_403 : vector<16xi1>, vector<16xf32>
      %parallel_loop3A_409 = arith.minimumf %parallel_loop3A_341, %parallel_loop3A_408 : vector<16xf32>
      %parallel_loop3A_410 = vector.extract_strided_slice %parallel_loop3A_157 {offsets = [12], sizes = [1], strides = [1]} : vector<16xf32> to vector<1xf32>
      %parallel_loop3A_411 = vector.extract %parallel_loop3A_410[0] : f32 from vector<1xf32>
      %parallel_loop3A_412 = vector.broadcast %parallel_loop3A_411 : f32 to vector<16xf32>
      %parallel_loop3A_413 = vector.extract_strided_slice %parallel_loop3A_173 {offsets = [12], sizes = [1], strides = [1]} : vector<16xf32> to vector<1xf32>
      %parallel_loop3A_414 = vector.extract %parallel_loop3A_413[0] : f32 from vector<1xf32>
      %parallel_loop3A_415 = vector.broadcast %parallel_loop3A_414 : f32 to vector<16xf32>
      %parallel_loop3A_416 = arith.subf %parallel_loop3A_198, %parallel_loop3A_412 : vector<16xf32>
      %parallel_loop3A_417 = arith.subf %parallel_loop3A_201, %parallel_loop3A_415 : vector<16xf32>
      %parallel_loop3A_418 = arith.mulf %parallel_loop3A_416, %parallel_loop3A_416 : vector<16xf32>
      %parallel_loop3A_419 = arith.mulf %parallel_loop3A_417, %parallel_loop3A_417 : vector<16xf32>
      %parallel_loop3A_420 = arith.addf %parallel_loop3A_418, %parallel_loop3A_419 : vector<16xf32>
      %parallel_loop3A_421 = arith.constant 12 : i32
      %parallel_loop3A_422 = vector.broadcast %parallel_loop3A_421 : i32 to vector<16xi32>
      %parallel_loop3A_423 = arith.cmpi eq, %parallel_loop3A_193, %parallel_loop3A_422 : vector<16xi32>
      %parallel_loop3A_424 = vector.broadcast %parallel_loop3A_150 : f32 to vector<16xf32>
      %parallel_loop3A_425 = arith.select %parallel_loop3A_423, %parallel_loop3A_424, %parallel_loop3A_420 : vector<16xi1>, vector<16xf32>
      %parallel_loop3A_426 = arith.minimumf %parallel_loop3A_358, %parallel_loop3A_425 : vector<16xf32>
      %parallel_loop3A_427 = vector.extract_strided_slice %parallel_loop3A_157 {offsets = [13], sizes = [1], strides = [1]} : vector<16xf32> to vector<1xf32>
      %parallel_loop3A_428 = vector.extract %parallel_loop3A_427[0] : f32 from vector<1xf32>
      %parallel_loop3A_429 = vector.broadcast %parallel_loop3A_428 : f32 to vector<16xf32>
      %parallel_loop3A_430 = vector.extract_strided_slice %parallel_loop3A_173 {offsets = [13], sizes = [1], strides = [1]} : vector<16xf32> to vector<1xf32>
      %parallel_loop3A_431 = vector.extract %parallel_loop3A_430[0] : f32 from vector<1xf32>
      %parallel_loop3A_432 = vector.broadcast %parallel_loop3A_431 : f32 to vector<16xf32>
      %parallel_loop3A_433 = arith.subf %parallel_loop3A_198, %parallel_loop3A_429 : vector<16xf32>
      %parallel_loop3A_434 = arith.subf %parallel_loop3A_201, %parallel_loop3A_432 : vector<16xf32>
      %parallel_loop3A_435 = arith.mulf %parallel_loop3A_433, %parallel_loop3A_433 : vector<16xf32>
      %parallel_loop3A_436 = arith.mulf %parallel_loop3A_434, %parallel_loop3A_434 : vector<16xf32>
      %parallel_loop3A_437 = arith.addf %parallel_loop3A_435, %parallel_loop3A_436 : vector<16xf32>
      %parallel_loop3A_438 = arith.constant 13 : i32
      %parallel_loop3A_439 = vector.broadcast %parallel_loop3A_438 : i32 to vector<16xi32>
      %parallel_loop3A_440 = arith.cmpi eq, %parallel_loop3A_193, %parallel_loop3A_439 : vector<16xi32>
      %parallel_loop3A_441 = vector.broadcast %parallel_loop3A_150 : f32 to vector<16xf32>
      %parallel_loop3A_442 = arith.select %parallel_loop3A_440, %parallel_loop3A_441, %parallel_loop3A_437 : vector<16xi1>, vector<16xf32>
      %parallel_loop3A_443 = arith.minimumf %parallel_loop3A_375, %parallel_loop3A_442 : vector<16xf32>
      %parallel_loop3A_444 = vector.extract_strided_slice %parallel_loop3A_157 {offsets = [14], sizes = [1], strides = [1]} : vector<16xf32> to vector<1xf32>
      %parallel_loop3A_445 = vector.extract %parallel_loop3A_444[0] : f32 from vector<1xf32>
      %parallel_loop3A_446 = vector.broadcast %parallel_loop3A_445 : f32 to vector<16xf32>
      %parallel_loop3A_447 = vector.extract_strided_slice %parallel_loop3A_173 {offsets = [14], sizes = [1], strides = [1]} : vector<16xf32> to vector<1xf32>
      %parallel_loop3A_448 = vector.extract %parallel_loop3A_447[0] : f32 from vector<1xf32>
      %parallel_loop3A_449 = vector.broadcast %parallel_loop3A_448 : f32 to vector<16xf32>
      %parallel_loop3A_450 = arith.subf %parallel_loop3A_198, %parallel_loop3A_446 : vector<16xf32>
      %parallel_loop3A_451 = arith.subf %parallel_loop3A_201, %parallel_loop3A_449 : vector<16xf32>
      %parallel_loop3A_452 = arith.mulf %parallel_loop3A_450, %parallel_loop3A_450 : vector<16xf32>
      %parallel_loop3A_453 = arith.mulf %parallel_loop3A_451, %parallel_loop3A_451 : vector<16xf32>
      %parallel_loop3A_454 = arith.addf %parallel_loop3A_452, %parallel_loop3A_453 : vector<16xf32>
      %parallel_loop3A_455 = arith.constant 14 : i32
      %parallel_loop3A_456 = vector.broadcast %parallel_loop3A_455 : i32 to vector<16xi32>
      %parallel_loop3A_457 = arith.cmpi eq, %parallel_loop3A_193, %parallel_loop3A_456 : vector<16xi32>
      %parallel_loop3A_458 = vector.broadcast %parallel_loop3A_150 : f32 to vector<16xf32>
      %parallel_loop3A_459 = arith.select %parallel_loop3A_457, %parallel_loop3A_458, %parallel_loop3A_454 : vector<16xi1>, vector<16xf32>
      %parallel_loop3A_460 = arith.minimumf %parallel_loop3A_392, %parallel_loop3A_459 : vector<16xf32>
      %parallel_loop3A_461 = vector.extract_strided_slice %parallel_loop3A_157 {offsets = [15], sizes = [1], strides = [1]} : vector<16xf32> to vector<1xf32>
      %parallel_loop3A_462 = vector.extract %parallel_loop3A_461[0] : f32 from vector<1xf32>
      %parallel_loop3A_463 = vector.broadcast %parallel_loop3A_462 : f32 to vector<16xf32>
      %parallel_loop3A_464 = vector.extract_strided_slice %parallel_loop3A_173 {offsets = [15], sizes = [1], strides = [1]} : vector<16xf32> to vector<1xf32>
      %parallel_loop3A_465 = vector.extract %parallel_loop3A_464[0] : f32 from vector<1xf32>
      %parallel_loop3A_466 = vector.broadcast %parallel_loop3A_465 : f32 to vector<16xf32>
      %parallel_loop3A_467 = arith.subf %parallel_loop3A_198, %parallel_loop3A_463 : vector<16xf32>
      %parallel_loop3A_468 = arith.subf %parallel_loop3A_201, %parallel_loop3A_466 : vector<16xf32>
      %parallel_loop3A_469 = arith.mulf %parallel_loop3A_467, %parallel_loop3A_467 : vector<16xf32>
      %parallel_loop3A_470 = arith.mulf %parallel_loop3A_468, %parallel_loop3A_468 : vector<16xf32>
      %parallel_loop3A_471 = arith.addf %parallel_loop3A_469, %parallel_loop3A_470 : vector<16xf32>
      %parallel_loop3A_472 = arith.constant 15 : i32
      %parallel_loop3A_473 = vector.broadcast %parallel_loop3A_472 : i32 to vector<16xi32>
      %parallel_loop3A_474 = arith.cmpi eq, %parallel_loop3A_193, %parallel_loop3A_473 : vector<16xi32>
      %parallel_loop3A_475 = vector.broadcast %parallel_loop3A_150 : f32 to vector<16xf32>
      %parallel_loop3A_476 = arith.select %parallel_loop3A_474, %parallel_loop3A_475, %parallel_loop3A_471 : vector<16xi1>, vector<16xf32>
      %parallel_loop3A_477 = arith.minimumf %parallel_loop3A_409, %parallel_loop3A_476 : vector<16xf32>
      %parallel_loop3A_478 = vector.extract_strided_slice %parallel_loop3A_161 {offsets = [0], sizes = [1], strides = [1]} : vector<16xf32> to vector<1xf32>
      %parallel_loop3A_479 = vector.extract %parallel_loop3A_478[0] : f32 from vector<1xf32>
      %parallel_loop3A_480 = vector.broadcast %parallel_loop3A_479 : f32 to vector<16xf32>
      %parallel_loop3A_481 = vector.extract_strided_slice %parallel_loop3A_177 {offsets = [0], sizes = [1], strides = [1]} : vector<16xf32> to vector<1xf32>
      %parallel_loop3A_482 = vector.extract %parallel_loop3A_481[0] : f32 from vector<1xf32>
      %parallel_loop3A_483 = vector.broadcast %parallel_loop3A_482 : f32 to vector<16xf32>
      %parallel_loop3A_484 = arith.subf %parallel_loop3A_198, %parallel_loop3A_480 : vector<16xf32>
      %parallel_loop3A_485 = arith.subf %parallel_loop3A_201, %parallel_loop3A_483 : vector<16xf32>
      %parallel_loop3A_486 = arith.mulf %parallel_loop3A_484, %parallel_loop3A_484 : vector<16xf32>
      %parallel_loop3A_487 = arith.mulf %parallel_loop3A_485, %parallel_loop3A_485 : vector<16xf32>
      %parallel_loop3A_488 = arith.addf %parallel_loop3A_486, %parallel_loop3A_487 : vector<16xf32>
      %parallel_loop3A_489 = arith.constant 16 : i32
      %parallel_loop3A_490 = vector.broadcast %parallel_loop3A_489 : i32 to vector<16xi32>
      %parallel_loop3A_491 = arith.cmpi eq, %parallel_loop3A_193, %parallel_loop3A_490 : vector<16xi32>
      %parallel_loop3A_492 = vector.broadcast %parallel_loop3A_150 : f32 to vector<16xf32>
      %parallel_loop3A_493 = arith.select %parallel_loop3A_491, %parallel_loop3A_492, %parallel_loop3A_488 : vector<16xi1>, vector<16xf32>
      %parallel_loop3A_494 = arith.minimumf %parallel_loop3A_426, %parallel_loop3A_493 : vector<16xf32>
      %parallel_loop3A_495 = vector.extract_strided_slice %parallel_loop3A_161 {offsets = [1], sizes = [1], strides = [1]} : vector<16xf32> to vector<1xf32>
      %parallel_loop3A_496 = vector.extract %parallel_loop3A_495[0] : f32 from vector<1xf32>
      %parallel_loop3A_497 = vector.broadcast %parallel_loop3A_496 : f32 to vector<16xf32>
      %parallel_loop3A_498 = vector.extract_strided_slice %parallel_loop3A_177 {offsets = [1], sizes = [1], strides = [1]} : vector<16xf32> to vector<1xf32>
      %parallel_loop3A_499 = vector.extract %parallel_loop3A_498[0] : f32 from vector<1xf32>
      %parallel_loop3A_500 = vector.broadcast %parallel_loop3A_499 : f32 to vector<16xf32>
      %parallel_loop3A_501 = arith.subf %parallel_loop3A_198, %parallel_loop3A_497 : vector<16xf32>
      %parallel_loop3A_502 = arith.subf %parallel_loop3A_201, %parallel_loop3A_500 : vector<16xf32>
      %parallel_loop3A_503 = arith.mulf %parallel_loop3A_501, %parallel_loop3A_501 : vector<16xf32>
      %parallel_loop3A_504 = arith.mulf %parallel_loop3A_502, %parallel_loop3A_502 : vector<16xf32>
      %parallel_loop3A_505 = arith.addf %parallel_loop3A_503, %parallel_loop3A_504 : vector<16xf32>
      %parallel_loop3A_506 = arith.constant 17 : i32
      %parallel_loop3A_507 = vector.broadcast %parallel_loop3A_506 : i32 to vector<16xi32>
      %parallel_loop3A_508 = arith.cmpi eq, %parallel_loop3A_193, %parallel_loop3A_507 : vector<16xi32>
      %parallel_loop3A_509 = vector.broadcast %parallel_loop3A_150 : f32 to vector<16xf32>
      %parallel_loop3A_510 = arith.select %parallel_loop3A_508, %parallel_loop3A_509, %parallel_loop3A_505 : vector<16xi1>, vector<16xf32>
      %parallel_loop3A_511 = arith.minimumf %parallel_loop3A_443, %parallel_loop3A_510 : vector<16xf32>
      %parallel_loop3A_512 = vector.extract_strided_slice %parallel_loop3A_161 {offsets = [2], sizes = [1], strides = [1]} : vector<16xf32> to vector<1xf32>
      %parallel_loop3A_513 = vector.extract %parallel_loop3A_512[0] : f32 from vector<1xf32>
      %parallel_loop3A_514 = vector.broadcast %parallel_loop3A_513 : f32 to vector<16xf32>
      %parallel_loop3A_515 = vector.extract_strided_slice %parallel_loop3A_177 {offsets = [2], sizes = [1], strides = [1]} : vector<16xf32> to vector<1xf32>
      %parallel_loop3A_516 = vector.extract %parallel_loop3A_515[0] : f32 from vector<1xf32>
      %parallel_loop3A_517 = vector.broadcast %parallel_loop3A_516 : f32 to vector<16xf32>
      %parallel_loop3A_518 = arith.subf %parallel_loop3A_198, %parallel_loop3A_514 : vector<16xf32>
      %parallel_loop3A_519 = arith.subf %parallel_loop3A_201, %parallel_loop3A_517 : vector<16xf32>
      %parallel_loop3A_520 = arith.mulf %parallel_loop3A_518, %parallel_loop3A_518 : vector<16xf32>
      %parallel_loop3A_521 = arith.mulf %parallel_loop3A_519, %parallel_loop3A_519 : vector<16xf32>
      %parallel_loop3A_522 = arith.addf %parallel_loop3A_520, %parallel_loop3A_521 : vector<16xf32>
      %parallel_loop3A_523 = arith.constant 18 : i32
      %parallel_loop3A_524 = vector.broadcast %parallel_loop3A_523 : i32 to vector<16xi32>
      %parallel_loop3A_525 = arith.cmpi eq, %parallel_loop3A_193, %parallel_loop3A_524 : vector<16xi32>
      %parallel_loop3A_526 = vector.broadcast %parallel_loop3A_150 : f32 to vector<16xf32>
      %parallel_loop3A_527 = arith.select %parallel_loop3A_525, %parallel_loop3A_526, %parallel_loop3A_522 : vector<16xi1>, vector<16xf32>
      %parallel_loop3A_528 = arith.minimumf %parallel_loop3A_460, %parallel_loop3A_527 : vector<16xf32>
      %parallel_loop3A_529 = vector.extract_strided_slice %parallel_loop3A_161 {offsets = [3], sizes = [1], strides = [1]} : vector<16xf32> to vector<1xf32>
      %parallel_loop3A_530 = vector.extract %parallel_loop3A_529[0] : f32 from vector<1xf32>
      %parallel_loop3A_531 = vector.broadcast %parallel_loop3A_530 : f32 to vector<16xf32>
      %parallel_loop3A_532 = vector.extract_strided_slice %parallel_loop3A_177 {offsets = [3], sizes = [1], strides = [1]} : vector<16xf32> to vector<1xf32>
      %parallel_loop3A_533 = vector.extract %parallel_loop3A_532[0] : f32 from vector<1xf32>
      %parallel_loop3A_534 = vector.broadcast %parallel_loop3A_533 : f32 to vector<16xf32>
      %parallel_loop3A_535 = arith.subf %parallel_loop3A_198, %parallel_loop3A_531 : vector<16xf32>
      %parallel_loop3A_536 = arith.subf %parallel_loop3A_201, %parallel_loop3A_534 : vector<16xf32>
      %parallel_loop3A_537 = arith.mulf %parallel_loop3A_535, %parallel_loop3A_535 : vector<16xf32>
      %parallel_loop3A_538 = arith.mulf %parallel_loop3A_536, %parallel_loop3A_536 : vector<16xf32>
      %parallel_loop3A_539 = arith.addf %parallel_loop3A_537, %parallel_loop3A_538 : vector<16xf32>
      %parallel_loop3A_540 = arith.constant 19 : i32
      %parallel_loop3A_541 = vector.broadcast %parallel_loop3A_540 : i32 to vector<16xi32>
      %parallel_loop3A_542 = arith.cmpi eq, %parallel_loop3A_193, %parallel_loop3A_541 : vector<16xi32>
      %parallel_loop3A_543 = vector.broadcast %parallel_loop3A_150 : f32 to vector<16xf32>
      %parallel_loop3A_544 = arith.select %parallel_loop3A_542, %parallel_loop3A_543, %parallel_loop3A_539 : vector<16xi1>, vector<16xf32>
      %parallel_loop3A_545 = arith.minimumf %parallel_loop3A_477, %parallel_loop3A_544 : vector<16xf32>
      %parallel_loop3A_546 = vector.extract_strided_slice %parallel_loop3A_161 {offsets = [4], sizes = [1], strides = [1]} : vector<16xf32> to vector<1xf32>
      %parallel_loop3A_547 = vector.extract %parallel_loop3A_546[0] : f32 from vector<1xf32>
      %parallel_loop3A_548 = vector.broadcast %parallel_loop3A_547 : f32 to vector<16xf32>
      %parallel_loop3A_549 = vector.extract_strided_slice %parallel_loop3A_177 {offsets = [4], sizes = [1], strides = [1]} : vector<16xf32> to vector<1xf32>
      %parallel_loop3A_550 = vector.extract %parallel_loop3A_549[0] : f32 from vector<1xf32>
      %parallel_loop3A_551 = vector.broadcast %parallel_loop3A_550 : f32 to vector<16xf32>
      %parallel_loop3A_552 = arith.subf %parallel_loop3A_198, %parallel_loop3A_548 : vector<16xf32>
      %parallel_loop3A_553 = arith.subf %parallel_loop3A_201, %parallel_loop3A_551 : vector<16xf32>
      %parallel_loop3A_554 = arith.mulf %parallel_loop3A_552, %parallel_loop3A_552 : vector<16xf32>
      %parallel_loop3A_555 = arith.mulf %parallel_loop3A_553, %parallel_loop3A_553 : vector<16xf32>
      %parallel_loop3A_556 = arith.addf %parallel_loop3A_554, %parallel_loop3A_555 : vector<16xf32>
      %parallel_loop3A_557 = arith.constant 20 : i32
      %parallel_loop3A_558 = vector.broadcast %parallel_loop3A_557 : i32 to vector<16xi32>
      %parallel_loop3A_559 = arith.cmpi eq, %parallel_loop3A_193, %parallel_loop3A_558 : vector<16xi32>
      %parallel_loop3A_560 = vector.broadcast %parallel_loop3A_150 : f32 to vector<16xf32>
      %parallel_loop3A_561 = arith.select %parallel_loop3A_559, %parallel_loop3A_560, %parallel_loop3A_556 : vector<16xi1>, vector<16xf32>
      %parallel_loop3A_562 = arith.minimumf %parallel_loop3A_494, %parallel_loop3A_561 : vector<16xf32>
      %parallel_loop3A_563 = vector.extract_strided_slice %parallel_loop3A_161 {offsets = [5], sizes = [1], strides = [1]} : vector<16xf32> to vector<1xf32>
      %parallel_loop3A_564 = vector.extract %parallel_loop3A_563[0] : f32 from vector<1xf32>
      %parallel_loop3A_565 = vector.broadcast %parallel_loop3A_564 : f32 to vector<16xf32>
      %parallel_loop3A_566 = vector.extract_strided_slice %parallel_loop3A_177 {offsets = [5], sizes = [1], strides = [1]} : vector<16xf32> to vector<1xf32>
      %parallel_loop3A_567 = vector.extract %parallel_loop3A_566[0] : f32 from vector<1xf32>
      %parallel_loop3A_568 = vector.broadcast %parallel_loop3A_567 : f32 to vector<16xf32>
      %parallel_loop3A_569 = arith.subf %parallel_loop3A_198, %parallel_loop3A_565 : vector<16xf32>
      %parallel_loop3A_570 = arith.subf %parallel_loop3A_201, %parallel_loop3A_568 : vector<16xf32>
      %parallel_loop3A_571 = arith.mulf %parallel_loop3A_569, %parallel_loop3A_569 : vector<16xf32>
      %parallel_loop3A_572 = arith.mulf %parallel_loop3A_570, %parallel_loop3A_570 : vector<16xf32>
      %parallel_loop3A_573 = arith.addf %parallel_loop3A_571, %parallel_loop3A_572 : vector<16xf32>
      %parallel_loop3A_574 = arith.constant 21 : i32
      %parallel_loop3A_575 = vector.broadcast %parallel_loop3A_574 : i32 to vector<16xi32>
      %parallel_loop3A_576 = arith.cmpi eq, %parallel_loop3A_193, %parallel_loop3A_575 : vector<16xi32>
      %parallel_loop3A_577 = vector.broadcast %parallel_loop3A_150 : f32 to vector<16xf32>
      %parallel_loop3A_578 = arith.select %parallel_loop3A_576, %parallel_loop3A_577, %parallel_loop3A_573 : vector<16xi1>, vector<16xf32>
      %parallel_loop3A_579 = arith.minimumf %parallel_loop3A_511, %parallel_loop3A_578 : vector<16xf32>
      %parallel_loop3A_580 = vector.extract_strided_slice %parallel_loop3A_161 {offsets = [6], sizes = [1], strides = [1]} : vector<16xf32> to vector<1xf32>
      %parallel_loop3A_581 = vector.extract %parallel_loop3A_580[0] : f32 from vector<1xf32>
      %parallel_loop3A_582 = vector.broadcast %parallel_loop3A_581 : f32 to vector<16xf32>
      %parallel_loop3A_583 = vector.extract_strided_slice %parallel_loop3A_177 {offsets = [6], sizes = [1], strides = [1]} : vector<16xf32> to vector<1xf32>
      %parallel_loop3A_584 = vector.extract %parallel_loop3A_583[0] : f32 from vector<1xf32>
      %parallel_loop3A_585 = vector.broadcast %parallel_loop3A_584 : f32 to vector<16xf32>
      %parallel_loop3A_586 = arith.subf %parallel_loop3A_198, %parallel_loop3A_582 : vector<16xf32>
      %parallel_loop3A_587 = arith.subf %parallel_loop3A_201, %parallel_loop3A_585 : vector<16xf32>
      %parallel_loop3A_588 = arith.mulf %parallel_loop3A_586, %parallel_loop3A_586 : vector<16xf32>
      %parallel_loop3A_589 = arith.mulf %parallel_loop3A_587, %parallel_loop3A_587 : vector<16xf32>
      %parallel_loop3A_590 = arith.addf %parallel_loop3A_588, %parallel_loop3A_589 : vector<16xf32>
      %parallel_loop3A_591 = arith.constant 22 : i32
      %parallel_loop3A_592 = vector.broadcast %parallel_loop3A_591 : i32 to vector<16xi32>
      %parallel_loop3A_593 = arith.cmpi eq, %parallel_loop3A_193, %parallel_loop3A_592 : vector<16xi32>
      %parallel_loop3A_594 = vector.broadcast %parallel_loop3A_150 : f32 to vector<16xf32>
      %parallel_loop3A_595 = arith.select %parallel_loop3A_593, %parallel_loop3A_594, %parallel_loop3A_590 : vector<16xi1>, vector<16xf32>
      %parallel_loop3A_596 = arith.minimumf %parallel_loop3A_528, %parallel_loop3A_595 : vector<16xf32>
      %parallel_loop3A_597 = vector.extract_strided_slice %parallel_loop3A_161 {offsets = [7], sizes = [1], strides = [1]} : vector<16xf32> to vector<1xf32>
      %parallel_loop3A_598 = vector.extract %parallel_loop3A_597[0] : f32 from vector<1xf32>
      %parallel_loop3A_599 = vector.broadcast %parallel_loop3A_598 : f32 to vector<16xf32>
      %parallel_loop3A_600 = vector.extract_strided_slice %parallel_loop3A_177 {offsets = [7], sizes = [1], strides = [1]} : vector<16xf32> to vector<1xf32>
      %parallel_loop3A_601 = vector.extract %parallel_loop3A_600[0] : f32 from vector<1xf32>
      %parallel_loop3A_602 = vector.broadcast %parallel_loop3A_601 : f32 to vector<16xf32>
      %parallel_loop3A_603 = arith.subf %parallel_loop3A_198, %parallel_loop3A_599 : vector<16xf32>
      %parallel_loop3A_604 = arith.subf %parallel_loop3A_201, %parallel_loop3A_602 : vector<16xf32>
      %parallel_loop3A_605 = arith.mulf %parallel_loop3A_603, %parallel_loop3A_603 : vector<16xf32>
      %parallel_loop3A_606 = arith.mulf %parallel_loop3A_604, %parallel_loop3A_604 : vector<16xf32>
      %parallel_loop3A_607 = arith.addf %parallel_loop3A_605, %parallel_loop3A_606 : vector<16xf32>
      %parallel_loop3A_608 = arith.constant 23 : i32
      %parallel_loop3A_609 = vector.broadcast %parallel_loop3A_608 : i32 to vector<16xi32>
      %parallel_loop3A_610 = arith.cmpi eq, %parallel_loop3A_193, %parallel_loop3A_609 : vector<16xi32>
      %parallel_loop3A_611 = vector.broadcast %parallel_loop3A_150 : f32 to vector<16xf32>
      %parallel_loop3A_612 = arith.select %parallel_loop3A_610, %parallel_loop3A_611, %parallel_loop3A_607 : vector<16xi1>, vector<16xf32>
      %parallel_loop3A_613 = arith.minimumf %parallel_loop3A_545, %parallel_loop3A_612 : vector<16xf32>
      %parallel_loop3A_614 = vector.extract_strided_slice %parallel_loop3A_161 {offsets = [8], sizes = [1], strides = [1]} : vector<16xf32> to vector<1xf32>
      %parallel_loop3A_615 = vector.extract %parallel_loop3A_614[0] : f32 from vector<1xf32>
      %parallel_loop3A_616 = vector.broadcast %parallel_loop3A_615 : f32 to vector<16xf32>
      %parallel_loop3A_617 = vector.extract_strided_slice %parallel_loop3A_177 {offsets = [8], sizes = [1], strides = [1]} : vector<16xf32> to vector<1xf32>
      %parallel_loop3A_618 = vector.extract %parallel_loop3A_617[0] : f32 from vector<1xf32>
      %parallel_loop3A_619 = vector.broadcast %parallel_loop3A_618 : f32 to vector<16xf32>
      %parallel_loop3A_620 = arith.subf %parallel_loop3A_198, %parallel_loop3A_616 : vector<16xf32>
      %parallel_loop3A_621 = arith.subf %parallel_loop3A_201, %parallel_loop3A_619 : vector<16xf32>
      %parallel_loop3A_622 = arith.mulf %parallel_loop3A_620, %parallel_loop3A_620 : vector<16xf32>
      %parallel_loop3A_623 = arith.mulf %parallel_loop3A_621, %parallel_loop3A_621 : vector<16xf32>
      %parallel_loop3A_624 = arith.addf %parallel_loop3A_622, %parallel_loop3A_623 : vector<16xf32>
      %parallel_loop3A_625 = arith.constant 24 : i32
      %parallel_loop3A_626 = vector.broadcast %parallel_loop3A_625 : i32 to vector<16xi32>
      %parallel_loop3A_627 = arith.cmpi eq, %parallel_loop3A_193, %parallel_loop3A_626 : vector<16xi32>
      %parallel_loop3A_628 = vector.broadcast %parallel_loop3A_150 : f32 to vector<16xf32>
      %parallel_loop3A_629 = arith.select %parallel_loop3A_627, %parallel_loop3A_628, %parallel_loop3A_624 : vector<16xi1>, vector<16xf32>
      %parallel_loop3A_630 = arith.minimumf %parallel_loop3A_562, %parallel_loop3A_629 : vector<16xf32>
      %parallel_loop3A_631 = vector.extract_strided_slice %parallel_loop3A_161 {offsets = [9], sizes = [1], strides = [1]} : vector<16xf32> to vector<1xf32>
      %parallel_loop3A_632 = vector.extract %parallel_loop3A_631[0] : f32 from vector<1xf32>
      %parallel_loop3A_633 = vector.broadcast %parallel_loop3A_632 : f32 to vector<16xf32>
      %parallel_loop3A_634 = vector.extract_strided_slice %parallel_loop3A_177 {offsets = [9], sizes = [1], strides = [1]} : vector<16xf32> to vector<1xf32>
      %parallel_loop3A_635 = vector.extract %parallel_loop3A_634[0] : f32 from vector<1xf32>
      %parallel_loop3A_636 = vector.broadcast %parallel_loop3A_635 : f32 to vector<16xf32>
      %parallel_loop3A_637 = arith.subf %parallel_loop3A_198, %parallel_loop3A_633 : vector<16xf32>
      %parallel_loop3A_638 = arith.subf %parallel_loop3A_201, %parallel_loop3A_636 : vector<16xf32>
      %parallel_loop3A_639 = arith.mulf %parallel_loop3A_637, %parallel_loop3A_637 : vector<16xf32>
      %parallel_loop3A_640 = arith.mulf %parallel_loop3A_638, %parallel_loop3A_638 : vector<16xf32>
      %parallel_loop3A_641 = arith.addf %parallel_loop3A_639, %parallel_loop3A_640 : vector<16xf32>
      %parallel_loop3A_642 = arith.constant 25 : i32
      %parallel_loop3A_643 = vector.broadcast %parallel_loop3A_642 : i32 to vector<16xi32>
      %parallel_loop3A_644 = arith.cmpi eq, %parallel_loop3A_193, %parallel_loop3A_643 : vector<16xi32>
      %parallel_loop3A_645 = vector.broadcast %parallel_loop3A_150 : f32 to vector<16xf32>
      %parallel_loop3A_646 = arith.select %parallel_loop3A_644, %parallel_loop3A_645, %parallel_loop3A_641 : vector<16xi1>, vector<16xf32>
      %parallel_loop3A_647 = arith.minimumf %parallel_loop3A_579, %parallel_loop3A_646 : vector<16xf32>
      %parallel_loop3A_648 = vector.extract_strided_slice %parallel_loop3A_161 {offsets = [10], sizes = [1], strides = [1]} : vector<16xf32> to vector<1xf32>
      %parallel_loop3A_649 = vector.extract %parallel_loop3A_648[0] : f32 from vector<1xf32>
      %parallel_loop3A_650 = vector.broadcast %parallel_loop3A_649 : f32 to vector<16xf32>
      %parallel_loop3A_651 = vector.extract_strided_slice %parallel_loop3A_177 {offsets = [10], sizes = [1], strides = [1]} : vector<16xf32> to vector<1xf32>
      %parallel_loop3A_652 = vector.extract %parallel_loop3A_651[0] : f32 from vector<1xf32>
      %parallel_loop3A_653 = vector.broadcast %parallel_loop3A_652 : f32 to vector<16xf32>
      %parallel_loop3A_654 = arith.subf %parallel_loop3A_198, %parallel_loop3A_650 : vector<16xf32>
      %parallel_loop3A_655 = arith.subf %parallel_loop3A_201, %parallel_loop3A_653 : vector<16xf32>
      %parallel_loop3A_656 = arith.mulf %parallel_loop3A_654, %parallel_loop3A_654 : vector<16xf32>
      %parallel_loop3A_657 = arith.mulf %parallel_loop3A_655, %parallel_loop3A_655 : vector<16xf32>
      %parallel_loop3A_658 = arith.addf %parallel_loop3A_656, %parallel_loop3A_657 : vector<16xf32>
      %parallel_loop3A_659 = arith.constant 26 : i32
      %parallel_loop3A_660 = vector.broadcast %parallel_loop3A_659 : i32 to vector<16xi32>
      %parallel_loop3A_661 = arith.cmpi eq, %parallel_loop3A_193, %parallel_loop3A_660 : vector<16xi32>
      %parallel_loop3A_662 = vector.broadcast %parallel_loop3A_150 : f32 to vector<16xf32>
      %parallel_loop3A_663 = arith.select %parallel_loop3A_661, %parallel_loop3A_662, %parallel_loop3A_658 : vector<16xi1>, vector<16xf32>
      %parallel_loop3A_664 = arith.minimumf %parallel_loop3A_596, %parallel_loop3A_663 : vector<16xf32>
      %parallel_loop3A_665 = vector.extract_strided_slice %parallel_loop3A_161 {offsets = [11], sizes = [1], strides = [1]} : vector<16xf32> to vector<1xf32>
      %parallel_loop3A_666 = vector.extract %parallel_loop3A_665[0] : f32 from vector<1xf32>
      %parallel_loop3A_667 = vector.broadcast %parallel_loop3A_666 : f32 to vector<16xf32>
      %parallel_loop3A_668 = vector.extract_strided_slice %parallel_loop3A_177 {offsets = [11], sizes = [1], strides = [1]} : vector<16xf32> to vector<1xf32>
      %parallel_loop3A_669 = vector.extract %parallel_loop3A_668[0] : f32 from vector<1xf32>
      %parallel_loop3A_670 = vector.broadcast %parallel_loop3A_669 : f32 to vector<16xf32>
      %parallel_loop3A_671 = arith.subf %parallel_loop3A_198, %parallel_loop3A_667 : vector<16xf32>
      %parallel_loop3A_672 = arith.subf %parallel_loop3A_201, %parallel_loop3A_670 : vector<16xf32>
      %parallel_loop3A_673 = arith.mulf %parallel_loop3A_671, %parallel_loop3A_671 : vector<16xf32>
      %parallel_loop3A_674 = arith.mulf %parallel_loop3A_672, %parallel_loop3A_672 : vector<16xf32>
      %parallel_loop3A_675 = arith.addf %parallel_loop3A_673, %parallel_loop3A_674 : vector<16xf32>
      %parallel_loop3A_676 = arith.constant 27 : i32
      %parallel_loop3A_677 = vector.broadcast %parallel_loop3A_676 : i32 to vector<16xi32>
      %parallel_loop3A_678 = arith.cmpi eq, %parallel_loop3A_193, %parallel_loop3A_677 : vector<16xi32>
      %parallel_loop3A_679 = vector.broadcast %parallel_loop3A_150 : f32 to vector<16xf32>
      %parallel_loop3A_680 = arith.select %parallel_loop3A_678, %parallel_loop3A_679, %parallel_loop3A_675 : vector<16xi1>, vector<16xf32>
      %parallel_loop3A_681 = arith.minimumf %parallel_loop3A_613, %parallel_loop3A_680 : vector<16xf32>
      %parallel_loop3A_682 = vector.extract_strided_slice %parallel_loop3A_161 {offsets = [12], sizes = [1], strides = [1]} : vector<16xf32> to vector<1xf32>
      %parallel_loop3A_683 = vector.extract %parallel_loop3A_682[0] : f32 from vector<1xf32>
      %parallel_loop3A_684 = vector.broadcast %parallel_loop3A_683 : f32 to vector<16xf32>
      %parallel_loop3A_685 = vector.extract_strided_slice %parallel_loop3A_177 {offsets = [12], sizes = [1], strides = [1]} : vector<16xf32> to vector<1xf32>
      %parallel_loop3A_686 = vector.extract %parallel_loop3A_685[0] : f32 from vector<1xf32>
      %parallel_loop3A_687 = vector.broadcast %parallel_loop3A_686 : f32 to vector<16xf32>
      %parallel_loop3A_688 = arith.subf %parallel_loop3A_198, %parallel_loop3A_684 : vector<16xf32>
      %parallel_loop3A_689 = arith.subf %parallel_loop3A_201, %parallel_loop3A_687 : vector<16xf32>
      %parallel_loop3A_690 = arith.mulf %parallel_loop3A_688, %parallel_loop3A_688 : vector<16xf32>
      %parallel_loop3A_691 = arith.mulf %parallel_loop3A_689, %parallel_loop3A_689 : vector<16xf32>
      %parallel_loop3A_692 = arith.addf %parallel_loop3A_690, %parallel_loop3A_691 : vector<16xf32>
      %parallel_loop3A_693 = arith.constant 28 : i32
      %parallel_loop3A_694 = vector.broadcast %parallel_loop3A_693 : i32 to vector<16xi32>
      %parallel_loop3A_695 = arith.cmpi eq, %parallel_loop3A_193, %parallel_loop3A_694 : vector<16xi32>
      %parallel_loop3A_696 = vector.broadcast %parallel_loop3A_150 : f32 to vector<16xf32>
      %parallel_loop3A_697 = arith.select %parallel_loop3A_695, %parallel_loop3A_696, %parallel_loop3A_692 : vector<16xi1>, vector<16xf32>
      %parallel_loop3A_698 = arith.minimumf %parallel_loop3A_630, %parallel_loop3A_697 : vector<16xf32>
      %parallel_loop3A_699 = vector.extract_strided_slice %parallel_loop3A_161 {offsets = [13], sizes = [1], strides = [1]} : vector<16xf32> to vector<1xf32>
      %parallel_loop3A_700 = vector.extract %parallel_loop3A_699[0] : f32 from vector<1xf32>
      %parallel_loop3A_701 = vector.broadcast %parallel_loop3A_700 : f32 to vector<16xf32>
      %parallel_loop3A_702 = vector.extract_strided_slice %parallel_loop3A_177 {offsets = [13], sizes = [1], strides = [1]} : vector<16xf32> to vector<1xf32>
      %parallel_loop3A_703 = vector.extract %parallel_loop3A_702[0] : f32 from vector<1xf32>
      %parallel_loop3A_704 = vector.broadcast %parallel_loop3A_703 : f32 to vector<16xf32>
      %parallel_loop3A_705 = arith.subf %parallel_loop3A_198, %parallel_loop3A_701 : vector<16xf32>
      %parallel_loop3A_706 = arith.subf %parallel_loop3A_201, %parallel_loop3A_704 : vector<16xf32>
      %parallel_loop3A_707 = arith.mulf %parallel_loop3A_705, %parallel_loop3A_705 : vector<16xf32>
      %parallel_loop3A_708 = arith.mulf %parallel_loop3A_706, %parallel_loop3A_706 : vector<16xf32>
      %parallel_loop3A_709 = arith.addf %parallel_loop3A_707, %parallel_loop3A_708 : vector<16xf32>
      %parallel_loop3A_710 = arith.constant 29 : i32
      %parallel_loop3A_711 = vector.broadcast %parallel_loop3A_710 : i32 to vector<16xi32>
      %parallel_loop3A_712 = arith.cmpi eq, %parallel_loop3A_193, %parallel_loop3A_711 : vector<16xi32>
      %parallel_loop3A_713 = vector.broadcast %parallel_loop3A_150 : f32 to vector<16xf32>
      %parallel_loop3A_714 = arith.select %parallel_loop3A_712, %parallel_loop3A_713, %parallel_loop3A_709 : vector<16xi1>, vector<16xf32>
      %parallel_loop3A_715 = arith.minimumf %parallel_loop3A_647, %parallel_loop3A_714 : vector<16xf32>
      %parallel_loop3A_716 = vector.extract_strided_slice %parallel_loop3A_161 {offsets = [14], sizes = [1], strides = [1]} : vector<16xf32> to vector<1xf32>
      %parallel_loop3A_717 = vector.extract %parallel_loop3A_716[0] : f32 from vector<1xf32>
      %parallel_loop3A_718 = vector.broadcast %parallel_loop3A_717 : f32 to vector<16xf32>
      %parallel_loop3A_719 = vector.extract_strided_slice %parallel_loop3A_177 {offsets = [14], sizes = [1], strides = [1]} : vector<16xf32> to vector<1xf32>
      %parallel_loop3A_720 = vector.extract %parallel_loop3A_719[0] : f32 from vector<1xf32>
      %parallel_loop3A_721 = vector.broadcast %parallel_loop3A_720 : f32 to vector<16xf32>
      %parallel_loop3A_722 = arith.subf %parallel_loop3A_198, %parallel_loop3A_718 : vector<16xf32>
      %parallel_loop3A_723 = arith.subf %parallel_loop3A_201, %parallel_loop3A_721 : vector<16xf32>
      %parallel_loop3A_724 = arith.mulf %parallel_loop3A_722, %parallel_loop3A_722 : vector<16xf32>
      %parallel_loop3A_725 = arith.mulf %parallel_loop3A_723, %parallel_loop3A_723 : vector<16xf32>
      %parallel_loop3A_726 = arith.addf %parallel_loop3A_724, %parallel_loop3A_725 : vector<16xf32>
      %parallel_loop3A_727 = arith.constant 30 : i32
      %parallel_loop3A_728 = vector.broadcast %parallel_loop3A_727 : i32 to vector<16xi32>
      %parallel_loop3A_729 = arith.cmpi eq, %parallel_loop3A_193, %parallel_loop3A_728 : vector<16xi32>
      %parallel_loop3A_730 = vector.broadcast %parallel_loop3A_150 : f32 to vector<16xf32>
      %parallel_loop3A_731 = arith.select %parallel_loop3A_729, %parallel_loop3A_730, %parallel_loop3A_726 : vector<16xi1>, vector<16xf32>
      %parallel_loop3A_732 = arith.minimumf %parallel_loop3A_664, %parallel_loop3A_731 : vector<16xf32>
      %parallel_loop3A_733 = vector.extract_strided_slice %parallel_loop3A_161 {offsets = [15], sizes = [1], strides = [1]} : vector<16xf32> to vector<1xf32>
      %parallel_loop3A_734 = vector.extract %parallel_loop3A_733[0] : f32 from vector<1xf32>
      %parallel_loop3A_735 = vector.broadcast %parallel_loop3A_734 : f32 to vector<16xf32>
      %parallel_loop3A_736 = vector.extract_strided_slice %parallel_loop3A_177 {offsets = [15], sizes = [1], strides = [1]} : vector<16xf32> to vector<1xf32>
      %parallel_loop3A_737 = vector.extract %parallel_loop3A_736[0] : f32 from vector<1xf32>
      %parallel_loop3A_738 = vector.broadcast %parallel_loop3A_737 : f32 to vector<16xf32>
      %parallel_loop3A_739 = arith.subf %parallel_loop3A_198, %parallel_loop3A_735 : vector<16xf32>
      %parallel_loop3A_740 = arith.subf %parallel_loop3A_201, %parallel_loop3A_738 : vector<16xf32>
      %parallel_loop3A_741 = arith.mulf %parallel_loop3A_739, %parallel_loop3A_739 : vector<16xf32>
      %parallel_loop3A_742 = arith.mulf %parallel_loop3A_740, %parallel_loop3A_740 : vector<16xf32>
      %parallel_loop3A_743 = arith.addf %parallel_loop3A_741, %parallel_loop3A_742 : vector<16xf32>
      %parallel_loop3A_744 = arith.constant 31 : i32
      %parallel_loop3A_745 = vector.broadcast %parallel_loop3A_744 : i32 to vector<16xi32>
      %parallel_loop3A_746 = arith.cmpi eq, %parallel_loop3A_193, %parallel_loop3A_745 : vector<16xi32>
      %parallel_loop3A_747 = vector.broadcast %parallel_loop3A_150 : f32 to vector<16xf32>
      %parallel_loop3A_748 = arith.select %parallel_loop3A_746, %parallel_loop3A_747, %parallel_loop3A_743 : vector<16xi1>, vector<16xf32>
      %parallel_loop3A_749 = arith.minimumf %parallel_loop3A_681, %parallel_loop3A_748 : vector<16xf32>
      %parallel_loop3A_750 = vector.extract_strided_slice %parallel_loop3A_165 {offsets = [0], sizes = [1], strides = [1]} : vector<16xf32> to vector<1xf32>
      %parallel_loop3A_751 = vector.extract %parallel_loop3A_750[0] : f32 from vector<1xf32>
      %parallel_loop3A_752 = vector.broadcast %parallel_loop3A_751 : f32 to vector<16xf32>
      %parallel_loop3A_753 = vector.extract_strided_slice %parallel_loop3A_181 {offsets = [0], sizes = [1], strides = [1]} : vector<16xf32> to vector<1xf32>
      %parallel_loop3A_754 = vector.extract %parallel_loop3A_753[0] : f32 from vector<1xf32>
      %parallel_loop3A_755 = vector.broadcast %parallel_loop3A_754 : f32 to vector<16xf32>
      %parallel_loop3A_756 = arith.subf %parallel_loop3A_198, %parallel_loop3A_752 : vector<16xf32>
      %parallel_loop3A_757 = arith.subf %parallel_loop3A_201, %parallel_loop3A_755 : vector<16xf32>
      %parallel_loop3A_758 = arith.mulf %parallel_loop3A_756, %parallel_loop3A_756 : vector<16xf32>
      %parallel_loop3A_759 = arith.mulf %parallel_loop3A_757, %parallel_loop3A_757 : vector<16xf32>
      %parallel_loop3A_760 = arith.addf %parallel_loop3A_758, %parallel_loop3A_759 : vector<16xf32>
      %parallel_loop3A_761 = arith.constant 32 : i32
      %parallel_loop3A_762 = vector.broadcast %parallel_loop3A_761 : i32 to vector<16xi32>
      %parallel_loop3A_763 = arith.cmpi eq, %parallel_loop3A_193, %parallel_loop3A_762 : vector<16xi32>
      %parallel_loop3A_764 = vector.broadcast %parallel_loop3A_150 : f32 to vector<16xf32>
      %parallel_loop3A_765 = arith.select %parallel_loop3A_763, %parallel_loop3A_764, %parallel_loop3A_760 : vector<16xi1>, vector<16xf32>
      %parallel_loop3A_766 = arith.minimumf %parallel_loop3A_698, %parallel_loop3A_765 : vector<16xf32>
      %parallel_loop3A_767 = vector.extract_strided_slice %parallel_loop3A_165 {offsets = [1], sizes = [1], strides = [1]} : vector<16xf32> to vector<1xf32>
      %parallel_loop3A_768 = vector.extract %parallel_loop3A_767[0] : f32 from vector<1xf32>
      %parallel_loop3A_769 = vector.broadcast %parallel_loop3A_768 : f32 to vector<16xf32>
      %parallel_loop3A_770 = vector.extract_strided_slice %parallel_loop3A_181 {offsets = [1], sizes = [1], strides = [1]} : vector<16xf32> to vector<1xf32>
      %parallel_loop3A_771 = vector.extract %parallel_loop3A_770[0] : f32 from vector<1xf32>
      %parallel_loop3A_772 = vector.broadcast %parallel_loop3A_771 : f32 to vector<16xf32>
      %parallel_loop3A_773 = arith.subf %parallel_loop3A_198, %parallel_loop3A_769 : vector<16xf32>
      %parallel_loop3A_774 = arith.subf %parallel_loop3A_201, %parallel_loop3A_772 : vector<16xf32>
      %parallel_loop3A_775 = arith.mulf %parallel_loop3A_773, %parallel_loop3A_773 : vector<16xf32>
      %parallel_loop3A_776 = arith.mulf %parallel_loop3A_774, %parallel_loop3A_774 : vector<16xf32>
      %parallel_loop3A_777 = arith.addf %parallel_loop3A_775, %parallel_loop3A_776 : vector<16xf32>
      %parallel_loop3A_778 = arith.constant 33 : i32
      %parallel_loop3A_779 = vector.broadcast %parallel_loop3A_778 : i32 to vector<16xi32>
      %parallel_loop3A_780 = arith.cmpi eq, %parallel_loop3A_193, %parallel_loop3A_779 : vector<16xi32>
      %parallel_loop3A_781 = vector.broadcast %parallel_loop3A_150 : f32 to vector<16xf32>
      %parallel_loop3A_782 = arith.select %parallel_loop3A_780, %parallel_loop3A_781, %parallel_loop3A_777 : vector<16xi1>, vector<16xf32>
      %parallel_loop3A_783 = arith.minimumf %parallel_loop3A_715, %parallel_loop3A_782 : vector<16xf32>
      %parallel_loop3A_784 = vector.extract_strided_slice %parallel_loop3A_165 {offsets = [2], sizes = [1], strides = [1]} : vector<16xf32> to vector<1xf32>
      %parallel_loop3A_785 = vector.extract %parallel_loop3A_784[0] : f32 from vector<1xf32>
      %parallel_loop3A_786 = vector.broadcast %parallel_loop3A_785 : f32 to vector<16xf32>
      %parallel_loop3A_787 = vector.extract_strided_slice %parallel_loop3A_181 {offsets = [2], sizes = [1], strides = [1]} : vector<16xf32> to vector<1xf32>
      %parallel_loop3A_788 = vector.extract %parallel_loop3A_787[0] : f32 from vector<1xf32>
      %parallel_loop3A_789 = vector.broadcast %parallel_loop3A_788 : f32 to vector<16xf32>
      %parallel_loop3A_790 = arith.subf %parallel_loop3A_198, %parallel_loop3A_786 : vector<16xf32>
      %parallel_loop3A_791 = arith.subf %parallel_loop3A_201, %parallel_loop3A_789 : vector<16xf32>
      %parallel_loop3A_792 = arith.mulf %parallel_loop3A_790, %parallel_loop3A_790 : vector<16xf32>
      %parallel_loop3A_793 = arith.mulf %parallel_loop3A_791, %parallel_loop3A_791 : vector<16xf32>
      %parallel_loop3A_794 = arith.addf %parallel_loop3A_792, %parallel_loop3A_793 : vector<16xf32>
      %parallel_loop3A_795 = arith.constant 34 : i32
      %parallel_loop3A_796 = vector.broadcast %parallel_loop3A_795 : i32 to vector<16xi32>
      %parallel_loop3A_797 = arith.cmpi eq, %parallel_loop3A_193, %parallel_loop3A_796 : vector<16xi32>
      %parallel_loop3A_798 = vector.broadcast %parallel_loop3A_150 : f32 to vector<16xf32>
      %parallel_loop3A_799 = arith.select %parallel_loop3A_797, %parallel_loop3A_798, %parallel_loop3A_794 : vector<16xi1>, vector<16xf32>
      %parallel_loop3A_800 = arith.minimumf %parallel_loop3A_732, %parallel_loop3A_799 : vector<16xf32>
      %parallel_loop3A_801 = vector.extract_strided_slice %parallel_loop3A_165 {offsets = [3], sizes = [1], strides = [1]} : vector<16xf32> to vector<1xf32>
      %parallel_loop3A_802 = vector.extract %parallel_loop3A_801[0] : f32 from vector<1xf32>
      %parallel_loop3A_803 = vector.broadcast %parallel_loop3A_802 : f32 to vector<16xf32>
      %parallel_loop3A_804 = vector.extract_strided_slice %parallel_loop3A_181 {offsets = [3], sizes = [1], strides = [1]} : vector<16xf32> to vector<1xf32>
      %parallel_loop3A_805 = vector.extract %parallel_loop3A_804[0] : f32 from vector<1xf32>
      %parallel_loop3A_806 = vector.broadcast %parallel_loop3A_805 : f32 to vector<16xf32>
      %parallel_loop3A_807 = arith.subf %parallel_loop3A_198, %parallel_loop3A_803 : vector<16xf32>
      %parallel_loop3A_808 = arith.subf %parallel_loop3A_201, %parallel_loop3A_806 : vector<16xf32>
      %parallel_loop3A_809 = arith.mulf %parallel_loop3A_807, %parallel_loop3A_807 : vector<16xf32>
      %parallel_loop3A_810 = arith.mulf %parallel_loop3A_808, %parallel_loop3A_808 : vector<16xf32>
      %parallel_loop3A_811 = arith.addf %parallel_loop3A_809, %parallel_loop3A_810 : vector<16xf32>
      %parallel_loop3A_812 = arith.constant 35 : i32
      %parallel_loop3A_813 = vector.broadcast %parallel_loop3A_812 : i32 to vector<16xi32>
      %parallel_loop3A_814 = arith.cmpi eq, %parallel_loop3A_193, %parallel_loop3A_813 : vector<16xi32>
      %parallel_loop3A_815 = vector.broadcast %parallel_loop3A_150 : f32 to vector<16xf32>
      %parallel_loop3A_816 = arith.select %parallel_loop3A_814, %parallel_loop3A_815, %parallel_loop3A_811 : vector<16xi1>, vector<16xf32>
      %parallel_loop3A_817 = arith.minimumf %parallel_loop3A_749, %parallel_loop3A_816 : vector<16xf32>
      %parallel_loop3A_818 = vector.extract_strided_slice %parallel_loop3A_165 {offsets = [4], sizes = [1], strides = [1]} : vector<16xf32> to vector<1xf32>
      %parallel_loop3A_819 = vector.extract %parallel_loop3A_818[0] : f32 from vector<1xf32>
      %parallel_loop3A_820 = vector.broadcast %parallel_loop3A_819 : f32 to vector<16xf32>
      %parallel_loop3A_821 = vector.extract_strided_slice %parallel_loop3A_181 {offsets = [4], sizes = [1], strides = [1]} : vector<16xf32> to vector<1xf32>
      %parallel_loop3A_822 = vector.extract %parallel_loop3A_821[0] : f32 from vector<1xf32>
      %parallel_loop3A_823 = vector.broadcast %parallel_loop3A_822 : f32 to vector<16xf32>
      %parallel_loop3A_824 = arith.subf %parallel_loop3A_198, %parallel_loop3A_820 : vector<16xf32>
      %parallel_loop3A_825 = arith.subf %parallel_loop3A_201, %parallel_loop3A_823 : vector<16xf32>
      %parallel_loop3A_826 = arith.mulf %parallel_loop3A_824, %parallel_loop3A_824 : vector<16xf32>
      %parallel_loop3A_827 = arith.mulf %parallel_loop3A_825, %parallel_loop3A_825 : vector<16xf32>
      %parallel_loop3A_828 = arith.addf %parallel_loop3A_826, %parallel_loop3A_827 : vector<16xf32>
      %parallel_loop3A_829 = arith.constant 36 : i32
      %parallel_loop3A_830 = vector.broadcast %parallel_loop3A_829 : i32 to vector<16xi32>
      %parallel_loop3A_831 = arith.cmpi eq, %parallel_loop3A_193, %parallel_loop3A_830 : vector<16xi32>
      %parallel_loop3A_832 = vector.broadcast %parallel_loop3A_150 : f32 to vector<16xf32>
      %parallel_loop3A_833 = arith.select %parallel_loop3A_831, %parallel_loop3A_832, %parallel_loop3A_828 : vector<16xi1>, vector<16xf32>
      %parallel_loop3A_834 = arith.minimumf %parallel_loop3A_766, %parallel_loop3A_833 : vector<16xf32>
      %parallel_loop3A_835 = vector.extract_strided_slice %parallel_loop3A_165 {offsets = [5], sizes = [1], strides = [1]} : vector<16xf32> to vector<1xf32>
      %parallel_loop3A_836 = vector.extract %parallel_loop3A_835[0] : f32 from vector<1xf32>
      %parallel_loop3A_837 = vector.broadcast %parallel_loop3A_836 : f32 to vector<16xf32>
      %parallel_loop3A_838 = vector.extract_strided_slice %parallel_loop3A_181 {offsets = [5], sizes = [1], strides = [1]} : vector<16xf32> to vector<1xf32>
      %parallel_loop3A_839 = vector.extract %parallel_loop3A_838[0] : f32 from vector<1xf32>
      %parallel_loop3A_840 = vector.broadcast %parallel_loop3A_839 : f32 to vector<16xf32>
      %parallel_loop3A_841 = arith.subf %parallel_loop3A_198, %parallel_loop3A_837 : vector<16xf32>
      %parallel_loop3A_842 = arith.subf %parallel_loop3A_201, %parallel_loop3A_840 : vector<16xf32>
      %parallel_loop3A_843 = arith.mulf %parallel_loop3A_841, %parallel_loop3A_841 : vector<16xf32>
      %parallel_loop3A_844 = arith.mulf %parallel_loop3A_842, %parallel_loop3A_842 : vector<16xf32>
      %parallel_loop3A_845 = arith.addf %parallel_loop3A_843, %parallel_loop3A_844 : vector<16xf32>
      %parallel_loop3A_846 = arith.constant 37 : i32
      %parallel_loop3A_847 = vector.broadcast %parallel_loop3A_846 : i32 to vector<16xi32>
      %parallel_loop3A_848 = arith.cmpi eq, %parallel_loop3A_193, %parallel_loop3A_847 : vector<16xi32>
      %parallel_loop3A_849 = vector.broadcast %parallel_loop3A_150 : f32 to vector<16xf32>
      %parallel_loop3A_850 = arith.select %parallel_loop3A_848, %parallel_loop3A_849, %parallel_loop3A_845 : vector<16xi1>, vector<16xf32>
      %parallel_loop3A_851 = arith.minimumf %parallel_loop3A_783, %parallel_loop3A_850 : vector<16xf32>
      %parallel_loop3A_852 = vector.extract_strided_slice %parallel_loop3A_165 {offsets = [6], sizes = [1], strides = [1]} : vector<16xf32> to vector<1xf32>
      %parallel_loop3A_853 = vector.extract %parallel_loop3A_852[0] : f32 from vector<1xf32>
      %parallel_loop3A_854 = vector.broadcast %parallel_loop3A_853 : f32 to vector<16xf32>
      %parallel_loop3A_855 = vector.extract_strided_slice %parallel_loop3A_181 {offsets = [6], sizes = [1], strides = [1]} : vector<16xf32> to vector<1xf32>
      %parallel_loop3A_856 = vector.extract %parallel_loop3A_855[0] : f32 from vector<1xf32>
      %parallel_loop3A_857 = vector.broadcast %parallel_loop3A_856 : f32 to vector<16xf32>
      %parallel_loop3A_858 = arith.subf %parallel_loop3A_198, %parallel_loop3A_854 : vector<16xf32>
      %parallel_loop3A_859 = arith.subf %parallel_loop3A_201, %parallel_loop3A_857 : vector<16xf32>
      %parallel_loop3A_860 = arith.mulf %parallel_loop3A_858, %parallel_loop3A_858 : vector<16xf32>
      %parallel_loop3A_861 = arith.mulf %parallel_loop3A_859, %parallel_loop3A_859 : vector<16xf32>
      %parallel_loop3A_862 = arith.addf %parallel_loop3A_860, %parallel_loop3A_861 : vector<16xf32>
      %parallel_loop3A_863 = arith.constant 38 : i32
      %parallel_loop3A_864 = vector.broadcast %parallel_loop3A_863 : i32 to vector<16xi32>
      %parallel_loop3A_865 = arith.cmpi eq, %parallel_loop3A_193, %parallel_loop3A_864 : vector<16xi32>
      %parallel_loop3A_866 = vector.broadcast %parallel_loop3A_150 : f32 to vector<16xf32>
      %parallel_loop3A_867 = arith.select %parallel_loop3A_865, %parallel_loop3A_866, %parallel_loop3A_862 : vector<16xi1>, vector<16xf32>
      %parallel_loop3A_868 = arith.minimumf %parallel_loop3A_800, %parallel_loop3A_867 : vector<16xf32>
      %parallel_loop3A_869 = vector.extract_strided_slice %parallel_loop3A_165 {offsets = [7], sizes = [1], strides = [1]} : vector<16xf32> to vector<1xf32>
      %parallel_loop3A_870 = vector.extract %parallel_loop3A_869[0] : f32 from vector<1xf32>
      %parallel_loop3A_871 = vector.broadcast %parallel_loop3A_870 : f32 to vector<16xf32>
      %parallel_loop3A_872 = vector.extract_strided_slice %parallel_loop3A_181 {offsets = [7], sizes = [1], strides = [1]} : vector<16xf32> to vector<1xf32>
      %parallel_loop3A_873 = vector.extract %parallel_loop3A_872[0] : f32 from vector<1xf32>
      %parallel_loop3A_874 = vector.broadcast %parallel_loop3A_873 : f32 to vector<16xf32>
      %parallel_loop3A_875 = arith.subf %parallel_loop3A_198, %parallel_loop3A_871 : vector<16xf32>
      %parallel_loop3A_876 = arith.subf %parallel_loop3A_201, %parallel_loop3A_874 : vector<16xf32>
      %parallel_loop3A_877 = arith.mulf %parallel_loop3A_875, %parallel_loop3A_875 : vector<16xf32>
      %parallel_loop3A_878 = arith.mulf %parallel_loop3A_876, %parallel_loop3A_876 : vector<16xf32>
      %parallel_loop3A_879 = arith.addf %parallel_loop3A_877, %parallel_loop3A_878 : vector<16xf32>
      %parallel_loop3A_880 = arith.constant 39 : i32
      %parallel_loop3A_881 = vector.broadcast %parallel_loop3A_880 : i32 to vector<16xi32>
      %parallel_loop3A_882 = arith.cmpi eq, %parallel_loop3A_193, %parallel_loop3A_881 : vector<16xi32>
      %parallel_loop3A_883 = vector.broadcast %parallel_loop3A_150 : f32 to vector<16xf32>
      %parallel_loop3A_884 = arith.select %parallel_loop3A_882, %parallel_loop3A_883, %parallel_loop3A_879 : vector<16xi1>, vector<16xf32>
      %parallel_loop3A_885 = arith.minimumf %parallel_loop3A_817, %parallel_loop3A_884 : vector<16xf32>
      %parallel_loop3A_886 = vector.extract_strided_slice %parallel_loop3A_165 {offsets = [8], sizes = [1], strides = [1]} : vector<16xf32> to vector<1xf32>
      %parallel_loop3A_887 = vector.extract %parallel_loop3A_886[0] : f32 from vector<1xf32>
      %parallel_loop3A_888 = vector.broadcast %parallel_loop3A_887 : f32 to vector<16xf32>
      %parallel_loop3A_889 = vector.extract_strided_slice %parallel_loop3A_181 {offsets = [8], sizes = [1], strides = [1]} : vector<16xf32> to vector<1xf32>
      %parallel_loop3A_890 = vector.extract %parallel_loop3A_889[0] : f32 from vector<1xf32>
      %parallel_loop3A_891 = vector.broadcast %parallel_loop3A_890 : f32 to vector<16xf32>
      %parallel_loop3A_892 = arith.subf %parallel_loop3A_198, %parallel_loop3A_888 : vector<16xf32>
      %parallel_loop3A_893 = arith.subf %parallel_loop3A_201, %parallel_loop3A_891 : vector<16xf32>
      %parallel_loop3A_894 = arith.mulf %parallel_loop3A_892, %parallel_loop3A_892 : vector<16xf32>
      %parallel_loop3A_895 = arith.mulf %parallel_loop3A_893, %parallel_loop3A_893 : vector<16xf32>
      %parallel_loop3A_896 = arith.addf %parallel_loop3A_894, %parallel_loop3A_895 : vector<16xf32>
      %parallel_loop3A_897 = arith.constant 40 : i32
      %parallel_loop3A_898 = vector.broadcast %parallel_loop3A_897 : i32 to vector<16xi32>
      %parallel_loop3A_899 = arith.cmpi eq, %parallel_loop3A_193, %parallel_loop3A_898 : vector<16xi32>
      %parallel_loop3A_900 = vector.broadcast %parallel_loop3A_150 : f32 to vector<16xf32>
      %parallel_loop3A_901 = arith.select %parallel_loop3A_899, %parallel_loop3A_900, %parallel_loop3A_896 : vector<16xi1>, vector<16xf32>
      %parallel_loop3A_902 = arith.minimumf %parallel_loop3A_834, %parallel_loop3A_901 : vector<16xf32>
      %parallel_loop3A_903 = vector.extract_strided_slice %parallel_loop3A_165 {offsets = [9], sizes = [1], strides = [1]} : vector<16xf32> to vector<1xf32>
      %parallel_loop3A_904 = vector.extract %parallel_loop3A_903[0] : f32 from vector<1xf32>
      %parallel_loop3A_905 = vector.broadcast %parallel_loop3A_904 : f32 to vector<16xf32>
      %parallel_loop3A_906 = vector.extract_strided_slice %parallel_loop3A_181 {offsets = [9], sizes = [1], strides = [1]} : vector<16xf32> to vector<1xf32>
      %parallel_loop3A_907 = vector.extract %parallel_loop3A_906[0] : f32 from vector<1xf32>
      %parallel_loop3A_908 = vector.broadcast %parallel_loop3A_907 : f32 to vector<16xf32>
      %parallel_loop3A_909 = arith.subf %parallel_loop3A_198, %parallel_loop3A_905 : vector<16xf32>
      %parallel_loop3A_910 = arith.subf %parallel_loop3A_201, %parallel_loop3A_908 : vector<16xf32>
      %parallel_loop3A_911 = arith.mulf %parallel_loop3A_909, %parallel_loop3A_909 : vector<16xf32>
      %parallel_loop3A_912 = arith.mulf %parallel_loop3A_910, %parallel_loop3A_910 : vector<16xf32>
      %parallel_loop3A_913 = arith.addf %parallel_loop3A_911, %parallel_loop3A_912 : vector<16xf32>
      %parallel_loop3A_914 = arith.constant 41 : i32
      %parallel_loop3A_915 = vector.broadcast %parallel_loop3A_914 : i32 to vector<16xi32>
      %parallel_loop3A_916 = arith.cmpi eq, %parallel_loop3A_193, %parallel_loop3A_915 : vector<16xi32>
      %parallel_loop3A_917 = vector.broadcast %parallel_loop3A_150 : f32 to vector<16xf32>
      %parallel_loop3A_918 = arith.select %parallel_loop3A_916, %parallel_loop3A_917, %parallel_loop3A_913 : vector<16xi1>, vector<16xf32>
      %parallel_loop3A_919 = arith.minimumf %parallel_loop3A_851, %parallel_loop3A_918 : vector<16xf32>
      %parallel_loop3A_920 = vector.extract_strided_slice %parallel_loop3A_165 {offsets = [10], sizes = [1], strides = [1]} : vector<16xf32> to vector<1xf32>
      %parallel_loop3A_921 = vector.extract %parallel_loop3A_920[0] : f32 from vector<1xf32>
      %parallel_loop3A_922 = vector.broadcast %parallel_loop3A_921 : f32 to vector<16xf32>
      %parallel_loop3A_923 = vector.extract_strided_slice %parallel_loop3A_181 {offsets = [10], sizes = [1], strides = [1]} : vector<16xf32> to vector<1xf32>
      %parallel_loop3A_924 = vector.extract %parallel_loop3A_923[0] : f32 from vector<1xf32>
      %parallel_loop3A_925 = vector.broadcast %parallel_loop3A_924 : f32 to vector<16xf32>
      %parallel_loop3A_926 = arith.subf %parallel_loop3A_198, %parallel_loop3A_922 : vector<16xf32>
      %parallel_loop3A_927 = arith.subf %parallel_loop3A_201, %parallel_loop3A_925 : vector<16xf32>
      %parallel_loop3A_928 = arith.mulf %parallel_loop3A_926, %parallel_loop3A_926 : vector<16xf32>
      %parallel_loop3A_929 = arith.mulf %parallel_loop3A_927, %parallel_loop3A_927 : vector<16xf32>
      %parallel_loop3A_930 = arith.addf %parallel_loop3A_928, %parallel_loop3A_929 : vector<16xf32>
      %parallel_loop3A_931 = arith.constant 42 : i32
      %parallel_loop3A_932 = vector.broadcast %parallel_loop3A_931 : i32 to vector<16xi32>
      %parallel_loop3A_933 = arith.cmpi eq, %parallel_loop3A_193, %parallel_loop3A_932 : vector<16xi32>
      %parallel_loop3A_934 = vector.broadcast %parallel_loop3A_150 : f32 to vector<16xf32>
      %parallel_loop3A_935 = arith.select %parallel_loop3A_933, %parallel_loop3A_934, %parallel_loop3A_930 : vector<16xi1>, vector<16xf32>
      %parallel_loop3A_936 = arith.minimumf %parallel_loop3A_868, %parallel_loop3A_935 : vector<16xf32>
      %parallel_loop3A_937 = vector.extract_strided_slice %parallel_loop3A_165 {offsets = [11], sizes = [1], strides = [1]} : vector<16xf32> to vector<1xf32>
      %parallel_loop3A_938 = vector.extract %parallel_loop3A_937[0] : f32 from vector<1xf32>
      %parallel_loop3A_939 = vector.broadcast %parallel_loop3A_938 : f32 to vector<16xf32>
      %parallel_loop3A_940 = vector.extract_strided_slice %parallel_loop3A_181 {offsets = [11], sizes = [1], strides = [1]} : vector<16xf32> to vector<1xf32>
      %parallel_loop3A_941 = vector.extract %parallel_loop3A_940[0] : f32 from vector<1xf32>
      %parallel_loop3A_942 = vector.broadcast %parallel_loop3A_941 : f32 to vector<16xf32>
      %parallel_loop3A_943 = arith.subf %parallel_loop3A_198, %parallel_loop3A_939 : vector<16xf32>
      %parallel_loop3A_944 = arith.subf %parallel_loop3A_201, %parallel_loop3A_942 : vector<16xf32>
      %parallel_loop3A_945 = arith.mulf %parallel_loop3A_943, %parallel_loop3A_943 : vector<16xf32>
      %parallel_loop3A_946 = arith.mulf %parallel_loop3A_944, %parallel_loop3A_944 : vector<16xf32>
      %parallel_loop3A_947 = arith.addf %parallel_loop3A_945, %parallel_loop3A_946 : vector<16xf32>
      %parallel_loop3A_948 = arith.constant 43 : i32
      %parallel_loop3A_949 = vector.broadcast %parallel_loop3A_948 : i32 to vector<16xi32>
      %parallel_loop3A_950 = arith.cmpi eq, %parallel_loop3A_193, %parallel_loop3A_949 : vector<16xi32>
      %parallel_loop3A_951 = vector.broadcast %parallel_loop3A_150 : f32 to vector<16xf32>
      %parallel_loop3A_952 = arith.select %parallel_loop3A_950, %parallel_loop3A_951, %parallel_loop3A_947 : vector<16xi1>, vector<16xf32>
      %parallel_loop3A_953 = arith.minimumf %parallel_loop3A_885, %parallel_loop3A_952 : vector<16xf32>
      %parallel_loop3A_954 = vector.extract_strided_slice %parallel_loop3A_165 {offsets = [12], sizes = [1], strides = [1]} : vector<16xf32> to vector<1xf32>
      %parallel_loop3A_955 = vector.extract %parallel_loop3A_954[0] : f32 from vector<1xf32>
      %parallel_loop3A_956 = vector.broadcast %parallel_loop3A_955 : f32 to vector<16xf32>
      %parallel_loop3A_957 = vector.extract_strided_slice %parallel_loop3A_181 {offsets = [12], sizes = [1], strides = [1]} : vector<16xf32> to vector<1xf32>
      %parallel_loop3A_958 = vector.extract %parallel_loop3A_957[0] : f32 from vector<1xf32>
      %parallel_loop3A_959 = vector.broadcast %parallel_loop3A_958 : f32 to vector<16xf32>
      %parallel_loop3A_960 = arith.subf %parallel_loop3A_198, %parallel_loop3A_956 : vector<16xf32>
      %parallel_loop3A_961 = arith.subf %parallel_loop3A_201, %parallel_loop3A_959 : vector<16xf32>
      %parallel_loop3A_962 = arith.mulf %parallel_loop3A_960, %parallel_loop3A_960 : vector<16xf32>
      %parallel_loop3A_963 = arith.mulf %parallel_loop3A_961, %parallel_loop3A_961 : vector<16xf32>
      %parallel_loop3A_964 = arith.addf %parallel_loop3A_962, %parallel_loop3A_963 : vector<16xf32>
      %parallel_loop3A_965 = arith.constant 44 : i32
      %parallel_loop3A_966 = vector.broadcast %parallel_loop3A_965 : i32 to vector<16xi32>
      %parallel_loop3A_967 = arith.cmpi eq, %parallel_loop3A_193, %parallel_loop3A_966 : vector<16xi32>
      %parallel_loop3A_968 = vector.broadcast %parallel_loop3A_150 : f32 to vector<16xf32>
      %parallel_loop3A_969 = arith.select %parallel_loop3A_967, %parallel_loop3A_968, %parallel_loop3A_964 : vector<16xi1>, vector<16xf32>
      %parallel_loop3A_970 = arith.minimumf %parallel_loop3A_902, %parallel_loop3A_969 : vector<16xf32>
      %parallel_loop3A_971 = vector.extract_strided_slice %parallel_loop3A_165 {offsets = [13], sizes = [1], strides = [1]} : vector<16xf32> to vector<1xf32>
      %parallel_loop3A_972 = vector.extract %parallel_loop3A_971[0] : f32 from vector<1xf32>
      %parallel_loop3A_973 = vector.broadcast %parallel_loop3A_972 : f32 to vector<16xf32>
      %parallel_loop3A_974 = vector.extract_strided_slice %parallel_loop3A_181 {offsets = [13], sizes = [1], strides = [1]} : vector<16xf32> to vector<1xf32>
      %parallel_loop3A_975 = vector.extract %parallel_loop3A_974[0] : f32 from vector<1xf32>
      %parallel_loop3A_976 = vector.broadcast %parallel_loop3A_975 : f32 to vector<16xf32>
      %parallel_loop3A_977 = arith.subf %parallel_loop3A_198, %parallel_loop3A_973 : vector<16xf32>
      %parallel_loop3A_978 = arith.subf %parallel_loop3A_201, %parallel_loop3A_976 : vector<16xf32>
      %parallel_loop3A_979 = arith.mulf %parallel_loop3A_977, %parallel_loop3A_977 : vector<16xf32>
      %parallel_loop3A_980 = arith.mulf %parallel_loop3A_978, %parallel_loop3A_978 : vector<16xf32>
      %parallel_loop3A_981 = arith.addf %parallel_loop3A_979, %parallel_loop3A_980 : vector<16xf32>
      %parallel_loop3A_982 = arith.constant 45 : i32
      %parallel_loop3A_983 = vector.broadcast %parallel_loop3A_982 : i32 to vector<16xi32>
      %parallel_loop3A_984 = arith.cmpi eq, %parallel_loop3A_193, %parallel_loop3A_983 : vector<16xi32>
      %parallel_loop3A_985 = vector.broadcast %parallel_loop3A_150 : f32 to vector<16xf32>
      %parallel_loop3A_986 = arith.select %parallel_loop3A_984, %parallel_loop3A_985, %parallel_loop3A_981 : vector<16xi1>, vector<16xf32>
      %parallel_loop3A_987 = arith.minimumf %parallel_loop3A_919, %parallel_loop3A_986 : vector<16xf32>
      %parallel_loop3A_988 = vector.extract_strided_slice %parallel_loop3A_165 {offsets = [14], sizes = [1], strides = [1]} : vector<16xf32> to vector<1xf32>
      %parallel_loop3A_989 = vector.extract %parallel_loop3A_988[0] : f32 from vector<1xf32>
      %parallel_loop3A_990 = vector.broadcast %parallel_loop3A_989 : f32 to vector<16xf32>
      %parallel_loop3A_991 = vector.extract_strided_slice %parallel_loop3A_181 {offsets = [14], sizes = [1], strides = [1]} : vector<16xf32> to vector<1xf32>
      %parallel_loop3A_992 = vector.extract %parallel_loop3A_991[0] : f32 from vector<1xf32>
      %parallel_loop3A_993 = vector.broadcast %parallel_loop3A_992 : f32 to vector<16xf32>
      %parallel_loop3A_994 = arith.subf %parallel_loop3A_198, %parallel_loop3A_990 : vector<16xf32>
      %parallel_loop3A_995 = arith.subf %parallel_loop3A_201, %parallel_loop3A_993 : vector<16xf32>
      %parallel_loop3A_996 = arith.mulf %parallel_loop3A_994, %parallel_loop3A_994 : vector<16xf32>
      %parallel_loop3A_997 = arith.mulf %parallel_loop3A_995, %parallel_loop3A_995 : vector<16xf32>
      %parallel_loop3A_998 = arith.addf %parallel_loop3A_996, %parallel_loop3A_997 : vector<16xf32>
      %parallel_loop3A_999 = arith.constant 46 : i32
      %parallel_loop3A_1000 = vector.broadcast %parallel_loop3A_999 : i32 to vector<16xi32>
      %parallel_loop3A_1001 = arith.cmpi eq, %parallel_loop3A_193, %parallel_loop3A_1000 : vector<16xi32>
      %parallel_loop3A_1002 = vector.broadcast %parallel_loop3A_150 : f32 to vector<16xf32>
      %parallel_loop3A_1003 = arith.select %parallel_loop3A_1001, %parallel_loop3A_1002, %parallel_loop3A_998 : vector<16xi1>, vector<16xf32>
      %parallel_loop3A_1004 = arith.minimumf %parallel_loop3A_936, %parallel_loop3A_1003 : vector<16xf32>
      %parallel_loop3A_1005 = vector.extract_strided_slice %parallel_loop3A_165 {offsets = [15], sizes = [1], strides = [1]} : vector<16xf32> to vector<1xf32>
      %parallel_loop3A_1006 = vector.extract %parallel_loop3A_1005[0] : f32 from vector<1xf32>
      %parallel_loop3A_1007 = vector.broadcast %parallel_loop3A_1006 : f32 to vector<16xf32>
      %parallel_loop3A_1008 = vector.extract_strided_slice %parallel_loop3A_181 {offsets = [15], sizes = [1], strides = [1]} : vector<16xf32> to vector<1xf32>
      %parallel_loop3A_1009 = vector.extract %parallel_loop3A_1008[0] : f32 from vector<1xf32>
      %parallel_loop3A_1010 = vector.broadcast %parallel_loop3A_1009 : f32 to vector<16xf32>
      %parallel_loop3A_1011 = arith.subf %parallel_loop3A_198, %parallel_loop3A_1007 : vector<16xf32>
      %parallel_loop3A_1012 = arith.subf %parallel_loop3A_201, %parallel_loop3A_1010 : vector<16xf32>
      %parallel_loop3A_1013 = arith.mulf %parallel_loop3A_1011, %parallel_loop3A_1011 : vector<16xf32>
      %parallel_loop3A_1014 = arith.mulf %parallel_loop3A_1012, %parallel_loop3A_1012 : vector<16xf32>
      %parallel_loop3A_1015 = arith.addf %parallel_loop3A_1013, %parallel_loop3A_1014 : vector<16xf32>
      %parallel_loop3A_1016 = arith.constant 47 : i32
      %parallel_loop3A_1017 = vector.broadcast %parallel_loop3A_1016 : i32 to vector<16xi32>
      %parallel_loop3A_1018 = arith.cmpi eq, %parallel_loop3A_193, %parallel_loop3A_1017 : vector<16xi32>
      %parallel_loop3A_1019 = vector.broadcast %parallel_loop3A_150 : f32 to vector<16xf32>
      %parallel_loop3A_1020 = arith.select %parallel_loop3A_1018, %parallel_loop3A_1019, %parallel_loop3A_1015 : vector<16xi1>, vector<16xf32>
      %parallel_loop3A_1021 = arith.minimumf %parallel_loop3A_953, %parallel_loop3A_1020 : vector<16xf32>
      %parallel_loop3A_1022 = vector.extract_strided_slice %parallel_loop3A_169 {offsets = [0], sizes = [1], strides = [1]} : vector<16xf32> to vector<1xf32>
      %parallel_loop3A_1023 = vector.extract %parallel_loop3A_1022[0] : f32 from vector<1xf32>
      %parallel_loop3A_1024 = vector.broadcast %parallel_loop3A_1023 : f32 to vector<16xf32>
      %parallel_loop3A_1025 = vector.extract_strided_slice %parallel_loop3A_185 {offsets = [0], sizes = [1], strides = [1]} : vector<16xf32> to vector<1xf32>
      %parallel_loop3A_1026 = vector.extract %parallel_loop3A_1025[0] : f32 from vector<1xf32>
      %parallel_loop3A_1027 = vector.broadcast %parallel_loop3A_1026 : f32 to vector<16xf32>
      %parallel_loop3A_1028 = arith.subf %parallel_loop3A_198, %parallel_loop3A_1024 : vector<16xf32>
      %parallel_loop3A_1029 = arith.subf %parallel_loop3A_201, %parallel_loop3A_1027 : vector<16xf32>
      %parallel_loop3A_1030 = arith.mulf %parallel_loop3A_1028, %parallel_loop3A_1028 : vector<16xf32>
      %parallel_loop3A_1031 = arith.mulf %parallel_loop3A_1029, %parallel_loop3A_1029 : vector<16xf32>
      %parallel_loop3A_1032 = arith.addf %parallel_loop3A_1030, %parallel_loop3A_1031 : vector<16xf32>
      %parallel_loop3A_1033 = arith.constant 48 : i32
      %parallel_loop3A_1034 = vector.broadcast %parallel_loop3A_1033 : i32 to vector<16xi32>
      %parallel_loop3A_1035 = arith.cmpi eq, %parallel_loop3A_193, %parallel_loop3A_1034 : vector<16xi32>
      %parallel_loop3A_1036 = vector.broadcast %parallel_loop3A_150 : f32 to vector<16xf32>
      %parallel_loop3A_1037 = arith.select %parallel_loop3A_1035, %parallel_loop3A_1036, %parallel_loop3A_1032 : vector<16xi1>, vector<16xf32>
      %parallel_loop3A_1038 = arith.minimumf %parallel_loop3A_970, %parallel_loop3A_1037 : vector<16xf32>
      %parallel_loop3A_1039 = vector.extract_strided_slice %parallel_loop3A_169 {offsets = [1], sizes = [1], strides = [1]} : vector<16xf32> to vector<1xf32>
      %parallel_loop3A_1040 = vector.extract %parallel_loop3A_1039[0] : f32 from vector<1xf32>
      %parallel_loop3A_1041 = vector.broadcast %parallel_loop3A_1040 : f32 to vector<16xf32>
      %parallel_loop3A_1042 = vector.extract_strided_slice %parallel_loop3A_185 {offsets = [1], sizes = [1], strides = [1]} : vector<16xf32> to vector<1xf32>
      %parallel_loop3A_1043 = vector.extract %parallel_loop3A_1042[0] : f32 from vector<1xf32>
      %parallel_loop3A_1044 = vector.broadcast %parallel_loop3A_1043 : f32 to vector<16xf32>
      %parallel_loop3A_1045 = arith.subf %parallel_loop3A_198, %parallel_loop3A_1041 : vector<16xf32>
      %parallel_loop3A_1046 = arith.subf %parallel_loop3A_201, %parallel_loop3A_1044 : vector<16xf32>
      %parallel_loop3A_1047 = arith.mulf %parallel_loop3A_1045, %parallel_loop3A_1045 : vector<16xf32>
      %parallel_loop3A_1048 = arith.mulf %parallel_loop3A_1046, %parallel_loop3A_1046 : vector<16xf32>
      %parallel_loop3A_1049 = arith.addf %parallel_loop3A_1047, %parallel_loop3A_1048 : vector<16xf32>
      %parallel_loop3A_1050 = arith.constant 49 : i32
      %parallel_loop3A_1051 = vector.broadcast %parallel_loop3A_1050 : i32 to vector<16xi32>
      %parallel_loop3A_1052 = arith.cmpi eq, %parallel_loop3A_193, %parallel_loop3A_1051 : vector<16xi32>
      %parallel_loop3A_1053 = vector.broadcast %parallel_loop3A_150 : f32 to vector<16xf32>
      %parallel_loop3A_1054 = arith.select %parallel_loop3A_1052, %parallel_loop3A_1053, %parallel_loop3A_1049 : vector<16xi1>, vector<16xf32>
      %parallel_loop3A_1055 = arith.minimumf %parallel_loop3A_987, %parallel_loop3A_1054 : vector<16xf32>
      %parallel_loop3A_1056 = vector.extract_strided_slice %parallel_loop3A_169 {offsets = [2], sizes = [1], strides = [1]} : vector<16xf32> to vector<1xf32>
      %parallel_loop3A_1057 = vector.extract %parallel_loop3A_1056[0] : f32 from vector<1xf32>
      %parallel_loop3A_1058 = vector.broadcast %parallel_loop3A_1057 : f32 to vector<16xf32>
      %parallel_loop3A_1059 = vector.extract_strided_slice %parallel_loop3A_185 {offsets = [2], sizes = [1], strides = [1]} : vector<16xf32> to vector<1xf32>
      %parallel_loop3A_1060 = vector.extract %parallel_loop3A_1059[0] : f32 from vector<1xf32>
      %parallel_loop3A_1061 = vector.broadcast %parallel_loop3A_1060 : f32 to vector<16xf32>
      %parallel_loop3A_1062 = arith.subf %parallel_loop3A_198, %parallel_loop3A_1058 : vector<16xf32>
      %parallel_loop3A_1063 = arith.subf %parallel_loop3A_201, %parallel_loop3A_1061 : vector<16xf32>
      %parallel_loop3A_1064 = arith.mulf %parallel_loop3A_1062, %parallel_loop3A_1062 : vector<16xf32>
      %parallel_loop3A_1065 = arith.mulf %parallel_loop3A_1063, %parallel_loop3A_1063 : vector<16xf32>
      %parallel_loop3A_1066 = arith.addf %parallel_loop3A_1064, %parallel_loop3A_1065 : vector<16xf32>
      %parallel_loop3A_1067 = arith.constant 50 : i32
      %parallel_loop3A_1068 = vector.broadcast %parallel_loop3A_1067 : i32 to vector<16xi32>
      %parallel_loop3A_1069 = arith.cmpi eq, %parallel_loop3A_193, %parallel_loop3A_1068 : vector<16xi32>
      %parallel_loop3A_1070 = vector.broadcast %parallel_loop3A_150 : f32 to vector<16xf32>
      %parallel_loop3A_1071 = arith.select %parallel_loop3A_1069, %parallel_loop3A_1070, %parallel_loop3A_1066 : vector<16xi1>, vector<16xf32>
      %parallel_loop3A_1072 = arith.minimumf %parallel_loop3A_1004, %parallel_loop3A_1071 : vector<16xf32>
      %parallel_loop3A_1073 = vector.extract_strided_slice %parallel_loop3A_169 {offsets = [3], sizes = [1], strides = [1]} : vector<16xf32> to vector<1xf32>
      %parallel_loop3A_1074 = vector.extract %parallel_loop3A_1073[0] : f32 from vector<1xf32>
      %parallel_loop3A_1075 = vector.broadcast %parallel_loop3A_1074 : f32 to vector<16xf32>
      %parallel_loop3A_1076 = vector.extract_strided_slice %parallel_loop3A_185 {offsets = [3], sizes = [1], strides = [1]} : vector<16xf32> to vector<1xf32>
      %parallel_loop3A_1077 = vector.extract %parallel_loop3A_1076[0] : f32 from vector<1xf32>
      %parallel_loop3A_1078 = vector.broadcast %parallel_loop3A_1077 : f32 to vector<16xf32>
      %parallel_loop3A_1079 = arith.subf %parallel_loop3A_198, %parallel_loop3A_1075 : vector<16xf32>
      %parallel_loop3A_1080 = arith.subf %parallel_loop3A_201, %parallel_loop3A_1078 : vector<16xf32>
      %parallel_loop3A_1081 = arith.mulf %parallel_loop3A_1079, %parallel_loop3A_1079 : vector<16xf32>
      %parallel_loop3A_1082 = arith.mulf %parallel_loop3A_1080, %parallel_loop3A_1080 : vector<16xf32>
      %parallel_loop3A_1083 = arith.addf %parallel_loop3A_1081, %parallel_loop3A_1082 : vector<16xf32>
      %parallel_loop3A_1084 = arith.constant 51 : i32
      %parallel_loop3A_1085 = vector.broadcast %parallel_loop3A_1084 : i32 to vector<16xi32>
      %parallel_loop3A_1086 = arith.cmpi eq, %parallel_loop3A_193, %parallel_loop3A_1085 : vector<16xi32>
      %parallel_loop3A_1087 = vector.broadcast %parallel_loop3A_150 : f32 to vector<16xf32>
      %parallel_loop3A_1088 = arith.select %parallel_loop3A_1086, %parallel_loop3A_1087, %parallel_loop3A_1083 : vector<16xi1>, vector<16xf32>
      %parallel_loop3A_1089 = arith.minimumf %parallel_loop3A_1021, %parallel_loop3A_1088 : vector<16xf32>
      %parallel_loop3A_1090 = vector.extract_strided_slice %parallel_loop3A_169 {offsets = [4], sizes = [1], strides = [1]} : vector<16xf32> to vector<1xf32>
      %parallel_loop3A_1091 = vector.extract %parallel_loop3A_1090[0] : f32 from vector<1xf32>
      %parallel_loop3A_1092 = vector.broadcast %parallel_loop3A_1091 : f32 to vector<16xf32>
      %parallel_loop3A_1093 = vector.extract_strided_slice %parallel_loop3A_185 {offsets = [4], sizes = [1], strides = [1]} : vector<16xf32> to vector<1xf32>
      %parallel_loop3A_1094 = vector.extract %parallel_loop3A_1093[0] : f32 from vector<1xf32>
      %parallel_loop3A_1095 = vector.broadcast %parallel_loop3A_1094 : f32 to vector<16xf32>
      %parallel_loop3A_1096 = arith.subf %parallel_loop3A_198, %parallel_loop3A_1092 : vector<16xf32>
      %parallel_loop3A_1097 = arith.subf %parallel_loop3A_201, %parallel_loop3A_1095 : vector<16xf32>
      %parallel_loop3A_1098 = arith.mulf %parallel_loop3A_1096, %parallel_loop3A_1096 : vector<16xf32>
      %parallel_loop3A_1099 = arith.mulf %parallel_loop3A_1097, %parallel_loop3A_1097 : vector<16xf32>
      %parallel_loop3A_1100 = arith.addf %parallel_loop3A_1098, %parallel_loop3A_1099 : vector<16xf32>
      %parallel_loop3A_1101 = arith.constant 52 : i32
      %parallel_loop3A_1102 = vector.broadcast %parallel_loop3A_1101 : i32 to vector<16xi32>
      %parallel_loop3A_1103 = arith.cmpi eq, %parallel_loop3A_193, %parallel_loop3A_1102 : vector<16xi32>
      %parallel_loop3A_1104 = vector.broadcast %parallel_loop3A_150 : f32 to vector<16xf32>
      %parallel_loop3A_1105 = arith.select %parallel_loop3A_1103, %parallel_loop3A_1104, %parallel_loop3A_1100 : vector<16xi1>, vector<16xf32>
      %parallel_loop3A_1106 = arith.minimumf %parallel_loop3A_1038, %parallel_loop3A_1105 : vector<16xf32>
      %parallel_loop3A_1107 = vector.extract_strided_slice %parallel_loop3A_169 {offsets = [5], sizes = [1], strides = [1]} : vector<16xf32> to vector<1xf32>
      %parallel_loop3A_1108 = vector.extract %parallel_loop3A_1107[0] : f32 from vector<1xf32>
      %parallel_loop3A_1109 = vector.broadcast %parallel_loop3A_1108 : f32 to vector<16xf32>
      %parallel_loop3A_1110 = vector.extract_strided_slice %parallel_loop3A_185 {offsets = [5], sizes = [1], strides = [1]} : vector<16xf32> to vector<1xf32>
      %parallel_loop3A_1111 = vector.extract %parallel_loop3A_1110[0] : f32 from vector<1xf32>
      %parallel_loop3A_1112 = vector.broadcast %parallel_loop3A_1111 : f32 to vector<16xf32>
      %parallel_loop3A_1113 = arith.subf %parallel_loop3A_198, %parallel_loop3A_1109 : vector<16xf32>
      %parallel_loop3A_1114 = arith.subf %parallel_loop3A_201, %parallel_loop3A_1112 : vector<16xf32>
      %parallel_loop3A_1115 = arith.mulf %parallel_loop3A_1113, %parallel_loop3A_1113 : vector<16xf32>
      %parallel_loop3A_1116 = arith.mulf %parallel_loop3A_1114, %parallel_loop3A_1114 : vector<16xf32>
      %parallel_loop3A_1117 = arith.addf %parallel_loop3A_1115, %parallel_loop3A_1116 : vector<16xf32>
      %parallel_loop3A_1118 = arith.constant 53 : i32
      %parallel_loop3A_1119 = vector.broadcast %parallel_loop3A_1118 : i32 to vector<16xi32>
      %parallel_loop3A_1120 = arith.cmpi eq, %parallel_loop3A_193, %parallel_loop3A_1119 : vector<16xi32>
      %parallel_loop3A_1121 = vector.broadcast %parallel_loop3A_150 : f32 to vector<16xf32>
      %parallel_loop3A_1122 = arith.select %parallel_loop3A_1120, %parallel_loop3A_1121, %parallel_loop3A_1117 : vector<16xi1>, vector<16xf32>
      %parallel_loop3A_1123 = arith.minimumf %parallel_loop3A_1055, %parallel_loop3A_1122 : vector<16xf32>
      %parallel_loop3A_1124 = vector.extract_strided_slice %parallel_loop3A_169 {offsets = [6], sizes = [1], strides = [1]} : vector<16xf32> to vector<1xf32>
      %parallel_loop3A_1125 = vector.extract %parallel_loop3A_1124[0] : f32 from vector<1xf32>
      %parallel_loop3A_1126 = vector.broadcast %parallel_loop3A_1125 : f32 to vector<16xf32>
      %parallel_loop3A_1127 = vector.extract_strided_slice %parallel_loop3A_185 {offsets = [6], sizes = [1], strides = [1]} : vector<16xf32> to vector<1xf32>
      %parallel_loop3A_1128 = vector.extract %parallel_loop3A_1127[0] : f32 from vector<1xf32>
      %parallel_loop3A_1129 = vector.broadcast %parallel_loop3A_1128 : f32 to vector<16xf32>
      %parallel_loop3A_1130 = arith.subf %parallel_loop3A_198, %parallel_loop3A_1126 : vector<16xf32>
      %parallel_loop3A_1131 = arith.subf %parallel_loop3A_201, %parallel_loop3A_1129 : vector<16xf32>
      %parallel_loop3A_1132 = arith.mulf %parallel_loop3A_1130, %parallel_loop3A_1130 : vector<16xf32>
      %parallel_loop3A_1133 = arith.mulf %parallel_loop3A_1131, %parallel_loop3A_1131 : vector<16xf32>
      %parallel_loop3A_1134 = arith.addf %parallel_loop3A_1132, %parallel_loop3A_1133 : vector<16xf32>
      %parallel_loop3A_1135 = arith.constant 54 : i32
      %parallel_loop3A_1136 = vector.broadcast %parallel_loop3A_1135 : i32 to vector<16xi32>
      %parallel_loop3A_1137 = arith.cmpi eq, %parallel_loop3A_193, %parallel_loop3A_1136 : vector<16xi32>
      %parallel_loop3A_1138 = vector.broadcast %parallel_loop3A_150 : f32 to vector<16xf32>
      %parallel_loop3A_1139 = arith.select %parallel_loop3A_1137, %parallel_loop3A_1138, %parallel_loop3A_1134 : vector<16xi1>, vector<16xf32>
      %parallel_loop3A_1140 = arith.minimumf %parallel_loop3A_1072, %parallel_loop3A_1139 : vector<16xf32>
      %parallel_loop3A_1141 = vector.extract_strided_slice %parallel_loop3A_169 {offsets = [7], sizes = [1], strides = [1]} : vector<16xf32> to vector<1xf32>
      %parallel_loop3A_1142 = vector.extract %parallel_loop3A_1141[0] : f32 from vector<1xf32>
      %parallel_loop3A_1143 = vector.broadcast %parallel_loop3A_1142 : f32 to vector<16xf32>
      %parallel_loop3A_1144 = vector.extract_strided_slice %parallel_loop3A_185 {offsets = [7], sizes = [1], strides = [1]} : vector<16xf32> to vector<1xf32>
      %parallel_loop3A_1145 = vector.extract %parallel_loop3A_1144[0] : f32 from vector<1xf32>
      %parallel_loop3A_1146 = vector.broadcast %parallel_loop3A_1145 : f32 to vector<16xf32>
      %parallel_loop3A_1147 = arith.subf %parallel_loop3A_198, %parallel_loop3A_1143 : vector<16xf32>
      %parallel_loop3A_1148 = arith.subf %parallel_loop3A_201, %parallel_loop3A_1146 : vector<16xf32>
      %parallel_loop3A_1149 = arith.mulf %parallel_loop3A_1147, %parallel_loop3A_1147 : vector<16xf32>
      %parallel_loop3A_1150 = arith.mulf %parallel_loop3A_1148, %parallel_loop3A_1148 : vector<16xf32>
      %parallel_loop3A_1151 = arith.addf %parallel_loop3A_1149, %parallel_loop3A_1150 : vector<16xf32>
      %parallel_loop3A_1152 = arith.constant 55 : i32
      %parallel_loop3A_1153 = vector.broadcast %parallel_loop3A_1152 : i32 to vector<16xi32>
      %parallel_loop3A_1154 = arith.cmpi eq, %parallel_loop3A_193, %parallel_loop3A_1153 : vector<16xi32>
      %parallel_loop3A_1155 = vector.broadcast %parallel_loop3A_150 : f32 to vector<16xf32>
      %parallel_loop3A_1156 = arith.select %parallel_loop3A_1154, %parallel_loop3A_1155, %parallel_loop3A_1151 : vector<16xi1>, vector<16xf32>
      %parallel_loop3A_1157 = arith.minimumf %parallel_loop3A_1089, %parallel_loop3A_1156 : vector<16xf32>
      %parallel_loop3A_1158 = vector.extract_strided_slice %parallel_loop3A_169 {offsets = [8], sizes = [1], strides = [1]} : vector<16xf32> to vector<1xf32>
      %parallel_loop3A_1159 = vector.extract %parallel_loop3A_1158[0] : f32 from vector<1xf32>
      %parallel_loop3A_1160 = vector.broadcast %parallel_loop3A_1159 : f32 to vector<16xf32>
      %parallel_loop3A_1161 = vector.extract_strided_slice %parallel_loop3A_185 {offsets = [8], sizes = [1], strides = [1]} : vector<16xf32> to vector<1xf32>
      %parallel_loop3A_1162 = vector.extract %parallel_loop3A_1161[0] : f32 from vector<1xf32>
      %parallel_loop3A_1163 = vector.broadcast %parallel_loop3A_1162 : f32 to vector<16xf32>
      %parallel_loop3A_1164 = arith.subf %parallel_loop3A_198, %parallel_loop3A_1160 : vector<16xf32>
      %parallel_loop3A_1165 = arith.subf %parallel_loop3A_201, %parallel_loop3A_1163 : vector<16xf32>
      %parallel_loop3A_1166 = arith.mulf %parallel_loop3A_1164, %parallel_loop3A_1164 : vector<16xf32>
      %parallel_loop3A_1167 = arith.mulf %parallel_loop3A_1165, %parallel_loop3A_1165 : vector<16xf32>
      %parallel_loop3A_1168 = arith.addf %parallel_loop3A_1166, %parallel_loop3A_1167 : vector<16xf32>
      %parallel_loop3A_1169 = arith.constant 56 : i32
      %parallel_loop3A_1170 = vector.broadcast %parallel_loop3A_1169 : i32 to vector<16xi32>
      %parallel_loop3A_1171 = arith.cmpi eq, %parallel_loop3A_193, %parallel_loop3A_1170 : vector<16xi32>
      %parallel_loop3A_1172 = vector.broadcast %parallel_loop3A_150 : f32 to vector<16xf32>
      %parallel_loop3A_1173 = arith.select %parallel_loop3A_1171, %parallel_loop3A_1172, %parallel_loop3A_1168 : vector<16xi1>, vector<16xf32>
      %parallel_loop3A_1174 = arith.minimumf %parallel_loop3A_1106, %parallel_loop3A_1173 : vector<16xf32>
      %parallel_loop3A_1175 = vector.extract_strided_slice %parallel_loop3A_169 {offsets = [9], sizes = [1], strides = [1]} : vector<16xf32> to vector<1xf32>
      %parallel_loop3A_1176 = vector.extract %parallel_loop3A_1175[0] : f32 from vector<1xf32>
      %parallel_loop3A_1177 = vector.broadcast %parallel_loop3A_1176 : f32 to vector<16xf32>
      %parallel_loop3A_1178 = vector.extract_strided_slice %parallel_loop3A_185 {offsets = [9], sizes = [1], strides = [1]} : vector<16xf32> to vector<1xf32>
      %parallel_loop3A_1179 = vector.extract %parallel_loop3A_1178[0] : f32 from vector<1xf32>
      %parallel_loop3A_1180 = vector.broadcast %parallel_loop3A_1179 : f32 to vector<16xf32>
      %parallel_loop3A_1181 = arith.subf %parallel_loop3A_198, %parallel_loop3A_1177 : vector<16xf32>
      %parallel_loop3A_1182 = arith.subf %parallel_loop3A_201, %parallel_loop3A_1180 : vector<16xf32>
      %parallel_loop3A_1183 = arith.mulf %parallel_loop3A_1181, %parallel_loop3A_1181 : vector<16xf32>
      %parallel_loop3A_1184 = arith.mulf %parallel_loop3A_1182, %parallel_loop3A_1182 : vector<16xf32>
      %parallel_loop3A_1185 = arith.addf %parallel_loop3A_1183, %parallel_loop3A_1184 : vector<16xf32>
      %parallel_loop3A_1186 = arith.constant 57 : i32
      %parallel_loop3A_1187 = vector.broadcast %parallel_loop3A_1186 : i32 to vector<16xi32>
      %parallel_loop3A_1188 = arith.cmpi eq, %parallel_loop3A_193, %parallel_loop3A_1187 : vector<16xi32>
      %parallel_loop3A_1189 = vector.broadcast %parallel_loop3A_150 : f32 to vector<16xf32>
      %parallel_loop3A_1190 = arith.select %parallel_loop3A_1188, %parallel_loop3A_1189, %parallel_loop3A_1185 : vector<16xi1>, vector<16xf32>
      %parallel_loop3A_1191 = arith.minimumf %parallel_loop3A_1123, %parallel_loop3A_1190 : vector<16xf32>
      %parallel_loop3A_1192 = vector.extract_strided_slice %parallel_loop3A_169 {offsets = [10], sizes = [1], strides = [1]} : vector<16xf32> to vector<1xf32>
      %parallel_loop3A_1193 = vector.extract %parallel_loop3A_1192[0] : f32 from vector<1xf32>
      %parallel_loop3A_1194 = vector.broadcast %parallel_loop3A_1193 : f32 to vector<16xf32>
      %parallel_loop3A_1195 = vector.extract_strided_slice %parallel_loop3A_185 {offsets = [10], sizes = [1], strides = [1]} : vector<16xf32> to vector<1xf32>
      %parallel_loop3A_1196 = vector.extract %parallel_loop3A_1195[0] : f32 from vector<1xf32>
      %parallel_loop3A_1197 = vector.broadcast %parallel_loop3A_1196 : f32 to vector<16xf32>
      %parallel_loop3A_1198 = arith.subf %parallel_loop3A_198, %parallel_loop3A_1194 : vector<16xf32>
      %parallel_loop3A_1199 = arith.subf %parallel_loop3A_201, %parallel_loop3A_1197 : vector<16xf32>
      %parallel_loop3A_1200 = arith.mulf %parallel_loop3A_1198, %parallel_loop3A_1198 : vector<16xf32>
      %parallel_loop3A_1201 = arith.mulf %parallel_loop3A_1199, %parallel_loop3A_1199 : vector<16xf32>
      %parallel_loop3A_1202 = arith.addf %parallel_loop3A_1200, %parallel_loop3A_1201 : vector<16xf32>
      %parallel_loop3A_1203 = arith.constant 58 : i32
      %parallel_loop3A_1204 = vector.broadcast %parallel_loop3A_1203 : i32 to vector<16xi32>
      %parallel_loop3A_1205 = arith.cmpi eq, %parallel_loop3A_193, %parallel_loop3A_1204 : vector<16xi32>
      %parallel_loop3A_1206 = vector.broadcast %parallel_loop3A_150 : f32 to vector<16xf32>
      %parallel_loop3A_1207 = arith.select %parallel_loop3A_1205, %parallel_loop3A_1206, %parallel_loop3A_1202 : vector<16xi1>, vector<16xf32>
      %parallel_loop3A_1208 = arith.minimumf %parallel_loop3A_1140, %parallel_loop3A_1207 : vector<16xf32>
      %parallel_loop3A_1209 = vector.extract_strided_slice %parallel_loop3A_169 {offsets = [11], sizes = [1], strides = [1]} : vector<16xf32> to vector<1xf32>
      %parallel_loop3A_1210 = vector.extract %parallel_loop3A_1209[0] : f32 from vector<1xf32>
      %parallel_loop3A_1211 = vector.broadcast %parallel_loop3A_1210 : f32 to vector<16xf32>
      %parallel_loop3A_1212 = vector.extract_strided_slice %parallel_loop3A_185 {offsets = [11], sizes = [1], strides = [1]} : vector<16xf32> to vector<1xf32>
      %parallel_loop3A_1213 = vector.extract %parallel_loop3A_1212[0] : f32 from vector<1xf32>
      %parallel_loop3A_1214 = vector.broadcast %parallel_loop3A_1213 : f32 to vector<16xf32>
      %parallel_loop3A_1215 = arith.subf %parallel_loop3A_198, %parallel_loop3A_1211 : vector<16xf32>
      %parallel_loop3A_1216 = arith.subf %parallel_loop3A_201, %parallel_loop3A_1214 : vector<16xf32>
      %parallel_loop3A_1217 = arith.mulf %parallel_loop3A_1215, %parallel_loop3A_1215 : vector<16xf32>
      %parallel_loop3A_1218 = arith.mulf %parallel_loop3A_1216, %parallel_loop3A_1216 : vector<16xf32>
      %parallel_loop3A_1219 = arith.addf %parallel_loop3A_1217, %parallel_loop3A_1218 : vector<16xf32>
      %parallel_loop3A_1220 = arith.constant 59 : i32
      %parallel_loop3A_1221 = vector.broadcast %parallel_loop3A_1220 : i32 to vector<16xi32>
      %parallel_loop3A_1222 = arith.cmpi eq, %parallel_loop3A_193, %parallel_loop3A_1221 : vector<16xi32>
      %parallel_loop3A_1223 = vector.broadcast %parallel_loop3A_150 : f32 to vector<16xf32>
      %parallel_loop3A_1224 = arith.select %parallel_loop3A_1222, %parallel_loop3A_1223, %parallel_loop3A_1219 : vector<16xi1>, vector<16xf32>
      %parallel_loop3A_1225 = arith.minimumf %parallel_loop3A_1157, %parallel_loop3A_1224 : vector<16xf32>
      %parallel_loop3A_1226 = vector.extract_strided_slice %parallel_loop3A_169 {offsets = [12], sizes = [1], strides = [1]} : vector<16xf32> to vector<1xf32>
      %parallel_loop3A_1227 = vector.extract %parallel_loop3A_1226[0] : f32 from vector<1xf32>
      %parallel_loop3A_1228 = vector.broadcast %parallel_loop3A_1227 : f32 to vector<16xf32>
      %parallel_loop3A_1229 = vector.extract_strided_slice %parallel_loop3A_185 {offsets = [12], sizes = [1], strides = [1]} : vector<16xf32> to vector<1xf32>
      %parallel_loop3A_1230 = vector.extract %parallel_loop3A_1229[0] : f32 from vector<1xf32>
      %parallel_loop3A_1231 = vector.broadcast %parallel_loop3A_1230 : f32 to vector<16xf32>
      %parallel_loop3A_1232 = arith.subf %parallel_loop3A_198, %parallel_loop3A_1228 : vector<16xf32>
      %parallel_loop3A_1233 = arith.subf %parallel_loop3A_201, %parallel_loop3A_1231 : vector<16xf32>
      %parallel_loop3A_1234 = arith.mulf %parallel_loop3A_1232, %parallel_loop3A_1232 : vector<16xf32>
      %parallel_loop3A_1235 = arith.mulf %parallel_loop3A_1233, %parallel_loop3A_1233 : vector<16xf32>
      %parallel_loop3A_1236 = arith.addf %parallel_loop3A_1234, %parallel_loop3A_1235 : vector<16xf32>
      %parallel_loop3A_1237 = arith.constant 60 : i32
      %parallel_loop3A_1238 = vector.broadcast %parallel_loop3A_1237 : i32 to vector<16xi32>
      %parallel_loop3A_1239 = arith.cmpi eq, %parallel_loop3A_193, %parallel_loop3A_1238 : vector<16xi32>
      %parallel_loop3A_1240 = vector.broadcast %parallel_loop3A_150 : f32 to vector<16xf32>
      %parallel_loop3A_1241 = arith.select %parallel_loop3A_1239, %parallel_loop3A_1240, %parallel_loop3A_1236 : vector<16xi1>, vector<16xf32>
      %parallel_loop3A_1242 = arith.minimumf %parallel_loop3A_1174, %parallel_loop3A_1241 : vector<16xf32>
      %parallel_loop3A_1243 = vector.extract_strided_slice %parallel_loop3A_169 {offsets = [13], sizes = [1], strides = [1]} : vector<16xf32> to vector<1xf32>
      %parallel_loop3A_1244 = vector.extract %parallel_loop3A_1243[0] : f32 from vector<1xf32>
      %parallel_loop3A_1245 = vector.broadcast %parallel_loop3A_1244 : f32 to vector<16xf32>
      %parallel_loop3A_1246 = vector.extract_strided_slice %parallel_loop3A_185 {offsets = [13], sizes = [1], strides = [1]} : vector<16xf32> to vector<1xf32>
      %parallel_loop3A_1247 = vector.extract %parallel_loop3A_1246[0] : f32 from vector<1xf32>
      %parallel_loop3A_1248 = vector.broadcast %parallel_loop3A_1247 : f32 to vector<16xf32>
      %parallel_loop3A_1249 = arith.subf %parallel_loop3A_198, %parallel_loop3A_1245 : vector<16xf32>
      %parallel_loop3A_1250 = arith.subf %parallel_loop3A_201, %parallel_loop3A_1248 : vector<16xf32>
      %parallel_loop3A_1251 = arith.mulf %parallel_loop3A_1249, %parallel_loop3A_1249 : vector<16xf32>
      %parallel_loop3A_1252 = arith.mulf %parallel_loop3A_1250, %parallel_loop3A_1250 : vector<16xf32>
      %parallel_loop3A_1253 = arith.addf %parallel_loop3A_1251, %parallel_loop3A_1252 : vector<16xf32>
      %parallel_loop3A_1254 = arith.constant 61 : i32
      %parallel_loop3A_1255 = vector.broadcast %parallel_loop3A_1254 : i32 to vector<16xi32>
      %parallel_loop3A_1256 = arith.cmpi eq, %parallel_loop3A_193, %parallel_loop3A_1255 : vector<16xi32>
      %parallel_loop3A_1257 = vector.broadcast %parallel_loop3A_150 : f32 to vector<16xf32>
      %parallel_loop3A_1258 = arith.select %parallel_loop3A_1256, %parallel_loop3A_1257, %parallel_loop3A_1253 : vector<16xi1>, vector<16xf32>
      %parallel_loop3A_1259 = arith.minimumf %parallel_loop3A_1191, %parallel_loop3A_1258 : vector<16xf32>
      %parallel_loop3A_1260 = vector.extract_strided_slice %parallel_loop3A_169 {offsets = [14], sizes = [1], strides = [1]} : vector<16xf32> to vector<1xf32>
      %parallel_loop3A_1261 = vector.extract %parallel_loop3A_1260[0] : f32 from vector<1xf32>
      %parallel_loop3A_1262 = vector.broadcast %parallel_loop3A_1261 : f32 to vector<16xf32>
      %parallel_loop3A_1263 = vector.extract_strided_slice %parallel_loop3A_185 {offsets = [14], sizes = [1], strides = [1]} : vector<16xf32> to vector<1xf32>
      %parallel_loop3A_1264 = vector.extract %parallel_loop3A_1263[0] : f32 from vector<1xf32>
      %parallel_loop3A_1265 = vector.broadcast %parallel_loop3A_1264 : f32 to vector<16xf32>
      %parallel_loop3A_1266 = arith.subf %parallel_loop3A_198, %parallel_loop3A_1262 : vector<16xf32>
      %parallel_loop3A_1267 = arith.subf %parallel_loop3A_201, %parallel_loop3A_1265 : vector<16xf32>
      %parallel_loop3A_1268 = arith.mulf %parallel_loop3A_1266, %parallel_loop3A_1266 : vector<16xf32>
      %parallel_loop3A_1269 = arith.mulf %parallel_loop3A_1267, %parallel_loop3A_1267 : vector<16xf32>
      %parallel_loop3A_1270 = arith.addf %parallel_loop3A_1268, %parallel_loop3A_1269 : vector<16xf32>
      %parallel_loop3A_1271 = arith.constant 62 : i32
      %parallel_loop3A_1272 = vector.broadcast %parallel_loop3A_1271 : i32 to vector<16xi32>
      %parallel_loop3A_1273 = arith.cmpi eq, %parallel_loop3A_193, %parallel_loop3A_1272 : vector<16xi32>
      %parallel_loop3A_1274 = vector.broadcast %parallel_loop3A_150 : f32 to vector<16xf32>
      %parallel_loop3A_1275 = arith.select %parallel_loop3A_1273, %parallel_loop3A_1274, %parallel_loop3A_1270 : vector<16xi1>, vector<16xf32>
      %parallel_loop3A_1276 = arith.minimumf %parallel_loop3A_1208, %parallel_loop3A_1275 : vector<16xf32>
      %parallel_loop3A_1277 = vector.extract_strided_slice %parallel_loop3A_169 {offsets = [15], sizes = [1], strides = [1]} : vector<16xf32> to vector<1xf32>
      %parallel_loop3A_1278 = vector.extract %parallel_loop3A_1277[0] : f32 from vector<1xf32>
      %parallel_loop3A_1279 = vector.broadcast %parallel_loop3A_1278 : f32 to vector<16xf32>
      %parallel_loop3A_1280 = vector.extract_strided_slice %parallel_loop3A_185 {offsets = [15], sizes = [1], strides = [1]} : vector<16xf32> to vector<1xf32>
      %parallel_loop3A_1281 = vector.extract %parallel_loop3A_1280[0] : f32 from vector<1xf32>
      %parallel_loop3A_1282 = vector.broadcast %parallel_loop3A_1281 : f32 to vector<16xf32>
      %parallel_loop3A_1283 = arith.subf %parallel_loop3A_198, %parallel_loop3A_1279 : vector<16xf32>
      %parallel_loop3A_1284 = arith.subf %parallel_loop3A_201, %parallel_loop3A_1282 : vector<16xf32>
      %parallel_loop3A_1285 = arith.mulf %parallel_loop3A_1283, %parallel_loop3A_1283 : vector<16xf32>
      %parallel_loop3A_1286 = arith.mulf %parallel_loop3A_1284, %parallel_loop3A_1284 : vector<16xf32>
      %parallel_loop3A_1287 = arith.addf %parallel_loop3A_1285, %parallel_loop3A_1286 : vector<16xf32>
      %parallel_loop3A_1288 = arith.constant 63 : i32
      %parallel_loop3A_1289 = vector.broadcast %parallel_loop3A_1288 : i32 to vector<16xi32>
      %parallel_loop3A_1290 = arith.cmpi eq, %parallel_loop3A_193, %parallel_loop3A_1289 : vector<16xi32>
      %parallel_loop3A_1291 = vector.broadcast %parallel_loop3A_150 : f32 to vector<16xf32>
      %parallel_loop3A_1292 = arith.select %parallel_loop3A_1290, %parallel_loop3A_1291, %parallel_loop3A_1287 : vector<16xi1>, vector<16xf32>
      %parallel_loop3A_1293 = arith.minimumf %parallel_loop3A_1225, %parallel_loop3A_1292 : vector<16xf32>
      %parallel_loop3A_1294 = arith.minimumf %parallel_loop3A_1242, %parallel_loop3A_1259 : vector<16xf32>
      %parallel_loop3A_1295 = arith.minimumf %parallel_loop3A_1276, %parallel_loop3A_1293 : vector<16xf32>
      %parallel_loop3A_1296 = arith.minimumf %parallel_loop3A_1294, %parallel_loop3A_1295 : vector<16xf32>
      tpu.vector_store_idx %arg16[%parallel_loop3A_195], %parallel_loop3A_1296 : memref<12288xf32, #tpu.memory_space<vmem>>[vector<16xi32>], vector<16xf32>,
      %parallel_loop3A_1297 = arith.constant 16 : i32
      %parallel_loop3A_1298 = arith.muli %parallel_loop3A_151, %parallel_loop3A_1297 : i32
      %parallel_loop3A_1299 = arith.index_cast %parallel_loop3A_1298 : i32 to index
      %parallel_loop3A_1300 = tpu.vector_load %arg21[%parallel_loop3A_1299] {strides = array<i32>} : memref<2048xi32, #tpu.memory_space<vmem>>, vector<16xi32>,
      %parallel_loop3A_1301 = arith.constant true
      %parallel_loop3A_1302 = vector.broadcast %parallel_loop3A_1301 : i1 to vector<16xi1>
      %parallel_loop3A_1303 = arith.constant -2147483648 : i32
      %parallel_loop3A_1304 = vector.broadcast %parallel_loop3A_1303 : i32 to vector<16xi32>
      %parallel_loop3A_1305 = arith.xori %parallel_loop3A_1300, %parallel_loop3A_1304 : vector<16xi32>
      %parallel_loop3A_1306 = tpu.scan <max>, %parallel_loop3A_1305 masked %parallel_loop3A_1302 : vector<16xi32>, vector<16xi1> -> vector<16xi32>
      %parallel_loop3A_1307 = arith.xori %parallel_loop3A_1306, %parallel_loop3A_1304 : vector<16xi32>
      %parallel_loop3A_1308 = vector.extract %parallel_loop3A_1307[15] : i32 from vector<16xi32>
      %parallel_loop3A_1309 = arith.constant 16 : i32
      %parallel_loop3A_1310 = arith.cmpi sgt, %parallel_loop3A_1308, %parallel_loop3A_1309 : i32
      %parallel_loop3A_1311 = arith.extui %parallel_loop3A_1310 : i1 to i32
      %parallel_loop3A_1312 = arith.constant 0 : i32
      %parallel_loop3A_1313 = arith.cmpi ne, %parallel_loop3A_1311, %parallel_loop3A_1312 : i32
      scf.if %parallel_loop3A_1313 {
        %parallel_loop3A_1314 = arith.constant 2 : i32
        %parallel_loop3A_1315 = arith.muli %parallel_loop3A_151, %parallel_loop3A_1314 : i32
        %parallel_loop3A_1316 = arith.constant 1 : i32
        %parallel_loop3A_1317 = arith.addi %parallel_loop3A_1315, %parallel_loop3A_1316 : i32
        %parallel_loop3A_1318 = arith.constant 16 : i32
        %parallel_loop3A_1319 = arith.muli %parallel_loop3A_1317, %parallel_loop3A_1318 : i32
        %parallel_loop3A_1320 = arith.index_cast %parallel_loop3A_1319 : i32 to index
        %parallel_loop3A_1321 = tpu.vector_load %arg22[%parallel_loop3A_1320] {strides = array<i32>} : memref<4096xi32, #tpu.memory_space<vmem>>, vector<16xi32>,
        %parallel_loop3A_1322 = arith.index_cast %parallel_loop3A_1319 : i32 to index
        %parallel_loop3A_1323 = tpu.vector_load %arg23[%parallel_loop3A_1322] {strides = array<i32>} : memref<4096xi32, #tpu.memory_space<vmem>>, vector<16xi32>,
        %parallel_loop3A_1324 = vector.broadcast %parallel_loop3A_153 : i32 to vector<16xi32>
        %parallel_loop3A_1325 = arith.addi %parallel_loop3A_1321, %parallel_loop3A_1324 : vector<16xi32>
        %parallel_loop3A_1326 = tpu.vector_load_idx %arg14[%parallel_loop3A_1325] : memref<8192xf32, #tpu.memory_space<vmem>>[vector<16xi32>], vector<16xf32>,
        %parallel_loop3A_1327 = vector.broadcast %parallel_loop3A_153 : i32 to vector<16xi32>
        %parallel_loop3A_1328 = arith.addi %parallel_loop3A_1321, %parallel_loop3A_1327 : vector<16xi32>
        %parallel_loop3A_1329 = tpu.vector_load_idx %arg15[%parallel_loop3A_1328] : memref<8192xf32, #tpu.memory_space<vmem>>[vector<16xi32>], vector<16xf32>,
        %parallel_loop3A_1330 = vector.broadcast %parallel_loop3A_150 : f32 to vector<16xf32>
        %parallel_loop3A_1331 = vector.broadcast %parallel_loop3A_150 : f32 to vector<16xf32>
        %parallel_loop3A_1332 = vector.broadcast %parallel_loop3A_150 : f32 to vector<16xf32>
        %parallel_loop3A_1333 = vector.broadcast %parallel_loop3A_150 : f32 to vector<16xf32>
        %parallel_loop3A_1334 = vector.extract_strided_slice %parallel_loop3A_157 {offsets = [0], sizes = [1], strides = [1]} : vector<16xf32> to vector<1xf32>
        %parallel_loop3A_1335 = vector.extract %parallel_loop3A_1334[0] : f32 from vector<1xf32>
        %parallel_loop3A_1336 = vector.broadcast %parallel_loop3A_1335 : f32 to vector<16xf32>
        %parallel_loop3A_1337 = vector.extract_strided_slice %parallel_loop3A_173 {offsets = [0], sizes = [1], strides = [1]} : vector<16xf32> to vector<1xf32>
        %parallel_loop3A_1338 = vector.extract %parallel_loop3A_1337[0] : f32 from vector<1xf32>
        %parallel_loop3A_1339 = vector.broadcast %parallel_loop3A_1338 : f32 to vector<16xf32>
        %parallel_loop3A_1340 = arith.subf %parallel_loop3A_1326, %parallel_loop3A_1336 : vector<16xf32>
        %parallel_loop3A_1341 = arith.subf %parallel_loop3A_1329, %parallel_loop3A_1339 : vector<16xf32>
        %parallel_loop3A_1342 = arith.mulf %parallel_loop3A_1340, %parallel_loop3A_1340 : vector<16xf32>
        %parallel_loop3A_1343 = arith.mulf %parallel_loop3A_1341, %parallel_loop3A_1341 : vector<16xf32>
        %parallel_loop3A_1344 = arith.addf %parallel_loop3A_1342, %parallel_loop3A_1343 : vector<16xf32>
        %parallel_loop3A_1345 = arith.constant 0 : i32
        %parallel_loop3A_1346 = vector.broadcast %parallel_loop3A_1345 : i32 to vector<16xi32>
        %parallel_loop3A_1347 = arith.cmpi eq, %parallel_loop3A_1321, %parallel_loop3A_1346 : vector<16xi32>
        %parallel_loop3A_1348 = vector.broadcast %parallel_loop3A_150 : f32 to vector<16xf32>
        %parallel_loop3A_1349 = arith.select %parallel_loop3A_1347, %parallel_loop3A_1348, %parallel_loop3A_1344 : vector<16xi1>, vector<16xf32>
        %parallel_loop3A_1350 = arith.minimumf %parallel_loop3A_1330, %parallel_loop3A_1349 : vector<16xf32>
        %parallel_loop3A_1351 = vector.extract_strided_slice %parallel_loop3A_157 {offsets = [1], sizes = [1], strides = [1]} : vector<16xf32> to vector<1xf32>
        %parallel_loop3A_1352 = vector.extract %parallel_loop3A_1351[0] : f32 from vector<1xf32>
        %parallel_loop3A_1353 = vector.broadcast %parallel_loop3A_1352 : f32 to vector<16xf32>
        %parallel_loop3A_1354 = vector.extract_strided_slice %parallel_loop3A_173 {offsets = [1], sizes = [1], strides = [1]} : vector<16xf32> to vector<1xf32>
        %parallel_loop3A_1355 = vector.extract %parallel_loop3A_1354[0] : f32 from vector<1xf32>
        %parallel_loop3A_1356 = vector.broadcast %parallel_loop3A_1355 : f32 to vector<16xf32>
        %parallel_loop3A_1357 = arith.subf %parallel_loop3A_1326, %parallel_loop3A_1353 : vector<16xf32>
        %parallel_loop3A_1358 = arith.subf %parallel_loop3A_1329, %parallel_loop3A_1356 : vector<16xf32>
        %parallel_loop3A_1359 = arith.mulf %parallel_loop3A_1357, %parallel_loop3A_1357 : vector<16xf32>
        %parallel_loop3A_1360 = arith.mulf %parallel_loop3A_1358, %parallel_loop3A_1358 : vector<16xf32>
        %parallel_loop3A_1361 = arith.addf %parallel_loop3A_1359, %parallel_loop3A_1360 : vector<16xf32>
        %parallel_loop3A_1362 = arith.constant 1 : i32
        %parallel_loop3A_1363 = vector.broadcast %parallel_loop3A_1362 : i32 to vector<16xi32>
        %parallel_loop3A_1364 = arith.cmpi eq, %parallel_loop3A_1321, %parallel_loop3A_1363 : vector<16xi32>
        %parallel_loop3A_1365 = vector.broadcast %parallel_loop3A_150 : f32 to vector<16xf32>
        %parallel_loop3A_1366 = arith.select %parallel_loop3A_1364, %parallel_loop3A_1365, %parallel_loop3A_1361 : vector<16xi1>, vector<16xf32>
        %parallel_loop3A_1367 = arith.minimumf %parallel_loop3A_1331, %parallel_loop3A_1366 : vector<16xf32>
        %parallel_loop3A_1368 = vector.extract_strided_slice %parallel_loop3A_157 {offsets = [2], sizes = [1], strides = [1]} : vector<16xf32> to vector<1xf32>
        %parallel_loop3A_1369 = vector.extract %parallel_loop3A_1368[0] : f32 from vector<1xf32>
        %parallel_loop3A_1370 = vector.broadcast %parallel_loop3A_1369 : f32 to vector<16xf32>
        %parallel_loop3A_1371 = vector.extract_strided_slice %parallel_loop3A_173 {offsets = [2], sizes = [1], strides = [1]} : vector<16xf32> to vector<1xf32>
        %parallel_loop3A_1372 = vector.extract %parallel_loop3A_1371[0] : f32 from vector<1xf32>
        %parallel_loop3A_1373 = vector.broadcast %parallel_loop3A_1372 : f32 to vector<16xf32>
        %parallel_loop3A_1374 = arith.subf %parallel_loop3A_1326, %parallel_loop3A_1370 : vector<16xf32>
        %parallel_loop3A_1375 = arith.subf %parallel_loop3A_1329, %parallel_loop3A_1373 : vector<16xf32>
        %parallel_loop3A_1376 = arith.mulf %parallel_loop3A_1374, %parallel_loop3A_1374 : vector<16xf32>
        %parallel_loop3A_1377 = arith.mulf %parallel_loop3A_1375, %parallel_loop3A_1375 : vector<16xf32>
        %parallel_loop3A_1378 = arith.addf %parallel_loop3A_1376, %parallel_loop3A_1377 : vector<16xf32>
        %parallel_loop3A_1379 = arith.constant 2 : i32
        %parallel_loop3A_1380 = vector.broadcast %parallel_loop3A_1379 : i32 to vector<16xi32>
        %parallel_loop3A_1381 = arith.cmpi eq, %parallel_loop3A_1321, %parallel_loop3A_1380 : vector<16xi32>
        %parallel_loop3A_1382 = vector.broadcast %parallel_loop3A_150 : f32 to vector<16xf32>
        %parallel_loop3A_1383 = arith.select %parallel_loop3A_1381, %parallel_loop3A_1382, %parallel_loop3A_1378 : vector<16xi1>, vector<16xf32>
        %parallel_loop3A_1384 = arith.minimumf %parallel_loop3A_1332, %parallel_loop3A_1383 : vector<16xf32>
        %parallel_loop3A_1385 = vector.extract_strided_slice %parallel_loop3A_157 {offsets = [3], sizes = [1], strides = [1]} : vector<16xf32> to vector<1xf32>
        %parallel_loop3A_1386 = vector.extract %parallel_loop3A_1385[0] : f32 from vector<1xf32>
        %parallel_loop3A_1387 = vector.broadcast %parallel_loop3A_1386 : f32 to vector<16xf32>
        %parallel_loop3A_1388 = vector.extract_strided_slice %parallel_loop3A_173 {offsets = [3], sizes = [1], strides = [1]} : vector<16xf32> to vector<1xf32>
        %parallel_loop3A_1389 = vector.extract %parallel_loop3A_1388[0] : f32 from vector<1xf32>
        %parallel_loop3A_1390 = vector.broadcast %parallel_loop3A_1389 : f32 to vector<16xf32>
        %parallel_loop3A_1391 = arith.subf %parallel_loop3A_1326, %parallel_loop3A_1387 : vector<16xf32>
        %parallel_loop3A_1392 = arith.subf %parallel_loop3A_1329, %parallel_loop3A_1390 : vector<16xf32>
        %parallel_loop3A_1393 = arith.mulf %parallel_loop3A_1391, %parallel_loop3A_1391 : vector<16xf32>
        %parallel_loop3A_1394 = arith.mulf %parallel_loop3A_1392, %parallel_loop3A_1392 : vector<16xf32>
        %parallel_loop3A_1395 = arith.addf %parallel_loop3A_1393, %parallel_loop3A_1394 : vector<16xf32>
        %parallel_loop3A_1396 = arith.constant 3 : i32
        %parallel_loop3A_1397 = vector.broadcast %parallel_loop3A_1396 : i32 to vector<16xi32>
        %parallel_loop3A_1398 = arith.cmpi eq, %parallel_loop3A_1321, %parallel_loop3A_1397 : vector<16xi32>
        %parallel_loop3A_1399 = vector.broadcast %parallel_loop3A_150 : f32 to vector<16xf32>
        %parallel_loop3A_1400 = arith.select %parallel_loop3A_1398, %parallel_loop3A_1399, %parallel_loop3A_1395 : vector<16xi1>, vector<16xf32>
        %parallel_loop3A_1401 = arith.minimumf %parallel_loop3A_1333, %parallel_loop3A_1400 : vector<16xf32>
        %parallel_loop3A_1402 = vector.extract_strided_slice %parallel_loop3A_157 {offsets = [4], sizes = [1], strides = [1]} : vector<16xf32> to vector<1xf32>
        %parallel_loop3A_1403 = vector.extract %parallel_loop3A_1402[0] : f32 from vector<1xf32>
        %parallel_loop3A_1404 = vector.broadcast %parallel_loop3A_1403 : f32 to vector<16xf32>
        %parallel_loop3A_1405 = vector.extract_strided_slice %parallel_loop3A_173 {offsets = [4], sizes = [1], strides = [1]} : vector<16xf32> to vector<1xf32>
        %parallel_loop3A_1406 = vector.extract %parallel_loop3A_1405[0] : f32 from vector<1xf32>
        %parallel_loop3A_1407 = vector.broadcast %parallel_loop3A_1406 : f32 to vector<16xf32>
        %parallel_loop3A_1408 = arith.subf %parallel_loop3A_1326, %parallel_loop3A_1404 : vector<16xf32>
        %parallel_loop3A_1409 = arith.subf %parallel_loop3A_1329, %parallel_loop3A_1407 : vector<16xf32>
        %parallel_loop3A_1410 = arith.mulf %parallel_loop3A_1408, %parallel_loop3A_1408 : vector<16xf32>
        %parallel_loop3A_1411 = arith.mulf %parallel_loop3A_1409, %parallel_loop3A_1409 : vector<16xf32>
        %parallel_loop3A_1412 = arith.addf %parallel_loop3A_1410, %parallel_loop3A_1411 : vector<16xf32>
        %parallel_loop3A_1413 = arith.constant 4 : i32
        %parallel_loop3A_1414 = vector.broadcast %parallel_loop3A_1413 : i32 to vector<16xi32>
        %parallel_loop3A_1415 = arith.cmpi eq, %parallel_loop3A_1321, %parallel_loop3A_1414 : vector<16xi32>
        %parallel_loop3A_1416 = vector.broadcast %parallel_loop3A_150 : f32 to vector<16xf32>
        %parallel_loop3A_1417 = arith.select %parallel_loop3A_1415, %parallel_loop3A_1416, %parallel_loop3A_1412 : vector<16xi1>, vector<16xf32>
        %parallel_loop3A_1418 = arith.minimumf %parallel_loop3A_1350, %parallel_loop3A_1417 : vector<16xf32>
        %parallel_loop3A_1419 = vector.extract_strided_slice %parallel_loop3A_157 {offsets = [5], sizes = [1], strides = [1]} : vector<16xf32> to vector<1xf32>
        %parallel_loop3A_1420 = vector.extract %parallel_loop3A_1419[0] : f32 from vector<1xf32>
        %parallel_loop3A_1421 = vector.broadcast %parallel_loop3A_1420 : f32 to vector<16xf32>
        %parallel_loop3A_1422 = vector.extract_strided_slice %parallel_loop3A_173 {offsets = [5], sizes = [1], strides = [1]} : vector<16xf32> to vector<1xf32>
        %parallel_loop3A_1423 = vector.extract %parallel_loop3A_1422[0] : f32 from vector<1xf32>
        %parallel_loop3A_1424 = vector.broadcast %parallel_loop3A_1423 : f32 to vector<16xf32>
        %parallel_loop3A_1425 = arith.subf %parallel_loop3A_1326, %parallel_loop3A_1421 : vector<16xf32>
        %parallel_loop3A_1426 = arith.subf %parallel_loop3A_1329, %parallel_loop3A_1424 : vector<16xf32>
        %parallel_loop3A_1427 = arith.mulf %parallel_loop3A_1425, %parallel_loop3A_1425 : vector<16xf32>
        %parallel_loop3A_1428 = arith.mulf %parallel_loop3A_1426, %parallel_loop3A_1426 : vector<16xf32>
        %parallel_loop3A_1429 = arith.addf %parallel_loop3A_1427, %parallel_loop3A_1428 : vector<16xf32>
        %parallel_loop3A_1430 = arith.constant 5 : i32
        %parallel_loop3A_1431 = vector.broadcast %parallel_loop3A_1430 : i32 to vector<16xi32>
        %parallel_loop3A_1432 = arith.cmpi eq, %parallel_loop3A_1321, %parallel_loop3A_1431 : vector<16xi32>
        %parallel_loop3A_1433 = vector.broadcast %parallel_loop3A_150 : f32 to vector<16xf32>
        %parallel_loop3A_1434 = arith.select %parallel_loop3A_1432, %parallel_loop3A_1433, %parallel_loop3A_1429 : vector<16xi1>, vector<16xf32>
        %parallel_loop3A_1435 = arith.minimumf %parallel_loop3A_1367, %parallel_loop3A_1434 : vector<16xf32>
        %parallel_loop3A_1436 = vector.extract_strided_slice %parallel_loop3A_157 {offsets = [6], sizes = [1], strides = [1]} : vector<16xf32> to vector<1xf32>
        %parallel_loop3A_1437 = vector.extract %parallel_loop3A_1436[0] : f32 from vector<1xf32>
        %parallel_loop3A_1438 = vector.broadcast %parallel_loop3A_1437 : f32 to vector<16xf32>
        %parallel_loop3A_1439 = vector.extract_strided_slice %parallel_loop3A_173 {offsets = [6], sizes = [1], strides = [1]} : vector<16xf32> to vector<1xf32>
        %parallel_loop3A_1440 = vector.extract %parallel_loop3A_1439[0] : f32 from vector<1xf32>
        %parallel_loop3A_1441 = vector.broadcast %parallel_loop3A_1440 : f32 to vector<16xf32>
        %parallel_loop3A_1442 = arith.subf %parallel_loop3A_1326, %parallel_loop3A_1438 : vector<16xf32>
        %parallel_loop3A_1443 = arith.subf %parallel_loop3A_1329, %parallel_loop3A_1441 : vector<16xf32>
        %parallel_loop3A_1444 = arith.mulf %parallel_loop3A_1442, %parallel_loop3A_1442 : vector<16xf32>
        %parallel_loop3A_1445 = arith.mulf %parallel_loop3A_1443, %parallel_loop3A_1443 : vector<16xf32>
        %parallel_loop3A_1446 = arith.addf %parallel_loop3A_1444, %parallel_loop3A_1445 : vector<16xf32>
        %parallel_loop3A_1447 = arith.constant 6 : i32
        %parallel_loop3A_1448 = vector.broadcast %parallel_loop3A_1447 : i32 to vector<16xi32>
        %parallel_loop3A_1449 = arith.cmpi eq, %parallel_loop3A_1321, %parallel_loop3A_1448 : vector<16xi32>
        %parallel_loop3A_1450 = vector.broadcast %parallel_loop3A_150 : f32 to vector<16xf32>
        %parallel_loop3A_1451 = arith.select %parallel_loop3A_1449, %parallel_loop3A_1450, %parallel_loop3A_1446 : vector<16xi1>, vector<16xf32>
        %parallel_loop3A_1452 = arith.minimumf %parallel_loop3A_1384, %parallel_loop3A_1451 : vector<16xf32>
        %parallel_loop3A_1453 = vector.extract_strided_slice %parallel_loop3A_157 {offsets = [7], sizes = [1], strides = [1]} : vector<16xf32> to vector<1xf32>
        %parallel_loop3A_1454 = vector.extract %parallel_loop3A_1453[0] : f32 from vector<1xf32>
        %parallel_loop3A_1455 = vector.broadcast %parallel_loop3A_1454 : f32 to vector<16xf32>
        %parallel_loop3A_1456 = vector.extract_strided_slice %parallel_loop3A_173 {offsets = [7], sizes = [1], strides = [1]} : vector<16xf32> to vector<1xf32>
        %parallel_loop3A_1457 = vector.extract %parallel_loop3A_1456[0] : f32 from vector<1xf32>
        %parallel_loop3A_1458 = vector.broadcast %parallel_loop3A_1457 : f32 to vector<16xf32>
        %parallel_loop3A_1459 = arith.subf %parallel_loop3A_1326, %parallel_loop3A_1455 : vector<16xf32>
        %parallel_loop3A_1460 = arith.subf %parallel_loop3A_1329, %parallel_loop3A_1458 : vector<16xf32>
        %parallel_loop3A_1461 = arith.mulf %parallel_loop3A_1459, %parallel_loop3A_1459 : vector<16xf32>
        %parallel_loop3A_1462 = arith.mulf %parallel_loop3A_1460, %parallel_loop3A_1460 : vector<16xf32>
        %parallel_loop3A_1463 = arith.addf %parallel_loop3A_1461, %parallel_loop3A_1462 : vector<16xf32>
        %parallel_loop3A_1464 = arith.constant 7 : i32
        %parallel_loop3A_1465 = vector.broadcast %parallel_loop3A_1464 : i32 to vector<16xi32>
        %parallel_loop3A_1466 = arith.cmpi eq, %parallel_loop3A_1321, %parallel_loop3A_1465 : vector<16xi32>
        %parallel_loop3A_1467 = vector.broadcast %parallel_loop3A_150 : f32 to vector<16xf32>
        %parallel_loop3A_1468 = arith.select %parallel_loop3A_1466, %parallel_loop3A_1467, %parallel_loop3A_1463 : vector<16xi1>, vector<16xf32>
        %parallel_loop3A_1469 = arith.minimumf %parallel_loop3A_1401, %parallel_loop3A_1468 : vector<16xf32>
        %parallel_loop3A_1470 = vector.extract_strided_slice %parallel_loop3A_157 {offsets = [8], sizes = [1], strides = [1]} : vector<16xf32> to vector<1xf32>
        %parallel_loop3A_1471 = vector.extract %parallel_loop3A_1470[0] : f32 from vector<1xf32>
        %parallel_loop3A_1472 = vector.broadcast %parallel_loop3A_1471 : f32 to vector<16xf32>
        %parallel_loop3A_1473 = vector.extract_strided_slice %parallel_loop3A_173 {offsets = [8], sizes = [1], strides = [1]} : vector<16xf32> to vector<1xf32>
        %parallel_loop3A_1474 = vector.extract %parallel_loop3A_1473[0] : f32 from vector<1xf32>
        %parallel_loop3A_1475 = vector.broadcast %parallel_loop3A_1474 : f32 to vector<16xf32>
        %parallel_loop3A_1476 = arith.subf %parallel_loop3A_1326, %parallel_loop3A_1472 : vector<16xf32>
        %parallel_loop3A_1477 = arith.subf %parallel_loop3A_1329, %parallel_loop3A_1475 : vector<16xf32>
        %parallel_loop3A_1478 = arith.mulf %parallel_loop3A_1476, %parallel_loop3A_1476 : vector<16xf32>
        %parallel_loop3A_1479 = arith.mulf %parallel_loop3A_1477, %parallel_loop3A_1477 : vector<16xf32>
        %parallel_loop3A_1480 = arith.addf %parallel_loop3A_1478, %parallel_loop3A_1479 : vector<16xf32>
        %parallel_loop3A_1481 = arith.constant 8 : i32
        %parallel_loop3A_1482 = vector.broadcast %parallel_loop3A_1481 : i32 to vector<16xi32>
        %parallel_loop3A_1483 = arith.cmpi eq, %parallel_loop3A_1321, %parallel_loop3A_1482 : vector<16xi32>
        %parallel_loop3A_1484 = vector.broadcast %parallel_loop3A_150 : f32 to vector<16xf32>
        %parallel_loop3A_1485 = arith.select %parallel_loop3A_1483, %parallel_loop3A_1484, %parallel_loop3A_1480 : vector<16xi1>, vector<16xf32>
        %parallel_loop3A_1486 = arith.minimumf %parallel_loop3A_1418, %parallel_loop3A_1485 : vector<16xf32>
        %parallel_loop3A_1487 = vector.extract_strided_slice %parallel_loop3A_157 {offsets = [9], sizes = [1], strides = [1]} : vector<16xf32> to vector<1xf32>
        %parallel_loop3A_1488 = vector.extract %parallel_loop3A_1487[0] : f32 from vector<1xf32>
        %parallel_loop3A_1489 = vector.broadcast %parallel_loop3A_1488 : f32 to vector<16xf32>
        %parallel_loop3A_1490 = vector.extract_strided_slice %parallel_loop3A_173 {offsets = [9], sizes = [1], strides = [1]} : vector<16xf32> to vector<1xf32>
        %parallel_loop3A_1491 = vector.extract %parallel_loop3A_1490[0] : f32 from vector<1xf32>
        %parallel_loop3A_1492 = vector.broadcast %parallel_loop3A_1491 : f32 to vector<16xf32>
        %parallel_loop3A_1493 = arith.subf %parallel_loop3A_1326, %parallel_loop3A_1489 : vector<16xf32>
        %parallel_loop3A_1494 = arith.subf %parallel_loop3A_1329, %parallel_loop3A_1492 : vector<16xf32>
        %parallel_loop3A_1495 = arith.mulf %parallel_loop3A_1493, %parallel_loop3A_1493 : vector<16xf32>
        %parallel_loop3A_1496 = arith.mulf %parallel_loop3A_1494, %parallel_loop3A_1494 : vector<16xf32>
        %parallel_loop3A_1497 = arith.addf %parallel_loop3A_1495, %parallel_loop3A_1496 : vector<16xf32>
        %parallel_loop3A_1498 = arith.constant 9 : i32
        %parallel_loop3A_1499 = vector.broadcast %parallel_loop3A_1498 : i32 to vector<16xi32>
        %parallel_loop3A_1500 = arith.cmpi eq, %parallel_loop3A_1321, %parallel_loop3A_1499 : vector<16xi32>
        %parallel_loop3A_1501 = vector.broadcast %parallel_loop3A_150 : f32 to vector<16xf32>
        %parallel_loop3A_1502 = arith.select %parallel_loop3A_1500, %parallel_loop3A_1501, %parallel_loop3A_1497 : vector<16xi1>, vector<16xf32>
        %parallel_loop3A_1503 = arith.minimumf %parallel_loop3A_1435, %parallel_loop3A_1502 : vector<16xf32>
        %parallel_loop3A_1504 = vector.extract_strided_slice %parallel_loop3A_157 {offsets = [10], sizes = [1], strides = [1]} : vector<16xf32> to vector<1xf32>
        %parallel_loop3A_1505 = vector.extract %parallel_loop3A_1504[0] : f32 from vector<1xf32>
        %parallel_loop3A_1506 = vector.broadcast %parallel_loop3A_1505 : f32 to vector<16xf32>
        %parallel_loop3A_1507 = vector.extract_strided_slice %parallel_loop3A_173 {offsets = [10], sizes = [1], strides = [1]} : vector<16xf32> to vector<1xf32>
        %parallel_loop3A_1508 = vector.extract %parallel_loop3A_1507[0] : f32 from vector<1xf32>
        %parallel_loop3A_1509 = vector.broadcast %parallel_loop3A_1508 : f32 to vector<16xf32>
        %parallel_loop3A_1510 = arith.subf %parallel_loop3A_1326, %parallel_loop3A_1506 : vector<16xf32>
        %parallel_loop3A_1511 = arith.subf %parallel_loop3A_1329, %parallel_loop3A_1509 : vector<16xf32>
        %parallel_loop3A_1512 = arith.mulf %parallel_loop3A_1510, %parallel_loop3A_1510 : vector<16xf32>
        %parallel_loop3A_1513 = arith.mulf %parallel_loop3A_1511, %parallel_loop3A_1511 : vector<16xf32>
        %parallel_loop3A_1514 = arith.addf %parallel_loop3A_1512, %parallel_loop3A_1513 : vector<16xf32>
        %parallel_loop3A_1515 = arith.constant 10 : i32
        %parallel_loop3A_1516 = vector.broadcast %parallel_loop3A_1515 : i32 to vector<16xi32>
        %parallel_loop3A_1517 = arith.cmpi eq, %parallel_loop3A_1321, %parallel_loop3A_1516 : vector<16xi32>
        %parallel_loop3A_1518 = vector.broadcast %parallel_loop3A_150 : f32 to vector<16xf32>
        %parallel_loop3A_1519 = arith.select %parallel_loop3A_1517, %parallel_loop3A_1518, %parallel_loop3A_1514 : vector<16xi1>, vector<16xf32>
        %parallel_loop3A_1520 = arith.minimumf %parallel_loop3A_1452, %parallel_loop3A_1519 : vector<16xf32>
        %parallel_loop3A_1521 = vector.extract_strided_slice %parallel_loop3A_157 {offsets = [11], sizes = [1], strides = [1]} : vector<16xf32> to vector<1xf32>
        %parallel_loop3A_1522 = vector.extract %parallel_loop3A_1521[0] : f32 from vector<1xf32>
        %parallel_loop3A_1523 = vector.broadcast %parallel_loop3A_1522 : f32 to vector<16xf32>
        %parallel_loop3A_1524 = vector.extract_strided_slice %parallel_loop3A_173 {offsets = [11], sizes = [1], strides = [1]} : vector<16xf32> to vector<1xf32>
        %parallel_loop3A_1525 = vector.extract %parallel_loop3A_1524[0] : f32 from vector<1xf32>
        %parallel_loop3A_1526 = vector.broadcast %parallel_loop3A_1525 : f32 to vector<16xf32>
        %parallel_loop3A_1527 = arith.subf %parallel_loop3A_1326, %parallel_loop3A_1523 : vector<16xf32>
        %parallel_loop3A_1528 = arith.subf %parallel_loop3A_1329, %parallel_loop3A_1526 : vector<16xf32>
        %parallel_loop3A_1529 = arith.mulf %parallel_loop3A_1527, %parallel_loop3A_1527 : vector<16xf32>
        %parallel_loop3A_1530 = arith.mulf %parallel_loop3A_1528, %parallel_loop3A_1528 : vector<16xf32>
        %parallel_loop3A_1531 = arith.addf %parallel_loop3A_1529, %parallel_loop3A_1530 : vector<16xf32>
        %parallel_loop3A_1532 = arith.constant 11 : i32
        %parallel_loop3A_1533 = vector.broadcast %parallel_loop3A_1532 : i32 to vector<16xi32>
        %parallel_loop3A_1534 = arith.cmpi eq, %parallel_loop3A_1321, %parallel_loop3A_1533 : vector<16xi32>
        %parallel_loop3A_1535 = vector.broadcast %parallel_loop3A_150 : f32 to vector<16xf32>
        %parallel_loop3A_1536 = arith.select %parallel_loop3A_1534, %parallel_loop3A_1535, %parallel_loop3A_1531 : vector<16xi1>, vector<16xf32>
        %parallel_loop3A_1537 = arith.minimumf %parallel_loop3A_1469, %parallel_loop3A_1536 : vector<16xf32>
        %parallel_loop3A_1538 = vector.extract_strided_slice %parallel_loop3A_157 {offsets = [12], sizes = [1], strides = [1]} : vector<16xf32> to vector<1xf32>
        %parallel_loop3A_1539 = vector.extract %parallel_loop3A_1538[0] : f32 from vector<1xf32>
        %parallel_loop3A_1540 = vector.broadcast %parallel_loop3A_1539 : f32 to vector<16xf32>
        %parallel_loop3A_1541 = vector.extract_strided_slice %parallel_loop3A_173 {offsets = [12], sizes = [1], strides = [1]} : vector<16xf32> to vector<1xf32>
        %parallel_loop3A_1542 = vector.extract %parallel_loop3A_1541[0] : f32 from vector<1xf32>
        %parallel_loop3A_1543 = vector.broadcast %parallel_loop3A_1542 : f32 to vector<16xf32>
        %parallel_loop3A_1544 = arith.subf %parallel_loop3A_1326, %parallel_loop3A_1540 : vector<16xf32>
        %parallel_loop3A_1545 = arith.subf %parallel_loop3A_1329, %parallel_loop3A_1543 : vector<16xf32>
        %parallel_loop3A_1546 = arith.mulf %parallel_loop3A_1544, %parallel_loop3A_1544 : vector<16xf32>
        %parallel_loop3A_1547 = arith.mulf %parallel_loop3A_1545, %parallel_loop3A_1545 : vector<16xf32>
        %parallel_loop3A_1548 = arith.addf %parallel_loop3A_1546, %parallel_loop3A_1547 : vector<16xf32>
        %parallel_loop3A_1549 = arith.constant 12 : i32
        %parallel_loop3A_1550 = vector.broadcast %parallel_loop3A_1549 : i32 to vector<16xi32>
        %parallel_loop3A_1551 = arith.cmpi eq, %parallel_loop3A_1321, %parallel_loop3A_1550 : vector<16xi32>
        %parallel_loop3A_1552 = vector.broadcast %parallel_loop3A_150 : f32 to vector<16xf32>
        %parallel_loop3A_1553 = arith.select %parallel_loop3A_1551, %parallel_loop3A_1552, %parallel_loop3A_1548 : vector<16xi1>, vector<16xf32>
        %parallel_loop3A_1554 = arith.minimumf %parallel_loop3A_1486, %parallel_loop3A_1553 : vector<16xf32>
        %parallel_loop3A_1555 = vector.extract_strided_slice %parallel_loop3A_157 {offsets = [13], sizes = [1], strides = [1]} : vector<16xf32> to vector<1xf32>
        %parallel_loop3A_1556 = vector.extract %parallel_loop3A_1555[0] : f32 from vector<1xf32>
        %parallel_loop3A_1557 = vector.broadcast %parallel_loop3A_1556 : f32 to vector<16xf32>
        %parallel_loop3A_1558 = vector.extract_strided_slice %parallel_loop3A_173 {offsets = [13], sizes = [1], strides = [1]} : vector<16xf32> to vector<1xf32>
        %parallel_loop3A_1559 = vector.extract %parallel_loop3A_1558[0] : f32 from vector<1xf32>
        %parallel_loop3A_1560 = vector.broadcast %parallel_loop3A_1559 : f32 to vector<16xf32>
        %parallel_loop3A_1561 = arith.subf %parallel_loop3A_1326, %parallel_loop3A_1557 : vector<16xf32>
        %parallel_loop3A_1562 = arith.subf %parallel_loop3A_1329, %parallel_loop3A_1560 : vector<16xf32>
        %parallel_loop3A_1563 = arith.mulf %parallel_loop3A_1561, %parallel_loop3A_1561 : vector<16xf32>
        %parallel_loop3A_1564 = arith.mulf %parallel_loop3A_1562, %parallel_loop3A_1562 : vector<16xf32>
        %parallel_loop3A_1565 = arith.addf %parallel_loop3A_1563, %parallel_loop3A_1564 : vector<16xf32>
        %parallel_loop3A_1566 = arith.constant 13 : i32
        %parallel_loop3A_1567 = vector.broadcast %parallel_loop3A_1566 : i32 to vector<16xi32>
        %parallel_loop3A_1568 = arith.cmpi eq, %parallel_loop3A_1321, %parallel_loop3A_1567 : vector<16xi32>
        %parallel_loop3A_1569 = vector.broadcast %parallel_loop3A_150 : f32 to vector<16xf32>
        %parallel_loop3A_1570 = arith.select %parallel_loop3A_1568, %parallel_loop3A_1569, %parallel_loop3A_1565 : vector<16xi1>, vector<16xf32>
        %parallel_loop3A_1571 = arith.minimumf %parallel_loop3A_1503, %parallel_loop3A_1570 : vector<16xf32>
        %parallel_loop3A_1572 = vector.extract_strided_slice %parallel_loop3A_157 {offsets = [14], sizes = [1], strides = [1]} : vector<16xf32> to vector<1xf32>
        %parallel_loop3A_1573 = vector.extract %parallel_loop3A_1572[0] : f32 from vector<1xf32>
        %parallel_loop3A_1574 = vector.broadcast %parallel_loop3A_1573 : f32 to vector<16xf32>
        %parallel_loop3A_1575 = vector.extract_strided_slice %parallel_loop3A_173 {offsets = [14], sizes = [1], strides = [1]} : vector<16xf32> to vector<1xf32>
        %parallel_loop3A_1576 = vector.extract %parallel_loop3A_1575[0] : f32 from vector<1xf32>
        %parallel_loop3A_1577 = vector.broadcast %parallel_loop3A_1576 : f32 to vector<16xf32>
        %parallel_loop3A_1578 = arith.subf %parallel_loop3A_1326, %parallel_loop3A_1574 : vector<16xf32>
        %parallel_loop3A_1579 = arith.subf %parallel_loop3A_1329, %parallel_loop3A_1577 : vector<16xf32>
        %parallel_loop3A_1580 = arith.mulf %parallel_loop3A_1578, %parallel_loop3A_1578 : vector<16xf32>
        %parallel_loop3A_1581 = arith.mulf %parallel_loop3A_1579, %parallel_loop3A_1579 : vector<16xf32>
        %parallel_loop3A_1582 = arith.addf %parallel_loop3A_1580, %parallel_loop3A_1581 : vector<16xf32>
        %parallel_loop3A_1583 = arith.constant 14 : i32
        %parallel_loop3A_1584 = vector.broadcast %parallel_loop3A_1583 : i32 to vector<16xi32>
        %parallel_loop3A_1585 = arith.cmpi eq, %parallel_loop3A_1321, %parallel_loop3A_1584 : vector<16xi32>
        %parallel_loop3A_1586 = vector.broadcast %parallel_loop3A_150 : f32 to vector<16xf32>
        %parallel_loop3A_1587 = arith.select %parallel_loop3A_1585, %parallel_loop3A_1586, %parallel_loop3A_1582 : vector<16xi1>, vector<16xf32>
        %parallel_loop3A_1588 = arith.minimumf %parallel_loop3A_1520, %parallel_loop3A_1587 : vector<16xf32>
        %parallel_loop3A_1589 = vector.extract_strided_slice %parallel_loop3A_157 {offsets = [15], sizes = [1], strides = [1]} : vector<16xf32> to vector<1xf32>
        %parallel_loop3A_1590 = vector.extract %parallel_loop3A_1589[0] : f32 from vector<1xf32>
        %parallel_loop3A_1591 = vector.broadcast %parallel_loop3A_1590 : f32 to vector<16xf32>
        %parallel_loop3A_1592 = vector.extract_strided_slice %parallel_loop3A_173 {offsets = [15], sizes = [1], strides = [1]} : vector<16xf32> to vector<1xf32>
        %parallel_loop3A_1593 = vector.extract %parallel_loop3A_1592[0] : f32 from vector<1xf32>
        %parallel_loop3A_1594 = vector.broadcast %parallel_loop3A_1593 : f32 to vector<16xf32>
        %parallel_loop3A_1595 = arith.subf %parallel_loop3A_1326, %parallel_loop3A_1591 : vector<16xf32>
        %parallel_loop3A_1596 = arith.subf %parallel_loop3A_1329, %parallel_loop3A_1594 : vector<16xf32>
        %parallel_loop3A_1597 = arith.mulf %parallel_loop3A_1595, %parallel_loop3A_1595 : vector<16xf32>
        %parallel_loop3A_1598 = arith.mulf %parallel_loop3A_1596, %parallel_loop3A_1596 : vector<16xf32>
        %parallel_loop3A_1599 = arith.addf %parallel_loop3A_1597, %parallel_loop3A_1598 : vector<16xf32>
        %parallel_loop3A_1600 = arith.constant 15 : i32
        %parallel_loop3A_1601 = vector.broadcast %parallel_loop3A_1600 : i32 to vector<16xi32>
        %parallel_loop3A_1602 = arith.cmpi eq, %parallel_loop3A_1321, %parallel_loop3A_1601 : vector<16xi32>
        %parallel_loop3A_1603 = vector.broadcast %parallel_loop3A_150 : f32 to vector<16xf32>
        %parallel_loop3A_1604 = arith.select %parallel_loop3A_1602, %parallel_loop3A_1603, %parallel_loop3A_1599 : vector<16xi1>, vector<16xf32>
        %parallel_loop3A_1605 = arith.minimumf %parallel_loop3A_1537, %parallel_loop3A_1604 : vector<16xf32>
        %parallel_loop3A_1606 = vector.extract_strided_slice %parallel_loop3A_161 {offsets = [0], sizes = [1], strides = [1]} : vector<16xf32> to vector<1xf32>
        %parallel_loop3A_1607 = vector.extract %parallel_loop3A_1606[0] : f32 from vector<1xf32>
        %parallel_loop3A_1608 = vector.broadcast %parallel_loop3A_1607 : f32 to vector<16xf32>
        %parallel_loop3A_1609 = vector.extract_strided_slice %parallel_loop3A_177 {offsets = [0], sizes = [1], strides = [1]} : vector<16xf32> to vector<1xf32>
        %parallel_loop3A_1610 = vector.extract %parallel_loop3A_1609[0] : f32 from vector<1xf32>
        %parallel_loop3A_1611 = vector.broadcast %parallel_loop3A_1610 : f32 to vector<16xf32>
        %parallel_loop3A_1612 = arith.subf %parallel_loop3A_1326, %parallel_loop3A_1608 : vector<16xf32>
        %parallel_loop3A_1613 = arith.subf %parallel_loop3A_1329, %parallel_loop3A_1611 : vector<16xf32>
        %parallel_loop3A_1614 = arith.mulf %parallel_loop3A_1612, %parallel_loop3A_1612 : vector<16xf32>
        %parallel_loop3A_1615 = arith.mulf %parallel_loop3A_1613, %parallel_loop3A_1613 : vector<16xf32>
        %parallel_loop3A_1616 = arith.addf %parallel_loop3A_1614, %parallel_loop3A_1615 : vector<16xf32>
        %parallel_loop3A_1617 = arith.constant 16 : i32
        %parallel_loop3A_1618 = vector.broadcast %parallel_loop3A_1617 : i32 to vector<16xi32>
        %parallel_loop3A_1619 = arith.cmpi eq, %parallel_loop3A_1321, %parallel_loop3A_1618 : vector<16xi32>
        %parallel_loop3A_1620 = vector.broadcast %parallel_loop3A_150 : f32 to vector<16xf32>
        %parallel_loop3A_1621 = arith.select %parallel_loop3A_1619, %parallel_loop3A_1620, %parallel_loop3A_1616 : vector<16xi1>, vector<16xf32>
        %parallel_loop3A_1622 = arith.minimumf %parallel_loop3A_1554, %parallel_loop3A_1621 : vector<16xf32>
        %parallel_loop3A_1623 = vector.extract_strided_slice %parallel_loop3A_161 {offsets = [1], sizes = [1], strides = [1]} : vector<16xf32> to vector<1xf32>
        %parallel_loop3A_1624 = vector.extract %parallel_loop3A_1623[0] : f32 from vector<1xf32>
        %parallel_loop3A_1625 = vector.broadcast %parallel_loop3A_1624 : f32 to vector<16xf32>
        %parallel_loop3A_1626 = vector.extract_strided_slice %parallel_loop3A_177 {offsets = [1], sizes = [1], strides = [1]} : vector<16xf32> to vector<1xf32>
        %parallel_loop3A_1627 = vector.extract %parallel_loop3A_1626[0] : f32 from vector<1xf32>
        %parallel_loop3A_1628 = vector.broadcast %parallel_loop3A_1627 : f32 to vector<16xf32>
        %parallel_loop3A_1629 = arith.subf %parallel_loop3A_1326, %parallel_loop3A_1625 : vector<16xf32>
        %parallel_loop3A_1630 = arith.subf %parallel_loop3A_1329, %parallel_loop3A_1628 : vector<16xf32>
        %parallel_loop3A_1631 = arith.mulf %parallel_loop3A_1629, %parallel_loop3A_1629 : vector<16xf32>
        %parallel_loop3A_1632 = arith.mulf %parallel_loop3A_1630, %parallel_loop3A_1630 : vector<16xf32>
        %parallel_loop3A_1633 = arith.addf %parallel_loop3A_1631, %parallel_loop3A_1632 : vector<16xf32>
        %parallel_loop3A_1634 = arith.constant 17 : i32
        %parallel_loop3A_1635 = vector.broadcast %parallel_loop3A_1634 : i32 to vector<16xi32>
        %parallel_loop3A_1636 = arith.cmpi eq, %parallel_loop3A_1321, %parallel_loop3A_1635 : vector<16xi32>
        %parallel_loop3A_1637 = vector.broadcast %parallel_loop3A_150 : f32 to vector<16xf32>
        %parallel_loop3A_1638 = arith.select %parallel_loop3A_1636, %parallel_loop3A_1637, %parallel_loop3A_1633 : vector<16xi1>, vector<16xf32>
        %parallel_loop3A_1639 = arith.minimumf %parallel_loop3A_1571, %parallel_loop3A_1638 : vector<16xf32>
        %parallel_loop3A_1640 = vector.extract_strided_slice %parallel_loop3A_161 {offsets = [2], sizes = [1], strides = [1]} : vector<16xf32> to vector<1xf32>
        %parallel_loop3A_1641 = vector.extract %parallel_loop3A_1640[0] : f32 from vector<1xf32>
        %parallel_loop3A_1642 = vector.broadcast %parallel_loop3A_1641 : f32 to vector<16xf32>
        %parallel_loop3A_1643 = vector.extract_strided_slice %parallel_loop3A_177 {offsets = [2], sizes = [1], strides = [1]} : vector<16xf32> to vector<1xf32>
        %parallel_loop3A_1644 = vector.extract %parallel_loop3A_1643[0] : f32 from vector<1xf32>
        %parallel_loop3A_1645 = vector.broadcast %parallel_loop3A_1644 : f32 to vector<16xf32>
        %parallel_loop3A_1646 = arith.subf %parallel_loop3A_1326, %parallel_loop3A_1642 : vector<16xf32>
        %parallel_loop3A_1647 = arith.subf %parallel_loop3A_1329, %parallel_loop3A_1645 : vector<16xf32>
        %parallel_loop3A_1648 = arith.mulf %parallel_loop3A_1646, %parallel_loop3A_1646 : vector<16xf32>
        %parallel_loop3A_1649 = arith.mulf %parallel_loop3A_1647, %parallel_loop3A_1647 : vector<16xf32>
        %parallel_loop3A_1650 = arith.addf %parallel_loop3A_1648, %parallel_loop3A_1649 : vector<16xf32>
        %parallel_loop3A_1651 = arith.constant 18 : i32
        %parallel_loop3A_1652 = vector.broadcast %parallel_loop3A_1651 : i32 to vector<16xi32>
        %parallel_loop3A_1653 = arith.cmpi eq, %parallel_loop3A_1321, %parallel_loop3A_1652 : vector<16xi32>
        %parallel_loop3A_1654 = vector.broadcast %parallel_loop3A_150 : f32 to vector<16xf32>
        %parallel_loop3A_1655 = arith.select %parallel_loop3A_1653, %parallel_loop3A_1654, %parallel_loop3A_1650 : vector<16xi1>, vector<16xf32>
        %parallel_loop3A_1656 = arith.minimumf %parallel_loop3A_1588, %parallel_loop3A_1655 : vector<16xf32>
        %parallel_loop3A_1657 = vector.extract_strided_slice %parallel_loop3A_161 {offsets = [3], sizes = [1], strides = [1]} : vector<16xf32> to vector<1xf32>
        %parallel_loop3A_1658 = vector.extract %parallel_loop3A_1657[0] : f32 from vector<1xf32>
        %parallel_loop3A_1659 = vector.broadcast %parallel_loop3A_1658 : f32 to vector<16xf32>
        %parallel_loop3A_1660 = vector.extract_strided_slice %parallel_loop3A_177 {offsets = [3], sizes = [1], strides = [1]} : vector<16xf32> to vector<1xf32>
        %parallel_loop3A_1661 = vector.extract %parallel_loop3A_1660[0] : f32 from vector<1xf32>
        %parallel_loop3A_1662 = vector.broadcast %parallel_loop3A_1661 : f32 to vector<16xf32>
        %parallel_loop3A_1663 = arith.subf %parallel_loop3A_1326, %parallel_loop3A_1659 : vector<16xf32>
        %parallel_loop3A_1664 = arith.subf %parallel_loop3A_1329, %parallel_loop3A_1662 : vector<16xf32>
        %parallel_loop3A_1665 = arith.mulf %parallel_loop3A_1663, %parallel_loop3A_1663 : vector<16xf32>
        %parallel_loop3A_1666 = arith.mulf %parallel_loop3A_1664, %parallel_loop3A_1664 : vector<16xf32>
        %parallel_loop3A_1667 = arith.addf %parallel_loop3A_1665, %parallel_loop3A_1666 : vector<16xf32>
        %parallel_loop3A_1668 = arith.constant 19 : i32
        %parallel_loop3A_1669 = vector.broadcast %parallel_loop3A_1668 : i32 to vector<16xi32>
        %parallel_loop3A_1670 = arith.cmpi eq, %parallel_loop3A_1321, %parallel_loop3A_1669 : vector<16xi32>
        %parallel_loop3A_1671 = vector.broadcast %parallel_loop3A_150 : f32 to vector<16xf32>
        %parallel_loop3A_1672 = arith.select %parallel_loop3A_1670, %parallel_loop3A_1671, %parallel_loop3A_1667 : vector<16xi1>, vector<16xf32>
        %parallel_loop3A_1673 = arith.minimumf %parallel_loop3A_1605, %parallel_loop3A_1672 : vector<16xf32>
        %parallel_loop3A_1674 = vector.extract_strided_slice %parallel_loop3A_161 {offsets = [4], sizes = [1], strides = [1]} : vector<16xf32> to vector<1xf32>
        %parallel_loop3A_1675 = vector.extract %parallel_loop3A_1674[0] : f32 from vector<1xf32>
        %parallel_loop3A_1676 = vector.broadcast %parallel_loop3A_1675 : f32 to vector<16xf32>
        %parallel_loop3A_1677 = vector.extract_strided_slice %parallel_loop3A_177 {offsets = [4], sizes = [1], strides = [1]} : vector<16xf32> to vector<1xf32>
        %parallel_loop3A_1678 = vector.extract %parallel_loop3A_1677[0] : f32 from vector<1xf32>
        %parallel_loop3A_1679 = vector.broadcast %parallel_loop3A_1678 : f32 to vector<16xf32>
        %parallel_loop3A_1680 = arith.subf %parallel_loop3A_1326, %parallel_loop3A_1676 : vector<16xf32>
        %parallel_loop3A_1681 = arith.subf %parallel_loop3A_1329, %parallel_loop3A_1679 : vector<16xf32>
        %parallel_loop3A_1682 = arith.mulf %parallel_loop3A_1680, %parallel_loop3A_1680 : vector<16xf32>
        %parallel_loop3A_1683 = arith.mulf %parallel_loop3A_1681, %parallel_loop3A_1681 : vector<16xf32>
        %parallel_loop3A_1684 = arith.addf %parallel_loop3A_1682, %parallel_loop3A_1683 : vector<16xf32>
        %parallel_loop3A_1685 = arith.constant 20 : i32
        %parallel_loop3A_1686 = vector.broadcast %parallel_loop3A_1685 : i32 to vector<16xi32>
        %parallel_loop3A_1687 = arith.cmpi eq, %parallel_loop3A_1321, %parallel_loop3A_1686 : vector<16xi32>
        %parallel_loop3A_1688 = vector.broadcast %parallel_loop3A_150 : f32 to vector<16xf32>
        %parallel_loop3A_1689 = arith.select %parallel_loop3A_1687, %parallel_loop3A_1688, %parallel_loop3A_1684 : vector<16xi1>, vector<16xf32>
        %parallel_loop3A_1690 = arith.minimumf %parallel_loop3A_1622, %parallel_loop3A_1689 : vector<16xf32>
        %parallel_loop3A_1691 = vector.extract_strided_slice %parallel_loop3A_161 {offsets = [5], sizes = [1], strides = [1]} : vector<16xf32> to vector<1xf32>
        %parallel_loop3A_1692 = vector.extract %parallel_loop3A_1691[0] : f32 from vector<1xf32>
        %parallel_loop3A_1693 = vector.broadcast %parallel_loop3A_1692 : f32 to vector<16xf32>
        %parallel_loop3A_1694 = vector.extract_strided_slice %parallel_loop3A_177 {offsets = [5], sizes = [1], strides = [1]} : vector<16xf32> to vector<1xf32>
        %parallel_loop3A_1695 = vector.extract %parallel_loop3A_1694[0] : f32 from vector<1xf32>
        %parallel_loop3A_1696 = vector.broadcast %parallel_loop3A_1695 : f32 to vector<16xf32>
        %parallel_loop3A_1697 = arith.subf %parallel_loop3A_1326, %parallel_loop3A_1693 : vector<16xf32>
        %parallel_loop3A_1698 = arith.subf %parallel_loop3A_1329, %parallel_loop3A_1696 : vector<16xf32>
        %parallel_loop3A_1699 = arith.mulf %parallel_loop3A_1697, %parallel_loop3A_1697 : vector<16xf32>
        %parallel_loop3A_1700 = arith.mulf %parallel_loop3A_1698, %parallel_loop3A_1698 : vector<16xf32>
        %parallel_loop3A_1701 = arith.addf %parallel_loop3A_1699, %parallel_loop3A_1700 : vector<16xf32>
        %parallel_loop3A_1702 = arith.constant 21 : i32
        %parallel_loop3A_1703 = vector.broadcast %parallel_loop3A_1702 : i32 to vector<16xi32>
        %parallel_loop3A_1704 = arith.cmpi eq, %parallel_loop3A_1321, %parallel_loop3A_1703 : vector<16xi32>
        %parallel_loop3A_1705 = vector.broadcast %parallel_loop3A_150 : f32 to vector<16xf32>
        %parallel_loop3A_1706 = arith.select %parallel_loop3A_1704, %parallel_loop3A_1705, %parallel_loop3A_1701 : vector<16xi1>, vector<16xf32>
        %parallel_loop3A_1707 = arith.minimumf %parallel_loop3A_1639, %parallel_loop3A_1706 : vector<16xf32>
        %parallel_loop3A_1708 = vector.extract_strided_slice %parallel_loop3A_161 {offsets = [6], sizes = [1], strides = [1]} : vector<16xf32> to vector<1xf32>
        %parallel_loop3A_1709 = vector.extract %parallel_loop3A_1708[0] : f32 from vector<1xf32>
        %parallel_loop3A_1710 = vector.broadcast %parallel_loop3A_1709 : f32 to vector<16xf32>
        %parallel_loop3A_1711 = vector.extract_strided_slice %parallel_loop3A_177 {offsets = [6], sizes = [1], strides = [1]} : vector<16xf32> to vector<1xf32>
        %parallel_loop3A_1712 = vector.extract %parallel_loop3A_1711[0] : f32 from vector<1xf32>
        %parallel_loop3A_1713 = vector.broadcast %parallel_loop3A_1712 : f32 to vector<16xf32>
        %parallel_loop3A_1714 = arith.subf %parallel_loop3A_1326, %parallel_loop3A_1710 : vector<16xf32>
        %parallel_loop3A_1715 = arith.subf %parallel_loop3A_1329, %parallel_loop3A_1713 : vector<16xf32>
        %parallel_loop3A_1716 = arith.mulf %parallel_loop3A_1714, %parallel_loop3A_1714 : vector<16xf32>
        %parallel_loop3A_1717 = arith.mulf %parallel_loop3A_1715, %parallel_loop3A_1715 : vector<16xf32>
        %parallel_loop3A_1718 = arith.addf %parallel_loop3A_1716, %parallel_loop3A_1717 : vector<16xf32>
        %parallel_loop3A_1719 = arith.constant 22 : i32
        %parallel_loop3A_1720 = vector.broadcast %parallel_loop3A_1719 : i32 to vector<16xi32>
        %parallel_loop3A_1721 = arith.cmpi eq, %parallel_loop3A_1321, %parallel_loop3A_1720 : vector<16xi32>
        %parallel_loop3A_1722 = vector.broadcast %parallel_loop3A_150 : f32 to vector<16xf32>
        %parallel_loop3A_1723 = arith.select %parallel_loop3A_1721, %parallel_loop3A_1722, %parallel_loop3A_1718 : vector<16xi1>, vector<16xf32>
        %parallel_loop3A_1724 = arith.minimumf %parallel_loop3A_1656, %parallel_loop3A_1723 : vector<16xf32>
        %parallel_loop3A_1725 = vector.extract_strided_slice %parallel_loop3A_161 {offsets = [7], sizes = [1], strides = [1]} : vector<16xf32> to vector<1xf32>
        %parallel_loop3A_1726 = vector.extract %parallel_loop3A_1725[0] : f32 from vector<1xf32>
        %parallel_loop3A_1727 = vector.broadcast %parallel_loop3A_1726 : f32 to vector<16xf32>
        %parallel_loop3A_1728 = vector.extract_strided_slice %parallel_loop3A_177 {offsets = [7], sizes = [1], strides = [1]} : vector<16xf32> to vector<1xf32>
        %parallel_loop3A_1729 = vector.extract %parallel_loop3A_1728[0] : f32 from vector<1xf32>
        %parallel_loop3A_1730 = vector.broadcast %parallel_loop3A_1729 : f32 to vector<16xf32>
        %parallel_loop3A_1731 = arith.subf %parallel_loop3A_1326, %parallel_loop3A_1727 : vector<16xf32>
        %parallel_loop3A_1732 = arith.subf %parallel_loop3A_1329, %parallel_loop3A_1730 : vector<16xf32>
        %parallel_loop3A_1733 = arith.mulf %parallel_loop3A_1731, %parallel_loop3A_1731 : vector<16xf32>
        %parallel_loop3A_1734 = arith.mulf %parallel_loop3A_1732, %parallel_loop3A_1732 : vector<16xf32>
        %parallel_loop3A_1735 = arith.addf %parallel_loop3A_1733, %parallel_loop3A_1734 : vector<16xf32>
        %parallel_loop3A_1736 = arith.constant 23 : i32
        %parallel_loop3A_1737 = vector.broadcast %parallel_loop3A_1736 : i32 to vector<16xi32>
        %parallel_loop3A_1738 = arith.cmpi eq, %parallel_loop3A_1321, %parallel_loop3A_1737 : vector<16xi32>
        %parallel_loop3A_1739 = vector.broadcast %parallel_loop3A_150 : f32 to vector<16xf32>
        %parallel_loop3A_1740 = arith.select %parallel_loop3A_1738, %parallel_loop3A_1739, %parallel_loop3A_1735 : vector<16xi1>, vector<16xf32>
        %parallel_loop3A_1741 = arith.minimumf %parallel_loop3A_1673, %parallel_loop3A_1740 : vector<16xf32>
        %parallel_loop3A_1742 = vector.extract_strided_slice %parallel_loop3A_161 {offsets = [8], sizes = [1], strides = [1]} : vector<16xf32> to vector<1xf32>
        %parallel_loop3A_1743 = vector.extract %parallel_loop3A_1742[0] : f32 from vector<1xf32>
        %parallel_loop3A_1744 = vector.broadcast %parallel_loop3A_1743 : f32 to vector<16xf32>
        %parallel_loop3A_1745 = vector.extract_strided_slice %parallel_loop3A_177 {offsets = [8], sizes = [1], strides = [1]} : vector<16xf32> to vector<1xf32>
        %parallel_loop3A_1746 = vector.extract %parallel_loop3A_1745[0] : f32 from vector<1xf32>
        %parallel_loop3A_1747 = vector.broadcast %parallel_loop3A_1746 : f32 to vector<16xf32>
        %parallel_loop3A_1748 = arith.subf %parallel_loop3A_1326, %parallel_loop3A_1744 : vector<16xf32>
        %parallel_loop3A_1749 = arith.subf %parallel_loop3A_1329, %parallel_loop3A_1747 : vector<16xf32>
        %parallel_loop3A_1750 = arith.mulf %parallel_loop3A_1748, %parallel_loop3A_1748 : vector<16xf32>
        %parallel_loop3A_1751 = arith.mulf %parallel_loop3A_1749, %parallel_loop3A_1749 : vector<16xf32>
        %parallel_loop3A_1752 = arith.addf %parallel_loop3A_1750, %parallel_loop3A_1751 : vector<16xf32>
        %parallel_loop3A_1753 = arith.constant 24 : i32
        %parallel_loop3A_1754 = vector.broadcast %parallel_loop3A_1753 : i32 to vector<16xi32>
        %parallel_loop3A_1755 = arith.cmpi eq, %parallel_loop3A_1321, %parallel_loop3A_1754 : vector<16xi32>
        %parallel_loop3A_1756 = vector.broadcast %parallel_loop3A_150 : f32 to vector<16xf32>
        %parallel_loop3A_1757 = arith.select %parallel_loop3A_1755, %parallel_loop3A_1756, %parallel_loop3A_1752 : vector<16xi1>, vector<16xf32>
        %parallel_loop3A_1758 = arith.minimumf %parallel_loop3A_1690, %parallel_loop3A_1757 : vector<16xf32>
        %parallel_loop3A_1759 = vector.extract_strided_slice %parallel_loop3A_161 {offsets = [9], sizes = [1], strides = [1]} : vector<16xf32> to vector<1xf32>
        %parallel_loop3A_1760 = vector.extract %parallel_loop3A_1759[0] : f32 from vector<1xf32>
        %parallel_loop3A_1761 = vector.broadcast %parallel_loop3A_1760 : f32 to vector<16xf32>
        %parallel_loop3A_1762 = vector.extract_strided_slice %parallel_loop3A_177 {offsets = [9], sizes = [1], strides = [1]} : vector<16xf32> to vector<1xf32>
        %parallel_loop3A_1763 = vector.extract %parallel_loop3A_1762[0] : f32 from vector<1xf32>
        %parallel_loop3A_1764 = vector.broadcast %parallel_loop3A_1763 : f32 to vector<16xf32>
        %parallel_loop3A_1765 = arith.subf %parallel_loop3A_1326, %parallel_loop3A_1761 : vector<16xf32>
        %parallel_loop3A_1766 = arith.subf %parallel_loop3A_1329, %parallel_loop3A_1764 : vector<16xf32>
        %parallel_loop3A_1767 = arith.mulf %parallel_loop3A_1765, %parallel_loop3A_1765 : vector<16xf32>
        %parallel_loop3A_1768 = arith.mulf %parallel_loop3A_1766, %parallel_loop3A_1766 : vector<16xf32>
        %parallel_loop3A_1769 = arith.addf %parallel_loop3A_1767, %parallel_loop3A_1768 : vector<16xf32>
        %parallel_loop3A_1770 = arith.constant 25 : i32
        %parallel_loop3A_1771 = vector.broadcast %parallel_loop3A_1770 : i32 to vector<16xi32>
        %parallel_loop3A_1772 = arith.cmpi eq, %parallel_loop3A_1321, %parallel_loop3A_1771 : vector<16xi32>
        %parallel_loop3A_1773 = vector.broadcast %parallel_loop3A_150 : f32 to vector<16xf32>
        %parallel_loop3A_1774 = arith.select %parallel_loop3A_1772, %parallel_loop3A_1773, %parallel_loop3A_1769 : vector<16xi1>, vector<16xf32>
        %parallel_loop3A_1775 = arith.minimumf %parallel_loop3A_1707, %parallel_loop3A_1774 : vector<16xf32>
        %parallel_loop3A_1776 = vector.extract_strided_slice %parallel_loop3A_161 {offsets = [10], sizes = [1], strides = [1]} : vector<16xf32> to vector<1xf32>
        %parallel_loop3A_1777 = vector.extract %parallel_loop3A_1776[0] : f32 from vector<1xf32>
        %parallel_loop3A_1778 = vector.broadcast %parallel_loop3A_1777 : f32 to vector<16xf32>
        %parallel_loop3A_1779 = vector.extract_strided_slice %parallel_loop3A_177 {offsets = [10], sizes = [1], strides = [1]} : vector<16xf32> to vector<1xf32>
        %parallel_loop3A_1780 = vector.extract %parallel_loop3A_1779[0] : f32 from vector<1xf32>
        %parallel_loop3A_1781 = vector.broadcast %parallel_loop3A_1780 : f32 to vector<16xf32>
        %parallel_loop3A_1782 = arith.subf %parallel_loop3A_1326, %parallel_loop3A_1778 : vector<16xf32>
        %parallel_loop3A_1783 = arith.subf %parallel_loop3A_1329, %parallel_loop3A_1781 : vector<16xf32>
        %parallel_loop3A_1784 = arith.mulf %parallel_loop3A_1782, %parallel_loop3A_1782 : vector<16xf32>
        %parallel_loop3A_1785 = arith.mulf %parallel_loop3A_1783, %parallel_loop3A_1783 : vector<16xf32>
        %parallel_loop3A_1786 = arith.addf %parallel_loop3A_1784, %parallel_loop3A_1785 : vector<16xf32>
        %parallel_loop3A_1787 = arith.constant 26 : i32
        %parallel_loop3A_1788 = vector.broadcast %parallel_loop3A_1787 : i32 to vector<16xi32>
        %parallel_loop3A_1789 = arith.cmpi eq, %parallel_loop3A_1321, %parallel_loop3A_1788 : vector<16xi32>
        %parallel_loop3A_1790 = vector.broadcast %parallel_loop3A_150 : f32 to vector<16xf32>
        %parallel_loop3A_1791 = arith.select %parallel_loop3A_1789, %parallel_loop3A_1790, %parallel_loop3A_1786 : vector<16xi1>, vector<16xf32>
        %parallel_loop3A_1792 = arith.minimumf %parallel_loop3A_1724, %parallel_loop3A_1791 : vector<16xf32>
        %parallel_loop3A_1793 = vector.extract_strided_slice %parallel_loop3A_161 {offsets = [11], sizes = [1], strides = [1]} : vector<16xf32> to vector<1xf32>
        %parallel_loop3A_1794 = vector.extract %parallel_loop3A_1793[0] : f32 from vector<1xf32>
        %parallel_loop3A_1795 = vector.broadcast %parallel_loop3A_1794 : f32 to vector<16xf32>
        %parallel_loop3A_1796 = vector.extract_strided_slice %parallel_loop3A_177 {offsets = [11], sizes = [1], strides = [1]} : vector<16xf32> to vector<1xf32>
        %parallel_loop3A_1797 = vector.extract %parallel_loop3A_1796[0] : f32 from vector<1xf32>
        %parallel_loop3A_1798 = vector.broadcast %parallel_loop3A_1797 : f32 to vector<16xf32>
        %parallel_loop3A_1799 = arith.subf %parallel_loop3A_1326, %parallel_loop3A_1795 : vector<16xf32>
        %parallel_loop3A_1800 = arith.subf %parallel_loop3A_1329, %parallel_loop3A_1798 : vector<16xf32>
        %parallel_loop3A_1801 = arith.mulf %parallel_loop3A_1799, %parallel_loop3A_1799 : vector<16xf32>
        %parallel_loop3A_1802 = arith.mulf %parallel_loop3A_1800, %parallel_loop3A_1800 : vector<16xf32>
        %parallel_loop3A_1803 = arith.addf %parallel_loop3A_1801, %parallel_loop3A_1802 : vector<16xf32>
        %parallel_loop3A_1804 = arith.constant 27 : i32
        %parallel_loop3A_1805 = vector.broadcast %parallel_loop3A_1804 : i32 to vector<16xi32>
        %parallel_loop3A_1806 = arith.cmpi eq, %parallel_loop3A_1321, %parallel_loop3A_1805 : vector<16xi32>
        %parallel_loop3A_1807 = vector.broadcast %parallel_loop3A_150 : f32 to vector<16xf32>
        %parallel_loop3A_1808 = arith.select %parallel_loop3A_1806, %parallel_loop3A_1807, %parallel_loop3A_1803 : vector<16xi1>, vector<16xf32>
        %parallel_loop3A_1809 = arith.minimumf %parallel_loop3A_1741, %parallel_loop3A_1808 : vector<16xf32>
        %parallel_loop3A_1810 = vector.extract_strided_slice %parallel_loop3A_161 {offsets = [12], sizes = [1], strides = [1]} : vector<16xf32> to vector<1xf32>
        %parallel_loop3A_1811 = vector.extract %parallel_loop3A_1810[0] : f32 from vector<1xf32>
        %parallel_loop3A_1812 = vector.broadcast %parallel_loop3A_1811 : f32 to vector<16xf32>
        %parallel_loop3A_1813 = vector.extract_strided_slice %parallel_loop3A_177 {offsets = [12], sizes = [1], strides = [1]} : vector<16xf32> to vector<1xf32>
        %parallel_loop3A_1814 = vector.extract %parallel_loop3A_1813[0] : f32 from vector<1xf32>
        %parallel_loop3A_1815 = vector.broadcast %parallel_loop3A_1814 : f32 to vector<16xf32>
        %parallel_loop3A_1816 = arith.subf %parallel_loop3A_1326, %parallel_loop3A_1812 : vector<16xf32>
        %parallel_loop3A_1817 = arith.subf %parallel_loop3A_1329, %parallel_loop3A_1815 : vector<16xf32>
        %parallel_loop3A_1818 = arith.mulf %parallel_loop3A_1816, %parallel_loop3A_1816 : vector<16xf32>
        %parallel_loop3A_1819 = arith.mulf %parallel_loop3A_1817, %parallel_loop3A_1817 : vector<16xf32>
        %parallel_loop3A_1820 = arith.addf %parallel_loop3A_1818, %parallel_loop3A_1819 : vector<16xf32>
        %parallel_loop3A_1821 = arith.constant 28 : i32
        %parallel_loop3A_1822 = vector.broadcast %parallel_loop3A_1821 : i32 to vector<16xi32>
        %parallel_loop3A_1823 = arith.cmpi eq, %parallel_loop3A_1321, %parallel_loop3A_1822 : vector<16xi32>
        %parallel_loop3A_1824 = vector.broadcast %parallel_loop3A_150 : f32 to vector<16xf32>
        %parallel_loop3A_1825 = arith.select %parallel_loop3A_1823, %parallel_loop3A_1824, %parallel_loop3A_1820 : vector<16xi1>, vector<16xf32>
        %parallel_loop3A_1826 = arith.minimumf %parallel_loop3A_1758, %parallel_loop3A_1825 : vector<16xf32>
        %parallel_loop3A_1827 = vector.extract_strided_slice %parallel_loop3A_161 {offsets = [13], sizes = [1], strides = [1]} : vector<16xf32> to vector<1xf32>
        %parallel_loop3A_1828 = vector.extract %parallel_loop3A_1827[0] : f32 from vector<1xf32>
        %parallel_loop3A_1829 = vector.broadcast %parallel_loop3A_1828 : f32 to vector<16xf32>
        %parallel_loop3A_1830 = vector.extract_strided_slice %parallel_loop3A_177 {offsets = [13], sizes = [1], strides = [1]} : vector<16xf32> to vector<1xf32>
        %parallel_loop3A_1831 = vector.extract %parallel_loop3A_1830[0] : f32 from vector<1xf32>
        %parallel_loop3A_1832 = vector.broadcast %parallel_loop3A_1831 : f32 to vector<16xf32>
        %parallel_loop3A_1833 = arith.subf %parallel_loop3A_1326, %parallel_loop3A_1829 : vector<16xf32>
        %parallel_loop3A_1834 = arith.subf %parallel_loop3A_1329, %parallel_loop3A_1832 : vector<16xf32>
        %parallel_loop3A_1835 = arith.mulf %parallel_loop3A_1833, %parallel_loop3A_1833 : vector<16xf32>
        %parallel_loop3A_1836 = arith.mulf %parallel_loop3A_1834, %parallel_loop3A_1834 : vector<16xf32>
        %parallel_loop3A_1837 = arith.addf %parallel_loop3A_1835, %parallel_loop3A_1836 : vector<16xf32>
        %parallel_loop3A_1838 = arith.constant 29 : i32
        %parallel_loop3A_1839 = vector.broadcast %parallel_loop3A_1838 : i32 to vector<16xi32>
        %parallel_loop3A_1840 = arith.cmpi eq, %parallel_loop3A_1321, %parallel_loop3A_1839 : vector<16xi32>
        %parallel_loop3A_1841 = vector.broadcast %parallel_loop3A_150 : f32 to vector<16xf32>
        %parallel_loop3A_1842 = arith.select %parallel_loop3A_1840, %parallel_loop3A_1841, %parallel_loop3A_1837 : vector<16xi1>, vector<16xf32>
        %parallel_loop3A_1843 = arith.minimumf %parallel_loop3A_1775, %parallel_loop3A_1842 : vector<16xf32>
        %parallel_loop3A_1844 = vector.extract_strided_slice %parallel_loop3A_161 {offsets = [14], sizes = [1], strides = [1]} : vector<16xf32> to vector<1xf32>
        %parallel_loop3A_1845 = vector.extract %parallel_loop3A_1844[0] : f32 from vector<1xf32>
        %parallel_loop3A_1846 = vector.broadcast %parallel_loop3A_1845 : f32 to vector<16xf32>
        %parallel_loop3A_1847 = vector.extract_strided_slice %parallel_loop3A_177 {offsets = [14], sizes = [1], strides = [1]} : vector<16xf32> to vector<1xf32>
        %parallel_loop3A_1848 = vector.extract %parallel_loop3A_1847[0] : f32 from vector<1xf32>
        %parallel_loop3A_1849 = vector.broadcast %parallel_loop3A_1848 : f32 to vector<16xf32>
        %parallel_loop3A_1850 = arith.subf %parallel_loop3A_1326, %parallel_loop3A_1846 : vector<16xf32>
        %parallel_loop3A_1851 = arith.subf %parallel_loop3A_1329, %parallel_loop3A_1849 : vector<16xf32>
        %parallel_loop3A_1852 = arith.mulf %parallel_loop3A_1850, %parallel_loop3A_1850 : vector<16xf32>
        %parallel_loop3A_1853 = arith.mulf %parallel_loop3A_1851, %parallel_loop3A_1851 : vector<16xf32>
        %parallel_loop3A_1854 = arith.addf %parallel_loop3A_1852, %parallel_loop3A_1853 : vector<16xf32>
        %parallel_loop3A_1855 = arith.constant 30 : i32
        %parallel_loop3A_1856 = vector.broadcast %parallel_loop3A_1855 : i32 to vector<16xi32>
        %parallel_loop3A_1857 = arith.cmpi eq, %parallel_loop3A_1321, %parallel_loop3A_1856 : vector<16xi32>
        %parallel_loop3A_1858 = vector.broadcast %parallel_loop3A_150 : f32 to vector<16xf32>
        %parallel_loop3A_1859 = arith.select %parallel_loop3A_1857, %parallel_loop3A_1858, %parallel_loop3A_1854 : vector<16xi1>, vector<16xf32>
        %parallel_loop3A_1860 = arith.minimumf %parallel_loop3A_1792, %parallel_loop3A_1859 : vector<16xf32>
        %parallel_loop3A_1861 = vector.extract_strided_slice %parallel_loop3A_161 {offsets = [15], sizes = [1], strides = [1]} : vector<16xf32> to vector<1xf32>
        %parallel_loop3A_1862 = vector.extract %parallel_loop3A_1861[0] : f32 from vector<1xf32>
        %parallel_loop3A_1863 = vector.broadcast %parallel_loop3A_1862 : f32 to vector<16xf32>
        %parallel_loop3A_1864 = vector.extract_strided_slice %parallel_loop3A_177 {offsets = [15], sizes = [1], strides = [1]} : vector<16xf32> to vector<1xf32>
        %parallel_loop3A_1865 = vector.extract %parallel_loop3A_1864[0] : f32 from vector<1xf32>
        %parallel_loop3A_1866 = vector.broadcast %parallel_loop3A_1865 : f32 to vector<16xf32>
        %parallel_loop3A_1867 = arith.subf %parallel_loop3A_1326, %parallel_loop3A_1863 : vector<16xf32>
        %parallel_loop3A_1868 = arith.subf %parallel_loop3A_1329, %parallel_loop3A_1866 : vector<16xf32>
        %parallel_loop3A_1869 = arith.mulf %parallel_loop3A_1867, %parallel_loop3A_1867 : vector<16xf32>
        %parallel_loop3A_1870 = arith.mulf %parallel_loop3A_1868, %parallel_loop3A_1868 : vector<16xf32>
        %parallel_loop3A_1871 = arith.addf %parallel_loop3A_1869, %parallel_loop3A_1870 : vector<16xf32>
        %parallel_loop3A_1872 = arith.constant 31 : i32
        %parallel_loop3A_1873 = vector.broadcast %parallel_loop3A_1872 : i32 to vector<16xi32>
        %parallel_loop3A_1874 = arith.cmpi eq, %parallel_loop3A_1321, %parallel_loop3A_1873 : vector<16xi32>
        %parallel_loop3A_1875 = vector.broadcast %parallel_loop3A_150 : f32 to vector<16xf32>
        %parallel_loop3A_1876 = arith.select %parallel_loop3A_1874, %parallel_loop3A_1875, %parallel_loop3A_1871 : vector<16xi1>, vector<16xf32>
        %parallel_loop3A_1877 = arith.minimumf %parallel_loop3A_1809, %parallel_loop3A_1876 : vector<16xf32>
        %parallel_loop3A_1878 = vector.extract_strided_slice %parallel_loop3A_165 {offsets = [0], sizes = [1], strides = [1]} : vector<16xf32> to vector<1xf32>
        %parallel_loop3A_1879 = vector.extract %parallel_loop3A_1878[0] : f32 from vector<1xf32>
        %parallel_loop3A_1880 = vector.broadcast %parallel_loop3A_1879 : f32 to vector<16xf32>
        %parallel_loop3A_1881 = vector.extract_strided_slice %parallel_loop3A_181 {offsets = [0], sizes = [1], strides = [1]} : vector<16xf32> to vector<1xf32>
        %parallel_loop3A_1882 = vector.extract %parallel_loop3A_1881[0] : f32 from vector<1xf32>
        %parallel_loop3A_1883 = vector.broadcast %parallel_loop3A_1882 : f32 to vector<16xf32>
        %parallel_loop3A_1884 = arith.subf %parallel_loop3A_1326, %parallel_loop3A_1880 : vector<16xf32>
        %parallel_loop3A_1885 = arith.subf %parallel_loop3A_1329, %parallel_loop3A_1883 : vector<16xf32>
        %parallel_loop3A_1886 = arith.mulf %parallel_loop3A_1884, %parallel_loop3A_1884 : vector<16xf32>
        %parallel_loop3A_1887 = arith.mulf %parallel_loop3A_1885, %parallel_loop3A_1885 : vector<16xf32>
        %parallel_loop3A_1888 = arith.addf %parallel_loop3A_1886, %parallel_loop3A_1887 : vector<16xf32>
        %parallel_loop3A_1889 = arith.constant 32 : i32
        %parallel_loop3A_1890 = vector.broadcast %parallel_loop3A_1889 : i32 to vector<16xi32>
        %parallel_loop3A_1891 = arith.cmpi eq, %parallel_loop3A_1321, %parallel_loop3A_1890 : vector<16xi32>
        %parallel_loop3A_1892 = vector.broadcast %parallel_loop3A_150 : f32 to vector<16xf32>
        %parallel_loop3A_1893 = arith.select %parallel_loop3A_1891, %parallel_loop3A_1892, %parallel_loop3A_1888 : vector<16xi1>, vector<16xf32>
        %parallel_loop3A_1894 = arith.minimumf %parallel_loop3A_1826, %parallel_loop3A_1893 : vector<16xf32>
        %parallel_loop3A_1895 = vector.extract_strided_slice %parallel_loop3A_165 {offsets = [1], sizes = [1], strides = [1]} : vector<16xf32> to vector<1xf32>
        %parallel_loop3A_1896 = vector.extract %parallel_loop3A_1895[0] : f32 from vector<1xf32>
        %parallel_loop3A_1897 = vector.broadcast %parallel_loop3A_1896 : f32 to vector<16xf32>
        %parallel_loop3A_1898 = vector.extract_strided_slice %parallel_loop3A_181 {offsets = [1], sizes = [1], strides = [1]} : vector<16xf32> to vector<1xf32>
        %parallel_loop3A_1899 = vector.extract %parallel_loop3A_1898[0] : f32 from vector<1xf32>
        %parallel_loop3A_1900 = vector.broadcast %parallel_loop3A_1899 : f32 to vector<16xf32>
        %parallel_loop3A_1901 = arith.subf %parallel_loop3A_1326, %parallel_loop3A_1897 : vector<16xf32>
        %parallel_loop3A_1902 = arith.subf %parallel_loop3A_1329, %parallel_loop3A_1900 : vector<16xf32>
        %parallel_loop3A_1903 = arith.mulf %parallel_loop3A_1901, %parallel_loop3A_1901 : vector<16xf32>
        %parallel_loop3A_1904 = arith.mulf %parallel_loop3A_1902, %parallel_loop3A_1902 : vector<16xf32>
        %parallel_loop3A_1905 = arith.addf %parallel_loop3A_1903, %parallel_loop3A_1904 : vector<16xf32>
        %parallel_loop3A_1906 = arith.constant 33 : i32
        %parallel_loop3A_1907 = vector.broadcast %parallel_loop3A_1906 : i32 to vector<16xi32>
        %parallel_loop3A_1908 = arith.cmpi eq, %parallel_loop3A_1321, %parallel_loop3A_1907 : vector<16xi32>
        %parallel_loop3A_1909 = vector.broadcast %parallel_loop3A_150 : f32 to vector<16xf32>
        %parallel_loop3A_1910 = arith.select %parallel_loop3A_1908, %parallel_loop3A_1909, %parallel_loop3A_1905 : vector<16xi1>, vector<16xf32>
        %parallel_loop3A_1911 = arith.minimumf %parallel_loop3A_1843, %parallel_loop3A_1910 : vector<16xf32>
        %parallel_loop3A_1912 = vector.extract_strided_slice %parallel_loop3A_165 {offsets = [2], sizes = [1], strides = [1]} : vector<16xf32> to vector<1xf32>
        %parallel_loop3A_1913 = vector.extract %parallel_loop3A_1912[0] : f32 from vector<1xf32>
        %parallel_loop3A_1914 = vector.broadcast %parallel_loop3A_1913 : f32 to vector<16xf32>
        %parallel_loop3A_1915 = vector.extract_strided_slice %parallel_loop3A_181 {offsets = [2], sizes = [1], strides = [1]} : vector<16xf32> to vector<1xf32>
        %parallel_loop3A_1916 = vector.extract %parallel_loop3A_1915[0] : f32 from vector<1xf32>
        %parallel_loop3A_1917 = vector.broadcast %parallel_loop3A_1916 : f32 to vector<16xf32>
        %parallel_loop3A_1918 = arith.subf %parallel_loop3A_1326, %parallel_loop3A_1914 : vector<16xf32>
        %parallel_loop3A_1919 = arith.subf %parallel_loop3A_1329, %parallel_loop3A_1917 : vector<16xf32>
        %parallel_loop3A_1920 = arith.mulf %parallel_loop3A_1918, %parallel_loop3A_1918 : vector<16xf32>
        %parallel_loop3A_1921 = arith.mulf %parallel_loop3A_1919, %parallel_loop3A_1919 : vector<16xf32>
        %parallel_loop3A_1922 = arith.addf %parallel_loop3A_1920, %parallel_loop3A_1921 : vector<16xf32>
        %parallel_loop3A_1923 = arith.constant 34 : i32
        %parallel_loop3A_1924 = vector.broadcast %parallel_loop3A_1923 : i32 to vector<16xi32>
        %parallel_loop3A_1925 = arith.cmpi eq, %parallel_loop3A_1321, %parallel_loop3A_1924 : vector<16xi32>
        %parallel_loop3A_1926 = vector.broadcast %parallel_loop3A_150 : f32 to vector<16xf32>
        %parallel_loop3A_1927 = arith.select %parallel_loop3A_1925, %parallel_loop3A_1926, %parallel_loop3A_1922 : vector<16xi1>, vector<16xf32>
        %parallel_loop3A_1928 = arith.minimumf %parallel_loop3A_1860, %parallel_loop3A_1927 : vector<16xf32>
        %parallel_loop3A_1929 = vector.extract_strided_slice %parallel_loop3A_165 {offsets = [3], sizes = [1], strides = [1]} : vector<16xf32> to vector<1xf32>
        %parallel_loop3A_1930 = vector.extract %parallel_loop3A_1929[0] : f32 from vector<1xf32>
        %parallel_loop3A_1931 = vector.broadcast %parallel_loop3A_1930 : f32 to vector<16xf32>
        %parallel_loop3A_1932 = vector.extract_strided_slice %parallel_loop3A_181 {offsets = [3], sizes = [1], strides = [1]} : vector<16xf32> to vector<1xf32>
        %parallel_loop3A_1933 = vector.extract %parallel_loop3A_1932[0] : f32 from vector<1xf32>
        %parallel_loop3A_1934 = vector.broadcast %parallel_loop3A_1933 : f32 to vector<16xf32>
        %parallel_loop3A_1935 = arith.subf %parallel_loop3A_1326, %parallel_loop3A_1931 : vector<16xf32>
        %parallel_loop3A_1936 = arith.subf %parallel_loop3A_1329, %parallel_loop3A_1934 : vector<16xf32>
        %parallel_loop3A_1937 = arith.mulf %parallel_loop3A_1935, %parallel_loop3A_1935 : vector<16xf32>
        %parallel_loop3A_1938 = arith.mulf %parallel_loop3A_1936, %parallel_loop3A_1936 : vector<16xf32>
        %parallel_loop3A_1939 = arith.addf %parallel_loop3A_1937, %parallel_loop3A_1938 : vector<16xf32>
        %parallel_loop3A_1940 = arith.constant 35 : i32
        %parallel_loop3A_1941 = vector.broadcast %parallel_loop3A_1940 : i32 to vector<16xi32>
        %parallel_loop3A_1942 = arith.cmpi eq, %parallel_loop3A_1321, %parallel_loop3A_1941 : vector<16xi32>
        %parallel_loop3A_1943 = vector.broadcast %parallel_loop3A_150 : f32 to vector<16xf32>
        %parallel_loop3A_1944 = arith.select %parallel_loop3A_1942, %parallel_loop3A_1943, %parallel_loop3A_1939 : vector<16xi1>, vector<16xf32>
        %parallel_loop3A_1945 = arith.minimumf %parallel_loop3A_1877, %parallel_loop3A_1944 : vector<16xf32>
        %parallel_loop3A_1946 = vector.extract_strided_slice %parallel_loop3A_165 {offsets = [4], sizes = [1], strides = [1]} : vector<16xf32> to vector<1xf32>
        %parallel_loop3A_1947 = vector.extract %parallel_loop3A_1946[0] : f32 from vector<1xf32>
        %parallel_loop3A_1948 = vector.broadcast %parallel_loop3A_1947 : f32 to vector<16xf32>
        %parallel_loop3A_1949 = vector.extract_strided_slice %parallel_loop3A_181 {offsets = [4], sizes = [1], strides = [1]} : vector<16xf32> to vector<1xf32>
        %parallel_loop3A_1950 = vector.extract %parallel_loop3A_1949[0] : f32 from vector<1xf32>
        %parallel_loop3A_1951 = vector.broadcast %parallel_loop3A_1950 : f32 to vector<16xf32>
        %parallel_loop3A_1952 = arith.subf %parallel_loop3A_1326, %parallel_loop3A_1948 : vector<16xf32>
        %parallel_loop3A_1953 = arith.subf %parallel_loop3A_1329, %parallel_loop3A_1951 : vector<16xf32>
        %parallel_loop3A_1954 = arith.mulf %parallel_loop3A_1952, %parallel_loop3A_1952 : vector<16xf32>
        %parallel_loop3A_1955 = arith.mulf %parallel_loop3A_1953, %parallel_loop3A_1953 : vector<16xf32>
        %parallel_loop3A_1956 = arith.addf %parallel_loop3A_1954, %parallel_loop3A_1955 : vector<16xf32>
        %parallel_loop3A_1957 = arith.constant 36 : i32
        %parallel_loop3A_1958 = vector.broadcast %parallel_loop3A_1957 : i32 to vector<16xi32>
        %parallel_loop3A_1959 = arith.cmpi eq, %parallel_loop3A_1321, %parallel_loop3A_1958 : vector<16xi32>
        %parallel_loop3A_1960 = vector.broadcast %parallel_loop3A_150 : f32 to vector<16xf32>
        %parallel_loop3A_1961 = arith.select %parallel_loop3A_1959, %parallel_loop3A_1960, %parallel_loop3A_1956 : vector<16xi1>, vector<16xf32>
        %parallel_loop3A_1962 = arith.minimumf %parallel_loop3A_1894, %parallel_loop3A_1961 : vector<16xf32>
        %parallel_loop3A_1963 = vector.extract_strided_slice %parallel_loop3A_165 {offsets = [5], sizes = [1], strides = [1]} : vector<16xf32> to vector<1xf32>
        %parallel_loop3A_1964 = vector.extract %parallel_loop3A_1963[0] : f32 from vector<1xf32>
        %parallel_loop3A_1965 = vector.broadcast %parallel_loop3A_1964 : f32 to vector<16xf32>
        %parallel_loop3A_1966 = vector.extract_strided_slice %parallel_loop3A_181 {offsets = [5], sizes = [1], strides = [1]} : vector<16xf32> to vector<1xf32>
        %parallel_loop3A_1967 = vector.extract %parallel_loop3A_1966[0] : f32 from vector<1xf32>
        %parallel_loop3A_1968 = vector.broadcast %parallel_loop3A_1967 : f32 to vector<16xf32>
        %parallel_loop3A_1969 = arith.subf %parallel_loop3A_1326, %parallel_loop3A_1965 : vector<16xf32>
        %parallel_loop3A_1970 = arith.subf %parallel_loop3A_1329, %parallel_loop3A_1968 : vector<16xf32>
        %parallel_loop3A_1971 = arith.mulf %parallel_loop3A_1969, %parallel_loop3A_1969 : vector<16xf32>
        %parallel_loop3A_1972 = arith.mulf %parallel_loop3A_1970, %parallel_loop3A_1970 : vector<16xf32>
        %parallel_loop3A_1973 = arith.addf %parallel_loop3A_1971, %parallel_loop3A_1972 : vector<16xf32>
        %parallel_loop3A_1974 = arith.constant 37 : i32
        %parallel_loop3A_1975 = vector.broadcast %parallel_loop3A_1974 : i32 to vector<16xi32>
        %parallel_loop3A_1976 = arith.cmpi eq, %parallel_loop3A_1321, %parallel_loop3A_1975 : vector<16xi32>
        %parallel_loop3A_1977 = vector.broadcast %parallel_loop3A_150 : f32 to vector<16xf32>
        %parallel_loop3A_1978 = arith.select %parallel_loop3A_1976, %parallel_loop3A_1977, %parallel_loop3A_1973 : vector<16xi1>, vector<16xf32>
        %parallel_loop3A_1979 = arith.minimumf %parallel_loop3A_1911, %parallel_loop3A_1978 : vector<16xf32>
        %parallel_loop3A_1980 = vector.extract_strided_slice %parallel_loop3A_165 {offsets = [6], sizes = [1], strides = [1]} : vector<16xf32> to vector<1xf32>
        %parallel_loop3A_1981 = vector.extract %parallel_loop3A_1980[0] : f32 from vector<1xf32>
        %parallel_loop3A_1982 = vector.broadcast %parallel_loop3A_1981 : f32 to vector<16xf32>
        %parallel_loop3A_1983 = vector.extract_strided_slice %parallel_loop3A_181 {offsets = [6], sizes = [1], strides = [1]} : vector<16xf32> to vector<1xf32>
        %parallel_loop3A_1984 = vector.extract %parallel_loop3A_1983[0] : f32 from vector<1xf32>
        %parallel_loop3A_1985 = vector.broadcast %parallel_loop3A_1984 : f32 to vector<16xf32>
        %parallel_loop3A_1986 = arith.subf %parallel_loop3A_1326, %parallel_loop3A_1982 : vector<16xf32>
        %parallel_loop3A_1987 = arith.subf %parallel_loop3A_1329, %parallel_loop3A_1985 : vector<16xf32>
        %parallel_loop3A_1988 = arith.mulf %parallel_loop3A_1986, %parallel_loop3A_1986 : vector<16xf32>
        %parallel_loop3A_1989 = arith.mulf %parallel_loop3A_1987, %parallel_loop3A_1987 : vector<16xf32>
        %parallel_loop3A_1990 = arith.addf %parallel_loop3A_1988, %parallel_loop3A_1989 : vector<16xf32>
        %parallel_loop3A_1991 = arith.constant 38 : i32
        %parallel_loop3A_1992 = vector.broadcast %parallel_loop3A_1991 : i32 to vector<16xi32>
        %parallel_loop3A_1993 = arith.cmpi eq, %parallel_loop3A_1321, %parallel_loop3A_1992 : vector<16xi32>
        %parallel_loop3A_1994 = vector.broadcast %parallel_loop3A_150 : f32 to vector<16xf32>
        %parallel_loop3A_1995 = arith.select %parallel_loop3A_1993, %parallel_loop3A_1994, %parallel_loop3A_1990 : vector<16xi1>, vector<16xf32>
        %parallel_loop3A_1996 = arith.minimumf %parallel_loop3A_1928, %parallel_loop3A_1995 : vector<16xf32>
        %parallel_loop3A_1997 = vector.extract_strided_slice %parallel_loop3A_165 {offsets = [7], sizes = [1], strides = [1]} : vector<16xf32> to vector<1xf32>
        %parallel_loop3A_1998 = vector.extract %parallel_loop3A_1997[0] : f32 from vector<1xf32>
        %parallel_loop3A_1999 = vector.broadcast %parallel_loop3A_1998 : f32 to vector<16xf32>
        %parallel_loop3A_2000 = vector.extract_strided_slice %parallel_loop3A_181 {offsets = [7], sizes = [1], strides = [1]} : vector<16xf32> to vector<1xf32>
        %parallel_loop3A_2001 = vector.extract %parallel_loop3A_2000[0] : f32 from vector<1xf32>
        %parallel_loop3A_2002 = vector.broadcast %parallel_loop3A_2001 : f32 to vector<16xf32>
        %parallel_loop3A_2003 = arith.subf %parallel_loop3A_1326, %parallel_loop3A_1999 : vector<16xf32>
        %parallel_loop3A_2004 = arith.subf %parallel_loop3A_1329, %parallel_loop3A_2002 : vector<16xf32>
        %parallel_loop3A_2005 = arith.mulf %parallel_loop3A_2003, %parallel_loop3A_2003 : vector<16xf32>
        %parallel_loop3A_2006 = arith.mulf %parallel_loop3A_2004, %parallel_loop3A_2004 : vector<16xf32>
        %parallel_loop3A_2007 = arith.addf %parallel_loop3A_2005, %parallel_loop3A_2006 : vector<16xf32>
        %parallel_loop3A_2008 = arith.constant 39 : i32
        %parallel_loop3A_2009 = vector.broadcast %parallel_loop3A_2008 : i32 to vector<16xi32>
        %parallel_loop3A_2010 = arith.cmpi eq, %parallel_loop3A_1321, %parallel_loop3A_2009 : vector<16xi32>
        %parallel_loop3A_2011 = vector.broadcast %parallel_loop3A_150 : f32 to vector<16xf32>
        %parallel_loop3A_2012 = arith.select %parallel_loop3A_2010, %parallel_loop3A_2011, %parallel_loop3A_2007 : vector<16xi1>, vector<16xf32>
        %parallel_loop3A_2013 = arith.minimumf %parallel_loop3A_1945, %parallel_loop3A_2012 : vector<16xf32>
        %parallel_loop3A_2014 = vector.extract_strided_slice %parallel_loop3A_165 {offsets = [8], sizes = [1], strides = [1]} : vector<16xf32> to vector<1xf32>
        %parallel_loop3A_2015 = vector.extract %parallel_loop3A_2014[0] : f32 from vector<1xf32>
        %parallel_loop3A_2016 = vector.broadcast %parallel_loop3A_2015 : f32 to vector<16xf32>
        %parallel_loop3A_2017 = vector.extract_strided_slice %parallel_loop3A_181 {offsets = [8], sizes = [1], strides = [1]} : vector<16xf32> to vector<1xf32>
        %parallel_loop3A_2018 = vector.extract %parallel_loop3A_2017[0] : f32 from vector<1xf32>
        %parallel_loop3A_2019 = vector.broadcast %parallel_loop3A_2018 : f32 to vector<16xf32>
        %parallel_loop3A_2020 = arith.subf %parallel_loop3A_1326, %parallel_loop3A_2016 : vector<16xf32>
        %parallel_loop3A_2021 = arith.subf %parallel_loop3A_1329, %parallel_loop3A_2019 : vector<16xf32>
        %parallel_loop3A_2022 = arith.mulf %parallel_loop3A_2020, %parallel_loop3A_2020 : vector<16xf32>
        %parallel_loop3A_2023 = arith.mulf %parallel_loop3A_2021, %parallel_loop3A_2021 : vector<16xf32>
        %parallel_loop3A_2024 = arith.addf %parallel_loop3A_2022, %parallel_loop3A_2023 : vector<16xf32>
        %parallel_loop3A_2025 = arith.constant 40 : i32
        %parallel_loop3A_2026 = vector.broadcast %parallel_loop3A_2025 : i32 to vector<16xi32>
        %parallel_loop3A_2027 = arith.cmpi eq, %parallel_loop3A_1321, %parallel_loop3A_2026 : vector<16xi32>
        %parallel_loop3A_2028 = vector.broadcast %parallel_loop3A_150 : f32 to vector<16xf32>
        %parallel_loop3A_2029 = arith.select %parallel_loop3A_2027, %parallel_loop3A_2028, %parallel_loop3A_2024 : vector<16xi1>, vector<16xf32>
        %parallel_loop3A_2030 = arith.minimumf %parallel_loop3A_1962, %parallel_loop3A_2029 : vector<16xf32>
        %parallel_loop3A_2031 = vector.extract_strided_slice %parallel_loop3A_165 {offsets = [9], sizes = [1], strides = [1]} : vector<16xf32> to vector<1xf32>
        %parallel_loop3A_2032 = vector.extract %parallel_loop3A_2031[0] : f32 from vector<1xf32>
        %parallel_loop3A_2033 = vector.broadcast %parallel_loop3A_2032 : f32 to vector<16xf32>
        %parallel_loop3A_2034 = vector.extract_strided_slice %parallel_loop3A_181 {offsets = [9], sizes = [1], strides = [1]} : vector<16xf32> to vector<1xf32>
        %parallel_loop3A_2035 = vector.extract %parallel_loop3A_2034[0] : f32 from vector<1xf32>
        %parallel_loop3A_2036 = vector.broadcast %parallel_loop3A_2035 : f32 to vector<16xf32>
        %parallel_loop3A_2037 = arith.subf %parallel_loop3A_1326, %parallel_loop3A_2033 : vector<16xf32>
        %parallel_loop3A_2038 = arith.subf %parallel_loop3A_1329, %parallel_loop3A_2036 : vector<16xf32>
        %parallel_loop3A_2039 = arith.mulf %parallel_loop3A_2037, %parallel_loop3A_2037 : vector<16xf32>
        %parallel_loop3A_2040 = arith.mulf %parallel_loop3A_2038, %parallel_loop3A_2038 : vector<16xf32>
        %parallel_loop3A_2041 = arith.addf %parallel_loop3A_2039, %parallel_loop3A_2040 : vector<16xf32>
        %parallel_loop3A_2042 = arith.constant 41 : i32
        %parallel_loop3A_2043 = vector.broadcast %parallel_loop3A_2042 : i32 to vector<16xi32>
        %parallel_loop3A_2044 = arith.cmpi eq, %parallel_loop3A_1321, %parallel_loop3A_2043 : vector<16xi32>
        %parallel_loop3A_2045 = vector.broadcast %parallel_loop3A_150 : f32 to vector<16xf32>
        %parallel_loop3A_2046 = arith.select %parallel_loop3A_2044, %parallel_loop3A_2045, %parallel_loop3A_2041 : vector<16xi1>, vector<16xf32>
        %parallel_loop3A_2047 = arith.minimumf %parallel_loop3A_1979, %parallel_loop3A_2046 : vector<16xf32>
        %parallel_loop3A_2048 = vector.extract_strided_slice %parallel_loop3A_165 {offsets = [10], sizes = [1], strides = [1]} : vector<16xf32> to vector<1xf32>
        %parallel_loop3A_2049 = vector.extract %parallel_loop3A_2048[0] : f32 from vector<1xf32>
        %parallel_loop3A_2050 = vector.broadcast %parallel_loop3A_2049 : f32 to vector<16xf32>
        %parallel_loop3A_2051 = vector.extract_strided_slice %parallel_loop3A_181 {offsets = [10], sizes = [1], strides = [1]} : vector<16xf32> to vector<1xf32>
        %parallel_loop3A_2052 = vector.extract %parallel_loop3A_2051[0] : f32 from vector<1xf32>
        %parallel_loop3A_2053 = vector.broadcast %parallel_loop3A_2052 : f32 to vector<16xf32>
        %parallel_loop3A_2054 = arith.subf %parallel_loop3A_1326, %parallel_loop3A_2050 : vector<16xf32>
        %parallel_loop3A_2055 = arith.subf %parallel_loop3A_1329, %parallel_loop3A_2053 : vector<16xf32>
        %parallel_loop3A_2056 = arith.mulf %parallel_loop3A_2054, %parallel_loop3A_2054 : vector<16xf32>
        %parallel_loop3A_2057 = arith.mulf %parallel_loop3A_2055, %parallel_loop3A_2055 : vector<16xf32>
        %parallel_loop3A_2058 = arith.addf %parallel_loop3A_2056, %parallel_loop3A_2057 : vector<16xf32>
        %parallel_loop3A_2059 = arith.constant 42 : i32
        %parallel_loop3A_2060 = vector.broadcast %parallel_loop3A_2059 : i32 to vector<16xi32>
        %parallel_loop3A_2061 = arith.cmpi eq, %parallel_loop3A_1321, %parallel_loop3A_2060 : vector<16xi32>
        %parallel_loop3A_2062 = vector.broadcast %parallel_loop3A_150 : f32 to vector<16xf32>
        %parallel_loop3A_2063 = arith.select %parallel_loop3A_2061, %parallel_loop3A_2062, %parallel_loop3A_2058 : vector<16xi1>, vector<16xf32>
        %parallel_loop3A_2064 = arith.minimumf %parallel_loop3A_1996, %parallel_loop3A_2063 : vector<16xf32>
        %parallel_loop3A_2065 = vector.extract_strided_slice %parallel_loop3A_165 {offsets = [11], sizes = [1], strides = [1]} : vector<16xf32> to vector<1xf32>
        %parallel_loop3A_2066 = vector.extract %parallel_loop3A_2065[0] : f32 from vector<1xf32>
        %parallel_loop3A_2067 = vector.broadcast %parallel_loop3A_2066 : f32 to vector<16xf32>
        %parallel_loop3A_2068 = vector.extract_strided_slice %parallel_loop3A_181 {offsets = [11], sizes = [1], strides = [1]} : vector<16xf32> to vector<1xf32>
        %parallel_loop3A_2069 = vector.extract %parallel_loop3A_2068[0] : f32 from vector<1xf32>
        %parallel_loop3A_2070 = vector.broadcast %parallel_loop3A_2069 : f32 to vector<16xf32>
        %parallel_loop3A_2071 = arith.subf %parallel_loop3A_1326, %parallel_loop3A_2067 : vector<16xf32>
        %parallel_loop3A_2072 = arith.subf %parallel_loop3A_1329, %parallel_loop3A_2070 : vector<16xf32>
        %parallel_loop3A_2073 = arith.mulf %parallel_loop3A_2071, %parallel_loop3A_2071 : vector<16xf32>
        %parallel_loop3A_2074 = arith.mulf %parallel_loop3A_2072, %parallel_loop3A_2072 : vector<16xf32>
        %parallel_loop3A_2075 = arith.addf %parallel_loop3A_2073, %parallel_loop3A_2074 : vector<16xf32>
        %parallel_loop3A_2076 = arith.constant 43 : i32
        %parallel_loop3A_2077 = vector.broadcast %parallel_loop3A_2076 : i32 to vector<16xi32>
        %parallel_loop3A_2078 = arith.cmpi eq, %parallel_loop3A_1321, %parallel_loop3A_2077 : vector<16xi32>
        %parallel_loop3A_2079 = vector.broadcast %parallel_loop3A_150 : f32 to vector<16xf32>
        %parallel_loop3A_2080 = arith.select %parallel_loop3A_2078, %parallel_loop3A_2079, %parallel_loop3A_2075 : vector<16xi1>, vector<16xf32>
        %parallel_loop3A_2081 = arith.minimumf %parallel_loop3A_2013, %parallel_loop3A_2080 : vector<16xf32>
        %parallel_loop3A_2082 = vector.extract_strided_slice %parallel_loop3A_165 {offsets = [12], sizes = [1], strides = [1]} : vector<16xf32> to vector<1xf32>
        %parallel_loop3A_2083 = vector.extract %parallel_loop3A_2082[0] : f32 from vector<1xf32>
        %parallel_loop3A_2084 = vector.broadcast %parallel_loop3A_2083 : f32 to vector<16xf32>
        %parallel_loop3A_2085 = vector.extract_strided_slice %parallel_loop3A_181 {offsets = [12], sizes = [1], strides = [1]} : vector<16xf32> to vector<1xf32>
        %parallel_loop3A_2086 = vector.extract %parallel_loop3A_2085[0] : f32 from vector<1xf32>
        %parallel_loop3A_2087 = vector.broadcast %parallel_loop3A_2086 : f32 to vector<16xf32>
        %parallel_loop3A_2088 = arith.subf %parallel_loop3A_1326, %parallel_loop3A_2084 : vector<16xf32>
        %parallel_loop3A_2089 = arith.subf %parallel_loop3A_1329, %parallel_loop3A_2087 : vector<16xf32>
        %parallel_loop3A_2090 = arith.mulf %parallel_loop3A_2088, %parallel_loop3A_2088 : vector<16xf32>
        %parallel_loop3A_2091 = arith.mulf %parallel_loop3A_2089, %parallel_loop3A_2089 : vector<16xf32>
        %parallel_loop3A_2092 = arith.addf %parallel_loop3A_2090, %parallel_loop3A_2091 : vector<16xf32>
        %parallel_loop3A_2093 = arith.constant 44 : i32
        %parallel_loop3A_2094 = vector.broadcast %parallel_loop3A_2093 : i32 to vector<16xi32>
        %parallel_loop3A_2095 = arith.cmpi eq, %parallel_loop3A_1321, %parallel_loop3A_2094 : vector<16xi32>
        %parallel_loop3A_2096 = vector.broadcast %parallel_loop3A_150 : f32 to vector<16xf32>
        %parallel_loop3A_2097 = arith.select %parallel_loop3A_2095, %parallel_loop3A_2096, %parallel_loop3A_2092 : vector<16xi1>, vector<16xf32>
        %parallel_loop3A_2098 = arith.minimumf %parallel_loop3A_2030, %parallel_loop3A_2097 : vector<16xf32>
        %parallel_loop3A_2099 = vector.extract_strided_slice %parallel_loop3A_165 {offsets = [13], sizes = [1], strides = [1]} : vector<16xf32> to vector<1xf32>
        %parallel_loop3A_2100 = vector.extract %parallel_loop3A_2099[0] : f32 from vector<1xf32>
        %parallel_loop3A_2101 = vector.broadcast %parallel_loop3A_2100 : f32 to vector<16xf32>
        %parallel_loop3A_2102 = vector.extract_strided_slice %parallel_loop3A_181 {offsets = [13], sizes = [1], strides = [1]} : vector<16xf32> to vector<1xf32>
        %parallel_loop3A_2103 = vector.extract %parallel_loop3A_2102[0] : f32 from vector<1xf32>
        %parallel_loop3A_2104 = vector.broadcast %parallel_loop3A_2103 : f32 to vector<16xf32>
        %parallel_loop3A_2105 = arith.subf %parallel_loop3A_1326, %parallel_loop3A_2101 : vector<16xf32>
        %parallel_loop3A_2106 = arith.subf %parallel_loop3A_1329, %parallel_loop3A_2104 : vector<16xf32>
        %parallel_loop3A_2107 = arith.mulf %parallel_loop3A_2105, %parallel_loop3A_2105 : vector<16xf32>
        %parallel_loop3A_2108 = arith.mulf %parallel_loop3A_2106, %parallel_loop3A_2106 : vector<16xf32>
        %parallel_loop3A_2109 = arith.addf %parallel_loop3A_2107, %parallel_loop3A_2108 : vector<16xf32>
        %parallel_loop3A_2110 = arith.constant 45 : i32
        %parallel_loop3A_2111 = vector.broadcast %parallel_loop3A_2110 : i32 to vector<16xi32>
        %parallel_loop3A_2112 = arith.cmpi eq, %parallel_loop3A_1321, %parallel_loop3A_2111 : vector<16xi32>
        %parallel_loop3A_2113 = vector.broadcast %parallel_loop3A_150 : f32 to vector<16xf32>
        %parallel_loop3A_2114 = arith.select %parallel_loop3A_2112, %parallel_loop3A_2113, %parallel_loop3A_2109 : vector<16xi1>, vector<16xf32>
        %parallel_loop3A_2115 = arith.minimumf %parallel_loop3A_2047, %parallel_loop3A_2114 : vector<16xf32>
        %parallel_loop3A_2116 = vector.extract_strided_slice %parallel_loop3A_165 {offsets = [14], sizes = [1], strides = [1]} : vector<16xf32> to vector<1xf32>
        %parallel_loop3A_2117 = vector.extract %parallel_loop3A_2116[0] : f32 from vector<1xf32>
        %parallel_loop3A_2118 = vector.broadcast %parallel_loop3A_2117 : f32 to vector<16xf32>
        %parallel_loop3A_2119 = vector.extract_strided_slice %parallel_loop3A_181 {offsets = [14], sizes = [1], strides = [1]} : vector<16xf32> to vector<1xf32>
        %parallel_loop3A_2120 = vector.extract %parallel_loop3A_2119[0] : f32 from vector<1xf32>
        %parallel_loop3A_2121 = vector.broadcast %parallel_loop3A_2120 : f32 to vector<16xf32>
        %parallel_loop3A_2122 = arith.subf %parallel_loop3A_1326, %parallel_loop3A_2118 : vector<16xf32>
        %parallel_loop3A_2123 = arith.subf %parallel_loop3A_1329, %parallel_loop3A_2121 : vector<16xf32>
        %parallel_loop3A_2124 = arith.mulf %parallel_loop3A_2122, %parallel_loop3A_2122 : vector<16xf32>
        %parallel_loop3A_2125 = arith.mulf %parallel_loop3A_2123, %parallel_loop3A_2123 : vector<16xf32>
        %parallel_loop3A_2126 = arith.addf %parallel_loop3A_2124, %parallel_loop3A_2125 : vector<16xf32>
        %parallel_loop3A_2127 = arith.constant 46 : i32
        %parallel_loop3A_2128 = vector.broadcast %parallel_loop3A_2127 : i32 to vector<16xi32>
        %parallel_loop3A_2129 = arith.cmpi eq, %parallel_loop3A_1321, %parallel_loop3A_2128 : vector<16xi32>
        %parallel_loop3A_2130 = vector.broadcast %parallel_loop3A_150 : f32 to vector<16xf32>
        %parallel_loop3A_2131 = arith.select %parallel_loop3A_2129, %parallel_loop3A_2130, %parallel_loop3A_2126 : vector<16xi1>, vector<16xf32>
        %parallel_loop3A_2132 = arith.minimumf %parallel_loop3A_2064, %parallel_loop3A_2131 : vector<16xf32>
        %parallel_loop3A_2133 = vector.extract_strided_slice %parallel_loop3A_165 {offsets = [15], sizes = [1], strides = [1]} : vector<16xf32> to vector<1xf32>
        %parallel_loop3A_2134 = vector.extract %parallel_loop3A_2133[0] : f32 from vector<1xf32>
        %parallel_loop3A_2135 = vector.broadcast %parallel_loop3A_2134 : f32 to vector<16xf32>
        %parallel_loop3A_2136 = vector.extract_strided_slice %parallel_loop3A_181 {offsets = [15], sizes = [1], strides = [1]} : vector<16xf32> to vector<1xf32>
        %parallel_loop3A_2137 = vector.extract %parallel_loop3A_2136[0] : f32 from vector<1xf32>
        %parallel_loop3A_2138 = vector.broadcast %parallel_loop3A_2137 : f32 to vector<16xf32>
        %parallel_loop3A_2139 = arith.subf %parallel_loop3A_1326, %parallel_loop3A_2135 : vector<16xf32>
        %parallel_loop3A_2140 = arith.subf %parallel_loop3A_1329, %parallel_loop3A_2138 : vector<16xf32>
        %parallel_loop3A_2141 = arith.mulf %parallel_loop3A_2139, %parallel_loop3A_2139 : vector<16xf32>
        %parallel_loop3A_2142 = arith.mulf %parallel_loop3A_2140, %parallel_loop3A_2140 : vector<16xf32>
        %parallel_loop3A_2143 = arith.addf %parallel_loop3A_2141, %parallel_loop3A_2142 : vector<16xf32>
        %parallel_loop3A_2144 = arith.constant 47 : i32
        %parallel_loop3A_2145 = vector.broadcast %parallel_loop3A_2144 : i32 to vector<16xi32>
        %parallel_loop3A_2146 = arith.cmpi eq, %parallel_loop3A_1321, %parallel_loop3A_2145 : vector<16xi32>
        %parallel_loop3A_2147 = vector.broadcast %parallel_loop3A_150 : f32 to vector<16xf32>
        %parallel_loop3A_2148 = arith.select %parallel_loop3A_2146, %parallel_loop3A_2147, %parallel_loop3A_2143 : vector<16xi1>, vector<16xf32>
        %parallel_loop3A_2149 = arith.minimumf %parallel_loop3A_2081, %parallel_loop3A_2148 : vector<16xf32>
        %parallel_loop3A_2150 = vector.extract_strided_slice %parallel_loop3A_169 {offsets = [0], sizes = [1], strides = [1]} : vector<16xf32> to vector<1xf32>
        %parallel_loop3A_2151 = vector.extract %parallel_loop3A_2150[0] : f32 from vector<1xf32>
        %parallel_loop3A_2152 = vector.broadcast %parallel_loop3A_2151 : f32 to vector<16xf32>
        %parallel_loop3A_2153 = vector.extract_strided_slice %parallel_loop3A_185 {offsets = [0], sizes = [1], strides = [1]} : vector<16xf32> to vector<1xf32>
        %parallel_loop3A_2154 = vector.extract %parallel_loop3A_2153[0] : f32 from vector<1xf32>
        %parallel_loop3A_2155 = vector.broadcast %parallel_loop3A_2154 : f32 to vector<16xf32>
        %parallel_loop3A_2156 = arith.subf %parallel_loop3A_1326, %parallel_loop3A_2152 : vector<16xf32>
        %parallel_loop3A_2157 = arith.subf %parallel_loop3A_1329, %parallel_loop3A_2155 : vector<16xf32>
        %parallel_loop3A_2158 = arith.mulf %parallel_loop3A_2156, %parallel_loop3A_2156 : vector<16xf32>
        %parallel_loop3A_2159 = arith.mulf %parallel_loop3A_2157, %parallel_loop3A_2157 : vector<16xf32>
        %parallel_loop3A_2160 = arith.addf %parallel_loop3A_2158, %parallel_loop3A_2159 : vector<16xf32>
        %parallel_loop3A_2161 = arith.constant 48 : i32
        %parallel_loop3A_2162 = vector.broadcast %parallel_loop3A_2161 : i32 to vector<16xi32>
        %parallel_loop3A_2163 = arith.cmpi eq, %parallel_loop3A_1321, %parallel_loop3A_2162 : vector<16xi32>
        %parallel_loop3A_2164 = vector.broadcast %parallel_loop3A_150 : f32 to vector<16xf32>
        %parallel_loop3A_2165 = arith.select %parallel_loop3A_2163, %parallel_loop3A_2164, %parallel_loop3A_2160 : vector<16xi1>, vector<16xf32>
        %parallel_loop3A_2166 = arith.minimumf %parallel_loop3A_2098, %parallel_loop3A_2165 : vector<16xf32>
        %parallel_loop3A_2167 = vector.extract_strided_slice %parallel_loop3A_169 {offsets = [1], sizes = [1], strides = [1]} : vector<16xf32> to vector<1xf32>
        %parallel_loop3A_2168 = vector.extract %parallel_loop3A_2167[0] : f32 from vector<1xf32>
        %parallel_loop3A_2169 = vector.broadcast %parallel_loop3A_2168 : f32 to vector<16xf32>
        %parallel_loop3A_2170 = vector.extract_strided_slice %parallel_loop3A_185 {offsets = [1], sizes = [1], strides = [1]} : vector<16xf32> to vector<1xf32>
        %parallel_loop3A_2171 = vector.extract %parallel_loop3A_2170[0] : f32 from vector<1xf32>
        %parallel_loop3A_2172 = vector.broadcast %parallel_loop3A_2171 : f32 to vector<16xf32>
        %parallel_loop3A_2173 = arith.subf %parallel_loop3A_1326, %parallel_loop3A_2169 : vector<16xf32>
        %parallel_loop3A_2174 = arith.subf %parallel_loop3A_1329, %parallel_loop3A_2172 : vector<16xf32>
        %parallel_loop3A_2175 = arith.mulf %parallel_loop3A_2173, %parallel_loop3A_2173 : vector<16xf32>
        %parallel_loop3A_2176 = arith.mulf %parallel_loop3A_2174, %parallel_loop3A_2174 : vector<16xf32>
        %parallel_loop3A_2177 = arith.addf %parallel_loop3A_2175, %parallel_loop3A_2176 : vector<16xf32>
        %parallel_loop3A_2178 = arith.constant 49 : i32
        %parallel_loop3A_2179 = vector.broadcast %parallel_loop3A_2178 : i32 to vector<16xi32>
        %parallel_loop3A_2180 = arith.cmpi eq, %parallel_loop3A_1321, %parallel_loop3A_2179 : vector<16xi32>
        %parallel_loop3A_2181 = vector.broadcast %parallel_loop3A_150 : f32 to vector<16xf32>
        %parallel_loop3A_2182 = arith.select %parallel_loop3A_2180, %parallel_loop3A_2181, %parallel_loop3A_2177 : vector<16xi1>, vector<16xf32>
        %parallel_loop3A_2183 = arith.minimumf %parallel_loop3A_2115, %parallel_loop3A_2182 : vector<16xf32>
        %parallel_loop3A_2184 = vector.extract_strided_slice %parallel_loop3A_169 {offsets = [2], sizes = [1], strides = [1]} : vector<16xf32> to vector<1xf32>
        %parallel_loop3A_2185 = vector.extract %parallel_loop3A_2184[0] : f32 from vector<1xf32>
        %parallel_loop3A_2186 = vector.broadcast %parallel_loop3A_2185 : f32 to vector<16xf32>
        %parallel_loop3A_2187 = vector.extract_strided_slice %parallel_loop3A_185 {offsets = [2], sizes = [1], strides = [1]} : vector<16xf32> to vector<1xf32>
        %parallel_loop3A_2188 = vector.extract %parallel_loop3A_2187[0] : f32 from vector<1xf32>
        %parallel_loop3A_2189 = vector.broadcast %parallel_loop3A_2188 : f32 to vector<16xf32>
        %parallel_loop3A_2190 = arith.subf %parallel_loop3A_1326, %parallel_loop3A_2186 : vector<16xf32>
        %parallel_loop3A_2191 = arith.subf %parallel_loop3A_1329, %parallel_loop3A_2189 : vector<16xf32>
        %parallel_loop3A_2192 = arith.mulf %parallel_loop3A_2190, %parallel_loop3A_2190 : vector<16xf32>
        %parallel_loop3A_2193 = arith.mulf %parallel_loop3A_2191, %parallel_loop3A_2191 : vector<16xf32>
        %parallel_loop3A_2194 = arith.addf %parallel_loop3A_2192, %parallel_loop3A_2193 : vector<16xf32>
        %parallel_loop3A_2195 = arith.constant 50 : i32
        %parallel_loop3A_2196 = vector.broadcast %parallel_loop3A_2195 : i32 to vector<16xi32>
        %parallel_loop3A_2197 = arith.cmpi eq, %parallel_loop3A_1321, %parallel_loop3A_2196 : vector<16xi32>
        %parallel_loop3A_2198 = vector.broadcast %parallel_loop3A_150 : f32 to vector<16xf32>
        %parallel_loop3A_2199 = arith.select %parallel_loop3A_2197, %parallel_loop3A_2198, %parallel_loop3A_2194 : vector<16xi1>, vector<16xf32>
        %parallel_loop3A_2200 = arith.minimumf %parallel_loop3A_2132, %parallel_loop3A_2199 : vector<16xf32>
        %parallel_loop3A_2201 = vector.extract_strided_slice %parallel_loop3A_169 {offsets = [3], sizes = [1], strides = [1]} : vector<16xf32> to vector<1xf32>
        %parallel_loop3A_2202 = vector.extract %parallel_loop3A_2201[0] : f32 from vector<1xf32>
        %parallel_loop3A_2203 = vector.broadcast %parallel_loop3A_2202 : f32 to vector<16xf32>
        %parallel_loop3A_2204 = vector.extract_strided_slice %parallel_loop3A_185 {offsets = [3], sizes = [1], strides = [1]} : vector<16xf32> to vector<1xf32>
        %parallel_loop3A_2205 = vector.extract %parallel_loop3A_2204[0] : f32 from vector<1xf32>
        %parallel_loop3A_2206 = vector.broadcast %parallel_loop3A_2205 : f32 to vector<16xf32>
        %parallel_loop3A_2207 = arith.subf %parallel_loop3A_1326, %parallel_loop3A_2203 : vector<16xf32>
        %parallel_loop3A_2208 = arith.subf %parallel_loop3A_1329, %parallel_loop3A_2206 : vector<16xf32>
        %parallel_loop3A_2209 = arith.mulf %parallel_loop3A_2207, %parallel_loop3A_2207 : vector<16xf32>
        %parallel_loop3A_2210 = arith.mulf %parallel_loop3A_2208, %parallel_loop3A_2208 : vector<16xf32>
        %parallel_loop3A_2211 = arith.addf %parallel_loop3A_2209, %parallel_loop3A_2210 : vector<16xf32>
        %parallel_loop3A_2212 = arith.constant 51 : i32
        %parallel_loop3A_2213 = vector.broadcast %parallel_loop3A_2212 : i32 to vector<16xi32>
        %parallel_loop3A_2214 = arith.cmpi eq, %parallel_loop3A_1321, %parallel_loop3A_2213 : vector<16xi32>
        %parallel_loop3A_2215 = vector.broadcast %parallel_loop3A_150 : f32 to vector<16xf32>
        %parallel_loop3A_2216 = arith.select %parallel_loop3A_2214, %parallel_loop3A_2215, %parallel_loop3A_2211 : vector<16xi1>, vector<16xf32>
        %parallel_loop3A_2217 = arith.minimumf %parallel_loop3A_2149, %parallel_loop3A_2216 : vector<16xf32>
        %parallel_loop3A_2218 = vector.extract_strided_slice %parallel_loop3A_169 {offsets = [4], sizes = [1], strides = [1]} : vector<16xf32> to vector<1xf32>
        %parallel_loop3A_2219 = vector.extract %parallel_loop3A_2218[0] : f32 from vector<1xf32>
        %parallel_loop3A_2220 = vector.broadcast %parallel_loop3A_2219 : f32 to vector<16xf32>
        %parallel_loop3A_2221 = vector.extract_strided_slice %parallel_loop3A_185 {offsets = [4], sizes = [1], strides = [1]} : vector<16xf32> to vector<1xf32>
        %parallel_loop3A_2222 = vector.extract %parallel_loop3A_2221[0] : f32 from vector<1xf32>
        %parallel_loop3A_2223 = vector.broadcast %parallel_loop3A_2222 : f32 to vector<16xf32>
        %parallel_loop3A_2224 = arith.subf %parallel_loop3A_1326, %parallel_loop3A_2220 : vector<16xf32>
        %parallel_loop3A_2225 = arith.subf %parallel_loop3A_1329, %parallel_loop3A_2223 : vector<16xf32>
        %parallel_loop3A_2226 = arith.mulf %parallel_loop3A_2224, %parallel_loop3A_2224 : vector<16xf32>
        %parallel_loop3A_2227 = arith.mulf %parallel_loop3A_2225, %parallel_loop3A_2225 : vector<16xf32>
        %parallel_loop3A_2228 = arith.addf %parallel_loop3A_2226, %parallel_loop3A_2227 : vector<16xf32>
        %parallel_loop3A_2229 = arith.constant 52 : i32
        %parallel_loop3A_2230 = vector.broadcast %parallel_loop3A_2229 : i32 to vector<16xi32>
        %parallel_loop3A_2231 = arith.cmpi eq, %parallel_loop3A_1321, %parallel_loop3A_2230 : vector<16xi32>
        %parallel_loop3A_2232 = vector.broadcast %parallel_loop3A_150 : f32 to vector<16xf32>
        %parallel_loop3A_2233 = arith.select %parallel_loop3A_2231, %parallel_loop3A_2232, %parallel_loop3A_2228 : vector<16xi1>, vector<16xf32>
        %parallel_loop3A_2234 = arith.minimumf %parallel_loop3A_2166, %parallel_loop3A_2233 : vector<16xf32>
        %parallel_loop3A_2235 = vector.extract_strided_slice %parallel_loop3A_169 {offsets = [5], sizes = [1], strides = [1]} : vector<16xf32> to vector<1xf32>
        %parallel_loop3A_2236 = vector.extract %parallel_loop3A_2235[0] : f32 from vector<1xf32>
        %parallel_loop3A_2237 = vector.broadcast %parallel_loop3A_2236 : f32 to vector<16xf32>
        %parallel_loop3A_2238 = vector.extract_strided_slice %parallel_loop3A_185 {offsets = [5], sizes = [1], strides = [1]} : vector<16xf32> to vector<1xf32>
        %parallel_loop3A_2239 = vector.extract %parallel_loop3A_2238[0] : f32 from vector<1xf32>
        %parallel_loop3A_2240 = vector.broadcast %parallel_loop3A_2239 : f32 to vector<16xf32>
        %parallel_loop3A_2241 = arith.subf %parallel_loop3A_1326, %parallel_loop3A_2237 : vector<16xf32>
        %parallel_loop3A_2242 = arith.subf %parallel_loop3A_1329, %parallel_loop3A_2240 : vector<16xf32>
        %parallel_loop3A_2243 = arith.mulf %parallel_loop3A_2241, %parallel_loop3A_2241 : vector<16xf32>
        %parallel_loop3A_2244 = arith.mulf %parallel_loop3A_2242, %parallel_loop3A_2242 : vector<16xf32>
        %parallel_loop3A_2245 = arith.addf %parallel_loop3A_2243, %parallel_loop3A_2244 : vector<16xf32>
        %parallel_loop3A_2246 = arith.constant 53 : i32
        %parallel_loop3A_2247 = vector.broadcast %parallel_loop3A_2246 : i32 to vector<16xi32>
        %parallel_loop3A_2248 = arith.cmpi eq, %parallel_loop3A_1321, %parallel_loop3A_2247 : vector<16xi32>
        %parallel_loop3A_2249 = vector.broadcast %parallel_loop3A_150 : f32 to vector<16xf32>
        %parallel_loop3A_2250 = arith.select %parallel_loop3A_2248, %parallel_loop3A_2249, %parallel_loop3A_2245 : vector<16xi1>, vector<16xf32>
        %parallel_loop3A_2251 = arith.minimumf %parallel_loop3A_2183, %parallel_loop3A_2250 : vector<16xf32>
        %parallel_loop3A_2252 = vector.extract_strided_slice %parallel_loop3A_169 {offsets = [6], sizes = [1], strides = [1]} : vector<16xf32> to vector<1xf32>
        %parallel_loop3A_2253 = vector.extract %parallel_loop3A_2252[0] : f32 from vector<1xf32>
        %parallel_loop3A_2254 = vector.broadcast %parallel_loop3A_2253 : f32 to vector<16xf32>
        %parallel_loop3A_2255 = vector.extract_strided_slice %parallel_loop3A_185 {offsets = [6], sizes = [1], strides = [1]} : vector<16xf32> to vector<1xf32>
        %parallel_loop3A_2256 = vector.extract %parallel_loop3A_2255[0] : f32 from vector<1xf32>
        %parallel_loop3A_2257 = vector.broadcast %parallel_loop3A_2256 : f32 to vector<16xf32>
        %parallel_loop3A_2258 = arith.subf %parallel_loop3A_1326, %parallel_loop3A_2254 : vector<16xf32>
        %parallel_loop3A_2259 = arith.subf %parallel_loop3A_1329, %parallel_loop3A_2257 : vector<16xf32>
        %parallel_loop3A_2260 = arith.mulf %parallel_loop3A_2258, %parallel_loop3A_2258 : vector<16xf32>
        %parallel_loop3A_2261 = arith.mulf %parallel_loop3A_2259, %parallel_loop3A_2259 : vector<16xf32>
        %parallel_loop3A_2262 = arith.addf %parallel_loop3A_2260, %parallel_loop3A_2261 : vector<16xf32>
        %parallel_loop3A_2263 = arith.constant 54 : i32
        %parallel_loop3A_2264 = vector.broadcast %parallel_loop3A_2263 : i32 to vector<16xi32>
        %parallel_loop3A_2265 = arith.cmpi eq, %parallel_loop3A_1321, %parallel_loop3A_2264 : vector<16xi32>
        %parallel_loop3A_2266 = vector.broadcast %parallel_loop3A_150 : f32 to vector<16xf32>
        %parallel_loop3A_2267 = arith.select %parallel_loop3A_2265, %parallel_loop3A_2266, %parallel_loop3A_2262 : vector<16xi1>, vector<16xf32>
        %parallel_loop3A_2268 = arith.minimumf %parallel_loop3A_2200, %parallel_loop3A_2267 : vector<16xf32>
        %parallel_loop3A_2269 = vector.extract_strided_slice %parallel_loop3A_169 {offsets = [7], sizes = [1], strides = [1]} : vector<16xf32> to vector<1xf32>
        %parallel_loop3A_2270 = vector.extract %parallel_loop3A_2269[0] : f32 from vector<1xf32>
        %parallel_loop3A_2271 = vector.broadcast %parallel_loop3A_2270 : f32 to vector<16xf32>
        %parallel_loop3A_2272 = vector.extract_strided_slice %parallel_loop3A_185 {offsets = [7], sizes = [1], strides = [1]} : vector<16xf32> to vector<1xf32>
        %parallel_loop3A_2273 = vector.extract %parallel_loop3A_2272[0] : f32 from vector<1xf32>
        %parallel_loop3A_2274 = vector.broadcast %parallel_loop3A_2273 : f32 to vector<16xf32>
        %parallel_loop3A_2275 = arith.subf %parallel_loop3A_1326, %parallel_loop3A_2271 : vector<16xf32>
        %parallel_loop3A_2276 = arith.subf %parallel_loop3A_1329, %parallel_loop3A_2274 : vector<16xf32>
        %parallel_loop3A_2277 = arith.mulf %parallel_loop3A_2275, %parallel_loop3A_2275 : vector<16xf32>
        %parallel_loop3A_2278 = arith.mulf %parallel_loop3A_2276, %parallel_loop3A_2276 : vector<16xf32>
        %parallel_loop3A_2279 = arith.addf %parallel_loop3A_2277, %parallel_loop3A_2278 : vector<16xf32>
        %parallel_loop3A_2280 = arith.constant 55 : i32
        %parallel_loop3A_2281 = vector.broadcast %parallel_loop3A_2280 : i32 to vector<16xi32>
        %parallel_loop3A_2282 = arith.cmpi eq, %parallel_loop3A_1321, %parallel_loop3A_2281 : vector<16xi32>
        %parallel_loop3A_2283 = vector.broadcast %parallel_loop3A_150 : f32 to vector<16xf32>
        %parallel_loop3A_2284 = arith.select %parallel_loop3A_2282, %parallel_loop3A_2283, %parallel_loop3A_2279 : vector<16xi1>, vector<16xf32>
        %parallel_loop3A_2285 = arith.minimumf %parallel_loop3A_2217, %parallel_loop3A_2284 : vector<16xf32>
        %parallel_loop3A_2286 = vector.extract_strided_slice %parallel_loop3A_169 {offsets = [8], sizes = [1], strides = [1]} : vector<16xf32> to vector<1xf32>
        %parallel_loop3A_2287 = vector.extract %parallel_loop3A_2286[0] : f32 from vector<1xf32>
        %parallel_loop3A_2288 = vector.broadcast %parallel_loop3A_2287 : f32 to vector<16xf32>
        %parallel_loop3A_2289 = vector.extract_strided_slice %parallel_loop3A_185 {offsets = [8], sizes = [1], strides = [1]} : vector<16xf32> to vector<1xf32>
        %parallel_loop3A_2290 = vector.extract %parallel_loop3A_2289[0] : f32 from vector<1xf32>
        %parallel_loop3A_2291 = vector.broadcast %parallel_loop3A_2290 : f32 to vector<16xf32>
        %parallel_loop3A_2292 = arith.subf %parallel_loop3A_1326, %parallel_loop3A_2288 : vector<16xf32>
        %parallel_loop3A_2293 = arith.subf %parallel_loop3A_1329, %parallel_loop3A_2291 : vector<16xf32>
        %parallel_loop3A_2294 = arith.mulf %parallel_loop3A_2292, %parallel_loop3A_2292 : vector<16xf32>
        %parallel_loop3A_2295 = arith.mulf %parallel_loop3A_2293, %parallel_loop3A_2293 : vector<16xf32>
        %parallel_loop3A_2296 = arith.addf %parallel_loop3A_2294, %parallel_loop3A_2295 : vector<16xf32>
        %parallel_loop3A_2297 = arith.constant 56 : i32
        %parallel_loop3A_2298 = vector.broadcast %parallel_loop3A_2297 : i32 to vector<16xi32>
        %parallel_loop3A_2299 = arith.cmpi eq, %parallel_loop3A_1321, %parallel_loop3A_2298 : vector<16xi32>
        %parallel_loop3A_2300 = vector.broadcast %parallel_loop3A_150 : f32 to vector<16xf32>
        %parallel_loop3A_2301 = arith.select %parallel_loop3A_2299, %parallel_loop3A_2300, %parallel_loop3A_2296 : vector<16xi1>, vector<16xf32>
        %parallel_loop3A_2302 = arith.minimumf %parallel_loop3A_2234, %parallel_loop3A_2301 : vector<16xf32>
        %parallel_loop3A_2303 = vector.extract_strided_slice %parallel_loop3A_169 {offsets = [9], sizes = [1], strides = [1]} : vector<16xf32> to vector<1xf32>
        %parallel_loop3A_2304 = vector.extract %parallel_loop3A_2303[0] : f32 from vector<1xf32>
        %parallel_loop3A_2305 = vector.broadcast %parallel_loop3A_2304 : f32 to vector<16xf32>
        %parallel_loop3A_2306 = vector.extract_strided_slice %parallel_loop3A_185 {offsets = [9], sizes = [1], strides = [1]} : vector<16xf32> to vector<1xf32>
        %parallel_loop3A_2307 = vector.extract %parallel_loop3A_2306[0] : f32 from vector<1xf32>
        %parallel_loop3A_2308 = vector.broadcast %parallel_loop3A_2307 : f32 to vector<16xf32>
        %parallel_loop3A_2309 = arith.subf %parallel_loop3A_1326, %parallel_loop3A_2305 : vector<16xf32>
        %parallel_loop3A_2310 = arith.subf %parallel_loop3A_1329, %parallel_loop3A_2308 : vector<16xf32>
        %parallel_loop3A_2311 = arith.mulf %parallel_loop3A_2309, %parallel_loop3A_2309 : vector<16xf32>
        %parallel_loop3A_2312 = arith.mulf %parallel_loop3A_2310, %parallel_loop3A_2310 : vector<16xf32>
        %parallel_loop3A_2313 = arith.addf %parallel_loop3A_2311, %parallel_loop3A_2312 : vector<16xf32>
        %parallel_loop3A_2314 = arith.constant 57 : i32
        %parallel_loop3A_2315 = vector.broadcast %parallel_loop3A_2314 : i32 to vector<16xi32>
        %parallel_loop3A_2316 = arith.cmpi eq, %parallel_loop3A_1321, %parallel_loop3A_2315 : vector<16xi32>
        %parallel_loop3A_2317 = vector.broadcast %parallel_loop3A_150 : f32 to vector<16xf32>
        %parallel_loop3A_2318 = arith.select %parallel_loop3A_2316, %parallel_loop3A_2317, %parallel_loop3A_2313 : vector<16xi1>, vector<16xf32>
        %parallel_loop3A_2319 = arith.minimumf %parallel_loop3A_2251, %parallel_loop3A_2318 : vector<16xf32>
        %parallel_loop3A_2320 = vector.extract_strided_slice %parallel_loop3A_169 {offsets = [10], sizes = [1], strides = [1]} : vector<16xf32> to vector<1xf32>
        %parallel_loop3A_2321 = vector.extract %parallel_loop3A_2320[0] : f32 from vector<1xf32>
        %parallel_loop3A_2322 = vector.broadcast %parallel_loop3A_2321 : f32 to vector<16xf32>
        %parallel_loop3A_2323 = vector.extract_strided_slice %parallel_loop3A_185 {offsets = [10], sizes = [1], strides = [1]} : vector<16xf32> to vector<1xf32>
        %parallel_loop3A_2324 = vector.extract %parallel_loop3A_2323[0] : f32 from vector<1xf32>
        %parallel_loop3A_2325 = vector.broadcast %parallel_loop3A_2324 : f32 to vector<16xf32>
        %parallel_loop3A_2326 = arith.subf %parallel_loop3A_1326, %parallel_loop3A_2322 : vector<16xf32>
        %parallel_loop3A_2327 = arith.subf %parallel_loop3A_1329, %parallel_loop3A_2325 : vector<16xf32>
        %parallel_loop3A_2328 = arith.mulf %parallel_loop3A_2326, %parallel_loop3A_2326 : vector<16xf32>
        %parallel_loop3A_2329 = arith.mulf %parallel_loop3A_2327, %parallel_loop3A_2327 : vector<16xf32>
        %parallel_loop3A_2330 = arith.addf %parallel_loop3A_2328, %parallel_loop3A_2329 : vector<16xf32>
        %parallel_loop3A_2331 = arith.constant 58 : i32
        %parallel_loop3A_2332 = vector.broadcast %parallel_loop3A_2331 : i32 to vector<16xi32>
        %parallel_loop3A_2333 = arith.cmpi eq, %parallel_loop3A_1321, %parallel_loop3A_2332 : vector<16xi32>
        %parallel_loop3A_2334 = vector.broadcast %parallel_loop3A_150 : f32 to vector<16xf32>
        %parallel_loop3A_2335 = arith.select %parallel_loop3A_2333, %parallel_loop3A_2334, %parallel_loop3A_2330 : vector<16xi1>, vector<16xf32>
        %parallel_loop3A_2336 = arith.minimumf %parallel_loop3A_2268, %parallel_loop3A_2335 : vector<16xf32>
        %parallel_loop3A_2337 = vector.extract_strided_slice %parallel_loop3A_169 {offsets = [11], sizes = [1], strides = [1]} : vector<16xf32> to vector<1xf32>
        %parallel_loop3A_2338 = vector.extract %parallel_loop3A_2337[0] : f32 from vector<1xf32>
        %parallel_loop3A_2339 = vector.broadcast %parallel_loop3A_2338 : f32 to vector<16xf32>
        %parallel_loop3A_2340 = vector.extract_strided_slice %parallel_loop3A_185 {offsets = [11], sizes = [1], strides = [1]} : vector<16xf32> to vector<1xf32>
        %parallel_loop3A_2341 = vector.extract %parallel_loop3A_2340[0] : f32 from vector<1xf32>
        %parallel_loop3A_2342 = vector.broadcast %parallel_loop3A_2341 : f32 to vector<16xf32>
        %parallel_loop3A_2343 = arith.subf %parallel_loop3A_1326, %parallel_loop3A_2339 : vector<16xf32>
        %parallel_loop3A_2344 = arith.subf %parallel_loop3A_1329, %parallel_loop3A_2342 : vector<16xf32>
        %parallel_loop3A_2345 = arith.mulf %parallel_loop3A_2343, %parallel_loop3A_2343 : vector<16xf32>
        %parallel_loop3A_2346 = arith.mulf %parallel_loop3A_2344, %parallel_loop3A_2344 : vector<16xf32>
        %parallel_loop3A_2347 = arith.addf %parallel_loop3A_2345, %parallel_loop3A_2346 : vector<16xf32>
        %parallel_loop3A_2348 = arith.constant 59 : i32
        %parallel_loop3A_2349 = vector.broadcast %parallel_loop3A_2348 : i32 to vector<16xi32>
        %parallel_loop3A_2350 = arith.cmpi eq, %parallel_loop3A_1321, %parallel_loop3A_2349 : vector<16xi32>
        %parallel_loop3A_2351 = vector.broadcast %parallel_loop3A_150 : f32 to vector<16xf32>
        %parallel_loop3A_2352 = arith.select %parallel_loop3A_2350, %parallel_loop3A_2351, %parallel_loop3A_2347 : vector<16xi1>, vector<16xf32>
        %parallel_loop3A_2353 = arith.minimumf %parallel_loop3A_2285, %parallel_loop3A_2352 : vector<16xf32>
        %parallel_loop3A_2354 = vector.extract_strided_slice %parallel_loop3A_169 {offsets = [12], sizes = [1], strides = [1]} : vector<16xf32> to vector<1xf32>
        %parallel_loop3A_2355 = vector.extract %parallel_loop3A_2354[0] : f32 from vector<1xf32>
        %parallel_loop3A_2356 = vector.broadcast %parallel_loop3A_2355 : f32 to vector<16xf32>
        %parallel_loop3A_2357 = vector.extract_strided_slice %parallel_loop3A_185 {offsets = [12], sizes = [1], strides = [1]} : vector<16xf32> to vector<1xf32>
        %parallel_loop3A_2358 = vector.extract %parallel_loop3A_2357[0] : f32 from vector<1xf32>
        %parallel_loop3A_2359 = vector.broadcast %parallel_loop3A_2358 : f32 to vector<16xf32>
        %parallel_loop3A_2360 = arith.subf %parallel_loop3A_1326, %parallel_loop3A_2356 : vector<16xf32>
        %parallel_loop3A_2361 = arith.subf %parallel_loop3A_1329, %parallel_loop3A_2359 : vector<16xf32>
        %parallel_loop3A_2362 = arith.mulf %parallel_loop3A_2360, %parallel_loop3A_2360 : vector<16xf32>
        %parallel_loop3A_2363 = arith.mulf %parallel_loop3A_2361, %parallel_loop3A_2361 : vector<16xf32>
        %parallel_loop3A_2364 = arith.addf %parallel_loop3A_2362, %parallel_loop3A_2363 : vector<16xf32>
        %parallel_loop3A_2365 = arith.constant 60 : i32
        %parallel_loop3A_2366 = vector.broadcast %parallel_loop3A_2365 : i32 to vector<16xi32>
        %parallel_loop3A_2367 = arith.cmpi eq, %parallel_loop3A_1321, %parallel_loop3A_2366 : vector<16xi32>
        %parallel_loop3A_2368 = vector.broadcast %parallel_loop3A_150 : f32 to vector<16xf32>
        %parallel_loop3A_2369 = arith.select %parallel_loop3A_2367, %parallel_loop3A_2368, %parallel_loop3A_2364 : vector<16xi1>, vector<16xf32>
        %parallel_loop3A_2370 = arith.minimumf %parallel_loop3A_2302, %parallel_loop3A_2369 : vector<16xf32>
        %parallel_loop3A_2371 = vector.extract_strided_slice %parallel_loop3A_169 {offsets = [13], sizes = [1], strides = [1]} : vector<16xf32> to vector<1xf32>
        %parallel_loop3A_2372 = vector.extract %parallel_loop3A_2371[0] : f32 from vector<1xf32>
        %parallel_loop3A_2373 = vector.broadcast %parallel_loop3A_2372 : f32 to vector<16xf32>
        %parallel_loop3A_2374 = vector.extract_strided_slice %parallel_loop3A_185 {offsets = [13], sizes = [1], strides = [1]} : vector<16xf32> to vector<1xf32>
        %parallel_loop3A_2375 = vector.extract %parallel_loop3A_2374[0] : f32 from vector<1xf32>
        %parallel_loop3A_2376 = vector.broadcast %parallel_loop3A_2375 : f32 to vector<16xf32>
        %parallel_loop3A_2377 = arith.subf %parallel_loop3A_1326, %parallel_loop3A_2373 : vector<16xf32>
        %parallel_loop3A_2378 = arith.subf %parallel_loop3A_1329, %parallel_loop3A_2376 : vector<16xf32>
        %parallel_loop3A_2379 = arith.mulf %parallel_loop3A_2377, %parallel_loop3A_2377 : vector<16xf32>
        %parallel_loop3A_2380 = arith.mulf %parallel_loop3A_2378, %parallel_loop3A_2378 : vector<16xf32>
        %parallel_loop3A_2381 = arith.addf %parallel_loop3A_2379, %parallel_loop3A_2380 : vector<16xf32>
        %parallel_loop3A_2382 = arith.constant 61 : i32
        %parallel_loop3A_2383 = vector.broadcast %parallel_loop3A_2382 : i32 to vector<16xi32>
        %parallel_loop3A_2384 = arith.cmpi eq, %parallel_loop3A_1321, %parallel_loop3A_2383 : vector<16xi32>
        %parallel_loop3A_2385 = vector.broadcast %parallel_loop3A_150 : f32 to vector<16xf32>
        %parallel_loop3A_2386 = arith.select %parallel_loop3A_2384, %parallel_loop3A_2385, %parallel_loop3A_2381 : vector<16xi1>, vector<16xf32>
        %parallel_loop3A_2387 = arith.minimumf %parallel_loop3A_2319, %parallel_loop3A_2386 : vector<16xf32>
        %parallel_loop3A_2388 = vector.extract_strided_slice %parallel_loop3A_169 {offsets = [14], sizes = [1], strides = [1]} : vector<16xf32> to vector<1xf32>
        %parallel_loop3A_2389 = vector.extract %parallel_loop3A_2388[0] : f32 from vector<1xf32>
        %parallel_loop3A_2390 = vector.broadcast %parallel_loop3A_2389 : f32 to vector<16xf32>
        %parallel_loop3A_2391 = vector.extract_strided_slice %parallel_loop3A_185 {offsets = [14], sizes = [1], strides = [1]} : vector<16xf32> to vector<1xf32>
        %parallel_loop3A_2392 = vector.extract %parallel_loop3A_2391[0] : f32 from vector<1xf32>
        %parallel_loop3A_2393 = vector.broadcast %parallel_loop3A_2392 : f32 to vector<16xf32>
        %parallel_loop3A_2394 = arith.subf %parallel_loop3A_1326, %parallel_loop3A_2390 : vector<16xf32>
        %parallel_loop3A_2395 = arith.subf %parallel_loop3A_1329, %parallel_loop3A_2393 : vector<16xf32>
        %parallel_loop3A_2396 = arith.mulf %parallel_loop3A_2394, %parallel_loop3A_2394 : vector<16xf32>
        %parallel_loop3A_2397 = arith.mulf %parallel_loop3A_2395, %parallel_loop3A_2395 : vector<16xf32>
        %parallel_loop3A_2398 = arith.addf %parallel_loop3A_2396, %parallel_loop3A_2397 : vector<16xf32>
        %parallel_loop3A_2399 = arith.constant 62 : i32
        %parallel_loop3A_2400 = vector.broadcast %parallel_loop3A_2399 : i32 to vector<16xi32>
        %parallel_loop3A_2401 = arith.cmpi eq, %parallel_loop3A_1321, %parallel_loop3A_2400 : vector<16xi32>
        %parallel_loop3A_2402 = vector.broadcast %parallel_loop3A_150 : f32 to vector<16xf32>
        %parallel_loop3A_2403 = arith.select %parallel_loop3A_2401, %parallel_loop3A_2402, %parallel_loop3A_2398 : vector<16xi1>, vector<16xf32>
        %parallel_loop3A_2404 = arith.minimumf %parallel_loop3A_2336, %parallel_loop3A_2403 : vector<16xf32>
        %parallel_loop3A_2405 = vector.extract_strided_slice %parallel_loop3A_169 {offsets = [15], sizes = [1], strides = [1]} : vector<16xf32> to vector<1xf32>
        %parallel_loop3A_2406 = vector.extract %parallel_loop3A_2405[0] : f32 from vector<1xf32>
        %parallel_loop3A_2407 = vector.broadcast %parallel_loop3A_2406 : f32 to vector<16xf32>
        %parallel_loop3A_2408 = vector.extract_strided_slice %parallel_loop3A_185 {offsets = [15], sizes = [1], strides = [1]} : vector<16xf32> to vector<1xf32>
        %parallel_loop3A_2409 = vector.extract %parallel_loop3A_2408[0] : f32 from vector<1xf32>
        %parallel_loop3A_2410 = vector.broadcast %parallel_loop3A_2409 : f32 to vector<16xf32>
        %parallel_loop3A_2411 = arith.subf %parallel_loop3A_1326, %parallel_loop3A_2407 : vector<16xf32>
        %parallel_loop3A_2412 = arith.subf %parallel_loop3A_1329, %parallel_loop3A_2410 : vector<16xf32>
        %parallel_loop3A_2413 = arith.mulf %parallel_loop3A_2411, %parallel_loop3A_2411 : vector<16xf32>
        %parallel_loop3A_2414 = arith.mulf %parallel_loop3A_2412, %parallel_loop3A_2412 : vector<16xf32>
        %parallel_loop3A_2415 = arith.addf %parallel_loop3A_2413, %parallel_loop3A_2414 : vector<16xf32>
        %parallel_loop3A_2416 = arith.constant 63 : i32
        %parallel_loop3A_2417 = vector.broadcast %parallel_loop3A_2416 : i32 to vector<16xi32>
        %parallel_loop3A_2418 = arith.cmpi eq, %parallel_loop3A_1321, %parallel_loop3A_2417 : vector<16xi32>
        %parallel_loop3A_2419 = vector.broadcast %parallel_loop3A_150 : f32 to vector<16xf32>
        %parallel_loop3A_2420 = arith.select %parallel_loop3A_2418, %parallel_loop3A_2419, %parallel_loop3A_2415 : vector<16xi1>, vector<16xf32>
        %parallel_loop3A_2421 = arith.minimumf %parallel_loop3A_2353, %parallel_loop3A_2420 : vector<16xf32>
        %parallel_loop3A_2422 = arith.minimumf %parallel_loop3A_2370, %parallel_loop3A_2387 : vector<16xf32>
        %parallel_loop3A_2423 = arith.minimumf %parallel_loop3A_2404, %parallel_loop3A_2421 : vector<16xf32>
        %parallel_loop3A_2424 = arith.minimumf %parallel_loop3A_2422, %parallel_loop3A_2423 : vector<16xf32>
        tpu.vector_store_idx %arg16[%parallel_loop3A_1323], %parallel_loop3A_2424 : memref<12288xf32, #tpu.memory_space<vmem>>[vector<16xi32>], vector<16xf32>,
      } else {
      }
    } {sc.loop_unroll_factor = 1 : i64, sc.parallel_access}
    "tpu.region"() ({
      %run_scoped3A = tpu.sem_alloc : memref<!tpu.dma_semaphore, #tpu.memory_space<semaphore_mem>>
      %dma_start3A_151 = arith.constant 0 : i32
      %dma_start3A_152 = tpu.memref_slice %arg16[%dma_start3A_151] : memref<12288xf32, #tpu.memory_space<vmem>> -> memref<8192xf32, #tpu.memory_space<vmem>>
      %dma_start3A_153 = arith.constant 0 : i32
      %dma_start3A_154 = tpu.memref_slice %arg11[%add3A, %dma_start3A_153] : memref<32x8192xf32, #tpu.memory_space<hbm>> -> memref<1x8192xf32, #tpu.memory_space<hbm>>
      %dma_start3A_155 = tpu.memref_squeeze %dma_start3A_154 : memref<1x8192xf32, #tpu.memory_space<hbm>> -> memref<8192xf32, #tpu.memory_space<hbm>>
      %dma_start3A_156 = arith.constant 0 : i32
      %dma_start3A_157 = tpu.memref_slice %arg11[%add3A, %dma_start3A_156] : memref<32x8192xf32, #tpu.memory_space<hbm>> -> memref<1x8192xf32, #tpu.memory_space<hbm>>
      %dma_start3A_158 = tpu.memref_squeeze %dma_start3A_157 : memref<1x8192xf32, #tpu.memory_space<hbm>> -> memref<8192xf32, #tpu.memory_space<hbm>>
      %dma_start3A_159 = arith.constant 0 : i32
      %dma_start3A_160 = tpu.memref_slice %arg16[%dma_start3A_159] : memref<12288xf32, #tpu.memory_space<vmem>> -> memref<8192xf32, #tpu.memory_space<vmem>>
      tpu.enqueue_dma source(%dma_start3A_160 : memref<8192xf32, #tpu.memory_space<vmem>>) target(%dma_start3A_158 : memref<8192xf32, #tpu.memory_space<hbm>>) target_semaphore(%run_scoped3A : memref<!tpu.dma_semaphore, #tpu.memory_space<semaphore_mem>>)
      %dma_wait3A_161 = arith.constant 0 : i32
      %dma_wait3A_162 = tpu.memref_slice %arg16[%dma_wait3A_161] : memref<12288xf32, #tpu.memory_space<vmem>> -> memref<8192xf32, #tpu.memory_space<vmem>>
      %dma_wait3A_163 = arith.constant 0 : i32
      %dma_wait3A_164 = tpu.memref_slice %arg11[%add3A, %dma_wait3A_163] : memref<32x8192xf32, #tpu.memory_space<hbm>> -> memref<1x8192xf32, #tpu.memory_space<hbm>>
      %dma_wait3A_165 = tpu.memref_squeeze %dma_wait3A_164 : memref<1x8192xf32, #tpu.memory_space<hbm>> -> memref<8192xf32, #tpu.memory_space<hbm>>
      %dma_wait3A_166 = arith.constant 0 : i32
      %dma_wait3A_167 = tpu.memref_slice %arg11[%add3A, %dma_wait3A_166] : memref<32x8192xf32, #tpu.memory_space<hbm>> -> memref<1x8192xf32, #tpu.memory_space<hbm>>
      %dma_wait3A_168 = tpu.memref_squeeze %dma_wait3A_167 : memref<1x8192xf32, #tpu.memory_space<hbm>> -> memref<8192xf32, #tpu.memory_space<hbm>>
      %dma_wait3A_169 = arith.constant 0 : i32
      %dma_wait3A_170 = tpu.memref_slice %arg16[%dma_wait3A_169] : memref<12288xf32, #tpu.memory_space<vmem>> -> memref<8192xf32, #tpu.memory_space<vmem>>
      tpu.wait_dma2 semaphore(%run_scoped3A : memref<!tpu.dma_semaphore, #tpu.memory_space<semaphore_mem>>) src(%dma_wait3A_170 : memref<8192xf32, #tpu.memory_space<vmem>>) dst(%dma_wait3A_168 : memref<8192xf32, #tpu.memory_space<hbm>>)
      tpu.yield
    }) : () -> ()
    return
  }
}

module attributes {stable_mosaic.version = 14 : i64} {
  func.func @_loss_body(%arg0: memref<4096x64xf32, #tpu.memory_space<vmem>>, %arg1: memref<32x64xf32, #tpu.memory_space<vmem>>) attributes {dimension_semantics = [], scalar_prefetch = 0 : i64, scratch_operands = 0 : i64, tpu.core_type = #tpu.core_type<tc>} {
    %get3A = arith.constant 0 : index
    %get3A_0 = arith.constant 0 : index
    %get3A_1 = vector.load %arg0[%get3A, %get3A_0] : memref<4096x64xf32, #tpu.memory_space<vmem>>, vector<4096x64xf32>
    %sqrt3A = math.sqrt %get3A_1 : vector<4096x64xf32>
    %sub3A = arith.constant 1.500000e+00 : f32
    %sub3A_2 = vector.broadcast %sub3A : f32 to vector<4096x64xf32>
    %sub3A_3 = arith.subf %sqrt3A, %sub3A_2 : vector<4096x64xf32>
    %integer_pow3A = arith.mulf %sub3A_3, %sub3A_3 : vector<4096x64xf32>
    %reshape3A = vector.shape_cast %integer_pow3A : vector<4096x64xf32> to vector<128x32x64xf32>
    %reduce_sum3A = arith.constant dense<0.000000e+00> : vector<32x64xf32>
    %reduce_sum3A_4 = vector.multi_reduction <add>, %reshape3A, %reduce_sum3A [0] : vector<128x32x64xf32> to vector<32x64xf32>
    %mul3A = arith.constant 7.812500e-03 : f32
    %mul3A_5 = vector.broadcast %mul3A : f32 to vector<32x64xf32>
    %mul3A_6 = arith.mulf %reduce_sum3A_4, %mul3A_5 : vector<32x64xf32>
    %swap3A = arith.constant 0 : index
    %swap3A_7 = arith.constant 0 : index
    %swap3A_8 = vector.load %arg1[%swap3A, %swap3A_7] : memref<32x64xf32, #tpu.memory_space<vmem>>, vector<32x64xf32>
    tpu.vector_store %arg1[%swap3A, %swap3A_7], %mul3A_6 {strides = array<i32>} : memref<32x64xf32, #tpu.memory_space<vmem>>, vector<32x64xf32>,
    return
  }
}

</mosaic_0001>

<sc_bundles>
// kernel: kernel.4.cloned.1.call-start
scs
__scs_entry_jumppad:
0x0: {  	(pc) =	sbr.rel $0x88, $3  }
0x1: {  	(tag) =	ssettag $0x0;
	lr =	simm.s32 $0x1  }
0x2: {  	[smem:$0x3F9F] =	sst lr;
	_ =	strace $0xD0000000  }
0x3: {  	_ = 	snop  }
0x4: {  	_ = 	snop  }
0x5: {  	_ = 	snop  }
0x6: {  	_ = 	snop  }
0x7: {  	_ = 	snop  }
__scs_overlays_trampoline_lowered:
0x8: {  	[smem:$0x3FAE] =	sst s0  }
0x9: {  	[smem:$0x3FAF] =	sst s1  }
0xa: {  	[smem:$0x3FB0] =	sst s2  }
0xb: {  	[smem:$0x3FB1] =	sst s3  }
0xc: {  	[smem:$0x3FB2] =	sst s4  }
0xd: {  	[smem:$0x3FB3] =	sst s5  }
0xe: {  	[smem:$0x3FB4] =	sst s6  }
0xf: {  	[smem:$0x3FB5] =	sst s7  }
0x10: {  	[smem:$0x3FB6] =	sst s8  }
0x11: {  	[smem:$0x3FB7] =	sst s9;
	s0 =	simm.s32 @!p0 $0x0  }
0x12: {  	s1 =	sld [smem:$0x3F9D];
	s0 =	simm.s32 @p0 $0x1  }
0x13: {  	[smem:$0x3FB8] =	sst s0;
	s0 =	simm.s32 @!p1 $0x0  }
0x14: {  	s2 =	sld [smem:$0x3F9C];
	s0 =	simm.s32 @p1 $0x1  }
0x15: {  	[smem:$0x3FB9] =	sst s0;
	s0 =	simm.s32 @!p2 $0x0  }
0x16: {  	s3 =	sld [smem:$0x3FDB];
	s0 =	simm.s32 @p2 $0x1  }
0x17: {  	s4 =	simm.s32 $0x1BF5;
	[smem:$0x3FBB] =	sst s0  }
0x18: {  	s0 =	sld [smem:$0x3F9E];
	_ =	swait.ge [sflag:s4], $0x0  }
0x19: {  	s7 =	sld [smem:$0x3F9F]  }
0x1a: {  	s8 =	sadd.s32 $0xFFFFE003, lr  }
0x1b: {  	s9 =	sadd.s32 $0xFFFFFEF7, lr;
	s5 =	simm.s32 $0xFFFFFFFF;
	p2 =	slt.u32 s8, $0xFFFFF086  }
0x1c: {  	p1 =	slt.u32 s9, $0xF7A;
	s5 =	simm.s32 @!p2 $0x0  }
0x1d: {  	s5 =	simm.s32 @p1 $0x1;
	p0 =	seq.s32 s7, s2  }
0x1e: {  	s7 =	smul.u32 @!p0 $0xF7A, s2;
	p2 =	seq.s32 @!p0 s5, $0x0  }
0x1f: {  	s9 =	smul.u32 $0xF7A, s1;
	s8 =	simm.s32 @!p0 $0x1BF5;
	p2 =	por !p2, p0  }
0x20: {  	[sflag:s8] =	ssyncset.s32 @!p0 $0xFFFFF086;
	s6 =	sadd.s32 @!p0 s3, s7;
	s7 =	simm.s32 @!p0 $0x108  }
0x21: {  	s3 =	sadd.s32 s3, s9;
	s6 =	sadd.s32 @!p0 $0x88, s6;
	s7 =	simm.s32 @p2 $0x1082  }
0x22: {  	[simem:s7], [sflag:s8] =	dma.local @!p0 [hbm:s6], $0xF7A  }
0x23: {  	s9 =	sor.u32 $0xD0000000, s2;
	s6 =	simm.s32 $0x108;
	_ =	swait.ge @!p0 [sflag:s8], $0x0  }
0x24: {  	s3 =	sadd.s32 $0x88, s3;
	s6 =	simm.s32 @!p1 $0x1082;
	[sflag:s4] =	ssyncset.s32 $0xFFFFF086  }
0x25: {  	[simem:s6], [sflag:s4] =	dma.local [hbm:s3], $0xF7A  }
0x26: {  	[smem:$0x3F9F] =	sst s1;
	(tag) =	ssettag s2;
	_ =	strace s9  }
0x27: {  	s1 =	sld [smem:$0x3FAF]  }
0x28: {  	s2 =	sld [smem:$0x3FB0]  }
0x29: {  	s4 =	sld [smem:$0x3FB2]  }
0x2a: {  	p0 =	seq.s32 s5, $0x0;
	s5 =	sld [smem:$0x3FB3]  }
0x2b: {  	s6 =	sld [smem:$0x3FB4]  }
0x2c: {  	s7 =	sld [smem:$0x3FB5]  }
0x2d: {  	s3 =	simm.s32 $0x108;
	s8 =	sld [smem:$0x3FB6]  }
0x2e: {  	s3 =	simm.s32 @!p0 $0x1082;
	s9 =	sld [smem:$0x3FB7]  }
0x2f: {  	lr =	sadd.s32 s0, s3;
	s0 =	sld [smem:$0x3FAE]  }
0x30: {  	s3 =	sld [smem:$0x3FB1]  }
0x31: {  	[smem:$0x3FBA] =	sst s10  }
0x32: {  	s10 =	sld [smem:$0x3FB8];
	_ =	sdelay $0x3  }
0x33: {  	p0 =	seq.s32 s10, $0x1;
	s10 =	sld [smem:$0x3FBA];
	_ =	sdelay $0x3  }
0x34: {  	[smem:$0x3FBA] =	sst s10  }
0x35: {  	s10 =	sld [smem:$0x3FB9];
	_ =	sdelay $0x3  }
0x36: {  	p1 =	seq.s32 s10, $0x1;
	s10 =	sld [smem:$0x3FBA];
	_ =	sdelay $0x3  }
0x37: {  	[smem:$0x3FBA] =	sst s10  }
0x38: {  	s10 =	sld [smem:$0x3FBB]  }
0x39: {  	_ = 	snop;
	(pc) =	sbr.ind lr, $3  }
0x3a: {  	_ = 	snop  }
0x3b: {  	_ = 	snop  }
0x3c: {  	p2 =	seq.s32 s10, $0x1;
	s10 =	sld [smem:$0x3FBA]  }
0x3d: {  	_ =	shalt  }
0x3e: {  	_ =	shalt  }
0x3f: {  	_ =	shalt  }
0x40: {  	_ =	shalt  }
0x41: {  	_ =	shalt  }
0x42: {  	_ =	shalt  }
0x43: {  	_ =	shalt  }
0x44: {  	_ =	shalt  }
0x45: {  	_ =	shalt  }
0x46: {  	_ =	shalt  }
0x47: {  	_ =	shalt  }
0x48: {  	_ =	shalt  }
0x49: {  	_ =	shalt  }
0x4a: {  	_ =	shalt  }
0x4b: {  	_ =	shalt  }
0x4c: {  	_ =	shalt  }
0x4d: {  	_ =	shalt  }
0x4e: {  	_ =	shalt  }
0x4f: {  	_ =	shalt  }
0x50: {  	_ =	shalt  }
0x51: {  	_ =	shalt  }
0x52: {  	_ =	shalt  }
0x53: {  	_ =	shalt  }
0x54: {  	_ =	shalt  }
0x55: {  	_ =	shalt  }
0x56: {  	_ =	shalt  }
0x57: {  	_ =	shalt  }
0x58: {  	_ =	shalt  }
0x59: {  	_ =	shalt  }
0x5a: {  	_ =	shalt  }
0x5b: {  	_ =	shalt  }
0x5c: {  	_ =	shalt  }
0x5d: {  	_ =	shalt  }
0x5e: {  	_ =	shalt  }
0x5f: {  	_ =	shalt  }
0x60: {  	_ =	shalt  }
0x61: {  	_ =	shalt  }
0x62: {  	_ =	shalt  }
0x63: {  	_ =	shalt  }
0x64: {  	_ =	shalt  }
0x65: {  	_ =	shalt  }
0x66: {  	_ =	shalt  }
0x67: {  	_ =	shalt  }
0x68: {  	_ =	shalt  }
0x69: {  	_ =	shalt  }
0x6a: {  	_ =	shalt  }
0x6b: {  	_ =	shalt  }
0x6c: {  	_ =	shalt  }
0x6d: {  	_ =	shalt  }
0x6e: {  	_ =	shalt  }
0x6f: {  	_ =	shalt  }
0x70: {  	_ =	shalt  }
0x71: {  	_ =	shalt  }
0x72: {  	_ =	shalt  }
0x73: {  	_ =	shalt  }
0x74: {  	_ =	shalt  }
0x75: {  	_ =	shalt  }
0x76: {  	_ =	shalt  }
0x77: {  	_ =	shalt  }
0x78: {  	_ =	shalt  }
0x79: {  	_ =	shalt  }
0x7a: {  	_ =	shalt  }
0x7b: {  	_ =	shalt  }
0x7c: {  	_ =	shalt  }
0x7d: {  	_ =	shalt  }
0x7e: {  	_ =	shalt  }
0x7f: {  	_ =	shalt  }
0x80: {  	_ =	shalt  }
0x81: {  	_ =	shalt  }
0x82: {  	_ =	shalt  }
0x83: {  	_ =	shalt  }
0x84: {  	_ =	shalt  }
0x85: {  	_ =	shalt  }
0x86: {  	_ =	shalt  }
0x87: {  	_ =	shalt  }
.Lfunc_end0:
.L_simem_size_0:
called_computation_lowered:
.L_overlay_start_0:
0x88: {  	s2 =	sld [smem:$0x3FD9]  }
0x89: {  	s3 =	sld [smem:$0x3FFE];
	_ =	sdelay $0x1  }
0x8a: {  	s1 =	srdreg.scid  }
0x8b: {  	s0 =	sand.u32 $0x1, s1  }
0x8c: {  	s17 =	sshll.u32 s0, $0xA;
	s2 =	sadd.s32 s3, s2  }
0x8d: {  	s2 =	sadd.s32 s2, s17  }
0x8e: {  	[smem:$0x3FC6] =	sst s2  }
0x8f: {  	_ = 	snop  }
0x90: {  	s2 =	sld [smem:$0x3FD0];
	(tm) =	ssettm $0x1  }
0x91: {  	s18 =	sld [smem:$0x3FFB];
	_ =	sdelay $0x3  }
0x92: {  	_ =	strace s18  }
0x93: {  	s3 =	sld [smem:$0x3FFC];
	_ =	sdelay $0x3  }
0x94: {  	_ =	strace s3  }
0x95: {  	s3 =	sld [smem:$0x3FFD];
	_ =	sdelay $0x3  }
0x96: {  	_ =	strace s3  }
0x97: {  	_ =	strace $0x8FFFFFFF  }
0x98: {  	s19 =	sld [smem:$0x3FDB];
	_ =	sdelay $0x1  }
0x99: {  	s4 =	simm.s32 $_scs_section_size  }
0x9a: {  	s5 =	simm.s32 $_size__tile_overlayer_lowered;
	s6 =	simm.s32 $_tile_overlayer_lowered  }
0x9b: {  	s22 =	simm.s32 $0x1BFF;
	s21 =	sshll.u32 s6, $0x1;
	s3 =	sadd.s32 s4, s19  }
0x9c: {  	s7 =	simm.s32 $0x0;
	s20 =	sshll.u32 s5, $0x1;
	s5 =	sadd.s32 s21, s3  }
0x9d: {  	[timem:s7], [sflag:s22] =	dma.local [hbm:s5], s20  }
0x9e: {  	_ =	swait.ge [sflag:s22], s20  }
0x9f: {  	s4 =	ssub.s32 $0x0, s20;
	[sflag:s22] =	ssyncset.done $0x0  }
0xa0: {  	[sflag:s22] =	ssyncadd.s32 s4;
	_ =	sdelay $0x1  }
0xa1: {  	s23 =	simm.s32 $0x1B8B  }
0xa2: {  	_ =	swait.ge [sflag:s23], $0x1  }
0xa3: {  	[sflag:s23] =	ssyncset.done $0x0  }
0xa4: {  	s25 =	simm.s32 $0x1B8E;
	s24 =	sld [smem:$0x3FFE];
	[sflag:s23] =	ssyncadd.s32 $0xFFFFFFFF  }
0xa5: {  	s26 =	simm.s32 $execute0_lowered;
	[smem:$0x3FD2] =	sst s25  }
0xa6: {  	s5 =	sshll.u32 s26, $0x1;
	_ =	strace $0x80000046;
	[dreg:$0x1] =	wrdreg $0xFFFFFFFF  }
0xa7: {  	s28 =	simm.s32 $_size_execute0_lowered;
	s3 =	sadd.s32 s3, s5;
	[dreg:$0x0] =	wrdreg $0x0  }
0xa8: {  	s5 =	sshll.u32 s28, $0x1;
	[dreg:$0x2] =	wrdreg s3  }
0xa9: {  	[dreg:$0x3] =	wrdreg s5  }
0xaa: {  	[dreg:$0x4] =	wrdreg $0xC0  }
0xab: {  	_ =	task [dreg:s7], $0x5FFFF  }
0xac: {  	[dreg:$0x1] =	wrdreg $0xFFFFFFFF  }
0xad: {  	[dreg:$0x0] =	wrdreg $0x60  }
0xae: {  	[dreg:$0x2] =	wrdreg s24  }
0xaf: {  	[dreg:$0x3] =	wrdreg s2  }
0xb0: {  	[dreg:$0x4] =	wrdreg $0x9  }
0xb1: {  	_ =	task.clear_ibuf [dreg:s7], $0x5FFFF;
	_ =	strace $0x90000046  }
0xb2: {  	s29 =	simm.s32 $0x9;
	_ =	strace $0x80000048  }
0xb3: {  	_ =	swait.ge [sflag:s29], $0x1  }
0xb4: {  	[sflag:s29] =	ssyncadd.s32 $0xFFFFFFFF  }
0xb5: {  	_ =	strace $0x90000048  }
0xb6: {  	_ =	sfence  }
0xb7: {  	s30 =	sld [smem:$0x0];
	_ =	sdelay $0x2  }
0xb8: {  	s31 =	sshll.u32 s1, $0xD;
	s1 =	sshrl.u32 s1, $0x2  }
0xb9: {  	s3 =	sand.u32 $0x4000, s31;
	s1 =	sadd.s32 s1, s30  }
0xba: {  	s0 =	sor.u32 s3, s0;
	s1 =	sshll.u32 s1, $0x11  }
0xbb: {  	s0 =	sor.u32 s1, s0  }
0xbc: {  	s0 =	sadd.s32 $0x8F2B, s0  }
0xbd: {  	[sflag:s0] =	ssyncadd.remote.s32 $0x1  }
0xbe: {  	_ =	sfence.sel $0xFFFF  }
0xbf: {  	[dreg:$0x0] =	wrdreg $0xFFFFFFFF;
	(pc) =	sbr.abs _section_cstart, $3  }
0xc0: {  	[dreg:$0x1] =	wrdreg $0xFFFFFFFF  }
0xc1: {  	_ =	task.clear_ibuf [dreg:s7], $0x2FFFF;
	_ =	strace $0x9FFFFFFF  }
0xc2: {  	(tm) =	ssettm $0x7FFFFFFF  }
0xc3: {  	_ =	shalt  }
tec
execute0_lowered:
.L_overlay_start_1:
0x0: {  	(tag) =	ssettag $0x1  }
0x1: {  	s0 =	rddreg [dreg:$0x0]  }
0x2: {  	s1 =	srdreg.scid;
	s3 =	stileid.u32;
	s6 =	simm.s32 $0x0  }
0x3: {  	s14 =	simm.s32 $0x80;
	s15 =	simm.s32 $0x400;
	s28 =	simm.s32 $0x8000  }
0x4: {  	s29 =	simm.s32 $0x2;
	s30 =	simm.s32 $0x0;
	s1 =	sand.u32 $0x1, s1  }
0x5: {  	s2 =	sshrl.u32 s3, $0x2;
	s3 =	sshll.u32 s3, $0x8;
	[smem:$0x7FF] =	sst s6  }
0x6: {  	s4 =	sshll.u32 s1, $0x7;
	s3 =	sand.u32 $0x300, s3;
	s5 =	smul.u32 $0xD000, s2  }
0x7: {  	s19 =	sshll.u32 s2, $0xE;
	s20 =	sshll.u32 s2, $0xF;
	s1 =	ssub.s32 $0x2, s1  }
0x8: {  	s2 =	sshll.u32 s2, $0x10;
	s3 =	sor.u32 s4, s3;
	s22 =	sshrl.u32 s1, $0x1  }
0x9: {  	s4 =	sor.u32 s5, s3;
	s5 =	sor.u32 s19, s3;
	s6 =	sor.u32 s20, s3  }
0xa: {  	s2 =	sor.u32 s2, s3;
	s4 =	sshrl.u32 s4, $0x3;
	s5 =	sshrl.u32 s5, $0x3  }
0xb: {  	s21 =	sshrl.u32 s6, $0x3;
	s2 =	sshrl.u32 s2, $0x3;
	s4 =	sadd.s32 s4, s0  }
0xc: {  	s5 =	sadd.s32 s5, s0;
	s3 =	sadd.s32 s21, s0;
	s0 =	sadd.s32 s2, s0  }
0xd: {  	_ =	strace $0x80000047;
	s1 =	ssub.s32 s1, s22;
	s23 =	sadd.s32 $0x1600, s0  }
0xe: {  	s13 =	smax.u32 s1, $0x1;
	s24 =	sadd.s32 $0x9600, s0;
	[dreg:$0x3] =	wrdreg s23  }
.Ltmp0:
0xf: {  	s25 =	sadd.s32 $0x11600, s4;
	[dreg:$0x4] =	wrdreg s24;
	(pc) =	sbr.rel .LBB2_1-.Ltmp0, $4  }
0x10: {  	s26 =	sadd.s32 $0x17E00, s4;
	s31 =	sadd.s32 $0x1E600, s4;
	[dreg:$0x5] =	wrdreg s25  }
0x11: {  	s9 =	sadd.s32 $0x24E00, s5;
	s10 =	sadd.s32 $0x26E00, s3;
	[dreg:$0x6] =	wrdreg s26  }
0x12: {  	s11 =	sadd.s32 $0x2AE00, s3;
	s12 =	sadd.s32 $0x2EE00, s0;
	[dreg:$0x7] =	wrdreg s31  }
0x13: {  	s24 =	simm.s32 $0x1;
	s25 =	simm.s32 $0x4000;
	s26 =	simm.s32 $0x6000  }
.LBB2_9:
0x14: {  	s30 =	sadd.s32 $0x1, s30  }
0x15: {  	p0 =	sne.s32 s30, s13  }
.Ltmp1:
0x16: {  	_ = 	snop;
	(pc) =	sbr.rel @!p0 .LBB2_10-.Ltmp1, $4  }
0x17: {  	[hbm4b:s12+s14] =	stream.strided.scatter [tilespmem:s28], [sflag:$0x2], $0x2000, s15, s14, $0x38;
	[tilespmem:$0x12780] =	vst v63  }
0x18: {  	_ =	swait.ge [sflag:s29], $0x2000  }
0x19: {  	[sflag:s29] =	ssyncset.done $0x0  }
0x1a: {  	[sflag:s29] =	ssyncadd.s32 $0xFFFFE000  }
.LBB2_1:
0x1b: {  	s1 =	simm.s32 $0x0;
	s0 =	rddreg [dreg:$0x3]  }
0x1c: {  	[tilespmem:s1], [sflag:$0x1] =	stream.strided.gather [hbm4b:s0+s14], $0x2000, s15, s14, $0x38;
	[tilespmem:$0x12780] =	vst v63  }
0x1d: {  	s5 =	rddreg [dreg:$0x4];
	s2 =	simm.s32 $0x2000  }
0x1e: {  	[tilespmem:s2], [sflag:$0x1] =	stream.strided.gather [hbm4b:s5+s14], $0x2000, s15, s14, $0x38;
	[tilespmem:$0x12780] =	vst v63  }
0x1f: {  	s6 =	rddreg [dreg:$0x1];
	s7 =	simm.s32 $0xB000  }
0x20: {  	[tilespmem:s7], [sflag:$0x1] =	stream.linear.gather [hbm4b:s6+s1], $0x180, $0x38;
	[tilespmem:$0x12780] =	vst v63  }
0x21: {  	s8 =	rddreg [dreg:$0x5];
	s16 =	simm.s32 $0xB180  }
0x22: {  	[tilespmem:s16], [sflag:$0x1] =	stream.strided.gather [hbm4b:s8+s14], $0x1A00, s15, s14, $0x38;
	[tilespmem:$0x12780] =	vst v63  }
0x23: {  	s17 =	rddreg [dreg:$0x6];
	s18 =	simm.s32 $0xCB80  }
0x24: {  	[tilespmem:s18], [sflag:$0x1] =	stream.strided.gather [hbm4b:s17+s14], $0x1A00, s15, s14, $0x38;
	[tilespmem:$0x12780] =	vst v63  }
0x25: {  	s19 =	rddreg [dreg:$0x7];
	s20 =	simm.s32 $0xE580  }
0x26: {  	[tilespmem:s20], [sflag:$0x1] =	stream.strided.gather [hbm4b:s19+s14], $0x1A00, s15, s14, $0x38;
	[tilespmem:$0x12780] =	vst v63  }
0x27: {  	s21 =	simm.s32 $0xFF80  }
0x28: {  	[tilespmem:s21], [sflag:$0x1] =	stream.strided.gather [hbm4b:s9+s14], $0x800, s15, s14, $0x38;
	[tilespmem:$0x12780] =	vst v63  }
0x29: {  	s22 =	simm.s32 $0x10780  }
0x2a: {  	[tilespmem:s22], [sflag:$0x1] =	stream.strided.gather [hbm4b:s10+s14], $0x1000, s15, s14, $0x38;
	[tilespmem:$0x12780] =	vst v63  }
0x2b: {  	s23 =	simm.s32 $0x11780  }
0x2c: {  	[tilespmem:s23], [sflag:$0x1] =	stream.strided.gather [hbm4b:s11+s14], $0x1000, s15, s14, $0x38;
	[tilespmem:$0x12780] =	vst v63  }
0x2d: {  	_ =	swait.ge [sflag:s24], $0x2000  }
0x2e: {  	[sflag:s24] =	ssyncset.done $0x0  }
0x2f: {  	[sflag:s24] =	ssyncadd.s32 $0xFFFFE000  }
0x30: {  	_ =	swait.ge [sflag:s24], $0x2000  }
0x31: {  	[sflag:s24] =	ssyncset.done $0x0  }
0x32: {  	[sflag:s24] =	ssyncadd.s32 $0xFFFFE000  }
0x33: {  	_ =	swait.ge [sflag:s24], $0x180  }
0x34: {  	[sflag:s24] =	ssyncset.done $0x0  }
0x35: {  	[sflag:s24] =	ssyncadd.s32 $0xFFFFFE80  }
0x36: {  	_ =	swait.ge [sflag:s24], $0x1A00  }
0x37: {  	[sflag:s24] =	ssyncset.done $0x0  }
0x38: {  	[sflag:s24] =	ssyncadd.s32 $0xFFFFE600  }
0x39: {  	_ =	swait.ge [sflag:s24], $0x1A00  }
0x3a: {  	[sflag:s24] =	ssyncset.done $0x0  }
0x3b: {  	[sflag:s24] =	ssyncadd.s32 $0xFFFFE600  }
0x3c: {  	_ =	swait.ge [sflag:s24], $0x1A00  }
0x3d: {  	[sflag:s24] =	ssyncset.done $0x0  }
0x3e: {  	[sflag:s24] =	ssyncadd.s32 $0xFFFFE600  }
0x3f: {  	_ =	swait.ge [sflag:s24], $0x800  }
0x40: {  	[sflag:s24] =	ssyncset.done $0x0  }
0x41: {  	[sflag:s24] =	ssyncadd.s32 $0xFFFFF800  }
0x42: {  	_ =	swait.ge [sflag:s24], $0x1000  }
0x43: {  	[sflag:s24] =	ssyncset.done $0x0  }
0x44: {  	[sflag:s24] =	ssyncadd.s32 $0xFFFFF000  }
0x45: {  	_ =	swait.ge [sflag:s24], $0x1000  }
0x46: {  	[sflag:s24] =	ssyncset.done $0x0  }
0x47: {  	[sflag:s24] =	ssyncadd.s32 $0xFFFFF000  }
0x48: {  	v15 =	vld [tilespmem:$0xB000]  }
0x49: {  	v13 =	vld [tilespmem:$0xB010]  }
0x4a: {  	v7 =	vld [tilespmem:$0xB020]  }
0x4b: {  	v1 =	vld [tilespmem:$0xB030]  }
0x4c: {  	v17 =	vld [tilespmem:$0xB040]  }
0x4d: {  	v14 =	vld [tilespmem:$0xB050]  }
0x4e: {  	v8 =	vld [tilespmem:$0xB060]  }
0x4f: {  	v2 =	vld [tilespmem:$0xB070]  }
0x50: {  	v18 =	vld [tilespmem:$0xB080]  }
0x51: {  	v12 =	vld [tilespmem:$0xB090]  }
0x52: {  	v6 =	vld [tilespmem:$0xB0A0]  }
0x53: {  	v0 =	vld [tilespmem:$0xB0B0]  }
0x54: {  	s21 =	simm.s32 $0x40;
	v20 =	vld [tilespmem:$0xB0C0]  }
0x55: {  	s6 =	simm.s32 $0x2040;
	v4 =	vld [tilespmem:s21+$0x0]  }
0x56: {  	v5 =	vld [tilespmem:s6+$0x0]  }
0x57: {  	v22 =	vld [tilespmem:$0xB100]  }
0x58: {  	v16 =	vld [tilespmem:$0xB0D0]  }
0x59: {  	v10 =	vld [tilespmem:$0xB0E0]  }
0x5a: {  	v3 =	vld [tilespmem:$0xB0F0]  }
0x5b: {  	v23 =	vld [tilespmem:$0xB140];
	v9 =	vmul.f32 v4, v15;
	v21 =	vmul.f32 v5, v17  }
0x5c: {  	v19 =	vld [tilespmem:$0xB110];
	v4 =	vmul.f32 v4, v20;
	v24 =	vmul.f32 v5, v22  }
0x5d: {  	v11 =	vld [tilespmem:$0xB120];
	v25 =	vadd.f32 v21, v9  }
0x5e: {  	v5 =	vld [tilespmem:$0xB130];
	v24 =	vadd.f32 v24, v4  }
0x5f: {  	v21 =	vld [tilespmem:$0xB150];
	v25 =	vadd.f32 v25, v18  }
0x60: {  	s3 =	simm.s32 $0x4040;
	v9 =	vld [tilespmem:$0xB160];
	v24 =	vadd.f32 v24, v23  }
0x61: {  	s0 =	simm.s32 $0x6040;
	v4 =	vld [tilespmem:$0xB170];
	[tilespmem:s3+$0x0] =	vst v25  }
0x62: {  	[tilespmem:s0+$0x0] =	vst v24  }
0x63: {  	v24 =	vld [tilespmem:s21+$0x10]  }
0x64: {  	v25 =	vld [tilespmem:s6+$0x10];
	_ =	sdelay $0x1  }
0x65: {  	s5 =	simm.s32 $0xC0  }
0x66: {  	s4 =	simm.s32 $0x20C0;
	v26 =	vld [tilespmem:s5+$0x0]  }
0x67: {  	v27 =	vld [tilespmem:s4+$0x0]  }
0x68: {  	v28 =	vmul.f32 v24, v13;
	v29 =	vmul.f32 v25, v14  }
0x69: {  	v30 =	vld [tilespmem:s6+$0xFFFFFFC0];
	v24 =	vmul.f32 v24, v16;
	v25 =	vmul.f32 v25, v19  }
0x6a: {  	v31 =	vld [tilespmem:s21+$0xFFFFFFC0];
	v28 =	vadd.f32 v29, v28  }
0x6b: {  	v24 =	vadd.f32 v25, v24  }
0x6c: {  	v33 =	vld [tilespmem:s5+$0xFFFFFFC0];
	v32 =	vmul.f32 v27, v17;
	v29 =	vmul.f32 v26, v15;
	v28 =	vadd.f32 v28, v12  }
0x6d: {  	v27 =	vmul.f32 v27, v22;
	v25 =	vld [tilespmem:s4+$0xFFFFFFC0];
	v26 =	vmul.f32 v26, v20;
	v24 =	vadd.f32 v24, v21  }
0x6e: {  	[tilespmem:s3+$0x10] =	vst v28;
	v28 =	vadd.f32 v32, v29  }
0x6f: {  	v54 =	vmul.f32 v30, v17;
	v29 =	vmul.f32 v31, v15;
	[tilespmem:s0+$0x10] =	vst v24;
	v24 =	vadd.f32 v27, v26  }
0x70: {  	v26 =	vmul.f32 v31, v20;
	v27 =	vmul.f32 v30, v22;
	v28 =	vadd.f32 v28, v18  }
0x71: {  	s2 =	simm.s32 $0x40C0;
	v30 =	vld [tilespmem:s21+$0x20];
	v29 =	vadd.f32 v54, v29;
	v24 =	vadd.f32 v24, v23  }
0x72: {  	s1 =	simm.s32 $0x60C0;
	v55 =	vmul.f32 v25, v17;
	v31 =	vld [tilespmem:s6+$0x20];
	v26 =	vadd.f32 v27, v26;
	v27 =	vmul.f32 v33, v15;
	[tilespmem:s2+$0x0] =	vst v28  }
0x73: {  	v25 =	vmul.f32 v25, v22;
	v28 =	vadd.f32 v29, v18;
	[tilespmem:s1+$0x0] =	vst v24  }
0x74: {  	v29 =	vmul.f32 v33, v20;
	v24 =	vadd.f32 v26, v23;
	v26 =	vadd.f32 v55, v27;
	v27 =	vld [tilespmem:s5+$0x10]  }
0x75: {  	[tilespmem:s3+$0xFFFFFFC0] =	vst v28;
	v28 =	vld [tilespmem:s4+$0x10]  }
0x76: {  	v25 =	vadd.f32 v25, v29;
	[tilespmem:s0+$0xFFFFFFC0] =	vst v24  }
0x77: {  	v24 =	vmul.f32 v30, v7;
	v29 =	vmul.f32 v31, v8;
	v26 =	vadd.f32 v26, v18;
	v56 =	vld [tilespmem:s21+$0xFFFFFFD0]  }
0x78: {  	s20 =	simm.s32 $0x1C0;
	v30 =	vmul.f32 v30, v10;
	v31 =	vmul.f32 v31, v11;
	v25 =	vadd.f32 v25, v23;
	v57 =	vld [tilespmem:s6+$0xFFFFFFD0]  }
0x79: {  	s19 =	simm.s32 $0x21C0;
	v48 =	vld [tilespmem:s20+$0x0];
	v24 =	vadd.f32 v29, v24;
	[tilespmem:s2+$0xFFFFFFC0] =	vst v26  }
0x7a: {  	v49 =	vld [tilespmem:s19+$0x0];
	v26 =	vadd.f32 v31, v30;
	[tilespmem:s1+$0xFFFFFFC0] =	vst v25;
	v29 =	vmul.f32 v27, v13;
	v30 =	vmul.f32 v28, v14  }
0x7b: {  	v24 =	vadd.f32 v24, v6;
	v25 =	vld [tilespmem:s5+$0xFFFFFFD0];
	v27 =	vmul.f32 v27, v16;
	v28 =	vmul.f32 v28, v19  }
0x7c: {  	s17 =	simm.s32 $0x140;
	v26 =	vadd.f32 v26, v9;
	v31 =	vld [tilespmem:s4+$0xFFFFFFD0];
	v29 =	vadd.f32 v30, v29;
	v30 =	vmul.f32 v56, v13  }
0x7d: {  	s18 =	simm.s32 $0x2140;
	[tilespmem:s3+$0x20] =	vst v24;
	v24 =	vld [tilespmem:s17+$0x0];
	v34 =	vmul.f32 v57, v14;
	v27 =	vadd.f32 v28, v27;
	v28 =	vmul.f32 v56, v16  }
0x7e: {  	v58 =	vmul.f32 v57, v19;
	v56 =	vmul.f32 v48, v15;
	[tilespmem:s0+$0x20] =	vst v26;
	v26 =	vld [tilespmem:s18+$0x0]  }
0x7f: {  	v57 =	vmul.f32 v49, v17;
	v59 =	vld [tilespmem:s21+$0x30];
	v29 =	vadd.f32 v29, v12;
	v30 =	vadd.f32 v34, v30  }
0x80: {  	v60 =	vld [tilespmem:s6+$0x30];
	v27 =	vadd.f32 v27, v21;
	v28 =	vadd.f32 v58, v28;
	v61 =	vmul.f32 v25, v13  }
0x81: {  	v35 =	vld [tilespmem:s18+$0xFFFFFFC0];
	v25 =	vmul.f32 v25, v16;
	[tilespmem:s2+$0x10] =	vst v29;
	v29 =	vadd.f32 v30, v12;
	v30 =	vmul.f32 v31, v14  }
0x82: {  	v36 =	vld [tilespmem:s17+$0xFFFFFFC0];
	v31 =	vmul.f32 v31, v19;
	[tilespmem:s1+$0x10] =	vst v27;
	v27 =	vadd.f32 v28, v21;
	v28 =	vmul.f32 v24, v15  }
0x83: {  	v24 =	vmul.f32 v24, v20;
	v37 =	vmul.f32 v26, v17  }
0x84: {  	v38 =	vld [tilespmem:s5+$0x20];
	v30 =	vadd.f32 v30, v61;
	v26 =	vmul.f32 v26, v22;
	v25 =	vadd.f32 v31, v25  }
0x85: {  	v62 =	vld [tilespmem:s4+$0x20];
	[tilespmem:s3+$0xFFFFFFD0] =	vst v29;
	v29 =	vmul.f32 v59, v1;
	v31 =	vmul.f32 v60, v2;
	v28 =	vadd.f32 v37, v28  }
0x86: {  	[tilespmem:s0+$0xFFFFFFD0] =	vst v27;
	v27 =	vmul.f32 v35, v17;
	v35 =	vmul.f32 v35, v22;
	v24 =	vadd.f32 v26, v24  }
0x87: {  	v26 =	vmul.f32 v36, v15;
	v30 =	vadd.f32 v30, v12;
	v28 =	vadd.f32 v28, v18  }
0x88: {  	s16 =	simm.s32 $0x4140;
	v36 =	vmul.f32 v36, v20;
	v25 =	vadd.f32 v25, v21;
	v24 =	vadd.f32 v24, v23  }
0x89: {  	s31 =	simm.s32 $0x6140;
	v33 =	vmul.f32 v59, v3;
	v63 =	vld [tilespmem:s21+$0xFFFFFFE0];
	v29 =	vadd.f32 v31, v29;
	v26 =	vadd.f32 v27, v26;
	[tilespmem:s16+$0x0] =	vst v28  }
0x8a: {  	v39 =	vld [tilespmem:s6+$0xFFFFFFE0];
	v35 =	vadd.f32 v35, v36;
	v27 =	vmul.f32 v38, v7;
	v28 =	vmul.f32 v62, v8;
	[tilespmem:s31+$0x0] =	vst v24  }
0x8b: {  	v36 =	vadd.f32 v57, v56;
	v32 =	vmul.f32 v62, v11;
	v24 =	vmul.f32 v38, v10;
	v40 =	vld [tilespmem:s17+$0x10]  }
0x8c: {  	v26 =	vadd.f32 v26, v18;
	v27 =	vadd.f32 v28, v27;
	v28 =	vmul.f32 v60, v5;
	v42 =	vld [tilespmem:s18+$0x10]  }
0x8d: {  	v41 =	vadd.f32 v35, v23;
	v24 =	vadd.f32 v32, v24  }
0x8e: {  	[tilespmem:s16+$0xFFFFFFC0] =	vst v26;
	v26 =	vadd.f32 v27, v6;
	v28 =	vadd.f32 v28, v33  }
0x8f: {  	v53 =	vld [tilespmem:s19+$0xFFFFFFC0];
	v43 =	vmul.f32 v63, v7;
	v31 =	vmul.f32 v39, v8;
	[tilespmem:s31+$0xFFFFFFC0] =	vst v41;
	v24 =	vadd.f32 v24, v9  }
0x90: {  	v27 =	vmul.f32 v63, v10;
	v44 =	vld [tilespmem:s17+$0xFFFFFFD0];
	[tilespmem:s2+$0x20] =	vst v26;
	v26 =	vadd.f32 v28, v4;
	v28 =	vmul.f32 v39, v11  }
0x91: {  	v34 =	vld [tilespmem:s18+$0xFFFFFFD0];
	[tilespmem:s1+$0x20] =	vst v24;
	v24 =	vadd.f32 v31, v43;
	v31 =	vmul.f32 v40, v13;
	v45 =	vmul.f32 v42, v14  }
0x92: {  	v35 =	vmul.f32 v42, v19;
	v46 =	vld [tilespmem:s5+$0x30];
	v27 =	vadd.f32 v28, v27;
	v28 =	vmul.f32 v40, v16  }
0x93: {  	v58 =	vmul.f32 v48, v20;
	[tilespmem:s2+$0xFFFFFFD0] =	vst v30;
	v47 =	vld [tilespmem:s4+$0x30];
	v24 =	vadd.f32 v24, v6;
	v31 =	vadd.f32 v45, v31  }
0x94: {  	v52 =	vld [tilespmem:s20+$0xFFFFFFC0];
	v61 =	vmul.f32 v53, v22;
	[tilespmem:s1+$0xFFFFFFD0] =	vst v25;
	v27 =	vadd.f32 v27, v9;
	v28 =	vadd.f32 v35, v28  }
0x95: {  	v29 =	vadd.f32 v29, v0;
	v32 =	vmul.f32 v49, v22;
	v31 =	vadd.f32 v31, v12;
	[tilespmem:s3+$0xFFFFFFE0] =	vst v24  }
0x96: {  	v40 =	vld [tilespmem:s5+$0xFFFFFFE0];
	v30 =	vmul.f32 v44, v13;
	v50 =	vmul.f32 v34, v14;
	v28 =	vadd.f32 v28, v21;
	[tilespmem:s0+$0xFFFFFFE0] =	vst v27  }
0x97: {  	v32 =	vadd.f32 v32, v58;
	v25 =	vmul.f32 v44, v16;
	v51 =	vmul.f32 v34, v19;
	v27 =	vld [tilespmem:s4+$0xFFFFFFE0];
	[tilespmem:s16+$0x10] =	vst v31  }
0x98: {  	v36 =	vadd.f32 v36, v18;
	v31 =	vmul.f32 v46, v1;
	v54 =	vmul.f32 v47, v2;
	v63 =	vld [tilespmem:s21+$0xFFFFFFF0];
	[tilespmem:s31+$0x10] =	vst v28  }
0x99: {  	v32 =	vadd.f32 v32, v23;
	v34 =	vmul.f32 v52, v20;
	v30 =	vadd.f32 v50, v30;
	v41 =	vld [tilespmem:s17+$0x20]  }
0x9a: {  	v60 =	vmul.f32 v52, v15;
	v25 =	vadd.f32 v51, v25;
	v31 =	vadd.f32 v54, v31;
	v59 =	vld [tilespmem:s18+$0x20]  }
0x9b: {  	v34 =	vadd.f32 v61, v34;
	v55 =	vmul.f32 v47, v5;
	v30 =	vadd.f32 v30, v12  }
0x9c: {  	v62 =	vmul.f32 v40, v7;
	s21 =	simm.s32 $0x41C0;
	v24 =	vadd.f32 v31, v0;
	v31 =	vmul.f32 v53, v17  }
0x9d: {  	s22 =	simm.s32 $0x61C0;
	v25 =	vadd.f32 v25, v21;
	v28 =	vmul.f32 v46, v3;
	[tilespmem:s21+$0x0] =	vst v36;
	v49 =	vmul.f32 v27, v8  }
0x9e: {  	v44 =	vld [tilespmem:s6+$0xFFFFFFF0];
	[tilespmem:s22+$0x0] =	vst v32;
	v50 =	vmul.f32 v63, v1;
	v54 =	vmul.f32 v63, v3;
	v31 =	vadd.f32 v31, v60  }
0x9f: {  	s6 =	simm.s32 $0x2240;
	[tilespmem:s16+$0xFFFFFFD0] =	vst v30;
	v30 =	vadd.f32 v34, v23;
	v48 =	vld [tilespmem:s20+$0x10];
	v45 =	vmul.f32 v41, v7;
	v46 =	vmul.f32 v59, v8  }
0xa0: {  	s23 =	simm.s32 $0x240;
	v63 =	vld [tilespmem:s6+$0x0];
	v47 =	vmul.f32 v41, v10;
	v38 =	vmul.f32 v59, v11;
	v31 =	vadd.f32 v31, v18  }
0xa1: {  	v51 =	vadd.f32 v49, v62;
	v62 =	vld [tilespmem:s23+$0x0];
	v35 =	vadd.f32 v46, v45  }
0xa2: {  	v40 =	vmul.f32 v40, v10;
	v28 =	vadd.f32 v55, v28;
	v32 =	vadd.f32 v38, v47;
	[tilespmem:s21+$0xFFFFFFC0] =	vst v31;
	v31 =	vld [tilespmem:s19+$0x10]  }
0xa3: {  	v27 =	vmul.f32 v27, v11;
	v52 =	vmul.f32 v44, v2;
	v46 =	vld [tilespmem:s23+$0xFFFFFFC0];
	[tilespmem:s22+$0xFFFFFFC0] =	vst v30;
	v30 =	vadd.f32 v35, v6  }
0xa4: {  	[tilespmem:s31+$0xFFFFFFD0] =	vst v25;
	v28 =	vadd.f32 v28, v4;
	v33 =	vmul.f32 v44, v5;
	v47 =	vld [tilespmem:s6+$0xFFFFFFC0];
	v25 =	vadd.f32 v32, v9  }
0xa5: {  	v27 =	vadd.f32 v27, v40;
	v56 =	vadd.f32 v52, v50;
	v53 =	vld [tilespmem:s20+$0xFFFFFFD0];
	[tilespmem:s16+$0x20] =	vst v30  }
0xa6: {  	v60 =	vmul.f32 v48, v16;
	v49 =	vmul.f32 v63, v17;
	v32 =	vadd.f32 v33, v54;
	v55 =	vld [tilespmem:s19+$0xFFFFFFD0];
	[tilespmem:s31+$0x20] =	vst v25  }
0xa7: {  	[tilespmem:s2+$0x30] =	vst v24;
	v25 =	vadd.f32 v27, v9;
	v27 =	vmul.f32 v48, v13;
	v58 =	vmul.f32 v31, v14;
	v59 =	vld [tilespmem:s17+$0x30]  }
0xa8: {  	[tilespmem:s1+$0x30] =	vst v28;
	v35 =	vadd.f32 v56, v0;
	v28 =	vmul.f32 v62, v15;
	v31 =	vmul.f32 v31, v19;
	v61 =	vld [tilespmem:s18+$0x30]  }
0xa9: {  	[tilespmem:s3+$0x30] =	vst v29;
	v30 =	vadd.f32 v51, v6;
	v27 =	vadd.f32 v58, v27  }
0xaa: {  	[tilespmem:s0+$0x30] =	vst v26;
	v37 =	vmul.f32 v63, v22;
	v28 =	vadd.f32 v49, v28;
	v31 =	vadd.f32 v31, v60  }
0xab: {  	[tilespmem:s2+$0xFFFFFFE0] =	vst v30;
	v29 =	vmul.f32 v53, v16;
	v26 =	vmul.f32 v55, v19;
	v27 =	vadd.f32 v27, v12  }
0xac: {  	v51 =	vmul.f32 v47, v17;
	v36 =	vmul.f32 v46, v20;
	[tilespmem:s1+$0xFFFFFFE0] =	vst v25;
	v31 =	vadd.f32 v31, v21  }
0xad: {  	v57 =	vld [tilespmem:s17+$0xFFFFFFE0];
	v26 =	vadd.f32 v26, v29;
	v29 =	vmul.f32 v61, v2;
	[tilespmem:s21+$0x10] =	vst v27;
	v27 =	vmul.f32 v59, v1  }
0xae: {  	v48 =	vld [tilespmem:s18+$0xFFFFFFE0];
	v30 =	vmul.f32 v62, v20;
	v28 =	vadd.f32 v28, v18;
	v25 =	vmul.f32 v46, v15;
	[tilespmem:s22+$0x10] =	vst v31  }
0xaf: {  	v42 =	vmul.f32 v53, v13;
	v44 =	vmul.f32 v55, v14;
	v27 =	vadd.f32 v29, v27;
	v29 =	vld [tilespmem:s20+$0x20]  }
0xb0: {  	v30 =	vadd.f32 v37, v30;
	v53 =	vmul.f32 v47, v22;
	v25 =	vadd.f32 v51, v25;
	v50 =	vld [tilespmem:s19+$0x20]  }
0xb1: {  	v38 =	vadd.f32 v44, v42;
	v34 =	vmul.f32 v61, v5;
	v31 =	vmul.f32 v59, v3  }
0xb2: {  	v45 =	vmul.f32 v57, v7;
	[tilespmem:s3+$0xFFFFFFF0] =	vst v35;
	s3 =	simm.s32 $0x4240;
	v55 =	vadd.f32 v53, v36;
	v27 =	vadd.f32 v27, v0  }
0xb3: {  	v24 =	vmul.f32 v57, v10;
	[tilespmem:s3+$0x0] =	vst v28;
	v25 =	vadd.f32 v25, v18;
	v31 =	vadd.f32 v34, v31  }
0xb4: {  	v54 =	vld [tilespmem:s4+$0xFFFFFFF0];
	v58 =	vmul.f32 v48, v11;
	v38 =	vadd.f32 v38, v12;
	[tilespmem:s16+$0x30] =	vst v27;
	v27 =	vadd.f32 v30, v23  }
0xb5: {  	v52 =	vld [tilespmem:s5+$0xFFFFFFF0];
	s4 =	simm.s32 $0x6240;
	[tilespmem:s3+$0xFFFFFFC0] =	vst v25;
	v31 =	vadd.f32 v31, v4;
	v28 =	vmul.f32 v29, v7;
	v56 =	vmul.f32 v50, v8  }
0xb6: {  	v24 =	vadd.f32 v58, v24;
	[tilespmem:s4+$0x0] =	vst v27;
	v27 =	vmul.f32 v29, v10;
	v29 =	vmul.f32 v50, v11  }
0xb7: {  	v30 =	vmul.f32 v48, v8;
	[tilespmem:s31+$0x30] =	vst v31;
	v31 =	vadd.f32 v55, v23;
	v57 =	vld [tilespmem:s23+$0x10];
	v28 =	vadd.f32 v56, v28  }
0xb8: {  	v25 =	vadd.f32 v26, v21;
	[tilespmem:s21+$0xFFFFFFD0] =	vst v38;
	v59 =	vld [tilespmem:s6+$0x10];
	v26 =	vadd.f32 v29, v27  }
0xb9: {  	v60 =	vmul.f32 v54, v2;
	[tilespmem:s4+$0xFFFFFFC0] =	vst v31;
	v29 =	vadd.f32 v30, v45;
	v28 =	vadd.f32 v28, v6  }
0xba: {  	v62 =	vmul.f32 v54, v5;
	[tilespmem:s22+$0xFFFFFFD0] =	vst v25;
	v27 =	vmul.f32 v52, v1;
	v30 =	vld [tilespmem:s23+$0xFFFFFFD0];
	v25 =	vadd.f32 v26, v9  }
0xbb: {  	v63 =	vadd.f32 v24, v9;
	v31 =	vld [tilespmem:s6+$0xFFFFFFD0];
	v26 =	vmul.f32 v52, v3;
	[tilespmem:s21+$0x20] =	vst v28;
	v28 =	vadd.f32 v29, v6  }
0xbc: {  	v61 =	vadd.f32 v60, v27;
	v29 =	vld [tilespmem:s20+$0xFFFFFFE0];
	[tilespmem:s22+$0x20] =	vst v25;
	v25 =	vadd.f32 v32, v4  }
0xbd: {  	v32 =	vmul.f32 v57, v13;
	v33 =	vmul.f32 v59, v14;
	v24 =	vadd.f32 v62, v26;
	v27 =	vld [tilespmem:s20+$0x30];
	[tilespmem:s16+$0xFFFFFFE0] =	vst v28  }
0xbe: {  	s7 =	simm.s32 $0x8;
	s8 =	simm.s32 $0x2C0;
	s5 =	simm.s32 $0x2240;
	v34 =	vmul.f32 v57, v16;
	v35 =	vmul.f32 v59, v19;
	v26 =	vadd.f32 v61, v0;
	v28 =	vld [tilespmem:s19+$0x30];
	[tilespmem:s31+$0xFFFFFFE0] =	vst v63  }
.LBB2_2:
0xbf: {  	v36 =	vld [tilespmem:s8+$0x0];
	v37 =	vmul.f32 v30, v13;
	v30 =	vmul.f32 v30, v16;
	v32 =	vadd.f32 v33, v32;
	s6 =	sadd.s32 $0x80, s6;
	[tilespmem:s0+$0xFFFFFFF0] =	vst v25;
	s0 =	smov.u32 s1;
	s1 =	smov.u32 s31  }
0xc0: {  	v25 =	vld [tilespmem:s6+$0x0];
	v33 =	vmul.f32 v31, v14;
	v31 =	vmul.f32 v31, v19;
	v34 =	vadd.f32 v35, v34;
	[tilespmem:s2+$0xFFFFFFF0] =	vst v26;
	s2 =	smov.u32 s16;
	s16 =	smov.u32 s21;
	s21 =	smov.u32 s3  }
0xc1: {  	s31 =	smov.u32 s22;
	s22 =	smov.u32 s4;
	v26 =	vld [tilespmem:s6+$0xFFFFFFC0];
	v32 =	vadd.f32 v32, v12;
	v35 =	vmul.f32 v29, v7;
	v29 =	vmul.f32 v29, v10  }
0xc2: {  	v38 =	vld [tilespmem:s8+$0xFFFFFFC0];
	v33 =	vadd.f32 v33, v37;
	v34 =	vadd.f32 v34, v21  }
0xc3: {  	v30 =	vadd.f32 v31, v30;
	[tilespmem:s3+$0x10] =	vst v32;
	v31 =	vld [tilespmem:s19+$0xFFFFFFE0];
	v32 =	vmul.f32 v27, v1;
	v37 =	vmul.f32 v28, v2  }
0xc4: {  	v27 =	vmul.f32 v27, v3;
	v28 =	vmul.f32 v28, v5;
	v33 =	vadd.f32 v33, v12;
	[tilespmem:s4+$0x10] =	vst v34;
	v34 =	vld [tilespmem:s17+$0xFFFFFFF0];
	s17 =	smov.u32 s20;
	s20 =	smov.u32 s23;
	s23 =	smov.u32 s8  }
0xc5: {  	v39 =	vmul.f32 v36, v15;
	v40 =	vmul.f32 v25, v17;
	v41 =	vld [tilespmem:s20+$0x20];
	v32 =	vadd.f32 v37, v32  }
0xc6: {  	v36 =	vmul.f32 v36, v20;
	v25 =	vmul.f32 v25, v22;
	v27 =	vadd.f32 v28, v27;
	[tilespmem:s3+$0xFFFFFFD0] =	vst v33;
	v33 =	vld [tilespmem:s5+$0x20]  }
0xc7: {  	s7 =	sadd.s32 $0x2, s7;
	v28 =	vmul.f32 v38, v15;
	v37 =	vadd.f32 v40, v39;
	v32 =	vadd.f32 v32, v0;
	v39 =	vld [tilespmem:s18+$0xFFFFFFF0];
	s18 =	smov.u32 s19;
	s19 =	smov.u32 s5  }
0xc8: {  	p0 =	slt.u32 s7, $0x7E;
	v40 =	vmul.f32 v26, v17;
	v25 =	vadd.f32 v25, v36;
	v27 =	vadd.f32 v27, v4;
	s5 =	smov.u32 s6  }
0xc9: {  	v36 =	vmul.f32 v38, v20;
	v26 =	vmul.f32 v26, v22;
	v37 =	vadd.f32 v37, v18;
	[tilespmem:s16+$0x30] =	vst v32  }
0xca: {  	s3 =	sadd.s32 $0x80, s3;
	v28 =	vadd.f32 v40, v28;
	v25 =	vadd.f32 v25, v23;
	v32 =	vmul.f32 v31, v8;
	[tilespmem:s31+$0x30] =	vst v27  }
0xcb: {  	s4 =	sadd.s32 $0x80, s4;
	v26 =	vadd.f32 v26, v36;
	v27 =	vmul.f32 v41, v7;
	[tilespmem:s3+$0x0] =	vst v37;
	v36 =	vmul.f32 v33, v8  }
0xcc: {  	v28 =	vadd.f32 v28, v18;
	v33 =	vmul.f32 v33, v11;
	[tilespmem:s4+$0x0] =	vst v25;
	v25 =	vmul.f32 v41, v10  }
0xcd: {  	v31 =	vmul.f32 v31, v11;
	v26 =	vadd.f32 v26, v23;
	v37 =	vld [tilespmem:s8+$0x10];
	v27 =	vadd.f32 v36, v27  }
0xce: {  	v36 =	vadd.f32 v30, v21;
	[tilespmem:s3+$0xFFFFFFC0] =	vst v28;
	v28 =	vld [tilespmem:s6+$0x10];
	v25 =	vadd.f32 v33, v25;
	v33 =	vmul.f32 v34, v1  }
0xcf: {  	[tilespmem:s4+$0xFFFFFFC0] =	vst v26;
	v26 =	vadd.f32 v27, v6;
	v27 =	vadd.f32 v32, v35;
	v32 =	vmul.f32 v39, v2  }
.Ltmp2:
0xd0: {  	v34 =	vmul.f32 v34, v3;
	v35 =	vadd.f32 v31, v29;
	v30 =	vld [tilespmem:s8+$0xFFFFFFD0];
	[tilespmem:s22+$0xFFFFFFD0] =	vst v36;
	v25 =	vadd.f32 v25, v9;
	(pc) =	sbr.rel @p0 .LBB2_2-.Ltmp2, $4  }
0xd1: {  	v38 =	vmul.f32 v39, v5;
	v31 =	vld [tilespmem:s6+$0xFFFFFFD0];
	[tilespmem:s21+$0x20] =	vst v26;
	v26 =	vadd.f32 v27, v6;
	v36 =	vadd.f32 v32, v33  }
0xd2: {  	v39 =	vadd.f32 v35, v9;
	v29 =	vld [tilespmem:s20+$0xFFFFFFE0];
	[tilespmem:s22+$0x20] =	vst v25;
	v25 =	vadd.f32 v24, v4  }
0xd3: {  	v32 =	vmul.f32 v37, v13;
	v24 =	vadd.f32 v38, v34;
	v33 =	vmul.f32 v28, v14;
	v27 =	vld [tilespmem:s20+$0x30];
	[tilespmem:s16+$0xFFFFFFE0] =	vst v26  }
0xd4: {  	s8 =	sadd.s32 $0x80, s8;
	v34 =	vmul.f32 v37, v16;
	v35 =	vmul.f32 v28, v19;
	v26 =	vadd.f32 v36, v0;
	v28 =	vld [tilespmem:s19+$0x30];
	[tilespmem:s31+$0xFFFFFFE0] =	vst v39  }
0xd5: {  	v15 =	vadd.f32 v33, v32  }
0xd6: {  	v17 =	vadd.f32 v35, v34  }
0xd7: {  	v13 =	vmul.f32 v30, v13;
	v14 =	vmul.f32 v31, v14;
	v15 =	vadd.f32 v15, v12  }
0xd8: {  	v32 =	vmul.f32 v30, v16;
	v33 =	vmul.f32 v31, v19;
	v17 =	vadd.f32 v17, v21  }
0xd9: {  	v13 =	vadd.f32 v14, v13;
	[tilespmem:s3+$0x10] =	vst v15  }
0xda: {  	v37 =	vld [tilespmem:s19+$0xFFFFFFE0];
	v15 =	vadd.f32 v33, v32;
	[tilespmem:s4+$0x10] =	vst v17  }
0xdb: {  	v35 =	vadd.f32 v13, v12;
	v17 =	vld [tilespmem:s23+$0x20]  }
0xdc: {  	v34 =	vld [tilespmem:s5+$0x20];
	v36 =	vadd.f32 v15, v21  }
0xdd: {  	[tilespmem:s3+$0xFFFFFFD0] =	vst v35  }
0xde: {  	[tilespmem:s4+$0xFFFFFFD0] =	vst v36  }
0xdf: {  	v18 =	vmul.f32 v29, v7;
	v43 =	vmul.f32 v29, v10;
	v41 =	vld [tilespmem:s23+$0xFFFFFFE0]  }
0xe0: {  	v44 =	vmul.f32 v37, v8;
	v15 =	vmul.f32 v37, v11;
	v42 =	vld [tilespmem:s5+$0xFFFFFFE0]  }
0xe1: {  	v40 =	vmul.f32 v17, v10;
	v14 =	vmul.f32 v34, v11  }
0xe2: {  	v18 =	vadd.f32 v44, v18;
	v38 =	vmul.f32 v17, v7;
	v39 =	vmul.f32 v34, v8  }
0xe3: {  	v13 =	vadd.f32 v14, v40;
	v14 =	vadd.f32 v15, v43  }
0xe4: {  	v47 =	vadd.f32 v18, v6;
	v12 =	vadd.f32 v39, v38  }
0xe5: {  	v23 =	vld [tilespmem:s17+$0xFFFFFFF0];
	v7 =	vmul.f32 v41, v7;
	v8 =	vmul.f32 v42, v8;
	v14 =	vadd.f32 v14, v9  }
0xe6: {  	v46 =	vld [tilespmem:s18+$0xFFFFFFF0];
	[tilespmem:s21+$0xFFFFFFE0] =	vst v47;
	v10 =	vmul.f32 v41, v10;
	v11 =	vmul.f32 v42, v11;
	v12 =	vadd.f32 v12, v6  }
0xe7: {  	v13 =	vadd.f32 v13, v9;
	v7 =	vadd.f32 v8, v7;
	[tilespmem:s22+$0xFFFFFFE0] =	vst v14  }
0xe8: {  	v10 =	vadd.f32 v11, v10;
	[tilespmem:s3+$0x20] =	vst v12;
	v14 =	vld [tilespmem:s20+$0xFFFFFFF0]  }
0xe9: {  	v20 =	vmul.f32 v27, v1;
	v45 =	vmul.f32 v28, v2;
	[tilespmem:s4+$0x20] =	vst v13;
	v6 =	vadd.f32 v7, v6;
	v52 =	vld [tilespmem:s19+$0xFFFFFFF0]  }
0xea: {  	v22 =	vmul.f32 v27, v3;
	v49 =	vmul.f32 v28, v5;
	v9 =	vadd.f32 v10, v9;
	v48 =	vld [tilespmem:s23+$0x30]  }
0xeb: {  	v51 =	vmul.f32 v46, v2;
	v8 =	vadd.f32 v45, v20;
	v7 =	vmul.f32 v23, v1;
	v50 =	vld [tilespmem:s5+$0x30];
	[tilespmem:s3+$0xFFFFFFE0] =	vst v6  }
0xec: {  	v56 =	vadd.f32 v24, v4;
	v12 =	vmul.f32 v46, v5;
	v10 =	vmul.f32 v23, v3;
	[tilespmem:s4+$0xFFFFFFE0] =	vst v9  }
0xed: {  	v8 =	vadd.f32 v8, v0;
	v7 =	vadd.f32 v51, v7;
	v55 =	vld [tilespmem:s23+$0xFFFFFFF0]  }
0xee: {  	v11 =	vadd.f32 v49, v22;
	v10 =	vadd.f32 v12, v10;
	v57 =	vld [tilespmem:s5+$0xFFFFFFF0]  }
0xef: {  	[tilespmem:s21+$0x30] =	vst v8;
	v7 =	vadd.f32 v7, v0;
	v8 =	vmul.f32 v14, v1;
	v58 =	vmul.f32 v52, v2  }
0xf0: {  	[tilespmem:s0+$0xFFFFFFF0] =	vst v25;
	v6 =	vadd.f32 v11, v4;
	v11 =	vmul.f32 v48, v1;
	v53 =	vmul.f32 v50, v2  }
0xf1: {  	v9 =	vmul.f32 v48, v3;
	v54 =	vmul.f32 v50, v5;
	[tilespmem:s16+$0xFFFFFFF0] =	vst v7;
	v7 =	vadd.f32 v10, v4  }
0xf2: {  	[tilespmem:s2+$0xFFFFFFF0] =	vst v26;
	v59 =	vmul.f32 v52, v5;
	v8 =	vadd.f32 v58, v8;
	v11 =	vadd.f32 v53, v11  }
0xf3: {  	[tilespmem:s1+$0xFFFFFFF0] =	vst v56;
	v9 =	vadd.f32 v54, v9;
	v1 =	vmul.f32 v55, v1;
	v2 =	vmul.f32 v57, v2  }
0xf4: {  	[tilespmem:s22+$0x30] =	vst v6;
	v5 =	vmul.f32 v57, v5;
	v6 =	vadd.f32 v11, v0;
	v11 =	vmul.f32 v14, v3  }
0xf5: {  	[tilespmem:s31+$0xFFFFFFF0] =	vst v7;
	v8 =	vadd.f32 v8, v0;
	v3 =	vmul.f32 v55, v3;
	v1 =	vadd.f32 v2, v1  }
0xf6: {  	v9 =	vadd.f32 v9, v4;
	[tilespmem:s3+$0x30] =	vst v6;
	v6 =	vadd.f32 v59, v11  }
0xf7: {  	[tilespmem:s21+$0xFFFFFFF0] =	vst v8;
	v3 =	vadd.f32 v5, v3;
	v0 =	vadd.f32 v1, v0  }
0xf8: {  	[tilespmem:s4+$0x30] =	vst v9;
	v2 =	vadd.f32 v6, v4  }
0xf9: {  	v1 =	vadd.f32 v3, v4;
	[tilespmem:s3+$0xFFFFFFF0] =	vst v0  }
0xfa: {  	[tilespmem:s22+$0xFFFFFFF0] =	vst v2  }
0xfb: {  	s23 =	simm.s32 $0xB1A0;
	[tilespmem:s4+$0xFFFFFFF0] =	vst v1  }
0xfc: {  	v0 =	vld [tilespmem:s23+$0x10]  }
0xfd: {  	s3 =	simm.s32 $0xCBA0;
	v1 =	vld [tilespmem:s23+$0xFFFFFFF0]  }
0xfe: {  	v2 =	vld [tilespmem:s3+$0x10]  }
0xff: {  	v3 =	vld [tilespmem:s3+$0xFFFFFFE0]  }
0x100: {  	v4 =	vld [tilespmem:s3+$0xFFFFFFF0]  }
0x101: {  	v5 =	vld [tilespmem:s23+$0x0]  }
0x102: {  	v6 =	vld [tilespmem:s3+$0x0]  }
0x103: {  	s4 =	simm.s32 $0xE5A0;
	v7 =	vld [tilespmem:s23+$0xFFFFFFE0]  }
0x104: {  	v60 =	vld [tilespmem:s4+$0x10]  }
0x105: {  	v8 =	vld.idx.msk [tilespmem:v0+s25+$0x0], $0xffff  }
0x106: {  	v0 =	vld.idx.msk [tilespmem:v0+s26+$0x0], $0xffff  }
0x107: {  	v9 =	vld.idx.msk [tilespmem:v2+s25+$0x0], $0xffff  }
0x108: {  	v2 =	vld.idx.msk [tilespmem:v2+s26+$0x0], $0xffff  }
0x109: {  	v10 =	vld.idx.msk [tilespmem:v3+s25+$0x0], $0xffff  }
0x10a: {  	v3 =	vld.idx.msk [tilespmem:v3+s26+$0x0], $0xffff  }
0x10b: {  	v11 =	vld.idx.msk [tilespmem:v1+s25+$0x0], $0xffff  }
0x10c: {  	v61 =	vld.idx.msk [tilespmem:v7+s25+$0x0], $0xffff  }
0x10d: {  	v7 =	vld.idx.msk [tilespmem:v7+s26+$0x0], $0xffff  }
0x10e: {  	v62 =	vld.idx.msk [tilespmem:v1+s26+$0x0], $0xffff  }
0x10f: {  	v63 =	vld.idx.msk [tilespmem:v4+s25+$0x0], $0xffff  }
0x110: {  	v1 =	vsub.f32 v8, v9;
	v8 =	vld.idx.msk [tilespmem:v4+s26+$0x0], $0xffff  }
0x111: {  	v2 =	vsub.f32 v0, v2;
	v0 =	vld.idx.msk [tilespmem:v5+s25+$0x0], $0xffff  }
0x112: {  	p0 =	por $0x1, $0x1;
	v10 =	vsub.f32 v61, v10;
	v4 =	vld.idx.msk [tilespmem:v6+s25+$0x0], $0xffff  }
.Ltmp3:
0x113: {  	v3 =	vsub.f32 v7, v3;
	v9 =	vmul.f32 v1, v1;
	v2 =	vmul.f32 v2, v2;
	v1 =	vld.idx.msk [tilespmem:v5+s26+$0x0], $0xffff;
	(pc) =	sbr.rel @!p0 .LBB2_5-.Ltmp3, $4  }
0x114: {  	v11 =	vsub.f32 v11, v63;
	v5 =	vld.idx.msk [tilespmem:v6+s26+$0x0], $0xffff  }
0x115: {  	s0 =	simm.s32 $0x0;
	v6 =	vmul.f32 v10, v10;
	v10 =	vmul.f32 v3, v3;
	v7 =	vadd.f32 v2, v9;
	v2 =	vld [tilespmem:s4+$0xFFFFFFE0]  }
0x116: {  	s6 =	simm.s32 $0xB1E0;
	s2 =	simm.s32 $0x4020;
	s1 =	simm.s32 $0x6020;
	v3 =	vld [tilespmem:s4+$0xFFFFFFF0];
	v9 =	vsub.f32 v62, v8  }
0x117: {  	s5 =	simm.s32 $0x0;
	s16 =	simm.s32 $0x10790;
	s31 =	simm.s32 $0x11790;
	v8 =	vmul.f32 v11, v11;
	[tilespmem:v60+s28+$0x0] =	vst.idx.msk $0xffff, v7;
	v7 =	vadd.f32 v10, v6;
	v6 =	vld [tilespmem:s4+$0x0]  }
.LBB2_4:
0x118: {  	v10 =	vld [tilespmem:s6+$0x10];
	v9 =	vmul.f32 v9, v9  }
0x119: {  	v0 =	vsub.f32 v0, v4;
	s3 =	sadd.s32 $0x40, s3;
	v11 =	vld [tilespmem:s6+$0xFFFFFFF0]  }
0x11a: {  	v1 =	vsub.f32 v1, v5;
	v4 =	vld [tilespmem:s3+$0x10];
	v8 =	vadd.f32 v9, v8  }
0x11b: {  	s5 =	sadd.s32 $0x4, s5;
	v0 =	vmul.f32 v0, v0;
	v5 =	vld [tilespmem:s3+$0xFFFFFFE0]  }
0x11c: {  	p0 =	slt.u32 s5, $0x19C;
	v1 =	vmul.f32 v1, v1;
	v9 =	vld [tilespmem:s3+$0xFFFFFFF0]  }
0x11d: {  	v12 =	vld [tilespmem:s6+$0x0];
	[tilespmem:v2+s28+$0x0] =	vst.idx.msk $0xffff, v7  }
0x11e: {  	v0 =	vadd.f32 v1, v0;
	v2 =	vld [tilespmem:s3+$0x0];
	[tilespmem:v3+s28+$0x0] =	vst.idx.msk $0xffff, v8  }
0x11f: {  	v1 =	vld [tilespmem:s6+$0xFFFFFFE0]  }
0x120: {  	v3 =	vld.idx.msk [tilespmem:v10+s25+$0x0], $0xffff;
	[tilespmem:v6+s28+$0x0] =	vst.idx.msk $0xffff, v0  }
0x121: {  	v0 =	vld.idx.msk [tilespmem:v10+s26+$0x0], $0xffff  }
0x122: {  	v6 =	vld.idx.msk [tilespmem:v4+s25+$0x0], $0xffff  }
0x123: {  	v4 =	vld.idx.msk [tilespmem:v4+s26+$0x0], $0xffff  }
0x124: {  	v7 =	vld.idx.msk [tilespmem:v5+s25+$0x0], $0xffff  }
0x125: {  	v5 =	vld.idx.msk [tilespmem:v5+s26+$0x0], $0xffff  }
0x126: {  	s4 =	sadd.s32 $0x40, s4;
	v8 =	vld.idx.msk [tilespmem:v11+s25+$0x0], $0xffff  }
0x127: {  	v10 =	vld [tilespmem:s4+$0x10]  }
0x128: {  	v13 =	vld.idx.msk [tilespmem:v1+s25+$0x0], $0xffff  }
0x129: {  	v0 =	vsub.f32 v0, v4;
	v14 =	vld.idx.msk [tilespmem:v1+s26+$0x0], $0xffff;
	v1 =	vsub.f32 v3, v6  }
0x12a: {  	v6 =	vld.idx.msk [tilespmem:v11+s26+$0x0], $0xffff  }
0x12b: {  	v4 =	vmul.f32 v0, v0;
	v3 =	vld.idx.msk [tilespmem:v9+s25+$0x0], $0xffff;
	v1 =	vmul.f32 v1, v1  }
0x12c: {  	v9 =	vld.idx.msk [tilespmem:v9+s26+$0x0], $0xffff  }
0x12d: {  	v0 =	vld.idx.msk [tilespmem:v12+s25+$0x0], $0xffff;
	v11 =	vadd.f32 v4, v1  }
0x12e: {  	v7 =	vsub.f32 v13, v7;
	v1 =	vld.idx.msk [tilespmem:v12+s26+$0x0], $0xffff  }
.Ltmp4:
0x12f: {  	v12 =	vsub.f32 v14, v5;
	v4 =	vld.idx.msk [tilespmem:v2+s25+$0x0], $0xffff;
	[tilespmem:v10+s28+$0x0] =	vst.idx.msk $0xffff, v11;
	(pc) =	sbr.rel @p0 .LBB2_4-.Ltmp4, $4  }
0x130: {  	v7 =	vmul.f32 v7, v7;
	v5 =	vld.idx.msk [tilespmem:v2+s26+$0x0], $0xffff  }
0x131: {  	v10 =	vmul.f32 v12, v12;
	v8 =	vsub.f32 v8, v3;
	v2 =	vld [tilespmem:s4+$0xFFFFFFE0]  }
0x132: {  	v9 =	vsub.f32 v6, v9;
	v3 =	vld [tilespmem:s4+$0xFFFFFFF0]  }
0x133: {  	s6 =	sadd.s32 $0x40, s6;
	v7 =	vadd.f32 v10, v7;
	v8 =	vmul.f32 v8, v8;
	v6 =	vld [tilespmem:s4+$0x0]  }
.LBB2_5:
0x134: {  	_ =	sdelay $0x1  }
0x135: {  	v0 =	vsub.f32 v0, v4;
	v1 =	vsub.f32 v1, v5  }
0x136: {  	v63 =	vmul.f32 v9, v9  }
.Ltmp5:
0x137: {  	v0 =	vmul.f32 v0, v0;
	v1 =	vmul.f32 v1, v1;
	(pc) =	sbr.rel .LBB2_6-.Ltmp5, $4  }
0x138: {  	v4 =	vadd.f32 v63, v8  }
0x139: {  	[tilespmem:v2+s28+$0x0] =	vst.idx.msk $0xffff, v7;
	v0 =	vadd.f32 v1, v0  }
0x13a: {  	[tilespmem:v3+s28+$0x0] =	vst.idx.msk $0xffff, v4  }
0x13b: {  	[tilespmem:v6+s28+$0x0] =	vst.idx.msk $0xffff, v0  }
.LBB2_8:
0x13c: {  	s0 =	sadd.s32 $0x40, s0  }
0x13d: {  	p0 =	sne.s32 s0, $0x2000  }
.Ltmp6:
0x13e: {  	_ = 	snop;
	(pc) =	sbr.rel @!p0 .LBB2_9-.Ltmp6, $3  }
0x13f: {  	_ =	sdelay $0x1  }
0x140: {  	s2 =	sadd.s32 $0x40, s2  }
0x141: {  	s16 =	sadd.s32 $0x20, s16;
	s31 =	sadd.s32 $0x20, s31;
	s1 =	sadd.s32 $0x40, s1  }
.LBB2_6:
0x142: {  	v0 =	vld [tilespmem:s2+$0xFFFFFFE0]  }
0x143: {  	v3 =	vld [tilespmem:s1+$0xFFFFFFE0]  }
0x144: {  	v20 =	vld [tilespmem:s16+$0xFFFFFFF0];
	_ =	sdelay $0x3  }
0x145: {  	v2 =	vbroadcast v3, $0x0;
	v19 =	vbroadcast v0, $0x1  }
0x146: {  	v1 =	vadd.s32 s0, v20;
	v21 =	vbroadcast v3, $0x1;
	v7 =	vbroadcast v0, $0x2  }
0x147: {  	v6 =	vbroadcast v3, $0x2;
	vm3 =	veq.s32 v20, $0x0;
	v8 =	vbroadcast v0, $0x3  }
0x148: {  	v43 =	vbroadcast v0, $0x4;
	v9 =	vbroadcast v3, $0x4;
	vm0 =	veq.s32 v20, $0x1  }
0x149: {  	v10 =	vbroadcast v0, $0x5;
	vm1 =	veq.s32 v20, $0x2;
	v11 =	vbroadcast v3, $0x5  }
0x14a: {  	vm2 =	veq.s32 v20, $0x3;
	v48 =	vbroadcast v0, $0x6;
	v49 =	vbroadcast v3, $0x6  }
0x14b: {  	vm4 =	veq.s32 v20, $0x4;
	v12 =	vbroadcast v0, $0x7;
	v13 =	vbroadcast v3, $0x7  }
0x14c: {  	vm13 =	veq.s32 v20, $0x5;
	v55 =	vbroadcast v0, $0x8;
	v14 =	vbroadcast v3, $0x8;
	v38 =	vld.idx.msk [tilespmem:v1+s25+$0x0], $0xffff  }
0x14d: {  	vm14 =	veq.s32 v20, $0x6;
	v15 =	vbroadcast v0, $0x9;
	v16 =	vbroadcast v3, $0x9;
	v39 =	vld.idx.msk [tilespmem:v1+s26+$0x0], $0xffff  }
0x14e: {  	vm15 =	veq.s32 v20, $0x7;
	v62 =	vbroadcast v0, $0xA;
	v63 =	vbroadcast v3, $0xA  }
0x14f: {  	vm8 =	veq.s32 v20, $0x8;
	v33 =	vbroadcast v0, $0xB;
	v1 =	vbroadcast v0, $0x0  }
0x150: {  	vm9 =	veq.s32 v20, $0x9;
	v34 =	vbroadcast v3, $0xB;
	v35 =	vbroadcast v0, $0xC  }
0x151: {  	v36 =	vbroadcast v3, $0xC;
	vm10 =	veq.s32 v20, $0xA;
	[tilespmem:$0x1FB10] =	vst v1;
	v1 =	vsub.f32 v38, v1  }
0x152: {  	v41 =	vbroadcast v0, $0xD;
	[tilespmem:$0x1FB20] =	vst v2;
	v2 =	vsub.f32 v39, v2;
	v4 =	vsub.f32 v38, v19  }
0x153: {  	vm11 =	veq.s32 v20, $0xB;
	[tilespmem:$0x1FB80] =	vst v9;
	v5 =	vsub.f32 v39, v21;
	v9 =	vsub.f32 v39, v9  }
0x154: {  	v45 =	vsub.f32 v38, v10;
	v1 =	vmul.f32 v1, v1;
	v2 =	vmul.f32 v2, v2  }
0x155: {  	[tilespmem:$0x1FB90] =	vst v10;
	v10 =	vsub.f32 v38, v48;
	v4 =	vmul.f32 v4, v4;
	v5 =	vmul.f32 v5, v5  }
0x156: {  	vm12 =	veq.s32 v20, $0xC;
	v52 =	vsub.f32 v39, v13;
	v1 =	vadd.f32 v2, v1  }
0x157: {  	[tilespmem:$0x1FB30] =	vst v7;
	v2 =	vadd.f32 v5, v4;
	v4 =	vsub.f32 v38, v7;
	v7 =	vbroadcast v3, $0x3  }
0x158: {  	vm5 =	veq.s32 v20, $0x11;
	[tilespmem:$0x1FB40] =	vst v6;
	v57 =	vsub.f32 v38, v55;
	v5 =	vsub.f32 v39, v6  }
0x159: {  	vm6 =	veq.s32 v20, $0x12;
	v6 =	vsub.f32 v38, v8;
	[tilespmem:$0x1FB60] =	vst v7;
	v7 =	vsub.f32 v39, v7  }
0x15a: {  	[tilespmem:$0x1FB50] =	vst v8;
	v8 =	vsub.f32 v38, v43;
	v4 =	vmul.f32 v4, v4;
	v5 =	vmul.f32 v5, v5  }
0x15b: {  	v58 =	vsub.f32 v39, v14;
	v6 =	vmul.f32 v6, v6;
	v7 =	vmul.f32 v7, v7  }
0x15c: {  	v44 =	vmul.f32 v9, v9;
	v4 =	vadd.f32 v5, v4;
	v5 =	vmul.f32 v8, v8  }
0x15d: {  	vm7 =	veq.s32 v20, $0x13;
	[tilespmem:$0x1FC10] =	vst v15;
	v15 =	vsub.f32 v38, v15;
	v6 =	vadd.f32 v7, v6  }
0x15e: {  	v46 =	vmul.f32 v45, v45;
	v5 =	vadd.f32 v44, v5;
	v7 =	vsub.f32 v39, v11  }
0x15f: {  	[tilespmem:$0x1FC20] =	vst v16;
	v16 =	vsub.f32 v39, v16;
	v50 =	vmul.f32 v10, v10;
	v54 =	vmul.f32 v52, v52  }
0x160: {  	v10 =	vmul.f32 v57, v57;
	v47 =	vmin.f32 v1, v5;
	v7 =	vmul.f32 v7, v7  }
0x161: {  	[tilespmem:$0x1FBE0] =	vst v13;
	v13 =	vmul.f32 v58, v58;
	v60 =	vmul.f32 v15, v15;
	v1 =	vsel vm4, v1, v47  }
0x162: {  	v1 =	vsel vm3, v5, v1;
	v5 =	vadd.f32 v7, v46;
	v7 =	vsub.f32 v38, v12  }
0x163: {  	v61 =	vmul.f32 v16, v16;
	v9 =	vsub.f32 v38, v33;
	v15 =	vsub.f32 v39, v36  }
0x164: {  	[tilespmem:$0x1FBA0] =	vst v11;
	v16 =	vbroadcast v3, $0xD;
	v11 =	vsub.f32 v39, v49;
	v7 =	vmul.f32 v7, v7  }
0x165: {  	v42 =	vsub.f32 v38, v41;
	v45 =	vbroadcast v3, $0xE;
	v9 =	vmul.f32 v9, v9  }
0x166: {  	[tilespmem:$0x1FB70] =	vst v43;
	v40 =	vmul.f32 v15, v15;
	v51 =	vmul.f32 v11, v11;
	v7 =	vadd.f32 v54, v7  }
0x167: {  	[tilespmem:$0x1FCA0] =	vst v16;
	v43 =	vsub.f32 v39, v16;
	v16 =	vbroadcast v3, $0xF;
	v53 =	vmin.f32 v2, v5  }
0x168: {  	v8 =	vadd.f32 v51, v50;
	v2 =	vsel vm13, v2, v53;
	v59 =	vmin.f32 v6, v7  }
0x169: {  	v2 =	vsel vm0, v5, v2;
	v5 =	vsel vm15, v6, v59;
	v6 =	vadd.f32 v13, v10  }
0x16a: {  	v44 =	vbroadcast v0, $0xE;
	vm4 =	veq.s32 v20, $0x10;
	v46 =	vsub.f32 v39, v45  }
0x16b: {  	v56 =	vmin.f32 v4, v8;
	v6 =	vmin.f32 v1, v6;
	v1 =	vadd.f32 v61, v60  }
0x16c: {  	v50 =	vsub.f32 v39, v16;
	v3 =	vmul.f32 v46, v46;
	v4 =	vsel vm14, v4, v56  }
0x16d: {  	v32 =	vmin.f32 v2, v1;
	v1 =	vsub.f32 v38, v62;
	v2 =	vsub.f32 v39, v63  }
0x16e: {  	vm13 =	veq.s32 v20, $0xD;
	vm14 =	veq.s32 v20, $0xE;
	v13 =	vsub.f32 v38, v35  }
0x16f: {  	v10 =	vsub.f32 v39, v34;
	v1 =	vmul.f32 v1, v1;
	v2 =	vmul.f32 v2, v2  }
0x170: {  	v4 =	vsel vm1, v8, v4;
	vm15 =	veq.s32 v20, $0xF;
	v37 =	vmul.f32 v13, v13  }
0x171: {  	v13 =	vsub.f32 v38, v44;
	v1 =	vadd.f32 v2, v1;
	v2 =	vmul.f32 v10, v10  }
0x172: {  	v5 =	vsel vm2, v7, v5;
	v7 =	vsel vm8, v47, v6;
	v47 =	vbroadcast v0, $0xF  }
0x173: {  	v13 =	vmul.f32 v13, v13;
	v4 =	vmin.f32 v4, v1;
	v1 =	vadd.f32 v2, v9  }
0x174: {  	[tilespmem:$0x1FBD0] =	vst v12;
	vm8 =	veq.s32 v20, $0x14;
	v12 =	vsel vm9, v53, v32;
	v2 =	vadd.f32 v40, v37  }
0x175: {  	[tilespmem:$0x1FBC0] =	vst v49;
	v49 =	vsub.f32 v38, v47;
	v3 =	vadd.f32 v3, v13;
	v5 =	vmin.f32 v5, v1;
	v1 =	vld [tilespmem:s2+$0xFFFFFFF0]  }
0x176: {  	v10 =	vmul.f32 v43, v43;
	v9 =	vmul.f32 v42, v42;
	v7 =	vmin.f32 v7, v2;
	v2 =	vld [tilespmem:s1+$0xFFFFFFF0]  }
0x177: {  	[tilespmem:$0x1FBB0] =	vst v48;
	vm9 =	veq.s32 v20, $0x15;
	v11 =	vsel vm10, v56, v4;
	vm10 =	veq.s32 v20, $0x16  }
0x178: {  	[tilespmem:$0x1FBF0] =	vst v55;
	v9 =	vadd.f32 v10, v9;
	v10 =	vmul.f32 v50, v50;
	v3 =	vmin.f32 v11, v3  }
0x179: {  	[tilespmem:$0x1FC00] =	vst v14;
	v14 =	vsel vm11, v59, v5;
	v6 =	vsel vm12, v6, v7;
	v4 =	vsel vm14, v4, v3  }
0x17a: {  	[tilespmem:$0x1FC30] =	vst v62;
	vm11 =	veq.s32 v20, $0x17;
	v0 =	vmin.f32 v12, v9;
	v9 =	vmul.f32 v49, v49  }
0x17b: {  	[tilespmem:$0x1FC40] =	vst v63;
	vm12 =	veq.s32 v20, $0x18;
	v48 =	vbroadcast v1, $0x0;
	v51 =	vbroadcast v2, $0x0  }
0x17c: {  	[tilespmem:$0x1FC50] =	vst v33;
	vm14 =	veq.s32 v20, $0x1A;
	v55 =	vbroadcast v1, $0x1;
	v56 =	vbroadcast v2, $0x1  }
0x17d: {  	[tilespmem:$0x1FC60] =	vst v34;
	v8 =	vsel vm13, v32, v0;
	v59 =	vbroadcast v1, $0x2;
	v60 =	vbroadcast v2, $0x2  }
0x17e: {  	[tilespmem:$0x1FCE0] =	vst v16;
	vm13 =	veq.s32 v20, $0x19;
	v33 =	vbroadcast v1, $0x3;
	v16 =	vbroadcast v2, $0x3  }
0x17f: {  	[tilespmem:$0x1FC90] =	vst v41;
	v9 =	vadd.f32 v10, v9;
	v37 =	vbroadcast v1, $0x4;
	v41 =	vbroadcast v2, $0x4  }
0x180: {  	[tilespmem:$0x1FC70] =	vst v35;
	v46 =	vbroadcast v1, $0x5;
	v12 =	vsub.f32 v38, v48;
	v52 =	vsub.f32 v39, v51  }
0x181: {  	[tilespmem:$0x1FCC0] =	vst v45;
	v17 =	vbroadcast v1, $0x6;
	v57 =	vsub.f32 v38, v55;
	v58 =	vsub.f32 v39, v56  }
0x182: {  	v9 =	vmin.f32 v14, v9;
	[tilespmem:$0x1FD20] =	vst v56;
	v63 =	vsub.f32 v38, v59;
	v32 =	vsub.f32 v39, v60  }
0x183: {  	v5 =	vsel vm15, v5, v9;
	[tilespmem:$0x1FD60] =	vst v16;
	v42 =	vsub.f32 v39, v16;
	v16 =	vbroadcast v2, $0x5  }
0x184: {  	[tilespmem:$0x1FD80] =	vst v41;
	v45 =	vsub.f32 v39, v41;
	v56 =	vbroadcast v1, $0x7;
	v41 =	vbroadcast v1, $0xA  }
0x185: {  	[tilespmem:$0x1FC80] =	vst v36;
	v36 =	vsub.f32 v38, v33;
	v53 =	vmul.f32 v12, v12;
	v54 =	vmul.f32 v52, v52  }
0x186: {  	[tilespmem:$0x1FCB0] =	vst v44;
	v44 =	vsub.f32 v38, v37;
	v61 =	vmul.f32 v57, v57;
	v62 =	vmul.f32 v58, v58  }
0x187: {  	[tilespmem:$0x1FCD0] =	vst v47;
	v50 =	vsub.f32 v38, v46;
	v34 =	vmul.f32 v63, v63;
	v35 =	vmul.f32 v32, v32  }
0x188: {  	[tilespmem:$0x1FCF0] =	vst v48;
	vm15 =	veq.s32 v20, $0x1B;
	v43 =	vmul.f32 v36, v36;
	v47 =	vmul.f32 v42, v42  }
0x189: {  	[tilespmem:$0x1FD00] =	vst v51;
	v48 =	vmul.f32 v44, v44;
	v49 =	vmul.f32 v45, v45;
	v51 =	vsub.f32 v39, v16  }
0x18a: {  	[tilespmem:$0x1FDA0] =	vst v16;
	v16 =	vbroadcast v2, $0x6;
	v52 =	vmul.f32 v50, v50;
	v58 =	vsub.f32 v38, v56  }
0x18b: {  	[tilespmem:$0x1FD10] =	vst v55;
	v63 =	vbroadcast v2, $0x8;
	v45 =	vsub.f32 v38, v41;
	v10 =	vadd.f32 v54, v53  }
0x18c: {  	[tilespmem:$0x1FD40] =	vst v60;
	v42 =	vbroadcast v2, $0xA;
	v40 =	vadd.f32 v35, v34;
	v11 =	vadd.f32 v49, v48  }
0x18d: {  	v53 =	vmul.f32 v51, v51;
	[tilespmem:$0x1FDC0] =	vst v16;
	v55 =	vsub.f32 v39, v16;
	v16 =	vbroadcast v2, $0x7  }
0x18e: {  	[tilespmem:$0x1FD50] =	vst v33;
	v54 =	vsub.f32 v38, v17;
	v60 =	vmul.f32 v58, v58;
	v34 =	vbroadcast v1, $0x9  }
0x18f: {  	[tilespmem:$0x1FD90] =	vst v46;
	v33 =	vsub.f32 v39, v63;
	v35 =	vbroadcast v2, $0x9;
	v48 =	vmul.f32 v45, v45  }
0x190: {  	[tilespmem:$0x1FDB0] =	vst v17;
	v46 =	vsub.f32 v39, v42;
	v17 =	vbroadcast v2, $0xC;
	v58 =	vbroadcast v1, $0xE  }
0x191: {  	v6 =	vmin.f32 v6, v10;
	v10 =	vadd.f32 v62, v61;
	v4 =	vmin.f32 v4, v40  }
0x192: {  	[tilespmem:$0x1FD30] =	vst v59;
	v12 =	vadd.f32 v53, v52;
	v57 =	vmul.f32 v55, v55;
	v59 =	vsub.f32 v39, v16  }
0x193: {  	[tilespmem:$0x1FD70] =	vst v37;
	v62 =	vbroadcast v1, $0x8;
	v36 =	vmul.f32 v33, v33;
	v37 =	vsub.f32 v38, v34  }
0x194: {  	[tilespmem:$0x1FDE0] =	vst v16;
	v40 =	vsub.f32 v39, v35;
	v16 =	vbroadcast v2, $0xB;
	v49 =	vmul.f32 v46, v46  }
0x195: {  	v52 =	vsub.f32 v39, v17;
	v55 =	vbroadcast v2, $0xD;
	v7 =	vsel vm4, v7, v6  }
0x196: {  	v3 =	vsel vm6, v3, v4;
	vm4 =	veq.s32 v20, $0x1C;
	vm6 =	veq.s32 v20, $0x1E  }
0x197: {  	v8 =	vmin.f32 v8, v10;
	v10 =	vadd.f32 v47, v43;
	v61 =	vmul.f32 v59, v59  }
0x198: {  	v7 =	vmin.f32 v7, v11;
	v43 =	vmul.f32 v37, v37;
	v44 =	vmul.f32 v40, v40  }
0x199: {  	v47 =	vbroadcast v1, $0xB;
	[tilespmem:$0x1FE60] =	vst v16;
	v51 =	vsub.f32 v39, v16;
	v16 =	vbroadcast v1, $0xC  }
0x19a: {  	[tilespmem:$0x1FDF0] =	vst v62;
	v32 =	vsub.f32 v38, v62;
	v59 =	vbroadcast v2, $0xE;
	v62 =	vbroadcast v2, $0xF  }
0x19b: {  	v0 =	vsel vm5, v0, v8;
	v6 =	vsel vm8, v6, v7;
	vm5 =	veq.s32 v20, $0x1D  }
0x19c: {  	vm8 =	veq.s32 v20, $0x20;
	v5 =	vmin.f32 v5, v10;
	v10 =	vmul.f32 v54, v54  }
0x19d: {  	v11 =	vmin.f32 v0, v12;
	v50 =	vsub.f32 v38, v47;
	v14 =	vmul.f32 v51, v51  }
0x19e: {  	v54 =	vbroadcast v1, $0xD;
	v33 =	vsub.f32 v39, v62;
	v9 =	vsel vm7, v9, v5  }
0x19f: {  	v8 =	vsel vm9, v8, v11;
	vm7 =	veq.s32 v20, $0x1F;
	vm9 =	veq.s32 v20, $0x21  }
0x1a0: {  	[tilespmem:$0x1FDD0] =	vst v56;
	v0 =	vadd.f32 v57, v10;
	v13 =	vmul.f32 v50, v50;
	v10 =	vadd.f32 v49, v48  }
0x1a1: {  	[tilespmem:$0x1FE10] =	vst v34;
	v56 =	vsub.f32 v38, v54;
	v57 =	vsub.f32 v39, v55;
	v34 =	vmul.f32 v33, v33  }
0x1a2: {  	v3 =	vmin.f32 v3, v0;
	v0 =	vadd.f32 v61, v60;
	v61 =	vbroadcast v1, $0xF;
	v1 =	vld [tilespmem:s1+$0x0]  }
0x1a3: {  	v53 =	vadd.f32 v14, v13;
	v60 =	vsub.f32 v39, v59;
	v4 =	vsel vm10, v4, v3  }
0x1a4: {  	vm10 =	veq.s32 v20, $0x22;
	v9 =	vmin.f32 v9, v0;
	v0 =	vmul.f32 v32, v32  }
0x1a5: {  	v4 =	vmin.f32 v4, v10;
	v10 =	vmul.f32 v57, v57;
	v32 =	vsub.f32 v38, v61  }
0x1a6: {  	v5 =	vsel vm11, v5, v9;
	v3 =	vsel vm14, v3, v4;
	vm11 =	veq.s32 v20, $0x23  }
0x1a7: {  	[tilespmem:$0x1FE40] =	vst v42;
	v0 =	vadd.f32 v36, v0;
	v36 =	vbroadcast v1, $0x0;
	v42 =	vbroadcast v1, $0x1  }
0x1a8: {  	[tilespmem:$0x1FE50] =	vst v47;
	vm14 =	veq.s32 v20, $0x26;
	v47 =	vbroadcast v1, $0x2;
	v51 =	vbroadcast v1, $0x3  }
0x1a9: {  	v57 =	vbroadcast v1, $0x4;
	v6 =	vmin.f32 v6, v0;
	v0 =	vadd.f32 v44, v43  }
0x1aa: {  	[tilespmem:$0x1FED0] =	vst v61;
	v5 =	vmin.f32 v5, v53;
	v61 =	vbroadcast v1, $0x6;
	v28 =	vbroadcast v1, $0x9  }
0x1ab: {  	v31 =	vbroadcast v1, $0xA;
	v15 =	vmin.f32 v8, v0;
	v0 =	vsub.f32 v38, v16  }
0x1ac: {  	v7 =	vsel vm12, v7, v6;
	v40 =	vsub.f32 v39, v36;
	v45 =	vsub.f32 v39, v42  }
0x1ad: {  	[tilespmem:$0x1FE80] =	vst v17;
	v17 =	vsub.f32 v39, v47;
	v8 =	vmul.f32 v52, v52;
	v0 =	vmul.f32 v0, v0  }
0x1ae: {  	[tilespmem:$0x1FEE0] =	vst v62;
	v62 =	vsub.f32 v39, v61;
	vm12 =	veq.s32 v20, $0x24;
	v30 =	vsub.f32 v39, v31  }
0x1af: {  	v53 =	vmul.f32 v17, v17;
	v17 =	vsub.f32 v39, v51;
	v0 =	vadd.f32 v8, v0  }
0x1b0: {  	[tilespmem:$0x1FE00] =	vst v63;
	v63 =	vsel vm13, v11, v15;
	v43 =	vmul.f32 v40, v40;
	v8 =	vmul.f32 v56, v56  }
0x1b1: {  	[tilespmem:$0x1FE70] =	vst v16;
	v56 =	vmul.f32 v17, v17;
	v17 =	vsub.f32 v39, v57;
	v16 =	vmin.f32 v7, v0;
	v0 =	vld [tilespmem:s2+$0x0]  }
0x1b2: {  	v30 =	vmul.f32 v30, v30;
	vm13 =	veq.s32 v20, $0x25;
	v7 =	vsub.f32 v38, v58  }
0x1b3: {  	v8 =	vadd.f32 v10, v8;
	v10 =	vmul.f32 v45, v45;
	v17 =	vmul.f32 v17, v17  }
0x1b4: {  	v6 =	vsel vm4, v6, v16;
	v2 =	vmul.f32 v7, v7;
	v7 =	vmul.f32 v60, v60  }
0x1b5: {  	[tilespmem:$0x1FE30] =	vst v41;
	vm4 =	veq.s32 v20, $0x28;
	v18 =	vmin.f32 v63, v8;
	v60 =	vbroadcast v1, $0x5  }
0x1b6: {  	[tilespmem:$0x1FE20] =	vst v35;
	v2 =	vadd.f32 v7, v2;
	v7 =	vmul.f32 v32, v32;
	v35 =	vbroadcast v0, $0x0  }
0x1b7: {  	[tilespmem:$0x1FEA0] =	vst v55;
	v63 =	vbroadcast v1, $0x7;
	v55 =	vsel vm5, v15, v18;
	v41 =	vbroadcast v0, $0x1  }
0x1b8: {  	v2 =	vmin.f32 v3, v2;
	v3 =	vadd.f32 v34, v7;
	v37 =	vsub.f32 v38, v35  }
0x1b9: {  	vm5 =	veq.s32 v20, $0x29;
	v50 =	vbroadcast v0, $0x3;
	v7 =	vsel vm15, v9, v5  }
0x1ba: {  	v44 =	vsub.f32 v38, v41;
	v3 =	vmin.f32 v7, v3;
	v7 =	vmul.f32 v37, v37  }
0x1bb: {  	[tilespmem:$0x1FEC0] =	vst v59;
	v24 =	vsub.f32 v39, v60;
	v46 =	vbroadcast v0, $0x2;
	v59 =	vbroadcast v0, $0x5  }
0x1bc: {  	[tilespmem:$0x1FE90] =	vst v54;
	v54 =	vsub.f32 v38, v50;
	v48 =	vmul.f32 v44, v44;
	v7 =	vadd.f32 v43, v7  }
0x1bd: {  	vm15 =	veq.s32 v20, $0x27;
	v49 =	vsub.f32 v38, v46;
	v4 =	vsel vm6, v4, v2  }
0x1be: {  	v14 =	vmul.f32 v54, v54;
	v6 =	vmin.f32 v6, v7;
	v7 =	vadd.f32 v10, v48  }
0x1bf: {  	v23 =	vsub.f32 v38, v59;
	vm6 =	veq.s32 v20, $0x2A;
	v52 =	vmul.f32 v49, v49  }
0x1c0: {  	v14 =	vadd.f32 v56, v14;
	v29 =	vmin.f32 v55, v7;
	v7 =	vbroadcast v0, $0x4  }
0x1c1: {  	v5 =	vsel vm7, v5, v3;
	v23 =	vmul.f32 v23, v23;
	vm7 =	veq.s32 v20, $0x2B  }
0x1c2: {  	[tilespmem:$0x1FEB0] =	vst v58;
	v10 =	vadd.f32 v53, v52;
	v5 =	vmin.f32 v5, v14;
	v58 =	vsub.f32 v38, v7  }
0x1c3: {  	v3 =	vsel vm11, v3, v5;
	vm11 =	veq.s32 v20, $0x2F;
	[tilespmem:$0x1FF70] =	vst v7;
	v7 =	vbroadcast v0, $0x6  }
0x1c4: {  	v4 =	vmin.f32 v4, v10;
	v26 =	vsel vm9, v18, v29;
	v22 =	vmul.f32 v58, v58  }
0x1c5: {  	v18 =	vbroadcast v1, $0x8;
	v2 =	vsel vm10, v2, v4;
	v25 =	vsub.f32 v38, v7  }
0x1c6: {  	vm9 =	veq.s32 v20, $0x2D;
	v17 =	vadd.f32 v17, v22;
	v22 =	vmul.f32 v24, v24  }
0x1c7: {  	vm10 =	veq.s32 v20, $0x2E;
	v24 =	vmul.f32 v25, v25;
	v25 =	vmul.f32 v62, v62  }
0x1c8: {  	[tilespmem:$0x1FFB0] =	vst v7;
	v7 =	vbroadcast v0, $0x7;
	v22 =	vadd.f32 v22, v23;
	v23 =	vsel vm8, v16, v6  }
0x1c9: {  	vm8 =	veq.s32 v20, $0x2C;
	v33 =	vmin.f32 v23, v17;
	v23 =	vadd.f32 v25, v24  }
0x1ca: {  	[tilespmem:$0x1FFD0] =	vst v7;
	v24 =	vsub.f32 v38, v7;
	v25 =	vsub.f32 v39, v63;
	v7 =	vbroadcast v0, $0x8  }
0x1cb: {  	v34 =	vmin.f32 v26, v22;
	v22 =	vsub.f32 v39, v18;
	v26 =	vbroadcast v0, $0x9  }
0x1cc: {  	v24 =	vmul.f32 v24, v24;
	v25 =	vmul.f32 v25, v25;
	v27 =	vsub.f32 v38, v7  }
0x1cd: {  	v6 =	vsel vm12, v6, v33;
	vm12 =	veq.s32 v20, $0x30;
	v2 =	vmin.f32 v2, v23  }
0x1ce: {  	v22 =	vmul.f32 v22, v22;
	v23 =	vadd.f32 v25, v24;
	v24 =	vmul.f32 v27, v27  }
0x1cf: {  	v29 =	vsel vm13, v29, v34;
	vm13 =	veq.s32 v20, $0x31;
	v27 =	vbroadcast v0, $0xA  }
0x1d0: {  	[tilespmem:$0x1FF20] =	vst v42;
	v42 =	vmin.f32 v3, v23;
	v3 =	vadd.f32 v22, v24;
	v22 =	vsub.f32 v38, v26  }
0x1d1: {  	v4 =	vsel vm14, v4, v2;
	v23 =	vsub.f32 v39, v28;
	v24 =	vsub.f32 v38, v27  }
0x1d2: {  	vm14 =	veq.s32 v20, $0x32;
	v5 =	vsel vm15, v5, v42;
	v25 =	vmul.f32 v22, v22  }
0x1d3: {  	v43 =	vmin.f32 v6, v3;
	v3 =	vmul.f32 v23, v23;
	v6 =	vmul.f32 v24, v24  }
0x1d4: {  	vm15 =	veq.s32 v20, $0x33;
	v22 =	vbroadcast v0, $0xB;
	v23 =	vbroadcast v1, $0xB  }
0x1d5: {  	v24 =	vbroadcast v0, $0xC;
	v33 =	vsel vm4, v33, v43;
	v3 =	vadd.f32 v3, v25  }
0x1d6: {  	[tilespmem:$0x1FEF0] =	vst v35;
	v25 =	vbroadcast v1, $0xC;
	v32 =	vsub.f32 v38, v22;
	v35 =	vsub.f32 v39, v23  }
0x1d7: {  	[tilespmem:$0x1FF00] =	vst v36;
	vm4 =	veq.s32 v20, $0x34;
	v36 =	vsub.f32 v38, v24;
	v13 =	vadd.f32 v30, v6  }
0x1d8: {  	v30 =	vbroadcast v0, $0xE;
	v37 =	vsub.f32 v39, v25;
	v32 =	vmul.f32 v32, v32  }
0x1d9: {  	[tilespmem:$0x1FF30] =	vst v46;
	v35 =	vmul.f32 v35, v35;
	v46 =	vmin.f32 v29, v3;
	v3 =	vmul.f32 v36, v36  }
0x1da: {  	v29 =	vbroadcast v0, $0xD;
	v45 =	vsub.f32 v38, v30;
	v4 =	vmin.f32 v4, v13  }
0x1db: {  	v2 =	vsel vm6, v2, v4;
	vm6 =	veq.s32 v20, $0x38;
	v12 =	vmul.f32 v37, v37  }
0x1dc: {  	v40 =	vadd.f32 v35, v32;
	v32 =	vbroadcast v1, $0xD;
	v35 =	vbroadcast v1, $0xE  }
0x1dd: {  	v37 =	vbroadcast v1, $0xF;
	v36 =	vadd.f32 v12, v3;
	v3 =	vsub.f32 v38, v29  }
0x1de: {  	[tilespmem:$0x1FF40] =	vst v47;
	v15 =	vmul.f32 v45, v45;
	v6 =	vsub.f32 v39, v32;
	v5 =	vmin.f32 v5, v40  }
0x1df: {  	[tilespmem:$0x1FF10] =	vst v41;
	v47 =	vsub.f32 v39, v35;
	v49 =	vsub.f32 v39, v37;
	v41 =	vmul.f32 v3, v3;
	v3 =	vld [tilespmem:s2+$0x10]  }
0x1e0: {  	v44 =	vmul.f32 v6, v6;
	v6 =	vld [tilespmem:s1+$0x10];
	v52 =	vmin.f32 v33, v36;
	v36 =	vbroadcast v0, $0xF  }
0x1e1: {  	v42 =	vsel vm7, v42, v5;
	vm7 =	veq.s32 v20, $0x36;
	v1 =	vmul.f32 v47, v47  }
0x1e2: {  	v0 =	vsel vm5, v34, v46;
	v14 =	vadd.f32 v44, v41;
	v48 =	vsub.f32 v38, v36  }
0x1e3: {  	v45 =	vmul.f32 v49, v49;
	vm5 =	veq.s32 v20, $0x35;
	v1 =	vadd.f32 v1, v15  }
0x1e4: {  	v43 =	vsel vm8, v43, v52;
	v0 =	vmin.f32 v0, v14;
	v44 =	vmul.f32 v48, v48  }
0x1e5: {  	v1 =	vmin.f32 v2, v1;
	v33 =	vbroadcast v3, $0x0;
	v34 =	vbroadcast v6, $0x0  }
0x1e6: {  	v40 =	vbroadcast v3, $0x1;
	v41 =	vbroadcast v6, $0x1;
	v46 =	vsel vm9, v46, v0  }
0x1e7: {  	[tilespmem:$0x1FF60] =	vst v51;
	v4 =	vsel vm10, v4, v1;
	v2 =	vadd.f32 v45, v44;
	v44 =	vbroadcast v3, $0x2  }
0x1e8: {  	[tilespmem:$0x1FF50] =	vst v50;
	v45 =	vbroadcast v6, $0x2;
	v50 =	vsub.f32 v38, v33;
	v51 =	vsub.f32 v39, v34  }
0x1e9: {  	v53 =	vsub.f32 v38, v40;
	v55 =	vsub.f32 v39, v41;
	v2 =	vmin.f32 v42, v2  }
0x1ea: {  	v58 =	vsub.f32 v38, v44;
	v42 =	vbroadcast v3, $0x4;
	v47 =	vmul.f32 v50, v50  }
0x1eb: {  	[tilespmem:$0x1FF90] =	vst v59;
	v59 =	vsub.f32 v39, v45;
	v48 =	vmul.f32 v51, v51;
	v56 =	vmul.f32 v53, v53  }
0x1ec: {  	v50 =	vbroadcast v3, $0x3;
	v51 =	vbroadcast v6, $0x3;
	v5 =	vsel vm11, v5, v2  }
0x1ed: {  	v53 =	vsub.f32 v38, v42;
	v54 =	vadd.f32 v48, v47;
	v47 =	vmul.f32 v55, v55  }
0x1ee: {  	[tilespmem:$0x1FFE0] =	vst v63;
	v63 =	vmul.f32 v58, v58;
	v8 =	vsub.f32 v38, v50;
	v49 =	vsub.f32 v39, v51  }
0x1ef: {  	[tilespmem:$0x1FF80] =	vst v57;
	v53 =	vmul.f32 v53, v53;
	v57 =	vadd.f32 v47, v56;
	v47 =	vmul.f32 v59, v59  }
0x1f0: {  	[tilespmem:$0x1FFC0] =	vst v61;
	v61 =	vmin.f32 v43, v54;
	v43 =	vbroadcast v6, $0x4;
	v48 =	vmul.f32 v8, v8  }
0x1f1: {  	v49 =	vmul.f32 v49, v49;
	v52 =	vsel vm12, v52, v61;
	v62 =	vmin.f32 v46, v57  }
0x1f2: {  	v46 =	vadd.f32 v47, v63;
	v54 =	vsub.f32 v39, v43;
	v47 =	vbroadcast v6, $0x5  }
0x1f3: {  	v55 =	vadd.f32 v49, v48;
	v48 =	vbroadcast v3, $0x6;
	v49 =	vbroadcast v6, $0x6  }
0x1f4: {  	v0 =	vsel vm13, v0, v62;
	v4 =	vmin.f32 v4, v46;
	v46 =	vbroadcast v3, $0x5  }
0x1f5: {  	v54 =	vmul.f32 v54, v54;
	v57 =	vsub.f32 v39, v47;
	v10 =	vsub.f32 v38, v48  }
0x1f6: {  	[tilespmem:$0x1FFF0] =	vst v7;
	v7 =	vmin.f32 v5, v55;
	v11 =	vsub.f32 v39, v49;
	v55 =	vbroadcast v6, $0x8  }
0x1f7: {  	v56 =	vsub.f32 v38, v46;
	v9 =	vmul.f32 v57, v57;
	v12 =	vmul.f32 v10, v10  }
0x1f8: {  	v53 =	vadd.f32 v54, v53;
	v13 =	vmul.f32 v11, v11;
	v54 =	vbroadcast v3, $0x8  }
0x1f9: {  	[tilespmem:$0x1FFA0] =	vst v60;
	v57 =	vbroadcast v6, $0x9;
	v60 =	vsub.f32 v39, v55;
	v5 =	vmul.f32 v56, v56  }
0x1fa: {  	v63 =	vmin.f32 v52, v53;
	v52 =	vbroadcast v3, $0x7;
	v56 =	vbroadcast v3, $0x9  }
0x1fb: {  	v53 =	vbroadcast v6, $0x7;
	v59 =	vsub.f32 v38, v54;
	v5 =	vadd.f32 v9, v5  }
0x1fc: {  	v15 =	vsub.f32 v39, v57;
	v60 =	vmul.f32 v60, v60;
	v14 =	vsub.f32 v38, v56  }
0x1fd: {  	v58 =	vsub.f32 v39, v53;
	v8 =	vmin.f32 v0, v5;
	v5 =	vsub.f32 v38, v52  }
0x1fe: {  	v10 =	vmul.f32 v15, v15;
	v0 =	vadd.f32 v13, v12;
	v9 =	vmul.f32 v14, v14  }
0x1ff: {  	v1 =	vsel vm14, v1, v4;
	v58 =	vmul.f32 v58, v58;
	v5 =	vmul.f32 v5, v5  }
0x200: {  	v59 =	vmul.f32 v59, v59;
	v11 =	vmin.f32 v1, v0;
	v9 =	vadd.f32 v10, v9  }
0x201: {  	v0 =	vbroadcast v6, $0xC;
	v1 =	vadd.f32 v58, v5;
	v58 =	vbroadcast v3, $0xA  }
0x202: {  	v5 =	vadd.f32 v60, v59;
	v59 =	vbroadcast v6, $0xA;
	v60 =	vbroadcast v3, $0xC  }
0x203: {  	vm8 =	veq.s32 v20, $0x3C;
	v14 =	vsub.f32 v39, v0;
	v10 =	vsub.f32 v38, v58  }
0x204: {  	v2 =	vsel vm15, v2, v7;
	v12 =	vsub.f32 v39, v59;
	v13 =	vsub.f32 v38, v60  }
0x205: {  	v14 =	vmul.f32 v14, v14;
	v15 =	vmin.f32 v2, v1;
	v1 =	vsel vm5, v62, v8  }
0x206: {  	v9 =	vmin.f32 v1, v9;
	v1 =	vbroadcast v6, $0xD;
	v10 =	vmul.f32 v10, v10  }
0x207: {  	v61 =	vsel vm4, v61, v63;
	v12 =	vmul.f32 v12, v12;
	v13 =	vmul.f32 v13, v13  }
0x208: {  	v2 =	vmin.f32 v61, v5;
	v62 =	vbroadcast v6, $0xB;
	v16 =	vsub.f32 v39, v1  }
0x209: {  	v61 =	vbroadcast v3, $0xB;
	v5 =	vadd.f32 v12, v10;
	v10 =	vadd.f32 v14, v13  }
0x20a: {  	v12 =	vsel vm6, v63, v2;
	v63 =	vbroadcast v3, $0xD;
	v13 =	vsub.f32 v39, v62  }
0x20b: {  	v4 =	vsel vm7, v4, v11;
	v16 =	vmul.f32 v16, v16;
	v10 =	vmin.f32 v12, v10  }
0x20c: {  	v12 =	vsub.f32 v38, v61;
	v14 =	vsub.f32 v38, v63;
	v13 =	vmul.f32 v13, v13  }
0x20d: {  	v17 =	vmin.f32 v4, v5;
	v4 =	vbroadcast v3, $0xE;
	v5 =	vbroadcast v3, $0xF  }
0x20e: {  	vm9 =	veq.s32 v20, $0x37;
	v3 =	vbroadcast v6, $0xF;
	v12 =	vmul.f32 v12, v12  }
0x20f: {  	v10 =	vsel vm8, v2, v10;
	v2 =	vbroadcast v6, $0xE;
	v14 =	vmul.f32 v14, v14  }
0x210: {  	v6 =	vsel vm9, v7, v15;
	v7 =	vsub.f32 v38, v4;
	v12 =	vadd.f32 v13, v12  }
0x211: {  	v13 =	vadd.f32 v16, v14;
	v14 =	vsub.f32 v39, v2  }
0x212: {  	vm10 =	veq.s32 v20, $0x39;
	v38 =	vsub.f32 v38, v5;
	v16 =	vsub.f32 v39, v3  }
0x213: {  	vm11 =	veq.s32 v20, $0x3A;
	v7 =	vmul.f32 v7, v7;
	v14 =	vmul.f32 v14, v14  }
0x214: {  	v6 =	vmin.f32 v6, v12;
	v12 =	vmul.f32 v38, v38;
	v16 =	vmul.f32 v16, v16;
	v38 =	vld [tilespmem:s31+$0xFFFFFFF0]  }
0x215: {  	vm12 =	veq.s32 v20, $0x3B;
	vm13 =	veq.s32 v20, $0x3D;
	vm14 =	veq.s32 v20, $0x3E  }
0x216: {  	vm15 =	veq.s32 v20, $0x3F;
	v7 =	vadd.f32 v14, v7;
	v12 =	vadd.f32 v16, v12  }
0x217: {  	v8 =	vsel vm10, v8, v9;
	v11 =	vsel vm11, v11, v17;
	v39 =	vsel vm12, v15, v6  }
0x218: {  	v8 =	vmin.f32 v8, v13;
	v7 =	vmin.f32 v11, v7;
	v11 =	vmin.f32 v39, v12  }
0x219: {  	v8 =	vsel vm13, v9, v8;
	v7 =	vsel vm14, v17, v7;
	v6 =	vsel vm15, v6, v11  }
0x21a: {  	v8 =	vmin.f32 v10, v8;
	v6 =	vmin.f32 v7, v6  }
0x21b: {  	v6 =	vmin.f32 v8, v6  }
0x21c: {  	s3 =	sshra.s32 s0, $0x2;
	[tilespmem:v38+s28+$0x0] =	vst.idx.msk $0xffff, v6  }
0x21d: {  	v6 =	vld [tilespmem:s3+$0xFF80];
	_ =	sdelay $0x4  }
0x21e: {  	v6 =	vxor.u32 $0x80000000, v6  }
0x21f: {  	(xrf0) =	vmax.scan.msk.u32 $0xffff, v6;
	_ =	sdelay $0x5  }
0x220: {  	v6, _, _ =	vpop (xrf0)  }
0x221: {  	(v2sf) =	vpush v6, $0xF;
	_ =	sdelay $0xe  }
0x222: {  	s23 =	spop (v2sf)  }
0x223: {  	p0 =	slt.u32 s23, $0x80000011  }
.Ltmp7:
0x224: {  	_ = 	snop;
	(pc) =	sbr.rel @p0 .LBB2_8-.Ltmp7, $1  }
0x225: {  	_ =	sdelay $0x3  }
0x226: {  	v20 =	vld [tilespmem:s16+$0x0];
	_ =	sdelay $0x3  }
0x227: {  	v6 =	vmov s0  }
0x228: {  	v6 =	vadd.s32 v6, v20;
	_ =	sdelay $0x2  }
0x229: {  	v16 =	vld [tilespmem:$0x1FB10]  }
0x22a: {  	v7 =	vld [tilespmem:$0x1FB20]  }
0x22b: {  	v39 =	vld.idx.msk [tilespmem:v6+s25+$0x0], $0xffff  }
0x22c: {  	v10 =	vld [tilespmem:$0x1FB40]  }
0x22d: {  	v11 =	vld [tilespmem:$0x1FB50]  }
0x22e: {  	v12 =	vld [tilespmem:$0x1FB60]  }
0x22f: {  	v38 =	vld.idx.msk [tilespmem:v6+s26+$0x0], $0xffff  }
0x230: {  	v8 =	vsub.f32 v39, v19;
	v19 =	vld [tilespmem:$0x1FB30]  }
0x231: {  	v13 =	vld [tilespmem:$0x1FB70]  }
0x232: {  	v14 =	vld [tilespmem:$0x1FB80]  }
0x233: {  	v15 =	vld [tilespmem:$0x1FBA0];
	v6 =	vsub.f32 v39, v16  }
0x234: {  	v7 =	vsub.f32 v38, v7;
	v9 =	vsub.f32 v38, v21  }
0x235: {  	v10 =	vsub.f32 v38, v10;
	v17 =	vmul.f32 v8, v8;
	v8 =	vsub.f32 v39, v19;
	v19 =	vld [tilespmem:$0x1FB90]  }
0x236: {  	v11 =	vsub.f32 v39, v11;
	v12 =	vsub.f32 v38, v12;
	v6 =	vmul.f32 v6, v6  }
0x237: {  	v13 =	vsub.f32 v39, v13;
	v7 =	vmul.f32 v7, v7;
	v9 =	vmul.f32 v9, v9  }
0x238: {  	v14 =	vsub.f32 v38, v14;
	v15 =	vsub.f32 v38, v15  }
0x239: {  	v10 =	vmul.f32 v10, v10;
	v6 =	vadd.f32 v7, v6;
	v7 =	vadd.f32 v9, v17;
	v17 =	vld [tilespmem:$0x1FBB0]  }
0x23a: {  	v21 =	vmul.f32 v14, v14;
	v9 =	vmul.f32 v12, v12;
	v14 =	vsub.f32 v39, v19;
	v19 =	vld [tilespmem:$0x1FBC0]  }
0x23b: {  	v12 =	vmul.f32 v13, v13;
	v8 =	vmul.f32 v8, v8  }
0x23c: {  	v11 =	vmul.f32 v11, v11;
	v16 =	vmul.f32 v15, v15  }
0x23d: {  	v8 =	vadd.f32 v10, v8;
	v10 =	vadd.f32 v21, v12;
	v21 =	vmul.f32 v14, v14  }
0x23e: {  	v9 =	vadd.f32 v9, v11;
	v13 =	vsub.f32 v39, v17  }
0x23f: {  	v11 =	vadd.f32 v16, v21;
	v16 =	vld [tilespmem:$0x1FBD0];
	v14 =	vsub.f32 v38, v19  }
0x240: {  	v17 =	vld [tilespmem:$0x1FBE0]  }
0x241: {  	v13 =	vmul.f32 v13, v13;
	v14 =	vmul.f32 v14, v14  }
0x242: {  	vm1 =	veq.s32 v20, $0x5  }
0x243: {  	vm4 =	veq.s32 v20, $0x1;
	v15 =	vmin.f32 v7, v11;
	v21 =	vadd.f32 v14, v13  }
0x244: {  	vm5 =	veq.s32 v20, $0x6;
	v7 =	vsel vm1, v7, v15;
	v13 =	vsub.f32 v39, v16;
	v16 =	vld [tilespmem:$0x1FBF0]  }
0x245: {  	v7 =	vsel vm4, v11, v7;
	v14 =	vsub.f32 v38, v17;
	v17 =	vld [tilespmem:$0x1FC00];
	v11 =	vmin.f32 v8, v21  }
0x246: {  	vm6 =	veq.s32 v20, $0x2;
	v8 =	vsel vm5, v8, v11  }
0x247: {  	v8 =	vsel vm6, v21, v8;
	v21 =	vld [tilespmem:$0x1FC20]  }
0x248: {  	vm0 =	veq.s32 v20, $0x4;
	vm15 =	veq.s32 v20, $0x0  }
0x249: {  	v12 =	vmin.f32 v6, v10;
	v13 =	vmul.f32 v13, v13;
	v14 =	vmul.f32 v14, v14  }
0x24a: {  	v6 =	vsel vm0, v6, v12;
	v16 =	vsub.f32 v39, v16;
	v17 =	vsub.f32 v38, v17  }
0x24b: {  	v6 =	vsel vm15, v10, v6;
	v19 =	vld [tilespmem:$0x1FC10];
	v10 =	vadd.f32 v14, v13  }
0x24c: {  	v14 =	vmul.f32 v16, v16;
	v16 =	vmul.f32 v17, v17;
	v17 =	vsub.f32 v38, v21;
	v21 =	vld [tilespmem:$0x1FC30];
	_ =	sdelay $0x2  }
0x24d: {  	[tilespmem:$0x1FB00] =	vst v23;
	v23 =	vld [tilespmem:$0x1FC60]  }
0x24e: {  	[tilespmem:$0x1FAF0] =	vst v22;
	v22 =	vld [tilespmem:$0x1FC50]  }
0x24f: {  	[tilespmem:$0x1FAE0] =	vst v18;
	v13 =	vsub.f32 v39, v19;
	v18 =	vsub.f32 v39, v21;
	v21 =	vld [tilespmem:$0x1FC40];
	_ =	sdelay $0x1  }
0x250: {  	v13 =	vmul.f32 v13, v13;
	v17 =	vmul.f32 v17, v17  }
0x251: {  	v23 =	vsub.f32 v38, v23  }
0x252: {  	vm7 =	veq.s32 v20, $0x7;
	v22 =	vsub.f32 v39, v22;
	v13 =	vadd.f32 v17, v13  }
0x253: {  	v17 =	vmul.f32 v23, v23;
	v23 =	vld [tilespmem:$0x1FC80];
	v19 =	vsub.f32 v38, v21;
	v21 =	vmin.f32 v9, v10  }
0x254: {  	vm8 =	veq.s32 v20, $0x3;
	v9 =	vsel vm7, v9, v21  }
0x255: {  	v9 =	vsel vm8, v10, v9;
	v10 =	vadd.f32 v16, v14;
	v16 =	vmul.f32 v22, v22;
	v22 =	vld [tilespmem:$0x1FC70]  }
0x256: {  	v18 =	vmul.f32 v18, v18;
	v19 =	vmul.f32 v19, v19;
	_ =	sdelay $0x1  }
0x257: {  	v14 =	vadd.f32 v19, v18;
	v18 =	vsub.f32 v38, v23;
	v23 =	vld [tilespmem:$0x1FC90];
	_ =	sdelay $0x1  }
0x258: {  	v6 =	vmin.f32 v6, v10;
	v10 =	vsub.f32 v39, v22;
	_ =	sdelay $0x1  }
0x259: {  	v22 =	vmul.f32 v18, v18;
	v10 =	vmul.f32 v10, v10  }
0x25a: {  	v7 =	vmin.f32 v7, v13;
	v13 =	vadd.f32 v17, v16;
	v16 =	vsub.f32 v39, v23;
	v23 =	vld [tilespmem:$0x1FCC0]  }
0x25b: {  	v10 =	vadd.f32 v22, v10;
	v22 =	vld [tilespmem:$0x1FCB0];
	_ =	sdelay $0x1  }
0x25c: {  	v19 =	vld [tilespmem:$0x1FCA0];
	_ =	sdelay $0x1  }
0x25d: {  	v17 =	vsub.f32 v38, v23;
	v23 =	vld [tilespmem:$0x1FCE0]  }
0x25e: {  	v8 =	vmin.f32 v8, v14;
	v14 =	vmul.f32 v16, v16;
	v16 =	vsub.f32 v39, v22;
	v22 =	vld [tilespmem:$0x1FCD0];
	_ =	sdelay $0x1  }
0x25f: {  	v9 =	vmin.f32 v9, v13;
	v13 =	vsub.f32 v38, v19  }
0x260: {  	vm9 =	veq.s32 v20, $0x8  }
0x261: {  	v12 =	vsel vm9, v12, v6;
	v13 =	vmul.f32 v13, v13  }
0x262: {  	v10 =	vmin.f32 v12, v10;
	v18 =	vsub.f32 v38, v23;
	v12 =	vsub.f32 v39, v22  }
0x263: {  	v13 =	vadd.f32 v13, v14;
	v14 =	vmul.f32 v16, v16;
	v22 =	vmul.f32 v17, v17  }
0x264: {  	v23 =	vmul.f32 v18, v18;
	v12 =	vmul.f32 v12, v12  }
0x265: {  	v14 =	vadd.f32 v22, v14;
	v22 =	vld [tilespmem:$0x1FD10]  }
0x266: {  	v12 =	vadd.f32 v23, v12;
	v23 =	vld [tilespmem:$0x1FD20];
	_ =	sdelay $0x1  }
0x267: {  	v19 =	vld [tilespmem:$0x1FD00]  }
0x268: {  	vm12 =	veq.s32 v20, $0xB;
	v18 =	vld [tilespmem:$0x1FCF0]  }
0x269: {  	v16 =	vsub.f32 v39, v22;
	v22 =	vsel vm12, v21, v9;
	v21 =	vld [tilespmem:$0x1FD40]  }
0x26a: {  	v17 =	vsub.f32 v38, v23;
	v23 =	vld [tilespmem:$0x1FD30];
	_ =	sdelay $0x1  }
0x26b: {  	vm10 =	veq.s32 v20, $0x9;
	vm11 =	veq.s32 v20, $0xA  }
0x26c: {  	v15 =	vsel vm10, v15, v7;
	v11 =	vsel vm11, v11, v8  }
0x26d: {  	v13 =	vmin.f32 v15, v13;
	v15 =	vsub.f32 v38, v19;
	v19 =	vsub.f32 v38, v21;
	v21 =	vld [tilespmem:$0x1FD60]  }
0x26e: {  	v11 =	vmin.f32 v11, v14;
	v14 =	vsub.f32 v39, v18;
	v18 =	vsub.f32 v39, v23;
	v23 =	vld [tilespmem:$0x1FD50];
	_ =	sdelay $0x1  }
0x26f: {  	v15 =	vmul.f32 v15, v15;
	v14 =	vmul.f32 v14, v14  }
0x270: {  	v12 =	vmin.f32 v22, v12;
	v16 =	vmul.f32 v16, v16;
	v17 =	vmul.f32 v17, v17  }
0x271: {  	v14 =	vadd.f32 v15, v14;
	v22 =	vmul.f32 v19, v19;
	v19 =	vsub.f32 v38, v21;
	v21 =	vld [tilespmem:$0x1FD80]  }
0x272: {  	v15 =	vadd.f32 v17, v16;
	v16 =	vmul.f32 v18, v18;
	v18 =	vsub.f32 v39, v23;
	v23 =	vld [tilespmem:$0x1FD70];
	_ =	sdelay $0x1  }
0x273: {  	vm13 =	veq.s32 v20, $0xC;
	vm14 =	veq.s32 v20, $0xD  }
0x274: {  	vm15 =	veq.s32 v20, $0xE;
	v6 =	vsel vm13, v6, v10;
	v7 =	vsel vm14, v7, v13  }
0x275: {  	v7 =	vmin.f32 v7, v15;
	v15 =	vmul.f32 v18, v18;
	v18 =	vsub.f32 v38, v21;
	v21 =	vld [tilespmem:$0x1FDA0]  }
0x276: {  	v6 =	vmin.f32 v6, v14;
	v14 =	vadd.f32 v22, v16;
	v17 =	vsub.f32 v39, v23;
	v23 =	vld [tilespmem:$0x1FD90]  }
0x277: {  	v8 =	vsel vm15, v8, v11;
	v22 =	vmul.f32 v19, v19  }
0x278: {  	v8 =	vmin.f32 v8, v14  }
0x279: {  	v14 =	vadd.f32 v22, v15;
	v22 =	vmul.f32 v18, v18;
	v15 =	vmul.f32 v17, v17  }
0x27a: {  	v18 =	vsub.f32 v38, v21  }
0x27b: {  	vm5 =	veq.s32 v20, $0x10;
	v21 =	vld [tilespmem:$0x1FDB0];
	v22 =	vadd.f32 v22, v15;
	v17 =	vsub.f32 v39, v23  }
0x27c: {  	v10 =	vsel vm5, v10, v6  }
0x27d: {  	v23 =	vmul.f32 v18, v18;
	v10 =	vmin.f32 v10, v22;
	v22 =	vld [tilespmem:$0x1FDC0];
	v15 =	vmul.f32 v17, v17;
	_ =	sdelay $0x1  }
0x27e: {  	v15 =	vadd.f32 v23, v15;
	v23 =	vld [tilespmem:$0x1FDD0]  }
0x27f: {  	vm4 =	veq.s32 v20, $0xF;
	v17 =	vsub.f32 v39, v21;
	v21 =	vld [tilespmem:$0x1FDE0]  }
0x280: {  	v9 =	vsel vm4, v9, v12  }
0x281: {  	v9 =	vmin.f32 v9, v14;
	v14 =	vsub.f32 v38, v22;
	v22 =	vld [tilespmem:$0x1FDF0];
	_ =	sdelay $0x1  }
0x282: {  	vm6 =	veq.s32 v20, $0x11;
	v16 =	vmul.f32 v17, v17;
	v17 =	vsub.f32 v39, v23;
	v23 =	vld [tilespmem:$0x1FE00]  }
0x283: {  	v13 =	vsel vm6, v13, v7;
	v18 =	vsub.f32 v38, v21  }
0x284: {  	v13 =	vmin.f32 v13, v15;
	v14 =	vmul.f32 v14, v14  }
0x285: {  	v15 =	vsub.f32 v39, v22;
	v21 =	vmul.f32 v17, v17;
	v22 =	vmul.f32 v18, v18  }
0x286: {  	v14 =	vadd.f32 v14, v16  }
0x287: {  	v16 =	vadd.f32 v22, v21;
	v21 =	vld [tilespmem:$0x1FE10];
	v19 =	vsub.f32 v38, v23;
	_ =	sdelay $0x1  }
0x288: {  	vm7 =	veq.s32 v20, $0x12;
	v15 =	vmul.f32 v15, v15;
	v23 =	vmul.f32 v19, v19  }
0x289: {  	v11 =	vsel vm7, v11, v8  }
0x28a: {  	v11 =	vmin.f32 v11, v14;
	v14 =	vadd.f32 v23, v15;
	v23 =	vld [tilespmem:$0x1FE30]  }
0x28b: {  	v15 =	vsub.f32 v39, v21;
	v21 =	vld [tilespmem:$0x1FE40];
	_ =	sdelay $0x2  }
0x28c: {  	v22 =	vld [tilespmem:$0x1FE20]  }
0x28d: {  	v17 =	vsub.f32 v39, v23;
	v23 =	vld [tilespmem:$0x1FE50]  }
0x28e: {  	v18 =	vsub.f32 v38, v21;
	v21 =	vld [tilespmem:$0x1FE60]  }
0x28f: {  	vm8 =	veq.s32 v20, $0x13  }
0x290: {  	v12 =	vsel vm8, v12, v9  }
0x291: {  	v12 =	vmin.f32 v12, v16  }
0x292: {  	v16 =	vsub.f32 v38, v22;
	v22 =	vmul.f32 v18, v18;
	v18 =	vsub.f32 v39, v23;
	v23 =	vld [tilespmem:$0x1FE70]  }
0x293: {  	v19 =	vsub.f32 v38, v21;
	v21 =	vld [tilespmem:$0x1FE80]  }
0x294: {  	vm9 =	veq.s32 v20, $0x14  }
0x295: {  	v6 =	vsel vm9, v6, v10;
	v15 =	vmul.f32 v15, v15;
	v16 =	vmul.f32 v16, v16  }
0x296: {  	v6 =	vmin.f32 v6, v14;
	v14 =	vmul.f32 v17, v17  }
0x297: {  	v15 =	vadd.f32 v16, v15;
	v16 =	vmul.f32 v18, v18;
	v18 =	vsub.f32 v39, v23;
	v23 =	vld [tilespmem:$0x1FE90]  }
0x298: {  	v14 =	vadd.f32 v22, v14;
	v22 =	vmul.f32 v19, v19;
	v19 =	vsub.f32 v38, v21;
	v21 =	vld [tilespmem:$0x1FEA0];
	_ =	sdelay $0x2  }
0x299: {  	vm10 =	veq.s32 v20, $0x15;
	vm11 =	veq.s32 v20, $0x16  }
0x29a: {  	v7 =	vsel vm10, v7, v13;
	v8 =	vsel vm11, v8, v11;
	v17 =	vsub.f32 v39, v23;
	v23 =	vld [tilespmem:$0x1FEB0]  }
0x29b: {  	v7 =	vmin.f32 v7, v15;
	v15 =	vmul.f32 v18, v18;
	v18 =	vsub.f32 v38, v21;
	v21 =	vld [tilespmem:$0x1FEC0]  }
0x29c: {  	vm12 =	veq.s32 v20, $0x17;
	v8 =	vmin.f32 v8, v14;
	v14 =	vadd.f32 v22, v16  }
0x29d: {  	v9 =	vsel vm12, v9, v12;
	v22 =	vmul.f32 v19, v19  }
0x29e: {  	v9 =	vmin.f32 v9, v14  }
0x29f: {  	v14 =	vadd.f32 v22, v15;
	v15 =	vmul.f32 v17, v17;
	v22 =	vmul.f32 v18, v18  }
0x2a0: {  	v17 =	vsub.f32 v39, v23;
	v18 =	vsub.f32 v38, v21  }
0x2a1: {  	vm14 =	veq.s32 v20, $0x19;
	v22 =	vadd.f32 v22, v15  }
0x2a2: {  	v13 =	vsel vm14, v13, v7;
	v21 =	vld [tilespmem:$0x1FED0];
	v15 =	vmul.f32 v17, v17;
	v23 =	vmul.f32 v18, v18  }
0x2a3: {  	v13 =	vmin.f32 v13, v22;
	v22 =	vld [tilespmem:$0x1FEE0]  }
0x2a4: {  	v15 =	vadd.f32 v23, v15;
	v23 =	vld [tilespmem:$0x1FEF0];
	_ =	sdelay $0x1  }
0x2a5: {  	vm13 =	veq.s32 v20, $0x18  }
0x2a6: {  	v10 =	vsel vm13, v10, v6;
	v17 =	vsub.f32 v39, v21;
	v21 =	vld [tilespmem:$0x1FF00]  }
0x2a7: {  	v10 =	vmin.f32 v10, v14;
	v14 =	vsub.f32 v38, v22;
	v22 =	vld [tilespmem:$0x1FF10]  }
0x2a8: {  	v16 =	vmul.f32 v17, v17;
	v17 =	vsub.f32 v39, v23;
	v23 =	vld [tilespmem:$0x1FF20];
	_ =	sdelay $0x1  }
0x2a9: {  	vm15 =	veq.s32 v20, $0x1A  }
0x2aa: {  	v11 =	vsel vm15, v11, v8  }
0x2ab: {  	v24 =	vsub.f32 v39, v24;
	v11 =	vmin.f32 v11, v15;
	v18 =	vsub.f32 v38, v21  }
0x2ac: {  	v14 =	vmul.f32 v14, v14;
	v15 =	vsub.f32 v39, v22;
	v19 =	vsub.f32 v38, v23  }
0x2ad: {  	vm4 =	veq.s32 v20, $0x1B;
	v21 =	vmul.f32 v17, v17;
	v22 =	vmul.f32 v18, v18  }
0x2ae: {  	v14 =	vadd.f32 v14, v16;
	v15 =	vmul.f32 v15, v15;
	v23 =	vmul.f32 v19, v19  }
0x2af: {  	v29 =	vsub.f32 v39, v29;
	v12 =	vsel vm4, v12, v9;
	v16 =	vadd.f32 v22, v21;
	v22 =	vld [tilespmem:$0x1FF50]  }
0x2b0: {  	v0 =	vsub.f32 v38, v0;
	v12 =	vmin.f32 v12, v14;
	v14 =	vadd.f32 v23, v15;
	v23 =	vld [tilespmem:$0x1FF60]  }
0x2b1: {  	v4 =	vsub.f32 v39, v4;
	v2 =	vsub.f32 v38, v2  }
0x2b2: {  	vm2 =	veq.s32 v20, $0x3F;
	v5 =	vsub.f32 v39, v5;
	v3 =	vsub.f32 v38, v3;
	v21 =	vld [tilespmem:$0x1FF40]  }
0x2b3: {  	v1 =	vsub.f32 v38, v1;
	v4 =	vmul.f32 v4, v4;
	v2 =	vmul.f32 v2, v2;
	v19 =	vld [tilespmem:$0x1FF30]  }
0x2b4: {  	v5 =	vmul.f32 v5, v5;
	v3 =	vmul.f32 v3, v3;
	v17 =	vsub.f32 v39, v22;
	v22 =	vld [tilespmem:$0x1FF70]  }
0x2b5: {  	v0 =	vmul.f32 v0, v0;
	v1 =	vmul.f32 v1, v1;
	v18 =	vsub.f32 v38, v23;
	v23 =	vld [tilespmem:$0x1FF80]  }
0x2b6: {  	v2 =	vadd.f32 v2, v4;
	v3 =	vadd.f32 v3, v5;
	vm5 =	veq.s32 v20, $0x1C  }
0x2b7: {  	vm6 =	veq.s32 v20, $0x1D;
	vm7 =	veq.s32 v20, $0x1E;
	v6 =	vsel vm5, v6, v10  }
0x2b8: {  	vm8 =	veq.s32 v20, $0x1F;
	vm9 =	veq.s32 v20, $0x20;
	v6 =	vmin.f32 v6, v16  }
0x2b9: {  	v16 =	vsub.f32 v38, v21;
	v21 =	vmul.f32 v18, v18;
	v18 =	vsub.f32 v39, v22;
	v22 =	vld [tilespmem:$0x1FF90]  }
0x2ba: {  	vm10 =	veq.s32 v20, $0x21;
	v15 =	vsub.f32 v39, v19;
	v19 =	vsub.f32 v38, v23;
	v23 =	vld [tilespmem:$0x1FFA0]  }
0x2bb: {  	vm11 =	veq.s32 v20, $0x22;
	vm12 =	veq.s32 v20, $0x23;
	vm13 =	veq.s32 v20, $0x24  }
0x2bc: {  	v7 =	vsel vm6, v7, v13;
	v16 =	vmul.f32 v16, v16;
	v15 =	vmul.f32 v15, v15  }
0x2bd: {  	vm14 =	veq.s32 v20, $0x25;
	v7 =	vmin.f32 v7, v14;
	v14 =	vmul.f32 v17, v17  }
0x2be: {  	v15 =	vadd.f32 v16, v15;
	v16 =	vmul.f32 v18, v18;
	v18 =	vsub.f32 v39, v22;
	v22 =	vld [tilespmem:$0x1FFB0]  }
0x2bf: {  	v14 =	vadd.f32 v21, v14;
	v21 =	vmul.f32 v19, v19;
	v19 =	vsub.f32 v38, v23;
	v23 =	vld [tilespmem:$0x1FFC0]  }
0x2c0: {  	vm15 =	veq.s32 v20, $0x26;
	vm4 =	veq.s32 v20, $0x27;
	vm5 =	veq.s32 v20, $0x28  }
0x2c1: {  	vm6 =	veq.s32 v20, $0x29;
	v8 =	vsel vm7, v8, v11;
	vm7 =	veq.s32 v20, $0x2A  }
0x2c2: {  	v9 =	vsel vm8, v9, v12;
	vm8 =	veq.s32 v20, $0x2B;
	v10 =	vsel vm9, v10, v6  }
0x2c3: {  	vm9 =	veq.s32 v20, $0x2C;
	v13 =	vsel vm10, v13, v7;
	v17 =	vsub.f32 v39, v22;
	v22 =	vld [tilespmem:$0x1FFD0]  }
0x2c4: {  	v8 =	vmin.f32 v8, v15;
	v15 =	vmul.f32 v18, v18;
	v18 =	vsub.f32 v38, v23;
	v23 =	vld [tilespmem:$0x1FFE0]  }
0x2c5: {  	vm10 =	veq.s32 v20, $0x2D;
	v9 =	vmin.f32 v9, v14;
	v14 =	vadd.f32 v21, v16  }
0x2c6: {  	v11 =	vsel vm11, v11, v8;
	vm11 =	veq.s32 v20, $0x2E;
	v21 =	vmul.f32 v19, v19  }
0x2c7: {  	v12 =	vsel vm12, v12, v9;
	vm12 =	veq.s32 v20, $0x2F;
	v10 =	vmin.f32 v10, v14;
	v19 =	vld [tilespmem:$0x1FAE0]  }
0x2c8: {  	v14 =	vadd.f32 v21, v15;
	v15 =	vmul.f32 v17, v17;
	v21 =	vmul.f32 v18, v18  }
0x2c9: {  	v6 =	vsel vm13, v6, v10;
	v17 =	vsub.f32 v39, v22;
	v18 =	vsub.f32 v38, v23;
	v23 =	vld [tilespmem:$0x1FFF0]  }
0x2ca: {  	vm13 =	veq.s32 v20, $0x30;
	v13 =	vmin.f32 v13, v14;
	v14 =	vadd.f32 v21, v15  }
0x2cb: {  	v7 =	vsel vm14, v7, v13;
	v21 =	vmul.f32 v17, v17;
	v22 =	vmul.f32 v18, v18  }
0x2cc: {  	vm14 =	veq.s32 v20, $0x31;
	v11 =	vmin.f32 v11, v14;
	v14 =	vsub.f32 v38, v19  }
0x2cd: {  	v8 =	vsel vm15, v8, v11;
	v15 =	vadd.f32 v22, v21;
	v21 =	vsub.f32 v39, v26  }
0x2ce: {  	v14 =	vmul.f32 v14, v14;
	v22 =	vsub.f32 v38, v28;
	v17 =	vsub.f32 v39, v23  }
0x2cf: {  	v26 =	vsub.f32 v38, v31;
	v23 =	vsub.f32 v39, v27;
	v27 =	vmul.f32 v21, v21  }
0x2d0: {  	vm15 =	veq.s32 v20, $0x32;
	v28 =	vmul.f32 v22, v22;
	v22 =	vld [tilespmem:$0x1FAF0];
	v16 =	vmul.f32 v17, v17  }
0x2d1: {  	v12 =	vmin.f32 v12, v15;
	v31 =	vmul.f32 v26, v26;
	v15 =	vmul.f32 v23, v23  }
0x2d2: {  	v26 =	vsub.f32 v38, v25;
	v9 =	vsel vm4, v9, v12;
	v14 =	vadd.f32 v14, v16  }
0x2d3: {  	vm4 =	veq.s32 v20, $0x33;
	v16 =	vadd.f32 v28, v27;
	v21 =	vadd.f32 v31, v15  }
0x2d4: {  	v23 =	vld [tilespmem:$0x1FB00];
	v27 =	vmul.f32 v24, v24;
	v28 =	vmul.f32 v26, v26;
	v31 =	vsub.f32 v38, v32  }
0x2d5: {  	v32 =	vmul.f32 v29, v29;
	v6 =	vmin.f32 v6, v14;
	v15 =	vsub.f32 v39, v22  }
0x2d6: {  	v7 =	vmin.f32 v7, v16;
	v14 =	vadd.f32 v28, v27;
	v22 =	vsub.f32 v39, v30  }
0x2d7: {  	v8 =	vmin.f32 v8, v21;
	v27 =	vsub.f32 v39, v36;
	v28 =	vsub.f32 v38, v37  }
0x2d8: {  	v21 =	vmul.f32 v31, v31;
	v37 =	vsub.f32 v39, v40;
	v40 =	vsub.f32 v38, v41  }
0x2d9: {  	v16 =	vsub.f32 v38, v23;
	v10 =	vsel vm5, v10, v6;
	v23 =	vsub.f32 v38, v35  }
0x2da: {  	v13 =	vsel vm6, v13, v7;
	v11 =	vsel vm7, v11, v8;
	vm5 =	veq.s32 v20, $0x34  }
0x2db: {  	vm6 =	veq.s32 v20, $0x35;
	vm7 =	veq.s32 v20, $0x36;
	v15 =	vmul.f32 v15, v15  }
0x2dc: {  	v10 =	vmin.f32 v10, v14;
	v24 =	vadd.f32 v21, v32;
	v25 =	vmul.f32 v22, v22  }
0x2dd: {  	v30 =	vmul.f32 v27, v27;
	v31 =	vmul.f32 v28, v28;
	v32 =	vsub.f32 v39, v33  }
0x2de: {  	v33 =	vsub.f32 v38, v34;
	v41 =	vmul.f32 v37, v37;
	v21 =	vsub.f32 v39, v44  }
0x2df: {  	v14 =	vmul.f32 v40, v40;
	v22 =	vsub.f32 v38, v45;
	v44 =	vsub.f32 v39, v54  }
0x2e0: {  	v45 =	vsub.f32 v38, v55;
	v55 =	vsub.f32 v39, v61;
	v16 =	vmul.f32 v16, v16  }
0x2e1: {  	v26 =	vmul.f32 v23, v23;
	v23 =	vsub.f32 v39, v50;
	v34 =	vadd.f32 v31, v30  }
0x2e2: {  	v13 =	vmin.f32 v13, v24;
	v24 =	vsub.f32 v38, v51;
	v14 =	vadd.f32 v14, v41  }
0x2e3: {  	v6 =	vsel vm9, v6, v10;
	v30 =	vsub.f32 v38, v43;
	v31 =	vsub.f32 v39, v46  }
0x2e4: {  	v35 =	vmul.f32 v32, v32;
	v32 =	vsub.f32 v38, v47;
	v41 =	vsub.f32 v39, v52  }
0x2e5: {  	vm9 =	veq.s32 v20, $0x3C;
	v43 =	vsub.f32 v38, v53;
	v46 =	vsub.f32 v39, v56  }
0x2e6: {  	v36 =	vmul.f32 v33, v33;
	v47 =	vsub.f32 v38, v57;
	v51 =	vsub.f32 v39, v58  }
0x2e7: {  	v17 =	vmul.f32 v44, v44;
	v52 =	vsub.f32 v38, v59;
	v53 =	vsub.f32 v39, v60  }
0x2e8: {  	v18 =	vmul.f32 v45, v45;
	v56 =	vsub.f32 v38, v62;
	v57 =	vsub.f32 v39, v63  }
0x2e9: {  	v15 =	vadd.f32 v16, v15;
	v29 =	vadd.f32 v26, v25;
	v25 =	vmul.f32 v21, v21  }
0x2ea: {  	v26 =	vmul.f32 v22, v22;
	v7 =	vsel vm10, v7, v13;
	vm10 =	veq.s32 v20, $0x37  }
0x2eb: {  	v27 =	vmul.f32 v24, v24;
	v7 =	vmin.f32 v7, v14;
	v33 =	vmul.f32 v31, v31  }
0x2ec: {  	v19 =	vmul.f32 v46, v46;
	v9 =	vmin.f32 v9, v15;
	v15 =	vadd.f32 v36, v35  }
0x2ed: {  	v11 =	vmin.f32 v11, v29;
	v16 =	vadd.f32 v26, v25;
	v29 =	vsub.f32 v39, v42  }
0x2ee: {  	v21 =	vmul.f32 v47, v47;
	v35 =	vsub.f32 v39, v48;
	v36 =	vsub.f32 v38, v49  }
0x2ef: {  	v13 =	vsel vm14, v13, v7;
	v49 =	vadd.f32 v18, v17;
	v17 =	vmul.f32 v51, v51  }
0x2f0: {  	v18 =	vmul.f32 v52, v52;
	vm14 =	veq.s32 v20, $0x3D;
	v12 =	vsel vm8, v12, v9  }
0x2f1: {  	v8 =	vsel vm11, v8, v11;
	v50 =	vadd.f32 v21, v19;
	v19 =	vmul.f32 v53, v53  }
0x2f2: {  	vm8 =	veq.s32 v20, $0x38;
	vm11 =	veq.s32 v20, $0x39;
	v6 =	vmin.f32 v6, v15  }
0x2f3: {  	v15 =	vmul.f32 v23, v23;
	v8 =	vmin.f32 v8, v16;
	v16 =	vmul.f32 v30, v30  }
0x2f4: {  	v12 =	vmin.f32 v12, v34;
	v34 =	vmul.f32 v32, v32;
	v37 =	vmul.f32 v35, v35  }
0x2f5: {  	v40 =	vmul.f32 v36, v36;
	v54 =	vadd.f32 v18, v17;
	v9 =	vsel vm12, v9, v12  }
0x2f6: {  	v10 =	vsel vm13, v10, v6;
	v11 =	vsel vm15, v11, v8;
	v0 =	vadd.f32 v0, v19  }
0x2f7: {  	vm12 =	veq.s32 v20, $0x3A;
	v28 =	vadd.f32 v27, v15;
	v15 =	vmul.f32 v29, v29  }
0x2f8: {  	vm13 =	veq.s32 v20, $0x3B;
	v14 =	vadd.f32 v34, v33;
	v42 =	vadd.f32 v40, v37  }
0x2f9: {  	vm15 =	veq.s32 v20, $0x3E;
	v9 =	vmin.f32 v9, v28;
	v15 =	vadd.f32 v16, v15  }
0x2fa: {  	v13 =	vmin.f32 v13, v14;
	v16 =	vmul.f32 v43, v43;
	v11 =	vmin.f32 v11, v42  }
0x2fb: {  	v14 =	vmul.f32 v57, v57;
	v10 =	vmin.f32 v10, v15;
	v15 =	vmul.f32 v41, v41  }
0x2fc: {  	v12 =	vsel vm4, v12, v9;
	v7 =	vsel vm6, v7, v13;
	v6 =	vsel vm5, v6, v10  }
0x2fd: {  	v48 =	vadd.f32 v16, v15;
	v15 =	vmul.f32 v55, v55;
	v16 =	vmul.f32 v56, v56  }
0x2fe: {  	v8 =	vsel vm7, v8, v11;
	v7 =	vmin.f32 v7, v50;
	v6 =	vmin.f32 v6, v49  }
0x2ff: {  	v60 =	vld [tilespmem:s31+$0x0];
	v10 =	vsel vm8, v10, v6;
	v12 =	vmin.f32 v12, v48;
	v15 =	vadd.f32 v16, v15  }
0x300: {  	v8 =	vmin.f32 v8, v54;
	v0 =	vmin.f32 v10, v0;
	v58 =	vsel vm10, v9, v12  }
0x301: {  	v1 =	vadd.f32 v1, v14;
	v0 =	vsel vm9, v6, v0;
	v6 =	vmin.f32 v58, v15  }
0x302: {  	v59 =	vsel vm11, v13, v7;
	v61 =	vsel vm12, v11, v8;
	v62 =	vsel vm13, v12, v6  }
.Ltmp8:
0x303: {  	v1 =	vmin.f32 v59, v1;
	v2 =	vmin.f32 v61, v2;
	v3 =	vmin.f32 v62, v3;
	(pc) =	sbr.rel .LBB2_8-.Ltmp8, $4  }
0x304: {  	v1 =	vsel vm14, v7, v1;
	v2 =	vsel vm15, v8, v2;
	v3 =	vsel vm2, v6, v3  }
0x305: {  	v0 =	vmin.f32 v0, v1;
	v63 =	vmin.f32 v2, v3  }
0x306: {  	v0 =	vmin.f32 v0, v63  }
0x307: {  	[tilespmem:v60+s28+$0x0] =	vst.idx.msk $0xffff, v0  }
.LBB2_10:
0x308: {  	_ =	sfence.sel $0x180000  }
0x309: {  	[bflag:$0x0] =	sbarrier.arrive $0xFFFF  }
0x30a: {  	_ =	strace $0x90000047  }
0x30b: {  	s0 =	stileid.u32;
	[bflag:$0x2] =	sbarrier.arrive $0xFFFF  }
0x30c: {  	p0 =	sne.s32 s0, $0x0;
	s0 =	rddreg [dreg:$0x2]  }
0x30d: {  	s0 =	sadd.s32 @!p0 $0x100000, s0  }
0x30e: {  	[sflag:s0] =	ssyncadd.tile.s32 @!p0 $0x1;
	_ =	shalt  }
.Lfunc_end2:
_tile_overlayer_lowered:
.L_overlay_start_2:
0x30f: {  	(tag) =	ssettag $0x2  }
0x310: {  	s0 =	rddreg [dreg:$0x0];
	s2 =	stileid.u32  }
0x311: {  	s1 =	rddreg [dreg:$0x1];
	p0 =	sne.s32 s2, $0x0  }
0x312: {  	s3 =	rddreg [dreg:$0x2];
	[bflag:$0x3] =	sbarrier.arrive $0xFFFF;
	s2 =	simm.s32 @!p0 $0x1C02  }
0x313: {  	[timem:s3], [sflag:s2] =	dma.local @!p0 [hbm:s0], s1  }
0x314: {  	s0 =	simm.s32 @!p0 $0x2  }
0x315: {  	_ =	swait.ge @!p0 [sflag:s0], s1  }
0x316: {  	s1 =	ssub.s32 @!p0 $0x0, s1;
	[sflag:s0] =	ssyncset.done @!p0 $0x0  }
0x317: {  	[sflag:s0] =	ssyncadd.s32 @!p0 s1  }
0x318: {  	[bflag:$0x3] =	sbarrier.arrive $0xFFFF  }
0x319: {  	_ =	shalt  }

</sc_bundles>
